<compile_context>
chip_gen: v7x
topology: tpu7x:2x2x1
jax: 0.10.2.dev20260603
libtpu: 0.0.44.dev20260713+nightly
codegen_flags: <defaults>
</compile_context>

<pallas_src>
import math

import jax
import jax.numpy as jnp
from jax import lax
from jax.experimental import pallas as pl
from jax.experimental.pallas import tpu as pltpu
from jax.experimental.pallas import tpu_sc as plsc

_BETA = 0.9
_LN_BETA = math.log(_BETA)

_N, _A = 16384, 26
_NC, _NS = 2, 16
_NW = _NC * _NS
_CPW = _N // _NW
_EPW = _CPW * _A
_L = 16
_NCH = 8
_CHE = _EPW // _NCH
_UNROLL = 8
_CSTEP = _CHE // (_L * _UNROLL)


def _fair_scaler_body(attr_hbm, ms_hbm, out_hbm, idx_v, vals_v,
                      sem_io, sem_g0, sem_g1, sem_g2):
    wid = lax.axis_index("s") * _NC + lax.axis_index("c")
    c0 = wid * _CPW
    copies = [
        pltpu.make_async_copy(
            attr_hbm.at[a, pl.ds(c0, _CPW)],
            idx_v.at[pl.ds(a * _CPW, _CPW)],
            sem_io,
        )
        for a in range(_A)
    ]
    for c in copies:
        c.start()
    for c in copies:
        c.wait()

    sems = (sem_g0, sem_g1, sem_g2)
    gathers = [
        pltpu.make_async_copy(
            ms_hbm.at[idx_v.at[pl.ds(c * _CHE, _CHE)]],
            vals_v.at[pl.ds(c * _CHE, _CHE)],
            sems[c % 3],
        )
        for c in range(_NCH)
    ]
    def out_copy(a):
        return pltpu.make_async_copy(
            vals_v.at[pl.ds(a * _CPW, _CPW)],
            out_hbm.at[a, pl.ds(c0, _CPW)],
            sem_io,
        )

    gathers[0].start()
    gathers[1].start()
    gathers[2].start()
    rows_done = 0
    for c in range(_NCH):
        gathers[c].wait()
        if c + 3 < _NCH:
            gathers[c + 3].start()

        @plsc.parallel_loop(c * _CHE, (c + 1) * _CHE, step=_L,
                            unroll=_UNROLL)
        def _(o):
            n = vals_v[pl.ds(o, _L)]
            w = (1.0 - _BETA) / (1.0 - jnp.exp(n * _LN_BETA))
            vals_v[pl.ds(o, _L)] = w

        done = ((c + 1) * _CHE) // _CPW
        for a in range(rows_done, done):
            out_copy(a).start()
        rows_done = done

    for a in range(_A):
        out_copy(a).wait()


_sc_call = pl.kernel(
    _fair_scaler_body,
    mesh=plsc.VectorSubcoreMesh(core_axis_name="c", subcore_axis_name="s"),
    out_type=jax.ShapeDtypeStruct((_A, _N), jnp.float32),
    scratch_types=[
        pltpu.VMEM((_EPW,), jnp.int32),
        pltpu.VMEM((_EPW,), jnp.float32),
        pltpu.SemaphoreType.DMA,
        pltpu.SemaphoreType.DMA,
        pltpu.SemaphoreType.DMA,
        pltpu.SemaphoreType.DMA,
    ],
)


def kernel(attr, metric_scores):
    return _sc_call(attr.T, metric_scores).T

# --- scband reference (transcript-rebuilt; emitter-appended) ---
"""Pipeline reference for scband-fair-scaler-67791763800434 (READ-ONLY COPY).

The authoritative reference and input builder live on the scoring server;
editing this copy changes nothing except your own understanding.
"""

import jax, jax.numpy as jnp
import numpy as np

BETA = 0.9
BIAS = 0

def setup_inputs(seed: int = 0) -> dict:
    key = jax.random.key(seed)
    k1, k2 = jax.random.split(key)
    # attr: per-instance class/attribute indices, values in [0, 1000000)
    attr = jax.random.randint(k1, (16384, 26), 0, 1000000, dtype=jnp.int32)
    # metric_scores: per-class counts (>= 1 to avoid division by zero in the
    # effective-number weighting (1-beta)/(1-beta**n))
    metric_scores = jax.random.randint(k2, (1000000,), 1, 100000, dtype=jnp.int32).astype(jnp.float32)
    return {"attr": attr, "metric_scores": metric_scores}

def reference(attr, metric_scores):
    # Faithful translation of Fair_Scaler.forward:
    #   metric_scores_ = metric_scores.clone().type_as(attr)  (cast to attr's int dtype)
    #   weights = (1 - beta) / (1 - beta ** metric_scores_)
    #   instance_weights = weights[attr]
    metric_scores_ = metric_scores.astype(attr.dtype)
    weights = (1.0 - BETA) / (1.0 - BETA ** metric_scores_)
    instance_weights = jnp.take(weights, attr, axis=0)
    return instance_weights

if __name__ == "__main__":
    import jax
    _d = setup_inputs()
    print(jax.jit(kernel)(*tuple(_d.values())))

</pallas_src>

<mosaic_0001>
#map = affine_map<(d0, d1) -> (0, 0)>
#map1 = affine_map<(d0, d1) -> (0)>
module attributes {stable_mosaic.version = 14 : i64} {
  func.func @_fair_scaler_body(%arg0: i32, %arg1: i32, %arg2: memref<26x16384xi32, #tpu.memory_space<hbm>>, %arg3: memref<1000000xf32, #tpu.memory_space<hbm>>, %arg4: memref<26x16384xf32, #tpu.memory_space<hbm>>, %arg5: memref<13312xi32, #tpu.memory_space<vmem>>, %arg6: memref<13312xf32, #tpu.memory_space<vmem>>, %arg7: memref<!tpu.dma_semaphore, #tpu.memory_space<semaphore_mem>>, %arg8: memref<!tpu.dma_semaphore, #tpu.memory_space<semaphore_mem>>, %arg9: memref<!tpu.dma_semaphore, #tpu.memory_space<semaphore_mem>>, %arg10: memref<!tpu.dma_semaphore, #tpu.memory_space<semaphore_mem>>) attributes {dimension_semantics = [#tpu.dimension_semantics<core_parallel>, #tpu.dimension_semantics<subcore_parallel>], iteration_bounds = array<i64: 2, 16>, scalar_prefetch = 0 : i64, scratch_operands = 6 : i64, tpu.core_type = #tpu.core_type<sc_vector_subcore>, window_params = [{transform_indices = #map}, {transform_indices = #map1}, {transform_indices = #map}]} {
    %mul3A = arith.constant 2 : i32
    %mul3A_0 = arith.muli %arg1, %mul3A : i32
    %add3A = arith.addi %mul3A_0, %arg0 : i32
    %mul3A_1 = arith.constant 512 : i32
    %mul3A_2 = arith.muli %add3A, %mul3A_1 : i32
    %dma_start3A = arith.constant 0 : i32
    %dma_start3A_3 = arith.constant 0 : i32
    %dma_start3A_4 = tpu.memref_slice %arg5[%dma_start3A_3] : memref<13312xi32, #tpu.memory_space<vmem>> -> memref<512xi32, #tpu.memory_space<vmem>>
    %dma_start3A_5 = tpu.memref_slice %arg2[%dma_start3A, %mul3A_2] : memref<26x16384xi32, #tpu.memory_space<hbm>> -> memref<1x512xi32, #tpu.memory_space<hbm>>
    %dma_start3A_6 = tpu.memref_squeeze %dma_start3A_5 : memref<1x512xi32, #tpu.memory_space<hbm>> -> memref<512xi32, #tpu.memory_space<hbm>>
    %dma_start3A_7 = arith.constant 0 : i32
    %dma_start3A_8 = tpu.memref_slice %arg5[%dma_start3A_7] : memref<13312xi32, #tpu.memory_space<vmem>> -> memref<512xi32, #tpu.memory_space<vmem>>
    %dma_start3A_9 = tpu.memref_slice %arg2[%dma_start3A, %mul3A_2] : memref<26x16384xi32, #tpu.memory_space<hbm>> -> memref<1x512xi32, #tpu.memory_space<hbm>>
    %dma_start3A_10 = tpu.memref_squeeze %dma_start3A_9 : memref<1x512xi32, #tpu.memory_space<hbm>> -> memref<512xi32, #tpu.memory_space<hbm>>
    tpu.enqueue_dma source(%dma_start3A_10 : memref<512xi32, #tpu.memory_space<hbm>>) target(%dma_start3A_8 : memref<512xi32, #tpu.memory_space<vmem>>) target_semaphore(%arg7 : memref<!tpu.dma_semaphore, #tpu.memory_space<semaphore_mem>>)
    %dma_start3A_11 = arith.constant 1 : i32
    %dma_start3A_12 = arith.constant 512 : i32
    %dma_start3A_13 = tpu.memref_slice %arg5[%dma_start3A_12] : memref<13312xi32, #tpu.memory_space<vmem>> -> memref<512xi32, #tpu.memory_space<vmem>>
    %dma_start3A_14 = tpu.memref_slice %arg2[%dma_start3A_11, %mul3A_2] : memref<26x16384xi32, #tpu.memory_space<hbm>> -> memref<1x512xi32, #tpu.memory_space<hbm>>
    %dma_start3A_15 = tpu.memref_squeeze %dma_start3A_14 : memref<1x512xi32, #tpu.memory_space<hbm>> -> memref<512xi32, #tpu.memory_space<hbm>>
    %dma_start3A_16 = arith.constant 512 : i32
    %dma_start3A_17 = tpu.memref_slice %arg5[%dma_start3A_16] : memref<13312xi32, #tpu.memory_space<vmem>> -> memref<512xi32, #tpu.memory_space<vmem>>
    %dma_start3A_18 = tpu.memref_slice %arg2[%dma_start3A_11, %mul3A_2] : memref<26x16384xi32, #tpu.memory_space<hbm>> -> memref<1x512xi32, #tpu.memory_space<hbm>>
    %dma_start3A_19 = tpu.memref_squeeze %dma_start3A_18 : memref<1x512xi32, #tpu.memory_space<hbm>> -> memref<512xi32, #tpu.memory_space<hbm>>
    tpu.enqueue_dma source(%dma_start3A_19 : memref<512xi32, #tpu.memory_space<hbm>>) target(%dma_start3A_17 : memref<512xi32, #tpu.memory_space<vmem>>) target_semaphore(%arg7 : memref<!tpu.dma_semaphore, #tpu.memory_space<semaphore_mem>>)
    %dma_start3A_20 = arith.constant 2 : i32
    %dma_start3A_21 = arith.constant 1024 : i32
    %dma_start3A_22 = tpu.memref_slice %arg5[%dma_start3A_21] : memref<13312xi32, #tpu.memory_space<vmem>> -> memref<512xi32, #tpu.memory_space<vmem>>
    %dma_start3A_23 = tpu.memref_slice %arg2[%dma_start3A_20, %mul3A_2] : memref<26x16384xi32, #tpu.memory_space<hbm>> -> memref<1x512xi32, #tpu.memory_space<hbm>>
    %dma_start3A_24 = tpu.memref_squeeze %dma_start3A_23 : memref<1x512xi32, #tpu.memory_space<hbm>> -> memref<512xi32, #tpu.memory_space<hbm>>
    %dma_start3A_25 = arith.constant 1024 : i32
    %dma_start3A_26 = tpu.memref_slice %arg5[%dma_start3A_25] : memref<13312xi32, #tpu.memory_space<vmem>> -> memref<512xi32, #tpu.memory_space<vmem>>
    %dma_start3A_27 = tpu.memref_slice %arg2[%dma_start3A_20, %mul3A_2] : memref<26x16384xi32, #tpu.memory_space<hbm>> -> memref<1x512xi32, #tpu.memory_space<hbm>>
    %dma_start3A_28 = tpu.memref_squeeze %dma_start3A_27 : memref<1x512xi32, #tpu.memory_space<hbm>> -> memref<512xi32, #tpu.memory_space<hbm>>
    tpu.enqueue_dma source(%dma_start3A_28 : memref<512xi32, #tpu.memory_space<hbm>>) target(%dma_start3A_26 : memref<512xi32, #tpu.memory_space<vmem>>) target_semaphore(%arg7 : memref<!tpu.dma_semaphore, #tpu.memory_space<semaphore_mem>>)
    %dma_start3A_29 = arith.constant 3 : i32
    %dma_start3A_30 = arith.constant 1536 : i32
    %dma_start3A_31 = tpu.memref_slice %arg5[%dma_start3A_30] : memref<13312xi32, #tpu.memory_space<vmem>> -> memref<512xi32, #tpu.memory_space<vmem>>
    %dma_start3A_32 = tpu.memref_slice %arg2[%dma_start3A_29, %mul3A_2] : memref<26x16384xi32, #tpu.memory_space<hbm>> -> memref<1x512xi32, #tpu.memory_space<hbm>>
    %dma_start3A_33 = tpu.memref_squeeze %dma_start3A_32 : memref<1x512xi32, #tpu.memory_space<hbm>> -> memref<512xi32, #tpu.memory_space<hbm>>
    %dma_start3A_34 = arith.constant 1536 : i32
    %dma_start3A_35 = tpu.memref_slice %arg5[%dma_start3A_34] : memref<13312xi32, #tpu.memory_space<vmem>> -> memref<512xi32, #tpu.memory_space<vmem>>
    %dma_start3A_36 = tpu.memref_slice %arg2[%dma_start3A_29, %mul3A_2] : memref<26x16384xi32, #tpu.memory_space<hbm>> -> memref<1x512xi32, #tpu.memory_space<hbm>>
    %dma_start3A_37 = tpu.memref_squeeze %dma_start3A_36 : memref<1x512xi32, #tpu.memory_space<hbm>> -> memref<512xi32, #tpu.memory_space<hbm>>
    tpu.enqueue_dma source(%dma_start3A_37 : memref<512xi32, #tpu.memory_space<hbm>>) target(%dma_start3A_35 : memref<512xi32, #tpu.memory_space<vmem>>) target_semaphore(%arg7 : memref<!tpu.dma_semaphore, #tpu.memory_space<semaphore_mem>>)
    %dma_start3A_38 = arith.constant 4 : i32
    %dma_start3A_39 = arith.constant 2048 : i32
    %dma_start3A_40 = tpu.memref_slice %arg5[%dma_start3A_39] : memref<13312xi32, #tpu.memory_space<vmem>> -> memref<512xi32, #tpu.memory_space<vmem>>
    %dma_start3A_41 = tpu.memref_slice %arg2[%dma_start3A_38, %mul3A_2] : memref<26x16384xi32, #tpu.memory_space<hbm>> -> memref<1x512xi32, #tpu.memory_space<hbm>>
    %dma_start3A_42 = tpu.memref_squeeze %dma_start3A_41 : memref<1x512xi32, #tpu.memory_space<hbm>> -> memref<512xi32, #tpu.memory_space<hbm>>
    %dma_start3A_43 = arith.constant 2048 : i32
    %dma_start3A_44 = tpu.memref_slice %arg5[%dma_start3A_43] : memref<13312xi32, #tpu.memory_space<vmem>> -> memref<512xi32, #tpu.memory_space<vmem>>
    %dma_start3A_45 = tpu.memref_slice %arg2[%dma_start3A_38, %mul3A_2] : memref<26x16384xi32, #tpu.memory_space<hbm>> -> memref<1x512xi32, #tpu.memory_space<hbm>>
    %dma_start3A_46 = tpu.memref_squeeze %dma_start3A_45 : memref<1x512xi32, #tpu.memory_space<hbm>> -> memref<512xi32, #tpu.memory_space<hbm>>
    tpu.enqueue_dma source(%dma_start3A_46 : memref<512xi32, #tpu.memory_space<hbm>>) target(%dma_start3A_44 : memref<512xi32, #tpu.memory_space<vmem>>) target_semaphore(%arg7 : memref<!tpu.dma_semaphore, #tpu.memory_space<semaphore_mem>>)
    %dma_start3A_47 = arith.constant 5 : i32
    %dma_start3A_48 = arith.constant 2560 : i32
    %dma_start3A_49 = tpu.memref_slice %arg5[%dma_start3A_48] : memref<13312xi32, #tpu.memory_space<vmem>> -> memref<512xi32, #tpu.memory_space<vmem>>
    %dma_start3A_50 = tpu.memref_slice %arg2[%dma_start3A_47, %mul3A_2] : memref<26x16384xi32, #tpu.memory_space<hbm>> -> memref<1x512xi32, #tpu.memory_space<hbm>>
    %dma_start3A_51 = tpu.memref_squeeze %dma_start3A_50 : memref<1x512xi32, #tpu.memory_space<hbm>> -> memref<512xi32, #tpu.memory_space<hbm>>
    %dma_start3A_52 = arith.constant 2560 : i32
    %dma_start3A_53 = tpu.memref_slice %arg5[%dma_start3A_52] : memref<13312xi32, #tpu.memory_space<vmem>> -> memref<512xi32, #tpu.memory_space<vmem>>
    %dma_start3A_54 = tpu.memref_slice %arg2[%dma_start3A_47, %mul3A_2] : memref<26x16384xi32, #tpu.memory_space<hbm>> -> memref<1x512xi32, #tpu.memory_space<hbm>>
    %dma_start3A_55 = tpu.memref_squeeze %dma_start3A_54 : memref<1x512xi32, #tpu.memory_space<hbm>> -> memref<512xi32, #tpu.memory_space<hbm>>
    tpu.enqueue_dma source(%dma_start3A_55 : memref<512xi32, #tpu.memory_space<hbm>>) target(%dma_start3A_53 : memref<512xi32, #tpu.memory_space<vmem>>) target_semaphore(%arg7 : memref<!tpu.dma_semaphore, #tpu.memory_space<semaphore_mem>>)
    %dma_start3A_56 = arith.constant 6 : i32
    %dma_start3A_57 = arith.constant 3072 : i32
    %dma_start3A_58 = tpu.memref_slice %arg5[%dma_start3A_57] : memref<13312xi32, #tpu.memory_space<vmem>> -> memref<512xi32, #tpu.memory_space<vmem>>
    %dma_start3A_59 = tpu.memref_slice %arg2[%dma_start3A_56, %mul3A_2] : memref<26x16384xi32, #tpu.memory_space<hbm>> -> memref<1x512xi32, #tpu.memory_space<hbm>>
    %dma_start3A_60 = tpu.memref_squeeze %dma_start3A_59 : memref<1x512xi32, #tpu.memory_space<hbm>> -> memref<512xi32, #tpu.memory_space<hbm>>
    %dma_start3A_61 = arith.constant 3072 : i32
    %dma_start3A_62 = tpu.memref_slice %arg5[%dma_start3A_61] : memref<13312xi32, #tpu.memory_space<vmem>> -> memref<512xi32, #tpu.memory_space<vmem>>
    %dma_start3A_63 = tpu.memref_slice %arg2[%dma_start3A_56, %mul3A_2] : memref<26x16384xi32, #tpu.memory_space<hbm>> -> memref<1x512xi32, #tpu.memory_space<hbm>>
    %dma_start3A_64 = tpu.memref_squeeze %dma_start3A_63 : memref<1x512xi32, #tpu.memory_space<hbm>> -> memref<512xi32, #tpu.memory_space<hbm>>
    tpu.enqueue_dma source(%dma_start3A_64 : memref<512xi32, #tpu.memory_space<hbm>>) target(%dma_start3A_62 : memref<512xi32, #tpu.memory_space<vmem>>) target_semaphore(%arg7 : memref<!tpu.dma_semaphore, #tpu.memory_space<semaphore_mem>>)
    %dma_start3A_65 = arith.constant 7 : i32
    %dma_start3A_66 = arith.constant 3584 : i32
    %dma_start3A_67 = tpu.memref_slice %arg5[%dma_start3A_66] : memref<13312xi32, #tpu.memory_space<vmem>> -> memref<512xi32, #tpu.memory_space<vmem>>
    %dma_start3A_68 = tpu.memref_slice %arg2[%dma_start3A_65, %mul3A_2] : memref<26x16384xi32, #tpu.memory_space<hbm>> -> memref<1x512xi32, #tpu.memory_space<hbm>>
    %dma_start3A_69 = tpu.memref_squeeze %dma_start3A_68 : memref<1x512xi32, #tpu.memory_space<hbm>> -> memref<512xi32, #tpu.memory_space<hbm>>
    %dma_start3A_70 = arith.constant 3584 : i32
    %dma_start3A_71 = tpu.memref_slice %arg5[%dma_start3A_70] : memref<13312xi32, #tpu.memory_space<vmem>> -> memref<512xi32, #tpu.memory_space<vmem>>
    %dma_start3A_72 = tpu.memref_slice %arg2[%dma_start3A_65, %mul3A_2] : memref<26x16384xi32, #tpu.memory_space<hbm>> -> memref<1x512xi32, #tpu.memory_space<hbm>>
    %dma_start3A_73 = tpu.memref_squeeze %dma_start3A_72 : memref<1x512xi32, #tpu.memory_space<hbm>> -> memref<512xi32, #tpu.memory_space<hbm>>
    tpu.enqueue_dma source(%dma_start3A_73 : memref<512xi32, #tpu.memory_space<hbm>>) target(%dma_start3A_71 : memref<512xi32, #tpu.memory_space<vmem>>) target_semaphore(%arg7 : memref<!tpu.dma_semaphore, #tpu.memory_space<semaphore_mem>>)
    %dma_start3A_74 = arith.constant 8 : i32
    %dma_start3A_75 = arith.constant 4096 : i32
    %dma_start3A_76 = tpu.memref_slice %arg5[%dma_start3A_75] : memref<13312xi32, #tpu.memory_space<vmem>> -> memref<512xi32, #tpu.memory_space<vmem>>
    %dma_start3A_77 = tpu.memref_slice %arg2[%dma_start3A_74, %mul3A_2] : memref<26x16384xi32, #tpu.memory_space<hbm>> -> memref<1x512xi32, #tpu.memory_space<hbm>>
    %dma_start3A_78 = tpu.memref_squeeze %dma_start3A_77 : memref<1x512xi32, #tpu.memory_space<hbm>> -> memref<512xi32, #tpu.memory_space<hbm>>
    %dma_start3A_79 = arith.constant 4096 : i32
    %dma_start3A_80 = tpu.memref_slice %arg5[%dma_start3A_79] : memref<13312xi32, #tpu.memory_space<vmem>> -> memref<512xi32, #tpu.memory_space<vmem>>
    %dma_start3A_81 = tpu.memref_slice %arg2[%dma_start3A_74, %mul3A_2] : memref<26x16384xi32, #tpu.memory_space<hbm>> -> memref<1x512xi32, #tpu.memory_space<hbm>>
    %dma_start3A_82 = tpu.memref_squeeze %dma_start3A_81 : memref<1x512xi32, #tpu.memory_space<hbm>> -> memref<512xi32, #tpu.memory_space<hbm>>
    tpu.enqueue_dma source(%dma_start3A_82 : memref<512xi32, #tpu.memory_space<hbm>>) target(%dma_start3A_80 : memref<512xi32, #tpu.memory_space<vmem>>) target_semaphore(%arg7 : memref<!tpu.dma_semaphore, #tpu.memory_space<semaphore_mem>>)
    %dma_start3A_83 = arith.constant 9 : i32
    %dma_start3A_84 = arith.constant 4608 : i32
    %dma_start3A_85 = tpu.memref_slice %arg5[%dma_start3A_84] : memref<13312xi32, #tpu.memory_space<vmem>> -> memref<512xi32, #tpu.memory_space<vmem>>
    %dma_start3A_86 = tpu.memref_slice %arg2[%dma_start3A_83, %mul3A_2] : memref<26x16384xi32, #tpu.memory_space<hbm>> -> memref<1x512xi32, #tpu.memory_space<hbm>>
    %dma_start3A_87 = tpu.memref_squeeze %dma_start3A_86 : memref<1x512xi32, #tpu.memory_space<hbm>> -> memref<512xi32, #tpu.memory_space<hbm>>
    %dma_start3A_88 = arith.constant 4608 : i32
    %dma_start3A_89 = tpu.memref_slice %arg5[%dma_start3A_88] : memref<13312xi32, #tpu.memory_space<vmem>> -> memref<512xi32, #tpu.memory_space<vmem>>
    %dma_start3A_90 = tpu.memref_slice %arg2[%dma_start3A_83, %mul3A_2] : memref<26x16384xi32, #tpu.memory_space<hbm>> -> memref<1x512xi32, #tpu.memory_space<hbm>>
    %dma_start3A_91 = tpu.memref_squeeze %dma_start3A_90 : memref<1x512xi32, #tpu.memory_space<hbm>> -> memref<512xi32, #tpu.memory_space<hbm>>
    tpu.enqueue_dma source(%dma_start3A_91 : memref<512xi32, #tpu.memory_space<hbm>>) target(%dma_start3A_89 : memref<512xi32, #tpu.memory_space<vmem>>) target_semaphore(%arg7 : memref<!tpu.dma_semaphore, #tpu.memory_space<semaphore_mem>>)
    %dma_start3A_92 = arith.constant 10 : i32
    %dma_start3A_93 = arith.constant 5120 : i32
    %dma_start3A_94 = tpu.memref_slice %arg5[%dma_start3A_93] : memref<13312xi32, #tpu.memory_space<vmem>> -> memref<512xi32, #tpu.memory_space<vmem>>
    %dma_start3A_95 = tpu.memref_slice %arg2[%dma_start3A_92, %mul3A_2] : memref<26x16384xi32, #tpu.memory_space<hbm>> -> memref<1x512xi32, #tpu.memory_space<hbm>>
    %dma_start3A_96 = tpu.memref_squeeze %dma_start3A_95 : memref<1x512xi32, #tpu.memory_space<hbm>> -> memref<512xi32, #tpu.memory_space<hbm>>
    %dma_start3A_97 = arith.constant 5120 : i32
    %dma_start3A_98 = tpu.memref_slice %arg5[%dma_start3A_97] : memref<13312xi32, #tpu.memory_space<vmem>> -> memref<512xi32, #tpu.memory_space<vmem>>
    %dma_start3A_99 = tpu.memref_slice %arg2[%dma_start3A_92, %mul3A_2] : memref<26x16384xi32, #tpu.memory_space<hbm>> -> memref<1x512xi32, #tpu.memory_space<hbm>>
    %dma_start3A_100 = tpu.memref_squeeze %dma_start3A_99 : memref<1x512xi32, #tpu.memory_space<hbm>> -> memref<512xi32, #tpu.memory_space<hbm>>
    tpu.enqueue_dma source(%dma_start3A_100 : memref<512xi32, #tpu.memory_space<hbm>>) target(%dma_start3A_98 : memref<512xi32, #tpu.memory_space<vmem>>) target_semaphore(%arg7 : memref<!tpu.dma_semaphore, #tpu.memory_space<semaphore_mem>>)
    %dma_start3A_101 = arith.constant 11 : i32
    %dma_start3A_102 = arith.constant 5632 : i32
    %dma_start3A_103 = tpu.memref_slice %arg5[%dma_start3A_102] : memref<13312xi32, #tpu.memory_space<vmem>> -> memref<512xi32, #tpu.memory_space<vmem>>
    %dma_start3A_104 = tpu.memref_slice %arg2[%dma_start3A_101, %mul3A_2] : memref<26x16384xi32, #tpu.memory_space<hbm>> -> memref<1x512xi32, #tpu.memory_space<hbm>>
    %dma_start3A_105 = tpu.memref_squeeze %dma_start3A_104 : memref<1x512xi32, #tpu.memory_space<hbm>> -> memref<512xi32, #tpu.memory_space<hbm>>
    %dma_start3A_106 = arith.constant 5632 : i32
    %dma_start3A_107 = tpu.memref_slice %arg5[%dma_start3A_106] : memref<13312xi32, #tpu.memory_space<vmem>> -> memref<512xi32, #tpu.memory_space<vmem>>
    %dma_start3A_108 = tpu.memref_slice %arg2[%dma_start3A_101, %mul3A_2] : memref<26x16384xi32, #tpu.memory_space<hbm>> -> memref<1x512xi32, #tpu.memory_space<hbm>>
    %dma_start3A_109 = tpu.memref_squeeze %dma_start3A_108 : memref<1x512xi32, #tpu.memory_space<hbm>> -> memref<512xi32, #tpu.memory_space<hbm>>
    tpu.enqueue_dma source(%dma_start3A_109 : memref<512xi32, #tpu.memory_space<hbm>>) target(%dma_start3A_107 : memref<512xi32, #tpu.memory_space<vmem>>) target_semaphore(%arg7 : memref<!tpu.dma_semaphore, #tpu.memory_space<semaphore_mem>>)
    %dma_start3A_110 = arith.constant 12 : i32
    %dma_start3A_111 = arith.constant 6144 : i32
    %dma_start3A_112 = tpu.memref_slice %arg5[%dma_start3A_111] : memref<13312xi32, #tpu.memory_space<vmem>> -> memref<512xi32, #tpu.memory_space<vmem>>
    %dma_start3A_113 = tpu.memref_slice %arg2[%dma_start3A_110, %mul3A_2] : memref<26x16384xi32, #tpu.memory_space<hbm>> -> memref<1x512xi32, #tpu.memory_space<hbm>>
    %dma_start3A_114 = tpu.memref_squeeze %dma_start3A_113 : memref<1x512xi32, #tpu.memory_space<hbm>> -> memref<512xi32, #tpu.memory_space<hbm>>
    %dma_start3A_115 = arith.constant 6144 : i32
    %dma_start3A_116 = tpu.memref_slice %arg5[%dma_start3A_115] : memref<13312xi32, #tpu.memory_space<vmem>> -> memref<512xi32, #tpu.memory_space<vmem>>
    %dma_start3A_117 = tpu.memref_slice %arg2[%dma_start3A_110, %mul3A_2] : memref<26x16384xi32, #tpu.memory_space<hbm>> -> memref<1x512xi32, #tpu.memory_space<hbm>>
    %dma_start3A_118 = tpu.memref_squeeze %dma_start3A_117 : memref<1x512xi32, #tpu.memory_space<hbm>> -> memref<512xi32, #tpu.memory_space<hbm>>
    tpu.enqueue_dma source(%dma_start3A_118 : memref<512xi32, #tpu.memory_space<hbm>>) target(%dma_start3A_116 : memref<512xi32, #tpu.memory_space<vmem>>) target_semaphore(%arg7 : memref<!tpu.dma_semaphore, #tpu.memory_space<semaphore_mem>>)
    %dma_start3A_119 = arith.constant 13 : i32
    %dma_start3A_120 = arith.constant 6656 : i32
    %dma_start3A_121 = tpu.memref_slice %arg5[%dma_start3A_120] : memref<13312xi32, #tpu.memory_space<vmem>> -> memref<512xi32, #tpu.memory_space<vmem>>
    %dma_start3A_122 = tpu.memref_slice %arg2[%dma_start3A_119, %mul3A_2] : memref<26x16384xi32, #tpu.memory_space<hbm>> -> memref<1x512xi32, #tpu.memory_space<hbm>>
    %dma_start3A_123 = tpu.memref_squeeze %dma_start3A_122 : memref<1x512xi32, #tpu.memory_space<hbm>> -> memref<512xi32, #tpu.memory_space<hbm>>
    %dma_start3A_124 = arith.constant 6656 : i32
    %dma_start3A_125 = tpu.memref_slice %arg5[%dma_start3A_124] : memref<13312xi32, #tpu.memory_space<vmem>> -> memref<512xi32, #tpu.memory_space<vmem>>
    %dma_start3A_126 = tpu.memref_slice %arg2[%dma_start3A_119, %mul3A_2] : memref<26x16384xi32, #tpu.memory_space<hbm>> -> memref<1x512xi32, #tpu.memory_space<hbm>>
    %dma_start3A_127 = tpu.memref_squeeze %dma_start3A_126 : memref<1x512xi32, #tpu.memory_space<hbm>> -> memref<512xi32, #tpu.memory_space<hbm>>
    tpu.enqueue_dma source(%dma_start3A_127 : memref<512xi32, #tpu.memory_space<hbm>>) target(%dma_start3A_125 : memref<512xi32, #tpu.memory_space<vmem>>) target_semaphore(%arg7 : memref<!tpu.dma_semaphore, #tpu.memory_space<semaphore_mem>>)
    %dma_start3A_128 = arith.constant 14 : i32
    %dma_start3A_129 = arith.constant 7168 : i32
    %dma_start3A_130 = tpu.memref_slice %arg5[%dma_start3A_129] : memref<13312xi32, #tpu.memory_space<vmem>> -> memref<512xi32, #tpu.memory_space<vmem>>
    %dma_start3A_131 = tpu.memref_slice %arg2[%dma_start3A_128, %mul3A_2] : memref<26x16384xi32, #tpu.memory_space<hbm>> -> memref<1x512xi32, #tpu.memory_space<hbm>>
    %dma_start3A_132 = tpu.memref_squeeze %dma_start3A_131 : memref<1x512xi32, #tpu.memory_space<hbm>> -> memref<512xi32, #tpu.memory_space<hbm>>
    %dma_start3A_133 = arith.constant 7168 : i32
    %dma_start3A_134 = tpu.memref_slice %arg5[%dma_start3A_133] : memref<13312xi32, #tpu.memory_space<vmem>> -> memref<512xi32, #tpu.memory_space<vmem>>
    %dma_start3A_135 = tpu.memref_slice %arg2[%dma_start3A_128, %mul3A_2] : memref<26x16384xi32, #tpu.memory_space<hbm>> -> memref<1x512xi32, #tpu.memory_space<hbm>>
    %dma_start3A_136 = tpu.memref_squeeze %dma_start3A_135 : memref<1x512xi32, #tpu.memory_space<hbm>> -> memref<512xi32, #tpu.memory_space<hbm>>
    tpu.enqueue_dma source(%dma_start3A_136 : memref<512xi32, #tpu.memory_space<hbm>>) target(%dma_start3A_134 : memref<512xi32, #tpu.memory_space<vmem>>) target_semaphore(%arg7 : memref<!tpu.dma_semaphore, #tpu.memory_space<semaphore_mem>>)
    %dma_start3A_137 = arith.constant 15 : i32
    %dma_start3A_138 = arith.constant 7680 : i32
    %dma_start3A_139 = tpu.memref_slice %arg5[%dma_start3A_138] : memref<13312xi32, #tpu.memory_space<vmem>> -> memref<512xi32, #tpu.memory_space<vmem>>
    %dma_start3A_140 = tpu.memref_slice %arg2[%dma_start3A_137, %mul3A_2] : memref<26x16384xi32, #tpu.memory_space<hbm>> -> memref<1x512xi32, #tpu.memory_space<hbm>>
    %dma_start3A_141 = tpu.memref_squeeze %dma_start3A_140 : memref<1x512xi32, #tpu.memory_space<hbm>> -> memref<512xi32, #tpu.memory_space<hbm>>
    %dma_start3A_142 = arith.constant 7680 : i32
    %dma_start3A_143 = tpu.memref_slice %arg5[%dma_start3A_142] : memref<13312xi32, #tpu.memory_space<vmem>> -> memref<512xi32, #tpu.memory_space<vmem>>
    %dma_start3A_144 = tpu.memref_slice %arg2[%dma_start3A_137, %mul3A_2] : memref<26x16384xi32, #tpu.memory_space<hbm>> -> memref<1x512xi32, #tpu.memory_space<hbm>>
    %dma_start3A_145 = tpu.memref_squeeze %dma_start3A_144 : memref<1x512xi32, #tpu.memory_space<hbm>> -> memref<512xi32, #tpu.memory_space<hbm>>
    tpu.enqueue_dma source(%dma_start3A_145 : memref<512xi32, #tpu.memory_space<hbm>>) target(%dma_start3A_143 : memref<512xi32, #tpu.memory_space<vmem>>) target_semaphore(%arg7 : memref<!tpu.dma_semaphore, #tpu.memory_space<semaphore_mem>>)
    %dma_start3A_146 = arith.constant 16 : i32
    %dma_start3A_147 = arith.constant 8192 : i32
    %dma_start3A_148 = tpu.memref_slice %arg5[%dma_start3A_147] : memref<13312xi32, #tpu.memory_space<vmem>> -> memref<512xi32, #tpu.memory_space<vmem>>
    %dma_start3A_149 = tpu.memref_slice %arg2[%dma_start3A_146, %mul3A_2] : memref<26x16384xi32, #tpu.memory_space<hbm>> -> memref<1x512xi32, #tpu.memory_space<hbm>>
    %dma_start3A_150 = tpu.memref_squeeze %dma_start3A_149 : memref<1x512xi32, #tpu.memory_space<hbm>> -> memref<512xi32, #tpu.memory_space<hbm>>
    %dma_start3A_151 = arith.constant 8192 : i32
    %dma_start3A_152 = tpu.memref_slice %arg5[%dma_start3A_151] : memref<13312xi32, #tpu.memory_space<vmem>> -> memref<512xi32, #tpu.memory_space<vmem>>
    %dma_start3A_153 = tpu.memref_slice %arg2[%dma_start3A_146, %mul3A_2] : memref<26x16384xi32, #tpu.memory_space<hbm>> -> memref<1x512xi32, #tpu.memory_space<hbm>>
    %dma_start3A_154 = tpu.memref_squeeze %dma_start3A_153 : memref<1x512xi32, #tpu.memory_space<hbm>> -> memref<512xi32, #tpu.memory_space<hbm>>
    tpu.enqueue_dma source(%dma_start3A_154 : memref<512xi32, #tpu.memory_space<hbm>>) target(%dma_start3A_152 : memref<512xi32, #tpu.memory_space<vmem>>) target_semaphore(%arg7 : memref<!tpu.dma_semaphore, #tpu.memory_space<semaphore_mem>>)
    %dma_start3A_155 = arith.constant 17 : i32
    %dma_start3A_156 = arith.constant 8704 : i32
    %dma_start3A_157 = tpu.memref_slice %arg5[%dma_start3A_156] : memref<13312xi32, #tpu.memory_space<vmem>> -> memref<512xi32, #tpu.memory_space<vmem>>
    %dma_start3A_158 = tpu.memref_slice %arg2[%dma_start3A_155, %mul3A_2] : memref<26x16384xi32, #tpu.memory_space<hbm>> -> memref<1x512xi32, #tpu.memory_space<hbm>>
    %dma_start3A_159 = tpu.memref_squeeze %dma_start3A_158 : memref<1x512xi32, #tpu.memory_space<hbm>> -> memref<512xi32, #tpu.memory_space<hbm>>
    %dma_start3A_160 = arith.constant 8704 : i32
    %dma_start3A_161 = tpu.memref_slice %arg5[%dma_start3A_160] : memref<13312xi32, #tpu.memory_space<vmem>> -> memref<512xi32, #tpu.memory_space<vmem>>
    %dma_start3A_162 = tpu.memref_slice %arg2[%dma_start3A_155, %mul3A_2] : memref<26x16384xi32, #tpu.memory_space<hbm>> -> memref<1x512xi32, #tpu.memory_space<hbm>>
    %dma_start3A_163 = tpu.memref_squeeze %dma_start3A_162 : memref<1x512xi32, #tpu.memory_space<hbm>> -> memref<512xi32, #tpu.memory_space<hbm>>
    tpu.enqueue_dma source(%dma_start3A_163 : memref<512xi32, #tpu.memory_space<hbm>>) target(%dma_start3A_161 : memref<512xi32, #tpu.memory_space<vmem>>) target_semaphore(%arg7 : memref<!tpu.dma_semaphore, #tpu.memory_space<semaphore_mem>>)
    %dma_start3A_164 = arith.constant 18 : i32
    %dma_start3A_165 = arith.constant 9216 : i32
    %dma_start3A_166 = tpu.memref_slice %arg5[%dma_start3A_165] : memref<13312xi32, #tpu.memory_space<vmem>> -> memref<512xi32, #tpu.memory_space<vmem>>
    %dma_start3A_167 = tpu.memref_slice %arg2[%dma_start3A_164, %mul3A_2] : memref<26x16384xi32, #tpu.memory_space<hbm>> -> memref<1x512xi32, #tpu.memory_space<hbm>>
    %dma_start3A_168 = tpu.memref_squeeze %dma_start3A_167 : memref<1x512xi32, #tpu.memory_space<hbm>> -> memref<512xi32, #tpu.memory_space<hbm>>
    %dma_start3A_169 = arith.constant 9216 : i32
    %dma_start3A_170 = tpu.memref_slice %arg5[%dma_start3A_169] : memref<13312xi32, #tpu.memory_space<vmem>> -> memref<512xi32, #tpu.memory_space<vmem>>
    %dma_start3A_171 = tpu.memref_slice %arg2[%dma_start3A_164, %mul3A_2] : memref<26x16384xi32, #tpu.memory_space<hbm>> -> memref<1x512xi32, #tpu.memory_space<hbm>>
    %dma_start3A_172 = tpu.memref_squeeze %dma_start3A_171 : memref<1x512xi32, #tpu.memory_space<hbm>> -> memref<512xi32, #tpu.memory_space<hbm>>
    tpu.enqueue_dma source(%dma_start3A_172 : memref<512xi32, #tpu.memory_space<hbm>>) target(%dma_start3A_170 : memref<512xi32, #tpu.memory_space<vmem>>) target_semaphore(%arg7 : memref<!tpu.dma_semaphore, #tpu.memory_space<semaphore_mem>>)
    %dma_start3A_173 = arith.constant 19 : i32
    %dma_start3A_174 = arith.constant 9728 : i32
    %dma_start3A_175 = tpu.memref_slice %arg5[%dma_start3A_174] : memref<13312xi32, #tpu.memory_space<vmem>> -> memref<512xi32, #tpu.memory_space<vmem>>
    %dma_start3A_176 = tpu.memref_slice %arg2[%dma_start3A_173, %mul3A_2] : memref<26x16384xi32, #tpu.memory_space<hbm>> -> memref<1x512xi32, #tpu.memory_space<hbm>>
    %dma_start3A_177 = tpu.memref_squeeze %dma_start3A_176 : memref<1x512xi32, #tpu.memory_space<hbm>> -> memref<512xi32, #tpu.memory_space<hbm>>
    %dma_start3A_178 = arith.constant 9728 : i32
    %dma_start3A_179 = tpu.memref_slice %arg5[%dma_start3A_178] : memref<13312xi32, #tpu.memory_space<vmem>> -> memref<512xi32, #tpu.memory_space<vmem>>
    %dma_start3A_180 = tpu.memref_slice %arg2[%dma_start3A_173, %mul3A_2] : memref<26x16384xi32, #tpu.memory_space<hbm>> -> memref<1x512xi32, #tpu.memory_space<hbm>>
    %dma_start3A_181 = tpu.memref_squeeze %dma_start3A_180 : memref<1x512xi32, #tpu.memory_space<hbm>> -> memref<512xi32, #tpu.memory_space<hbm>>
    tpu.enqueue_dma source(%dma_start3A_181 : memref<512xi32, #tpu.memory_space<hbm>>) target(%dma_start3A_179 : memref<512xi32, #tpu.memory_space<vmem>>) target_semaphore(%arg7 : memref<!tpu.dma_semaphore, #tpu.memory_space<semaphore_mem>>)
    %dma_start3A_182 = arith.constant 20 : i32
    %dma_start3A_183 = arith.constant 10240 : i32
    %dma_start3A_184 = tpu.memref_slice %arg5[%dma_start3A_183] : memref<13312xi32, #tpu.memory_space<vmem>> -> memref<512xi32, #tpu.memory_space<vmem>>
    %dma_start3A_185 = tpu.memref_slice %arg2[%dma_start3A_182, %mul3A_2] : memref<26x16384xi32, #tpu.memory_space<hbm>> -> memref<1x512xi32, #tpu.memory_space<hbm>>
    %dma_start3A_186 = tpu.memref_squeeze %dma_start3A_185 : memref<1x512xi32, #tpu.memory_space<hbm>> -> memref<512xi32, #tpu.memory_space<hbm>>
    %dma_start3A_187 = arith.constant 10240 : i32
    %dma_start3A_188 = tpu.memref_slice %arg5[%dma_start3A_187] : memref<13312xi32, #tpu.memory_space<vmem>> -> memref<512xi32, #tpu.memory_space<vmem>>
    %dma_start3A_189 = tpu.memref_slice %arg2[%dma_start3A_182, %mul3A_2] : memref<26x16384xi32, #tpu.memory_space<hbm>> -> memref<1x512xi32, #tpu.memory_space<hbm>>
    %dma_start3A_190 = tpu.memref_squeeze %dma_start3A_189 : memref<1x512xi32, #tpu.memory_space<hbm>> -> memref<512xi32, #tpu.memory_space<hbm>>
    tpu.enqueue_dma source(%dma_start3A_190 : memref<512xi32, #tpu.memory_space<hbm>>) target(%dma_start3A_188 : memref<512xi32, #tpu.memory_space<vmem>>) target_semaphore(%arg7 : memref<!tpu.dma_semaphore, #tpu.memory_space<semaphore_mem>>)
    %dma_start3A_191 = arith.constant 21 : i32
    %dma_start3A_192 = arith.constant 10752 : i32
    %dma_start3A_193 = tpu.memref_slice %arg5[%dma_start3A_192] : memref<13312xi32, #tpu.memory_space<vmem>> -> memref<512xi32, #tpu.memory_space<vmem>>
    %dma_start3A_194 = tpu.memref_slice %arg2[%dma_start3A_191, %mul3A_2] : memref<26x16384xi32, #tpu.memory_space<hbm>> -> memref<1x512xi32, #tpu.memory_space<hbm>>
    %dma_start3A_195 = tpu.memref_squeeze %dma_start3A_194 : memref<1x512xi32, #tpu.memory_space<hbm>> -> memref<512xi32, #tpu.memory_space<hbm>>
    %dma_start3A_196 = arith.constant 10752 : i32
    %dma_start3A_197 = tpu.memref_slice %arg5[%dma_start3A_196] : memref<13312xi32, #tpu.memory_space<vmem>> -> memref<512xi32, #tpu.memory_space<vmem>>
    %dma_start3A_198 = tpu.memref_slice %arg2[%dma_start3A_191, %mul3A_2] : memref<26x16384xi32, #tpu.memory_space<hbm>> -> memref<1x512xi32, #tpu.memory_space<hbm>>
    %dma_start3A_199 = tpu.memref_squeeze %dma_start3A_198 : memref<1x512xi32, #tpu.memory_space<hbm>> -> memref<512xi32, #tpu.memory_space<hbm>>
    tpu.enqueue_dma source(%dma_start3A_199 : memref<512xi32, #tpu.memory_space<hbm>>) target(%dma_start3A_197 : memref<512xi32, #tpu.memory_space<vmem>>) target_semaphore(%arg7 : memref<!tpu.dma_semaphore, #tpu.memory_space<semaphore_mem>>)
    %dma_start3A_200 = arith.constant 22 : i32
    %dma_start3A_201 = arith.constant 11264 : i32
    %dma_start3A_202 = tpu.memref_slice %arg5[%dma_start3A_201] : memref<13312xi32, #tpu.memory_space<vmem>> -> memref<512xi32, #tpu.memory_space<vmem>>
    %dma_start3A_203 = tpu.memref_slice %arg2[%dma_start3A_200, %mul3A_2] : memref<26x16384xi32, #tpu.memory_space<hbm>> -> memref<1x512xi32, #tpu.memory_space<hbm>>
    %dma_start3A_204 = tpu.memref_squeeze %dma_start3A_203 : memref<1x512xi32, #tpu.memory_space<hbm>> -> memref<512xi32, #tpu.memory_space<hbm>>
    %dma_start3A_205 = arith.constant 11264 : i32
    %dma_start3A_206 = tpu.memref_slice %arg5[%dma_start3A_205] : memref<13312xi32, #tpu.memory_space<vmem>> -> memref<512xi32, #tpu.memory_space<vmem>>
    %dma_start3A_207 = tpu.memref_slice %arg2[%dma_start3A_200, %mul3A_2] : memref<26x16384xi32, #tpu.memory_space<hbm>> -> memref<1x512xi32, #tpu.memory_space<hbm>>
    %dma_start3A_208 = tpu.memref_squeeze %dma_start3A_207 : memref<1x512xi32, #tpu.memory_space<hbm>> -> memref<512xi32, #tpu.memory_space<hbm>>
    tpu.enqueue_dma source(%dma_start3A_208 : memref<512xi32, #tpu.memory_space<hbm>>) target(%dma_start3A_206 : memref<512xi32, #tpu.memory_space<vmem>>) target_semaphore(%arg7 : memref<!tpu.dma_semaphore, #tpu.memory_space<semaphore_mem>>)
    %dma_start3A_209 = arith.constant 23 : i32
    %dma_start3A_210 = arith.constant 11776 : i32
    %dma_start3A_211 = tpu.memref_slice %arg5[%dma_start3A_210] : memref<13312xi32, #tpu.memory_space<vmem>> -> memref<512xi32, #tpu.memory_space<vmem>>
    %dma_start3A_212 = tpu.memref_slice %arg2[%dma_start3A_209, %mul3A_2] : memref<26x16384xi32, #tpu.memory_space<hbm>> -> memref<1x512xi32, #tpu.memory_space<hbm>>
    %dma_start3A_213 = tpu.memref_squeeze %dma_start3A_212 : memref<1x512xi32, #tpu.memory_space<hbm>> -> memref<512xi32, #tpu.memory_space<hbm>>
    %dma_start3A_214 = arith.constant 11776 : i32
    %dma_start3A_215 = tpu.memref_slice %arg5[%dma_start3A_214] : memref<13312xi32, #tpu.memory_space<vmem>> -> memref<512xi32, #tpu.memory_space<vmem>>
    %dma_start3A_216 = tpu.memref_slice %arg2[%dma_start3A_209, %mul3A_2] : memref<26x16384xi32, #tpu.memory_space<hbm>> -> memref<1x512xi32, #tpu.memory_space<hbm>>
    %dma_start3A_217 = tpu.memref_squeeze %dma_start3A_216 : memref<1x512xi32, #tpu.memory_space<hbm>> -> memref<512xi32, #tpu.memory_space<hbm>>
    tpu.enqueue_dma source(%dma_start3A_217 : memref<512xi32, #tpu.memory_space<hbm>>) target(%dma_start3A_215 : memref<512xi32, #tpu.memory_space<vmem>>) target_semaphore(%arg7 : memref<!tpu.dma_semaphore, #tpu.memory_space<semaphore_mem>>)
    %dma_start3A_218 = arith.constant 24 : i32
    %dma_start3A_219 = arith.constant 12288 : i32
    %dma_start3A_220 = tpu.memref_slice %arg5[%dma_start3A_219] : memref<13312xi32, #tpu.memory_space<vmem>> -> memref<512xi32, #tpu.memory_space<vmem>>
    %dma_start3A_221 = tpu.memref_slice %arg2[%dma_start3A_218, %mul3A_2] : memref<26x16384xi32, #tpu.memory_space<hbm>> -> memref<1x512xi32, #tpu.memory_space<hbm>>
    %dma_start3A_222 = tpu.memref_squeeze %dma_start3A_221 : memref<1x512xi32, #tpu.memory_space<hbm>> -> memref<512xi32, #tpu.memory_space<hbm>>
    %dma_start3A_223 = arith.constant 12288 : i32
    %dma_start3A_224 = tpu.memref_slice %arg5[%dma_start3A_223] : memref<13312xi32, #tpu.memory_space<vmem>> -> memref<512xi32, #tpu.memory_space<vmem>>
    %dma_start3A_225 = tpu.memref_slice %arg2[%dma_start3A_218, %mul3A_2] : memref<26x16384xi32, #tpu.memory_space<hbm>> -> memref<1x512xi32, #tpu.memory_space<hbm>>
    %dma_start3A_226 = tpu.memref_squeeze %dma_start3A_225 : memref<1x512xi32, #tpu.memory_space<hbm>> -> memref<512xi32, #tpu.memory_space<hbm>>
    tpu.enqueue_dma source(%dma_start3A_226 : memref<512xi32, #tpu.memory_space<hbm>>) target(%dma_start3A_224 : memref<512xi32, #tpu.memory_space<vmem>>) target_semaphore(%arg7 : memref<!tpu.dma_semaphore, #tpu.memory_space<semaphore_mem>>)
    %dma_start3A_227 = arith.constant 25 : i32
    %dma_start3A_228 = arith.constant 12800 : i32
    %dma_start3A_229 = tpu.memref_slice %arg5[%dma_start3A_228] : memref<13312xi32, #tpu.memory_space<vmem>> -> memref<512xi32, #tpu.memory_space<vmem>>
    %dma_start3A_230 = tpu.memref_slice %arg2[%dma_start3A_227, %mul3A_2] : memref<26x16384xi32, #tpu.memory_space<hbm>> -> memref<1x512xi32, #tpu.memory_space<hbm>>
    %dma_start3A_231 = tpu.memref_squeeze %dma_start3A_230 : memref<1x512xi32, #tpu.memory_space<hbm>> -> memref<512xi32, #tpu.memory_space<hbm>>
    %dma_start3A_232 = arith.constant 12800 : i32
    %dma_start3A_233 = tpu.memref_slice %arg5[%dma_start3A_232] : memref<13312xi32, #tpu.memory_space<vmem>> -> memref<512xi32, #tpu.memory_space<vmem>>
    %dma_start3A_234 = tpu.memref_slice %arg2[%dma_start3A_227, %mul3A_2] : memref<26x16384xi32, #tpu.memory_space<hbm>> -> memref<1x512xi32, #tpu.memory_space<hbm>>
    %dma_start3A_235 = tpu.memref_squeeze %dma_start3A_234 : memref<1x512xi32, #tpu.memory_space<hbm>> -> memref<512xi32, #tpu.memory_space<hbm>>
    tpu.enqueue_dma source(%dma_start3A_235 : memref<512xi32, #tpu.memory_space<hbm>>) target(%dma_start3A_233 : memref<512xi32, #tpu.memory_space<vmem>>) target_semaphore(%arg7 : memref<!tpu.dma_semaphore, #tpu.memory_space<semaphore_mem>>)
    %dma_wait3A = arith.constant 0 : i32
    %dma_wait3A_236 = arith.constant 0 : i32
    %dma_wait3A_237 = tpu.memref_slice %arg5[%dma_wait3A_236] : memref<13312xi32, #tpu.memory_space<vmem>> -> memref<512xi32, #tpu.memory_space<vmem>>
    %dma_wait3A_238 = tpu.memref_slice %arg2[%dma_wait3A, %mul3A_2] : memref<26x16384xi32, #tpu.memory_space<hbm>> -> memref<1x512xi32, #tpu.memory_space<hbm>>
    %dma_wait3A_239 = tpu.memref_squeeze %dma_wait3A_238 : memref<1x512xi32, #tpu.memory_space<hbm>> -> memref<512xi32, #tpu.memory_space<hbm>>
    %dma_wait3A_240 = arith.constant 0 : i32
    %dma_wait3A_241 = tpu.memref_slice %arg5[%dma_wait3A_240] : memref<13312xi32, #tpu.memory_space<vmem>> -> memref<512xi32, #tpu.memory_space<vmem>>
    %dma_wait3A_242 = tpu.memref_slice %arg2[%dma_wait3A, %mul3A_2] : memref<26x16384xi32, #tpu.memory_space<hbm>> -> memref<1x512xi32, #tpu.memory_space<hbm>>
    %dma_wait3A_243 = tpu.memref_squeeze %dma_wait3A_242 : memref<1x512xi32, #tpu.memory_space<hbm>> -> memref<512xi32, #tpu.memory_space<hbm>>
    tpu.wait_dma2 semaphore(%arg7 : memref<!tpu.dma_semaphore, #tpu.memory_space<semaphore_mem>>) src(%dma_wait3A_243 : memref<512xi32, #tpu.memory_space<hbm>>) dst(%dma_wait3A_241 : memref<512xi32, #tpu.memory_space<vmem>>)
    %dma_wait3A_244 = arith.constant 1 : i32
    %dma_wait3A_245 = arith.constant 512 : i32
    %dma_wait3A_246 = tpu.memref_slice %arg5[%dma_wait3A_245] : memref<13312xi32, #tpu.memory_space<vmem>> -> memref<512xi32, #tpu.memory_space<vmem>>
    %dma_wait3A_247 = tpu.memref_slice %arg2[%dma_wait3A_244, %mul3A_2] : memref<26x16384xi32, #tpu.memory_space<hbm>> -> memref<1x512xi32, #tpu.memory_space<hbm>>
    %dma_wait3A_248 = tpu.memref_squeeze %dma_wait3A_247 : memref<1x512xi32, #tpu.memory_space<hbm>> -> memref<512xi32, #tpu.memory_space<hbm>>
    %dma_wait3A_249 = arith.constant 512 : i32
    %dma_wait3A_250 = tpu.memref_slice %arg5[%dma_wait3A_249] : memref<13312xi32, #tpu.memory_space<vmem>> -> memref<512xi32, #tpu.memory_space<vmem>>
    %dma_wait3A_251 = tpu.memref_slice %arg2[%dma_wait3A_244, %mul3A_2] : memref<26x16384xi32, #tpu.memory_space<hbm>> -> memref<1x512xi32, #tpu.memory_space<hbm>>
    %dma_wait3A_252 = tpu.memref_squeeze %dma_wait3A_251 : memref<1x512xi32, #tpu.memory_space<hbm>> -> memref<512xi32, #tpu.memory_space<hbm>>
    tpu.wait_dma2 semaphore(%arg7 : memref<!tpu.dma_semaphore, #tpu.memory_space<semaphore_mem>>) src(%dma_wait3A_252 : memref<512xi32, #tpu.memory_space<hbm>>) dst(%dma_wait3A_250 : memref<512xi32, #tpu.memory_space<vmem>>)
    %dma_wait3A_253 = arith.constant 2 : i32
    %dma_wait3A_254 = arith.constant 1024 : i32
    %dma_wait3A_255 = tpu.memref_slice %arg5[%dma_wait3A_254] : memref<13312xi32, #tpu.memory_space<vmem>> -> memref<512xi32, #tpu.memory_space<vmem>>
    %dma_wait3A_256 = tpu.memref_slice %arg2[%dma_wait3A_253, %mul3A_2] : memref<26x16384xi32, #tpu.memory_space<hbm>> -> memref<1x512xi32, #tpu.memory_space<hbm>>
    %dma_wait3A_257 = tpu.memref_squeeze %dma_wait3A_256 : memref<1x512xi32, #tpu.memory_space<hbm>> -> memref<512xi32, #tpu.memory_space<hbm>>
    %dma_wait3A_258 = arith.constant 1024 : i32
    %dma_wait3A_259 = tpu.memref_slice %arg5[%dma_wait3A_258] : memref<13312xi32, #tpu.memory_space<vmem>> -> memref<512xi32, #tpu.memory_space<vmem>>
    %dma_wait3A_260 = tpu.memref_slice %arg2[%dma_wait3A_253, %mul3A_2] : memref<26x16384xi32, #tpu.memory_space<hbm>> -> memref<1x512xi32, #tpu.memory_space<hbm>>
    %dma_wait3A_261 = tpu.memref_squeeze %dma_wait3A_260 : memref<1x512xi32, #tpu.memory_space<hbm>> -> memref<512xi32, #tpu.memory_space<hbm>>
    tpu.wait_dma2 semaphore(%arg7 : memref<!tpu.dma_semaphore, #tpu.memory_space<semaphore_mem>>) src(%dma_wait3A_261 : memref<512xi32, #tpu.memory_space<hbm>>) dst(%dma_wait3A_259 : memref<512xi32, #tpu.memory_space<vmem>>)
    %dma_wait3A_262 = arith.constant 3 : i32
    %dma_wait3A_263 = arith.constant 1536 : i32
    %dma_wait3A_264 = tpu.memref_slice %arg5[%dma_wait3A_263] : memref<13312xi32, #tpu.memory_space<vmem>> -> memref<512xi32, #tpu.memory_space<vmem>>
    %dma_wait3A_265 = tpu.memref_slice %arg2[%dma_wait3A_262, %mul3A_2] : memref<26x16384xi32, #tpu.memory_space<hbm>> -> memref<1x512xi32, #tpu.memory_space<hbm>>
    %dma_wait3A_266 = tpu.memref_squeeze %dma_wait3A_265 : memref<1x512xi32, #tpu.memory_space<hbm>> -> memref<512xi32, #tpu.memory_space<hbm>>
    %dma_wait3A_267 = arith.constant 1536 : i32
    %dma_wait3A_268 = tpu.memref_slice %arg5[%dma_wait3A_267] : memref<13312xi32, #tpu.memory_space<vmem>> -> memref<512xi32, #tpu.memory_space<vmem>>
    %dma_wait3A_269 = tpu.memref_slice %arg2[%dma_wait3A_262, %mul3A_2] : memref<26x16384xi32, #tpu.memory_space<hbm>> -> memref<1x512xi32, #tpu.memory_space<hbm>>
    %dma_wait3A_270 = tpu.memref_squeeze %dma_wait3A_269 : memref<1x512xi32, #tpu.memory_space<hbm>> -> memref<512xi32, #tpu.memory_space<hbm>>
    tpu.wait_dma2 semaphore(%arg7 : memref<!tpu.dma_semaphore, #tpu.memory_space<semaphore_mem>>) src(%dma_wait3A_270 : memref<512xi32, #tpu.memory_space<hbm>>) dst(%dma_wait3A_268 : memref<512xi32, #tpu.memory_space<vmem>>)
    %dma_wait3A_271 = arith.constant 4 : i32
    %dma_wait3A_272 = arith.constant 2048 : i32
    %dma_wait3A_273 = tpu.memref_slice %arg5[%dma_wait3A_272] : memref<13312xi32, #tpu.memory_space<vmem>> -> memref<512xi32, #tpu.memory_space<vmem>>
    %dma_wait3A_274 = tpu.memref_slice %arg2[%dma_wait3A_271, %mul3A_2] : memref<26x16384xi32, #tpu.memory_space<hbm>> -> memref<1x512xi32, #tpu.memory_space<hbm>>
    %dma_wait3A_275 = tpu.memref_squeeze %dma_wait3A_274 : memref<1x512xi32, #tpu.memory_space<hbm>> -> memref<512xi32, #tpu.memory_space<hbm>>
    %dma_wait3A_276 = arith.constant 2048 : i32
    %dma_wait3A_277 = tpu.memref_slice %arg5[%dma_wait3A_276] : memref<13312xi32, #tpu.memory_space<vmem>> -> memref<512xi32, #tpu.memory_space<vmem>>
    %dma_wait3A_278 = tpu.memref_slice %arg2[%dma_wait3A_271, %mul3A_2] : memref<26x16384xi32, #tpu.memory_space<hbm>> -> memref<1x512xi32, #tpu.memory_space<hbm>>
    %dma_wait3A_279 = tpu.memref_squeeze %dma_wait3A_278 : memref<1x512xi32, #tpu.memory_space<hbm>> -> memref<512xi32, #tpu.memory_space<hbm>>
    tpu.wait_dma2 semaphore(%arg7 : memref<!tpu.dma_semaphore, #tpu.memory_space<semaphore_mem>>) src(%dma_wait3A_279 : memref<512xi32, #tpu.memory_space<hbm>>) dst(%dma_wait3A_277 : memref<512xi32, #tpu.memory_space<vmem>>)
    %dma_wait3A_280 = arith.constant 5 : i32
    %dma_wait3A_281 = arith.constant 2560 : i32
    %dma_wait3A_282 = tpu.memref_slice %arg5[%dma_wait3A_281] : memref<13312xi32, #tpu.memory_space<vmem>> -> memref<512xi32, #tpu.memory_space<vmem>>
    %dma_wait3A_283 = tpu.memref_slice %arg2[%dma_wait3A_280, %mul3A_2] : memref<26x16384xi32, #tpu.memory_space<hbm>> -> memref<1x512xi32, #tpu.memory_space<hbm>>
    %dma_wait3A_284 = tpu.memref_squeeze %dma_wait3A_283 : memref<1x512xi32, #tpu.memory_space<hbm>> -> memref<512xi32, #tpu.memory_space<hbm>>
    %dma_wait3A_285 = arith.constant 2560 : i32
    %dma_wait3A_286 = tpu.memref_slice %arg5[%dma_wait3A_285] : memref<13312xi32, #tpu.memory_space<vmem>> -> memref<512xi32, #tpu.memory_space<vmem>>
    %dma_wait3A_287 = tpu.memref_slice %arg2[%dma_wait3A_280, %mul3A_2] : memref<26x16384xi32, #tpu.memory_space<hbm>> -> memref<1x512xi32, #tpu.memory_space<hbm>>
    %dma_wait3A_288 = tpu.memref_squeeze %dma_wait3A_287 : memref<1x512xi32, #tpu.memory_space<hbm>> -> memref<512xi32, #tpu.memory_space<hbm>>
    tpu.wait_dma2 semaphore(%arg7 : memref<!tpu.dma_semaphore, #tpu.memory_space<semaphore_mem>>) src(%dma_wait3A_288 : memref<512xi32, #tpu.memory_space<hbm>>) dst(%dma_wait3A_286 : memref<512xi32, #tpu.memory_space<vmem>>)
    %dma_wait3A_289 = arith.constant 6 : i32
    %dma_wait3A_290 = arith.constant 3072 : i32
    %dma_wait3A_291 = tpu.memref_slice %arg5[%dma_wait3A_290] : memref<13312xi32, #tpu.memory_space<vmem>> -> memref<512xi32, #tpu.memory_space<vmem>>
    %dma_wait3A_292 = tpu.memref_slice %arg2[%dma_wait3A_289, %mul3A_2] : memref<26x16384xi32, #tpu.memory_space<hbm>> -> memref<1x512xi32, #tpu.memory_space<hbm>>
    %dma_wait3A_293 = tpu.memref_squeeze %dma_wait3A_292 : memref<1x512xi32, #tpu.memory_space<hbm>> -> memref<512xi32, #tpu.memory_space<hbm>>
    %dma_wait3A_294 = arith.constant 3072 : i32
    %dma_wait3A_295 = tpu.memref_slice %arg5[%dma_wait3A_294] : memref<13312xi32, #tpu.memory_space<vmem>> -> memref<512xi32, #tpu.memory_space<vmem>>
    %dma_wait3A_296 = tpu.memref_slice %arg2[%dma_wait3A_289, %mul3A_2] : memref<26x16384xi32, #tpu.memory_space<hbm>> -> memref<1x512xi32, #tpu.memory_space<hbm>>
    %dma_wait3A_297 = tpu.memref_squeeze %dma_wait3A_296 : memref<1x512xi32, #tpu.memory_space<hbm>> -> memref<512xi32, #tpu.memory_space<hbm>>
    tpu.wait_dma2 semaphore(%arg7 : memref<!tpu.dma_semaphore, #tpu.memory_space<semaphore_mem>>) src(%dma_wait3A_297 : memref<512xi32, #tpu.memory_space<hbm>>) dst(%dma_wait3A_295 : memref<512xi32, #tpu.memory_space<vmem>>)
    %dma_wait3A_298 = arith.constant 7 : i32
    %dma_wait3A_299 = arith.constant 3584 : i32
    %dma_wait3A_300 = tpu.memref_slice %arg5[%dma_wait3A_299] : memref<13312xi32, #tpu.memory_space<vmem>> -> memref<512xi32, #tpu.memory_space<vmem>>
    %dma_wait3A_301 = tpu.memref_slice %arg2[%dma_wait3A_298, %mul3A_2] : memref<26x16384xi32, #tpu.memory_space<hbm>> -> memref<1x512xi32, #tpu.memory_space<hbm>>
    %dma_wait3A_302 = tpu.memref_squeeze %dma_wait3A_301 : memref<1x512xi32, #tpu.memory_space<hbm>> -> memref<512xi32, #tpu.memory_space<hbm>>
    %dma_wait3A_303 = arith.constant 3584 : i32
    %dma_wait3A_304 = tpu.memref_slice %arg5[%dma_wait3A_303] : memref<13312xi32, #tpu.memory_space<vmem>> -> memref<512xi32, #tpu.memory_space<vmem>>
    %dma_wait3A_305 = tpu.memref_slice %arg2[%dma_wait3A_298, %mul3A_2] : memref<26x16384xi32, #tpu.memory_space<hbm>> -> memref<1x512xi32, #tpu.memory_space<hbm>>
    %dma_wait3A_306 = tpu.memref_squeeze %dma_wait3A_305 : memref<1x512xi32, #tpu.memory_space<hbm>> -> memref<512xi32, #tpu.memory_space<hbm>>
    tpu.wait_dma2 semaphore(%arg7 : memref<!tpu.dma_semaphore, #tpu.memory_space<semaphore_mem>>) src(%dma_wait3A_306 : memref<512xi32, #tpu.memory_space<hbm>>) dst(%dma_wait3A_304 : memref<512xi32, #tpu.memory_space<vmem>>)
    %dma_wait3A_307 = arith.constant 8 : i32
    %dma_wait3A_308 = arith.constant 4096 : i32
    %dma_wait3A_309 = tpu.memref_slice %arg5[%dma_wait3A_308] : memref<13312xi32, #tpu.memory_space<vmem>> -> memref<512xi32, #tpu.memory_space<vmem>>
    %dma_wait3A_310 = tpu.memref_slice %arg2[%dma_wait3A_307, %mul3A_2] : memref<26x16384xi32, #tpu.memory_space<hbm>> -> memref<1x512xi32, #tpu.memory_space<hbm>>
    %dma_wait3A_311 = tpu.memref_squeeze %dma_wait3A_310 : memref<1x512xi32, #tpu.memory_space<hbm>> -> memref<512xi32, #tpu.memory_space<hbm>>
    %dma_wait3A_312 = arith.constant 4096 : i32
    %dma_wait3A_313 = tpu.memref_slice %arg5[%dma_wait3A_312] : memref<13312xi32, #tpu.memory_space<vmem>> -> memref<512xi32, #tpu.memory_space<vmem>>
    %dma_wait3A_314 = tpu.memref_slice %arg2[%dma_wait3A_307, %mul3A_2] : memref<26x16384xi32, #tpu.memory_space<hbm>> -> memref<1x512xi32, #tpu.memory_space<hbm>>
    %dma_wait3A_315 = tpu.memref_squeeze %dma_wait3A_314 : memref<1x512xi32, #tpu.memory_space<hbm>> -> memref<512xi32, #tpu.memory_space<hbm>>
    tpu.wait_dma2 semaphore(%arg7 : memref<!tpu.dma_semaphore, #tpu.memory_space<semaphore_mem>>) src(%dma_wait3A_315 : memref<512xi32, #tpu.memory_space<hbm>>) dst(%dma_wait3A_313 : memref<512xi32, #tpu.memory_space<vmem>>)
    %dma_wait3A_316 = arith.constant 9 : i32
    %dma_wait3A_317 = arith.constant 4608 : i32
    %dma_wait3A_318 = tpu.memref_slice %arg5[%dma_wait3A_317] : memref<13312xi32, #tpu.memory_space<vmem>> -> memref<512xi32, #tpu.memory_space<vmem>>
    %dma_wait3A_319 = tpu.memref_slice %arg2[%dma_wait3A_316, %mul3A_2] : memref<26x16384xi32, #tpu.memory_space<hbm>> -> memref<1x512xi32, #tpu.memory_space<hbm>>
    %dma_wait3A_320 = tpu.memref_squeeze %dma_wait3A_319 : memref<1x512xi32, #tpu.memory_space<hbm>> -> memref<512xi32, #tpu.memory_space<hbm>>
    %dma_wait3A_321 = arith.constant 4608 : i32
    %dma_wait3A_322 = tpu.memref_slice %arg5[%dma_wait3A_321] : memref<13312xi32, #tpu.memory_space<vmem>> -> memref<512xi32, #tpu.memory_space<vmem>>
    %dma_wait3A_323 = tpu.memref_slice %arg2[%dma_wait3A_316, %mul3A_2] : memref<26x16384xi32, #tpu.memory_space<hbm>> -> memref<1x512xi32, #tpu.memory_space<hbm>>
    %dma_wait3A_324 = tpu.memref_squeeze %dma_wait3A_323 : memref<1x512xi32, #tpu.memory_space<hbm>> -> memref<512xi32, #tpu.memory_space<hbm>>
    tpu.wait_dma2 semaphore(%arg7 : memref<!tpu.dma_semaphore, #tpu.memory_space<semaphore_mem>>) src(%dma_wait3A_324 : memref<512xi32, #tpu.memory_space<hbm>>) dst(%dma_wait3A_322 : memref<512xi32, #tpu.memory_space<vmem>>)
    %dma_wait3A_325 = arith.constant 10 : i32
    %dma_wait3A_326 = arith.constant 5120 : i32
    %dma_wait3A_327 = tpu.memref_slice %arg5[%dma_wait3A_326] : memref<13312xi32, #tpu.memory_space<vmem>> -> memref<512xi32, #tpu.memory_space<vmem>>
    %dma_wait3A_328 = tpu.memref_slice %arg2[%dma_wait3A_325, %mul3A_2] : memref<26x16384xi32, #tpu.memory_space<hbm>> -> memref<1x512xi32, #tpu.memory_space<hbm>>
    %dma_wait3A_329 = tpu.memref_squeeze %dma_wait3A_328 : memref<1x512xi32, #tpu.memory_space<hbm>> -> memref<512xi32, #tpu.memory_space<hbm>>
    %dma_wait3A_330 = arith.constant 5120 : i32
    %dma_wait3A_331 = tpu.memref_slice %arg5[%dma_wait3A_330] : memref<13312xi32, #tpu.memory_space<vmem>> -> memref<512xi32, #tpu.memory_space<vmem>>
    %dma_wait3A_332 = tpu.memref_slice %arg2[%dma_wait3A_325, %mul3A_2] : memref<26x16384xi32, #tpu.memory_space<hbm>> -> memref<1x512xi32, #tpu.memory_space<hbm>>
    %dma_wait3A_333 = tpu.memref_squeeze %dma_wait3A_332 : memref<1x512xi32, #tpu.memory_space<hbm>> -> memref<512xi32, #tpu.memory_space<hbm>>
    tpu.wait_dma2 semaphore(%arg7 : memref<!tpu.dma_semaphore, #tpu.memory_space<semaphore_mem>>) src(%dma_wait3A_333 : memref<512xi32, #tpu.memory_space<hbm>>) dst(%dma_wait3A_331 : memref<512xi32, #tpu.memory_space<vmem>>)
    %dma_wait3A_334 = arith.constant 11 : i32
    %dma_wait3A_335 = arith.constant 5632 : i32
    %dma_wait3A_336 = tpu.memref_slice %arg5[%dma_wait3A_335] : memref<13312xi32, #tpu.memory_space<vmem>> -> memref<512xi32, #tpu.memory_space<vmem>>
    %dma_wait3A_337 = tpu.memref_slice %arg2[%dma_wait3A_334, %mul3A_2] : memref<26x16384xi32, #tpu.memory_space<hbm>> -> memref<1x512xi32, #tpu.memory_space<hbm>>
    %dma_wait3A_338 = tpu.memref_squeeze %dma_wait3A_337 : memref<1x512xi32, #tpu.memory_space<hbm>> -> memref<512xi32, #tpu.memory_space<hbm>>
    %dma_wait3A_339 = arith.constant 5632 : i32
    %dma_wait3A_340 = tpu.memref_slice %arg5[%dma_wait3A_339] : memref<13312xi32, #tpu.memory_space<vmem>> -> memref<512xi32, #tpu.memory_space<vmem>>
    %dma_wait3A_341 = tpu.memref_slice %arg2[%dma_wait3A_334, %mul3A_2] : memref<26x16384xi32, #tpu.memory_space<hbm>> -> memref<1x512xi32, #tpu.memory_space<hbm>>
    %dma_wait3A_342 = tpu.memref_squeeze %dma_wait3A_341 : memref<1x512xi32, #tpu.memory_space<hbm>> -> memref<512xi32, #tpu.memory_space<hbm>>
    tpu.wait_dma2 semaphore(%arg7 : memref<!tpu.dma_semaphore, #tpu.memory_space<semaphore_mem>>) src(%dma_wait3A_342 : memref<512xi32, #tpu.memory_space<hbm>>) dst(%dma_wait3A_340 : memref<512xi32, #tpu.memory_space<vmem>>)
    %dma_wait3A_343 = arith.constant 12 : i32
    %dma_wait3A_344 = arith.constant 6144 : i32
    %dma_wait3A_345 = tpu.memref_slice %arg5[%dma_wait3A_344] : memref<13312xi32, #tpu.memory_space<vmem>> -> memref<512xi32, #tpu.memory_space<vmem>>
    %dma_wait3A_346 = tpu.memref_slice %arg2[%dma_wait3A_343, %mul3A_2] : memref<26x16384xi32, #tpu.memory_space<hbm>> -> memref<1x512xi32, #tpu.memory_space<hbm>>
    %dma_wait3A_347 = tpu.memref_squeeze %dma_wait3A_346 : memref<1x512xi32, #tpu.memory_space<hbm>> -> memref<512xi32, #tpu.memory_space<hbm>>
    %dma_wait3A_348 = arith.constant 6144 : i32
    %dma_wait3A_349 = tpu.memref_slice %arg5[%dma_wait3A_348] : memref<13312xi32, #tpu.memory_space<vmem>> -> memref<512xi32, #tpu.memory_space<vmem>>
    %dma_wait3A_350 = tpu.memref_slice %arg2[%dma_wait3A_343, %mul3A_2] : memref<26x16384xi32, #tpu.memory_space<hbm>> -> memref<1x512xi32, #tpu.memory_space<hbm>>
    %dma_wait3A_351 = tpu.memref_squeeze %dma_wait3A_350 : memref<1x512xi32, #tpu.memory_space<hbm>> -> memref<512xi32, #tpu.memory_space<hbm>>
    tpu.wait_dma2 semaphore(%arg7 : memref<!tpu.dma_semaphore, #tpu.memory_space<semaphore_mem>>) src(%dma_wait3A_351 : memref<512xi32, #tpu.memory_space<hbm>>) dst(%dma_wait3A_349 : memref<512xi32, #tpu.memory_space<vmem>>)
    %dma_wait3A_352 = arith.constant 13 : i32
    %dma_wait3A_353 = arith.constant 6656 : i32
    %dma_wait3A_354 = tpu.memref_slice %arg5[%dma_wait3A_353] : memref<13312xi32, #tpu.memory_space<vmem>> -> memref<512xi32, #tpu.memory_space<vmem>>
    %dma_wait3A_355 = tpu.memref_slice %arg2[%dma_wait3A_352, %mul3A_2] : memref<26x16384xi32, #tpu.memory_space<hbm>> -> memref<1x512xi32, #tpu.memory_space<hbm>>
    %dma_wait3A_356 = tpu.memref_squeeze %dma_wait3A_355 : memref<1x512xi32, #tpu.memory_space<hbm>> -> memref<512xi32, #tpu.memory_space<hbm>>
    %dma_wait3A_357 = arith.constant 6656 : i32
    %dma_wait3A_358 = tpu.memref_slice %arg5[%dma_wait3A_357] : memref<13312xi32, #tpu.memory_space<vmem>> -> memref<512xi32, #tpu.memory_space<vmem>>
    %dma_wait3A_359 = tpu.memref_slice %arg2[%dma_wait3A_352, %mul3A_2] : memref<26x16384xi32, #tpu.memory_space<hbm>> -> memref<1x512xi32, #tpu.memory_space<hbm>>
    %dma_wait3A_360 = tpu.memref_squeeze %dma_wait3A_359 : memref<1x512xi32, #tpu.memory_space<hbm>> -> memref<512xi32, #tpu.memory_space<hbm>>
    tpu.wait_dma2 semaphore(%arg7 : memref<!tpu.dma_semaphore, #tpu.memory_space<semaphore_mem>>) src(%dma_wait3A_360 : memref<512xi32, #tpu.memory_space<hbm>>) dst(%dma_wait3A_358 : memref<512xi32, #tpu.memory_space<vmem>>)
    %dma_wait3A_361 = arith.constant 14 : i32
    %dma_wait3A_362 = arith.constant 7168 : i32
    %dma_wait3A_363 = tpu.memref_slice %arg5[%dma_wait3A_362] : memref<13312xi32, #tpu.memory_space<vmem>> -> memref<512xi32, #tpu.memory_space<vmem>>
    %dma_wait3A_364 = tpu.memref_slice %arg2[%dma_wait3A_361, %mul3A_2] : memref<26x16384xi32, #tpu.memory_space<hbm>> -> memref<1x512xi32, #tpu.memory_space<hbm>>
    %dma_wait3A_365 = tpu.memref_squeeze %dma_wait3A_364 : memref<1x512xi32, #tpu.memory_space<hbm>> -> memref<512xi32, #tpu.memory_space<hbm>>
    %dma_wait3A_366 = arith.constant 7168 : i32
    %dma_wait3A_367 = tpu.memref_slice %arg5[%dma_wait3A_366] : memref<13312xi32, #tpu.memory_space<vmem>> -> memref<512xi32, #tpu.memory_space<vmem>>
    %dma_wait3A_368 = tpu.memref_slice %arg2[%dma_wait3A_361, %mul3A_2] : memref<26x16384xi32, #tpu.memory_space<hbm>> -> memref<1x512xi32, #tpu.memory_space<hbm>>
    %dma_wait3A_369 = tpu.memref_squeeze %dma_wait3A_368 : memref<1x512xi32, #tpu.memory_space<hbm>> -> memref<512xi32, #tpu.memory_space<hbm>>
    tpu.wait_dma2 semaphore(%arg7 : memref<!tpu.dma_semaphore, #tpu.memory_space<semaphore_mem>>) src(%dma_wait3A_369 : memref<512xi32, #tpu.memory_space<hbm>>) dst(%dma_wait3A_367 : memref<512xi32, #tpu.memory_space<vmem>>)
    %dma_wait3A_370 = arith.constant 15 : i32
    %dma_wait3A_371 = arith.constant 7680 : i32
    %dma_wait3A_372 = tpu.memref_slice %arg5[%dma_wait3A_371] : memref<13312xi32, #tpu.memory_space<vmem>> -> memref<512xi32, #tpu.memory_space<vmem>>
    %dma_wait3A_373 = tpu.memref_slice %arg2[%dma_wait3A_370, %mul3A_2] : memref<26x16384xi32, #tpu.memory_space<hbm>> -> memref<1x512xi32, #tpu.memory_space<hbm>>
    %dma_wait3A_374 = tpu.memref_squeeze %dma_wait3A_373 : memref<1x512xi32, #tpu.memory_space<hbm>> -> memref<512xi32, #tpu.memory_space<hbm>>
    %dma_wait3A_375 = arith.constant 7680 : i32
    %dma_wait3A_376 = tpu.memref_slice %arg5[%dma_wait3A_375] : memref<13312xi32, #tpu.memory_space<vmem>> -> memref<512xi32, #tpu.memory_space<vmem>>
    %dma_wait3A_377 = tpu.memref_slice %arg2[%dma_wait3A_370, %mul3A_2] : memref<26x16384xi32, #tpu.memory_space<hbm>> -> memref<1x512xi32, #tpu.memory_space<hbm>>
    %dma_wait3A_378 = tpu.memref_squeeze %dma_wait3A_377 : memref<1x512xi32, #tpu.memory_space<hbm>> -> memref<512xi32, #tpu.memory_space<hbm>>
    tpu.wait_dma2 semaphore(%arg7 : memref<!tpu.dma_semaphore, #tpu.memory_space<semaphore_mem>>) src(%dma_wait3A_378 : memref<512xi32, #tpu.memory_space<hbm>>) dst(%dma_wait3A_376 : memref<512xi32, #tpu.memory_space<vmem>>)
    %dma_wait3A_379 = arith.constant 16 : i32
    %dma_wait3A_380 = arith.constant 8192 : i32
    %dma_wait3A_381 = tpu.memref_slice %arg5[%dma_wait3A_380] : memref<13312xi32, #tpu.memory_space<vmem>> -> memref<512xi32, #tpu.memory_space<vmem>>
    %dma_wait3A_382 = tpu.memref_slice %arg2[%dma_wait3A_379, %mul3A_2] : memref<26x16384xi32, #tpu.memory_space<hbm>> -> memref<1x512xi32, #tpu.memory_space<hbm>>
    %dma_wait3A_383 = tpu.memref_squeeze %dma_wait3A_382 : memref<1x512xi32, #tpu.memory_space<hbm>> -> memref<512xi32, #tpu.memory_space<hbm>>
    %dma_wait3A_384 = arith.constant 8192 : i32
    %dma_wait3A_385 = tpu.memref_slice %arg5[%dma_wait3A_384] : memref<13312xi32, #tpu.memory_space<vmem>> -> memref<512xi32, #tpu.memory_space<vmem>>
    %dma_wait3A_386 = tpu.memref_slice %arg2[%dma_wait3A_379, %mul3A_2] : memref<26x16384xi32, #tpu.memory_space<hbm>> -> memref<1x512xi32, #tpu.memory_space<hbm>>
    %dma_wait3A_387 = tpu.memref_squeeze %dma_wait3A_386 : memref<1x512xi32, #tpu.memory_space<hbm>> -> memref<512xi32, #tpu.memory_space<hbm>>
    tpu.wait_dma2 semaphore(%arg7 : memref<!tpu.dma_semaphore, #tpu.memory_space<semaphore_mem>>) src(%dma_wait3A_387 : memref<512xi32, #tpu.memory_space<hbm>>) dst(%dma_wait3A_385 : memref<512xi32, #tpu.memory_space<vmem>>)
    %dma_wait3A_388 = arith.constant 17 : i32
    %dma_wait3A_389 = arith.constant 8704 : i32
    %dma_wait3A_390 = tpu.memref_slice %arg5[%dma_wait3A_389] : memref<13312xi32, #tpu.memory_space<vmem>> -> memref<512xi32, #tpu.memory_space<vmem>>
    %dma_wait3A_391 = tpu.memref_slice %arg2[%dma_wait3A_388, %mul3A_2] : memref<26x16384xi32, #tpu.memory_space<hbm>> -> memref<1x512xi32, #tpu.memory_space<hbm>>
    %dma_wait3A_392 = tpu.memref_squeeze %dma_wait3A_391 : memref<1x512xi32, #tpu.memory_space<hbm>> -> memref<512xi32, #tpu.memory_space<hbm>>
    %dma_wait3A_393 = arith.constant 8704 : i32
    %dma_wait3A_394 = tpu.memref_slice %arg5[%dma_wait3A_393] : memref<13312xi32, #tpu.memory_space<vmem>> -> memref<512xi32, #tpu.memory_space<vmem>>
    %dma_wait3A_395 = tpu.memref_slice %arg2[%dma_wait3A_388, %mul3A_2] : memref<26x16384xi32, #tpu.memory_space<hbm>> -> memref<1x512xi32, #tpu.memory_space<hbm>>
    %dma_wait3A_396 = tpu.memref_squeeze %dma_wait3A_395 : memref<1x512xi32, #tpu.memory_space<hbm>> -> memref<512xi32, #tpu.memory_space<hbm>>
    tpu.wait_dma2 semaphore(%arg7 : memref<!tpu.dma_semaphore, #tpu.memory_space<semaphore_mem>>) src(%dma_wait3A_396 : memref<512xi32, #tpu.memory_space<hbm>>) dst(%dma_wait3A_394 : memref<512xi32, #tpu.memory_space<vmem>>)
    %dma_wait3A_397 = arith.constant 18 : i32
    %dma_wait3A_398 = arith.constant 9216 : i32
    %dma_wait3A_399 = tpu.memref_slice %arg5[%dma_wait3A_398] : memref<13312xi32, #tpu.memory_space<vmem>> -> memref<512xi32, #tpu.memory_space<vmem>>
    %dma_wait3A_400 = tpu.memref_slice %arg2[%dma_wait3A_397, %mul3A_2] : memref<26x16384xi32, #tpu.memory_space<hbm>> -> memref<1x512xi32, #tpu.memory_space<hbm>>
    %dma_wait3A_401 = tpu.memref_squeeze %dma_wait3A_400 : memref<1x512xi32, #tpu.memory_space<hbm>> -> memref<512xi32, #tpu.memory_space<hbm>>
    %dma_wait3A_402 = arith.constant 9216 : i32
    %dma_wait3A_403 = tpu.memref_slice %arg5[%dma_wait3A_402] : memref<13312xi32, #tpu.memory_space<vmem>> -> memref<512xi32, #tpu.memory_space<vmem>>
    %dma_wait3A_404 = tpu.memref_slice %arg2[%dma_wait3A_397, %mul3A_2] : memref<26x16384xi32, #tpu.memory_space<hbm>> -> memref<1x512xi32, #tpu.memory_space<hbm>>
    %dma_wait3A_405 = tpu.memref_squeeze %dma_wait3A_404 : memref<1x512xi32, #tpu.memory_space<hbm>> -> memref<512xi32, #tpu.memory_space<hbm>>
    tpu.wait_dma2 semaphore(%arg7 : memref<!tpu.dma_semaphore, #tpu.memory_space<semaphore_mem>>) src(%dma_wait3A_405 : memref<512xi32, #tpu.memory_space<hbm>>) dst(%dma_wait3A_403 : memref<512xi32, #tpu.memory_space<vmem>>)
    %dma_wait3A_406 = arith.constant 19 : i32
    %dma_wait3A_407 = arith.constant 9728 : i32
    %dma_wait3A_408 = tpu.memref_slice %arg5[%dma_wait3A_407] : memref<13312xi32, #tpu.memory_space<vmem>> -> memref<512xi32, #tpu.memory_space<vmem>>
    %dma_wait3A_409 = tpu.memref_slice %arg2[%dma_wait3A_406, %mul3A_2] : memref<26x16384xi32, #tpu.memory_space<hbm>> -> memref<1x512xi32, #tpu.memory_space<hbm>>
    %dma_wait3A_410 = tpu.memref_squeeze %dma_wait3A_409 : memref<1x512xi32, #tpu.memory_space<hbm>> -> memref<512xi32, #tpu.memory_space<hbm>>
    %dma_wait3A_411 = arith.constant 9728 : i32
    %dma_wait3A_412 = tpu.memref_slice %arg5[%dma_wait3A_411] : memref<13312xi32, #tpu.memory_space<vmem>> -> memref<512xi32, #tpu.memory_space<vmem>>
    %dma_wait3A_413 = tpu.memref_slice %arg2[%dma_wait3A_406, %mul3A_2] : memref<26x16384xi32, #tpu.memory_space<hbm>> -> memref<1x512xi32, #tpu.memory_space<hbm>>
    %dma_wait3A_414 = tpu.memref_squeeze %dma_wait3A_413 : memref<1x512xi32, #tpu.memory_space<hbm>> -> memref<512xi32, #tpu.memory_space<hbm>>
    tpu.wait_dma2 semaphore(%arg7 : memref<!tpu.dma_semaphore, #tpu.memory_space<semaphore_mem>>) src(%dma_wait3A_414 : memref<512xi32, #tpu.memory_space<hbm>>) dst(%dma_wait3A_412 : memref<512xi32, #tpu.memory_space<vmem>>)
    %dma_wait3A_415 = arith.constant 20 : i32
    %dma_wait3A_416 = arith.constant 10240 : i32
    %dma_wait3A_417 = tpu.memref_slice %arg5[%dma_wait3A_416] : memref<13312xi32, #tpu.memory_space<vmem>> -> memref<512xi32, #tpu.memory_space<vmem>>
    %dma_wait3A_418 = tpu.memref_slice %arg2[%dma_wait3A_415, %mul3A_2] : memref<26x16384xi32, #tpu.memory_space<hbm>> -> memref<1x512xi32, #tpu.memory_space<hbm>>
    %dma_wait3A_419 = tpu.memref_squeeze %dma_wait3A_418 : memref<1x512xi32, #tpu.memory_space<hbm>> -> memref<512xi32, #tpu.memory_space<hbm>>
    %dma_wait3A_420 = arith.constant 10240 : i32
    %dma_wait3A_421 = tpu.memref_slice %arg5[%dma_wait3A_420] : memref<13312xi32, #tpu.memory_space<vmem>> -> memref<512xi32, #tpu.memory_space<vmem>>
    %dma_wait3A_422 = tpu.memref_slice %arg2[%dma_wait3A_415, %mul3A_2] : memref<26x16384xi32, #tpu.memory_space<hbm>> -> memref<1x512xi32, #tpu.memory_space<hbm>>
    %dma_wait3A_423 = tpu.memref_squeeze %dma_wait3A_422 : memref<1x512xi32, #tpu.memory_space<hbm>> -> memref<512xi32, #tpu.memory_space<hbm>>
    tpu.wait_dma2 semaphore(%arg7 : memref<!tpu.dma_semaphore, #tpu.memory_space<semaphore_mem>>) src(%dma_wait3A_423 : memref<512xi32, #tpu.memory_space<hbm>>) dst(%dma_wait3A_421 : memref<512xi32, #tpu.memory_space<vmem>>)
    %dma_wait3A_424 = arith.constant 21 : i32
    %dma_wait3A_425 = arith.constant 10752 : i32
    %dma_wait3A_426 = tpu.memref_slice %arg5[%dma_wait3A_425] : memref<13312xi32, #tpu.memory_space<vmem>> -> memref<512xi32, #tpu.memory_space<vmem>>
    %dma_wait3A_427 = tpu.memref_slice %arg2[%dma_wait3A_424, %mul3A_2] : memref<26x16384xi32, #tpu.memory_space<hbm>> -> memref<1x512xi32, #tpu.memory_space<hbm>>
    %dma_wait3A_428 = tpu.memref_squeeze %dma_wait3A_427 : memref<1x512xi32, #tpu.memory_space<hbm>> -> memref<512xi32, #tpu.memory_space<hbm>>
    %dma_wait3A_429 = arith.constant 10752 : i32
    %dma_wait3A_430 = tpu.memref_slice %arg5[%dma_wait3A_429] : memref<13312xi32, #tpu.memory_space<vmem>> -> memref<512xi32, #tpu.memory_space<vmem>>
    %dma_wait3A_431 = tpu.memref_slice %arg2[%dma_wait3A_424, %mul3A_2] : memref<26x16384xi32, #tpu.memory_space<hbm>> -> memref<1x512xi32, #tpu.memory_space<hbm>>
    %dma_wait3A_432 = tpu.memref_squeeze %dma_wait3A_431 : memref<1x512xi32, #tpu.memory_space<hbm>> -> memref<512xi32, #tpu.memory_space<hbm>>
    tpu.wait_dma2 semaphore(%arg7 : memref<!tpu.dma_semaphore, #tpu.memory_space<semaphore_mem>>) src(%dma_wait3A_432 : memref<512xi32, #tpu.memory_space<hbm>>) dst(%dma_wait3A_430 : memref<512xi32, #tpu.memory_space<vmem>>)
    %dma_wait3A_433 = arith.constant 22 : i32
    %dma_wait3A_434 = arith.constant 11264 : i32
    %dma_wait3A_435 = tpu.memref_slice %arg5[%dma_wait3A_434] : memref<13312xi32, #tpu.memory_space<vmem>> -> memref<512xi32, #tpu.memory_space<vmem>>
    %dma_wait3A_436 = tpu.memref_slice %arg2[%dma_wait3A_433, %mul3A_2] : memref<26x16384xi32, #tpu.memory_space<hbm>> -> memref<1x512xi32, #tpu.memory_space<hbm>>
    %dma_wait3A_437 = tpu.memref_squeeze %dma_wait3A_436 : memref<1x512xi32, #tpu.memory_space<hbm>> -> memref<512xi32, #tpu.memory_space<hbm>>
    %dma_wait3A_438 = arith.constant 11264 : i32
    %dma_wait3A_439 = tpu.memref_slice %arg5[%dma_wait3A_438] : memref<13312xi32, #tpu.memory_space<vmem>> -> memref<512xi32, #tpu.memory_space<vmem>>
    %dma_wait3A_440 = tpu.memref_slice %arg2[%dma_wait3A_433, %mul3A_2] : memref<26x16384xi32, #tpu.memory_space<hbm>> -> memref<1x512xi32, #tpu.memory_space<hbm>>
    %dma_wait3A_441 = tpu.memref_squeeze %dma_wait3A_440 : memref<1x512xi32, #tpu.memory_space<hbm>> -> memref<512xi32, #tpu.memory_space<hbm>>
    tpu.wait_dma2 semaphore(%arg7 : memref<!tpu.dma_semaphore, #tpu.memory_space<semaphore_mem>>) src(%dma_wait3A_441 : memref<512xi32, #tpu.memory_space<hbm>>) dst(%dma_wait3A_439 : memref<512xi32, #tpu.memory_space<vmem>>)
    %dma_wait3A_442 = arith.constant 23 : i32
    %dma_wait3A_443 = arith.constant 11776 : i32
    %dma_wait3A_444 = tpu.memref_slice %arg5[%dma_wait3A_443] : memref<13312xi32, #tpu.memory_space<vmem>> -> memref<512xi32, #tpu.memory_space<vmem>>
    %dma_wait3A_445 = tpu.memref_slice %arg2[%dma_wait3A_442, %mul3A_2] : memref<26x16384xi32, #tpu.memory_space<hbm>> -> memref<1x512xi32, #tpu.memory_space<hbm>>
    %dma_wait3A_446 = tpu.memref_squeeze %dma_wait3A_445 : memref<1x512xi32, #tpu.memory_space<hbm>> -> memref<512xi32, #tpu.memory_space<hbm>>
    %dma_wait3A_447 = arith.constant 11776 : i32
    %dma_wait3A_448 = tpu.memref_slice %arg5[%dma_wait3A_447] : memref<13312xi32, #tpu.memory_space<vmem>> -> memref<512xi32, #tpu.memory_space<vmem>>
    %dma_wait3A_449 = tpu.memref_slice %arg2[%dma_wait3A_442, %mul3A_2] : memref<26x16384xi32, #tpu.memory_space<hbm>> -> memref<1x512xi32, #tpu.memory_space<hbm>>
    %dma_wait3A_450 = tpu.memref_squeeze %dma_wait3A_449 : memref<1x512xi32, #tpu.memory_space<hbm>> -> memref<512xi32, #tpu.memory_space<hbm>>
    tpu.wait_dma2 semaphore(%arg7 : memref<!tpu.dma_semaphore, #tpu.memory_space<semaphore_mem>>) src(%dma_wait3A_450 : memref<512xi32, #tpu.memory_space<hbm>>) dst(%dma_wait3A_448 : memref<512xi32, #tpu.memory_space<vmem>>)
    %dma_wait3A_451 = arith.constant 24 : i32
    %dma_wait3A_452 = arith.constant 12288 : i32
    %dma_wait3A_453 = tpu.memref_slice %arg5[%dma_wait3A_452] : memref<13312xi32, #tpu.memory_space<vmem>> -> memref<512xi32, #tpu.memory_space<vmem>>
    %dma_wait3A_454 = tpu.memref_slice %arg2[%dma_wait3A_451, %mul3A_2] : memref<26x16384xi32, #tpu.memory_space<hbm>> -> memref<1x512xi32, #tpu.memory_space<hbm>>
    %dma_wait3A_455 = tpu.memref_squeeze %dma_wait3A_454 : memref<1x512xi32, #tpu.memory_space<hbm>> -> memref<512xi32, #tpu.memory_space<hbm>>
    %dma_wait3A_456 = arith.constant 12288 : i32
    %dma_wait3A_457 = tpu.memref_slice %arg5[%dma_wait3A_456] : memref<13312xi32, #tpu.memory_space<vmem>> -> memref<512xi32, #tpu.memory_space<vmem>>
    %dma_wait3A_458 = tpu.memref_slice %arg2[%dma_wait3A_451, %mul3A_2] : memref<26x16384xi32, #tpu.memory_space<hbm>> -> memref<1x512xi32, #tpu.memory_space<hbm>>
    %dma_wait3A_459 = tpu.memref_squeeze %dma_wait3A_458 : memref<1x512xi32, #tpu.memory_space<hbm>> -> memref<512xi32, #tpu.memory_space<hbm>>
    tpu.wait_dma2 semaphore(%arg7 : memref<!tpu.dma_semaphore, #tpu.memory_space<semaphore_mem>>) src(%dma_wait3A_459 : memref<512xi32, #tpu.memory_space<hbm>>) dst(%dma_wait3A_457 : memref<512xi32, #tpu.memory_space<vmem>>)
    %dma_wait3A_460 = arith.constant 25 : i32
    %dma_wait3A_461 = arith.constant 12800 : i32
    %dma_wait3A_462 = tpu.memref_slice %arg5[%dma_wait3A_461] : memref<13312xi32, #tpu.memory_space<vmem>> -> memref<512xi32, #tpu.memory_space<vmem>>
    %dma_wait3A_463 = tpu.memref_slice %arg2[%dma_wait3A_460, %mul3A_2] : memref<26x16384xi32, #tpu.memory_space<hbm>> -> memref<1x512xi32, #tpu.memory_space<hbm>>
    %dma_wait3A_464 = tpu.memref_squeeze %dma_wait3A_463 : memref<1x512xi32, #tpu.memory_space<hbm>> -> memref<512xi32, #tpu.memory_space<hbm>>
    %dma_wait3A_465 = arith.constant 12800 : i32
    %dma_wait3A_466 = tpu.memref_slice %arg5[%dma_wait3A_465] : memref<13312xi32, #tpu.memory_space<vmem>> -> memref<512xi32, #tpu.memory_space<vmem>>
    %dma_wait3A_467 = tpu.memref_slice %arg2[%dma_wait3A_460, %mul3A_2] : memref<26x16384xi32, #tpu.memory_space<hbm>> -> memref<1x512xi32, #tpu.memory_space<hbm>>
    %dma_wait3A_468 = tpu.memref_squeeze %dma_wait3A_467 : memref<1x512xi32, #tpu.memory_space<hbm>> -> memref<512xi32, #tpu.memory_space<hbm>>
    tpu.wait_dma2 semaphore(%arg7 : memref<!tpu.dma_semaphore, #tpu.memory_space<semaphore_mem>>) src(%dma_wait3A_468 : memref<512xi32, #tpu.memory_space<hbm>>) dst(%dma_wait3A_466 : memref<512xi32, #tpu.memory_space<vmem>>)
    %dma_start3A_469 = arith.constant 0 : i32
    %dma_start3A_470 = tpu.memref_slice %arg6[%dma_start3A_469] : memref<13312xf32, #tpu.memory_space<vmem>> -> memref<1664xf32, #tpu.memory_space<vmem>>
    %dma_start3A_471 = arith.constant 0 : i32
    %dma_start3A_472 = tpu.memref_slice %arg5[%dma_start3A_471] : memref<13312xi32, #tpu.memory_space<vmem>> -> memref<1664xi32, #tpu.memory_space<vmem>>
    %dma_start3A_473 = arith.constant 0 : i32
    %dma_start3A_474 = tpu.memref_slice %arg3[%dma_start3A_473] : memref<1000000xf32, #tpu.memory_space<hbm>> -> memref<1000000xf32, #tpu.memory_space<hbm>>
    tpu.enqueue_indirect_dma source(%dma_start3A_474 : memref<1000000xf32, #tpu.memory_space<hbm>>) target(%dma_start3A_470 : memref<1664xf32, #tpu.memory_space<vmem>>) offsets(%dma_start3A_472 : memref<1664xi32, #tpu.memory_space<vmem>>) semaphore(%arg8 : memref<!tpu.dma_semaphore, #tpu.memory_space<semaphore_mem>>)
    %dma_start3A_475 = arith.constant 1664 : i32
    %dma_start3A_476 = tpu.memref_slice %arg6[%dma_start3A_475] : memref<13312xf32, #tpu.memory_space<vmem>> -> memref<1664xf32, #tpu.memory_space<vmem>>
    %dma_start3A_477 = arith.constant 1664 : i32
    %dma_start3A_478 = tpu.memref_slice %arg5[%dma_start3A_477] : memref<13312xi32, #tpu.memory_space<vmem>> -> memref<1664xi32, #tpu.memory_space<vmem>>
    %dma_start3A_479 = arith.constant 0 : i32
    %dma_start3A_480 = tpu.memref_slice %arg3[%dma_start3A_479] : memref<1000000xf32, #tpu.memory_space<hbm>> -> memref<1000000xf32, #tpu.memory_space<hbm>>
    tpu.enqueue_indirect_dma source(%dma_start3A_480 : memref<1000000xf32, #tpu.memory_space<hbm>>) target(%dma_start3A_476 : memref<1664xf32, #tpu.memory_space<vmem>>) offsets(%dma_start3A_478 : memref<1664xi32, #tpu.memory_space<vmem>>) semaphore(%arg9 : memref<!tpu.dma_semaphore, #tpu.memory_space<semaphore_mem>>)
    %dma_start3A_481 = arith.constant 3328 : i32
    %dma_start3A_482 = tpu.memref_slice %arg6[%dma_start3A_481] : memref<13312xf32, #tpu.memory_space<vmem>> -> memref<1664xf32, #tpu.memory_space<vmem>>
    %dma_start3A_483 = arith.constant 3328 : i32
    %dma_start3A_484 = tpu.memref_slice %arg5[%dma_start3A_483] : memref<13312xi32, #tpu.memory_space<vmem>> -> memref<1664xi32, #tpu.memory_space<vmem>>
    %dma_start3A_485 = arith.constant 0 : i32
    %dma_start3A_486 = tpu.memref_slice %arg3[%dma_start3A_485] : memref<1000000xf32, #tpu.memory_space<hbm>> -> memref<1000000xf32, #tpu.memory_space<hbm>>
    tpu.enqueue_indirect_dma source(%dma_start3A_486 : memref<1000000xf32, #tpu.memory_space<hbm>>) target(%dma_start3A_482 : memref<1664xf32, #tpu.memory_space<vmem>>) offsets(%dma_start3A_484 : memref<1664xi32, #tpu.memory_space<vmem>>) semaphore(%arg10 : memref<!tpu.dma_semaphore, #tpu.memory_space<semaphore_mem>>)
    %dma_wait3A_487 = arith.constant 0 : i32
    %dma_wait3A_488 = tpu.memref_slice %arg6[%dma_wait3A_487] : memref<13312xf32, #tpu.memory_space<vmem>> -> memref<1664xf32, #tpu.memory_space<vmem>>
    %dma_wait3A_489 = arith.constant 0 : i32
    %dma_wait3A_490 = tpu.memref_slice %arg5[%dma_wait3A_489] : memref<13312xi32, #tpu.memory_space<vmem>> -> memref<1664xi32, #tpu.memory_space<vmem>>
    %dma_wait3A_491 = arith.constant 0 : i32
    %dma_wait3A_492 = tpu.memref_slice %arg3[%dma_wait3A_491] : memref<1000000xf32, #tpu.memory_space<hbm>> -> memref<1000000xf32, #tpu.memory_space<hbm>>
    tpu.wait_indirect_dma semaphore(%arg8 : memref<!tpu.dma_semaphore, #tpu.memory_space<semaphore_mem>>) src(%dma_wait3A_492 : memref<1000000xf32, #tpu.memory_space<hbm>>) dst(%dma_wait3A_488 : memref<1664xf32, #tpu.memory_space<vmem>>)
    %dma_start3A_493 = arith.constant 4992 : i32
    %dma_start3A_494 = tpu.memref_slice %arg6[%dma_start3A_493] : memref<13312xf32, #tpu.memory_space<vmem>> -> memref<1664xf32, #tpu.memory_space<vmem>>
    %dma_start3A_495 = arith.constant 4992 : i32
    %dma_start3A_496 = tpu.memref_slice %arg5[%dma_start3A_495] : memref<13312xi32, #tpu.memory_space<vmem>> -> memref<1664xi32, #tpu.memory_space<vmem>>
    %dma_start3A_497 = arith.constant 0 : i32
    %dma_start3A_498 = tpu.memref_slice %arg3[%dma_start3A_497] : memref<1000000xf32, #tpu.memory_space<hbm>> -> memref<1000000xf32, #tpu.memory_space<hbm>>
    tpu.enqueue_indirect_dma source(%dma_start3A_498 : memref<1000000xf32, #tpu.memory_space<hbm>>) target(%dma_start3A_494 : memref<1664xf32, #tpu.memory_space<vmem>>) offsets(%dma_start3A_496 : memref<1664xi32, #tpu.memory_space<vmem>>) semaphore(%arg8 : memref<!tpu.dma_semaphore, #tpu.memory_space<semaphore_mem>>)
    %parallel_loop3A = arith.constant 0 : i32
    %parallel_loop3A_499 = arith.constant 1664 : i32
    %parallel_loop3A_500 = arith.constant 16 : i32
    scf.for %parallel_loop3A_1056 = %parallel_loop3A to %parallel_loop3A_499 step %parallel_loop3A_500  : i32 {
      %parallel_loop3A_1057 = arith.index_cast %parallel_loop3A_1056 : i32 to index
      %parallel_loop3A_1058 = tpu.vector_load %arg6[%parallel_loop3A_1057] {strides = array<i32>} : memref<13312xf32, #tpu.memory_space<vmem>>, vector<16xf32>,
      %parallel_loop3A_1059 = vector.shape_cast %parallel_loop3A_1058 : vector<16xf32> to vector<16xf32>
      %parallel_loop3A_1060 = arith.constant -0.105360515 : f32
      %parallel_loop3A_1061 = vector.broadcast %parallel_loop3A_1060 : f32 to vector<16xf32>
      %parallel_loop3A_1062 = arith.mulf %parallel_loop3A_1059, %parallel_loop3A_1061 : vector<16xf32>
      %parallel_loop3A_1063 = math.exp %parallel_loop3A_1062 : vector<16xf32>
      %parallel_loop3A_1064 = arith.constant 1.000000e+00 : f32
      %parallel_loop3A_1065 = vector.broadcast %parallel_loop3A_1064 : f32 to vector<16xf32>
      %parallel_loop3A_1066 = arith.subf %parallel_loop3A_1065, %parallel_loop3A_1063 : vector<16xf32>
      %parallel_loop3A_1067 = arith.constant 1.000000e-01 : f32
      %parallel_loop3A_1068 = vector.broadcast %parallel_loop3A_1067 : f32 to vector<16xf32>
      %parallel_loop3A_1069 = arith.divf %parallel_loop3A_1068, %parallel_loop3A_1066 : vector<16xf32>
      %parallel_loop3A_1070 = arith.index_cast %parallel_loop3A_1056 : i32 to index
      %parallel_loop3A_1071 = tpu.vector_load %arg6[%parallel_loop3A_1070] {strides = array<i32>} : memref<13312xf32, #tpu.memory_space<vmem>>, vector<16xf32>,
      %parallel_loop3A_1072 = vector.shape_cast %parallel_loop3A_1071 : vector<16xf32> to vector<16xf32>
      %parallel_loop3A_1073 = vector.shape_cast %parallel_loop3A_1069 : vector<16xf32> to vector<16xf32>
      tpu.vector_store %arg6[%parallel_loop3A_1070], %parallel_loop3A_1073 {strides = array<i32>} : memref<13312xf32, #tpu.memory_space<vmem>>, vector<16xf32>,
    } {sc.loop_unroll_factor = 8 : i64, sc.parallel_access}
    %dma_start3A_501 = arith.constant 0 : i32
    %dma_start3A_502 = arith.constant 0 : i32
    %dma_start3A_503 = tpu.memref_slice %arg6[%dma_start3A_502] : memref<13312xf32, #tpu.memory_space<vmem>> -> memref<512xf32, #tpu.memory_space<vmem>>
    %dma_start3A_504 = tpu.memref_slice %arg4[%dma_start3A_501, %mul3A_2] : memref<26x16384xf32, #tpu.memory_space<hbm>> -> memref<1x512xf32, #tpu.memory_space<hbm>>
    %dma_start3A_505 = tpu.memref_squeeze %dma_start3A_504 : memref<1x512xf32, #tpu.memory_space<hbm>> -> memref<512xf32, #tpu.memory_space<hbm>>
    %dma_start3A_506 = tpu.memref_slice %arg4[%dma_start3A_501, %mul3A_2] : memref<26x16384xf32, #tpu.memory_space<hbm>> -> memref<1x512xf32, #tpu.memory_space<hbm>>
    %dma_start3A_507 = tpu.memref_squeeze %dma_start3A_506 : memref<1x512xf32, #tpu.memory_space<hbm>> -> memref<512xf32, #tpu.memory_space<hbm>>
    %dma_start3A_508 = arith.constant 0 : i32
    %dma_start3A_509 = tpu.memref_slice %arg6[%dma_start3A_508] : memref<13312xf32, #tpu.memory_space<vmem>> -> memref<512xf32, #tpu.memory_space<vmem>>
    tpu.enqueue_dma source(%dma_start3A_509 : memref<512xf32, #tpu.memory_space<vmem>>) target(%dma_start3A_507 : memref<512xf32, #tpu.memory_space<hbm>>) target_semaphore(%arg7 : memref<!tpu.dma_semaphore, #tpu.memory_space<semaphore_mem>>)
    %dma_start3A_510 = arith.constant 1 : i32
    %dma_start3A_511 = arith.constant 512 : i32
    %dma_start3A_512 = tpu.memref_slice %arg6[%dma_start3A_511] : memref<13312xf32, #tpu.memory_space<vmem>> -> memref<512xf32, #tpu.memory_space<vmem>>
    %dma_start3A_513 = tpu.memref_slice %arg4[%dma_start3A_510, %mul3A_2] : memref<26x16384xf32, #tpu.memory_space<hbm>> -> memref<1x512xf32, #tpu.memory_space<hbm>>
    %dma_start3A_514 = tpu.memref_squeeze %dma_start3A_513 : memref<1x512xf32, #tpu.memory_space<hbm>> -> memref<512xf32, #tpu.memory_space<hbm>>
    %dma_start3A_515 = tpu.memref_slice %arg4[%dma_start3A_510, %mul3A_2] : memref<26x16384xf32, #tpu.memory_space<hbm>> -> memref<1x512xf32, #tpu.memory_space<hbm>>
    %dma_start3A_516 = tpu.memref_squeeze %dma_start3A_515 : memref<1x512xf32, #tpu.memory_space<hbm>> -> memref<512xf32, #tpu.memory_space<hbm>>
    %dma_start3A_517 = arith.constant 512 : i32
    %dma_start3A_518 = tpu.memref_slice %arg6[%dma_start3A_517] : memref<13312xf32, #tpu.memory_space<vmem>> -> memref<512xf32, #tpu.memory_space<vmem>>
    tpu.enqueue_dma source(%dma_start3A_518 : memref<512xf32, #tpu.memory_space<vmem>>) target(%dma_start3A_516 : memref<512xf32, #tpu.memory_space<hbm>>) target_semaphore(%arg7 : memref<!tpu.dma_semaphore, #tpu.memory_space<semaphore_mem>>)
    %dma_start3A_519 = arith.constant 2 : i32
    %dma_start3A_520 = arith.constant 1024 : i32
    %dma_start3A_521 = tpu.memref_slice %arg6[%dma_start3A_520] : memref<13312xf32, #tpu.memory_space<vmem>> -> memref<512xf32, #tpu.memory_space<vmem>>
    %dma_start3A_522 = tpu.memref_slice %arg4[%dma_start3A_519, %mul3A_2] : memref<26x16384xf32, #tpu.memory_space<hbm>> -> memref<1x512xf32, #tpu.memory_space<hbm>>
    %dma_start3A_523 = tpu.memref_squeeze %dma_start3A_522 : memref<1x512xf32, #tpu.memory_space<hbm>> -> memref<512xf32, #tpu.memory_space<hbm>>
    %dma_start3A_524 = tpu.memref_slice %arg4[%dma_start3A_519, %mul3A_2] : memref<26x16384xf32, #tpu.memory_space<hbm>> -> memref<1x512xf32, #tpu.memory_space<hbm>>
    %dma_start3A_525 = tpu.memref_squeeze %dma_start3A_524 : memref<1x512xf32, #tpu.memory_space<hbm>> -> memref<512xf32, #tpu.memory_space<hbm>>
    %dma_start3A_526 = arith.constant 1024 : i32
    %dma_start3A_527 = tpu.memref_slice %arg6[%dma_start3A_526] : memref<13312xf32, #tpu.memory_space<vmem>> -> memref<512xf32, #tpu.memory_space<vmem>>
    tpu.enqueue_dma source(%dma_start3A_527 : memref<512xf32, #tpu.memory_space<vmem>>) target(%dma_start3A_525 : memref<512xf32, #tpu.memory_space<hbm>>) target_semaphore(%arg7 : memref<!tpu.dma_semaphore, #tpu.memory_space<semaphore_mem>>)
    %dma_wait3A_528 = arith.constant 1664 : i32
    %dma_wait3A_529 = tpu.memref_slice %arg6[%dma_wait3A_528] : memref<13312xf32, #tpu.memory_space<vmem>> -> memref<1664xf32, #tpu.memory_space<vmem>>
    %dma_wait3A_530 = arith.constant 1664 : i32
    %dma_wait3A_531 = tpu.memref_slice %arg5[%dma_wait3A_530] : memref<13312xi32, #tpu.memory_space<vmem>> -> memref<1664xi32, #tpu.memory_space<vmem>>
    %dma_wait3A_532 = arith.constant 0 : i32
    %dma_wait3A_533 = tpu.memref_slice %arg3[%dma_wait3A_532] : memref<1000000xf32, #tpu.memory_space<hbm>> -> memref<1000000xf32, #tpu.memory_space<hbm>>
    tpu.wait_indirect_dma semaphore(%arg9 : memref<!tpu.dma_semaphore, #tpu.memory_space<semaphore_mem>>) src(%dma_wait3A_533 : memref<1000000xf32, #tpu.memory_space<hbm>>) dst(%dma_wait3A_529 : memref<1664xf32, #tpu.memory_space<vmem>>)
    %dma_start3A_534 = arith.constant 6656 : i32
    %dma_start3A_535 = tpu.memref_slice %arg6[%dma_start3A_534] : memref<13312xf32, #tpu.memory_space<vmem>> -> memref<1664xf32, #tpu.memory_space<vmem>>
    %dma_start3A_536 = arith.constant 6656 : i32
    %dma_start3A_537 = tpu.memref_slice %arg5[%dma_start3A_536] : memref<13312xi32, #tpu.memory_space<vmem>> -> memref<1664xi32, #tpu.memory_space<vmem>>
    %dma_start3A_538 = arith.constant 0 : i32
    %dma_start3A_539 = tpu.memref_slice %arg3[%dma_start3A_538] : memref<1000000xf32, #tpu.memory_space<hbm>> -> memref<1000000xf32, #tpu.memory_space<hbm>>
    tpu.enqueue_indirect_dma source(%dma_start3A_539 : memref<1000000xf32, #tpu.memory_space<hbm>>) target(%dma_start3A_535 : memref<1664xf32, #tpu.memory_space<vmem>>) offsets(%dma_start3A_537 : memref<1664xi32, #tpu.memory_space<vmem>>) semaphore(%arg9 : memref<!tpu.dma_semaphore, #tpu.memory_space<semaphore_mem>>)
    %parallel_loop3A_540 = arith.constant 1664 : i32
    %parallel_loop3A_541 = arith.constant 3328 : i32
    %parallel_loop3A_542 = arith.constant 16 : i32
    scf.for %parallel_loop3A_1056 = %parallel_loop3A_540 to %parallel_loop3A_541 step %parallel_loop3A_542  : i32 {
      %parallel_loop3A_1057 = arith.index_cast %parallel_loop3A_1056 : i32 to index
      %parallel_loop3A_1058 = tpu.vector_load %arg6[%parallel_loop3A_1057] {strides = array<i32>} : memref<13312xf32, #tpu.memory_space<vmem>>, vector<16xf32>,
      %parallel_loop3A_1059 = vector.shape_cast %parallel_loop3A_1058 : vector<16xf32> to vector<16xf32>
      %parallel_loop3A_1060 = arith.constant -0.105360515 : f32
      %parallel_loop3A_1061 = vector.broadcast %parallel_loop3A_1060 : f32 to vector<16xf32>
      %parallel_loop3A_1062 = arith.mulf %parallel_loop3A_1059, %parallel_loop3A_1061 : vector<16xf32>
      %parallel_loop3A_1063 = math.exp %parallel_loop3A_1062 : vector<16xf32>
      %parallel_loop3A_1064 = arith.constant 1.000000e+00 : f32
      %parallel_loop3A_1065 = vector.broadcast %parallel_loop3A_1064 : f32 to vector<16xf32>
      %parallel_loop3A_1066 = arith.subf %parallel_loop3A_1065, %parallel_loop3A_1063 : vector<16xf32>
      %parallel_loop3A_1067 = arith.constant 1.000000e-01 : f32
      %parallel_loop3A_1068 = vector.broadcast %parallel_loop3A_1067 : f32 to vector<16xf32>
      %parallel_loop3A_1069 = arith.divf %parallel_loop3A_1068, %parallel_loop3A_1066 : vector<16xf32>
      %parallel_loop3A_1070 = arith.index_cast %parallel_loop3A_1056 : i32 to index
      %parallel_loop3A_1071 = tpu.vector_load %arg6[%parallel_loop3A_1070] {strides = array<i32>} : memref<13312xf32, #tpu.memory_space<vmem>>, vector<16xf32>,
      %parallel_loop3A_1072 = vector.shape_cast %parallel_loop3A_1071 : vector<16xf32> to vector<16xf32>
      %parallel_loop3A_1073 = vector.shape_cast %parallel_loop3A_1069 : vector<16xf32> to vector<16xf32>
      tpu.vector_store %arg6[%parallel_loop3A_1070], %parallel_loop3A_1073 {strides = array<i32>} : memref<13312xf32, #tpu.memory_space<vmem>>, vector<16xf32>,
    } {sc.loop_unroll_factor = 8 : i64, sc.parallel_access}
    %dma_start3A_543 = arith.constant 3 : i32
    %dma_start3A_544 = arith.constant 1536 : i32
    %dma_start3A_545 = tpu.memref_slice %arg6[%dma_start3A_544] : memref<13312xf32, #tpu.memory_space<vmem>> -> memref<512xf32, #tpu.memory_space<vmem>>
    %dma_start3A_546 = tpu.memref_slice %arg4[%dma_start3A_543, %mul3A_2] : memref<26x16384xf32, #tpu.memory_space<hbm>> -> memref<1x512xf32, #tpu.memory_space<hbm>>
    %dma_start3A_547 = tpu.memref_squeeze %dma_start3A_546 : memref<1x512xf32, #tpu.memory_space<hbm>> -> memref<512xf32, #tpu.memory_space<hbm>>
    %dma_start3A_548 = tpu.memref_slice %arg4[%dma_start3A_543, %mul3A_2] : memref<26x16384xf32, #tpu.memory_space<hbm>> -> memref<1x512xf32, #tpu.memory_space<hbm>>
    %dma_start3A_549 = tpu.memref_squeeze %dma_start3A_548 : memref<1x512xf32, #tpu.memory_space<hbm>> -> memref<512xf32, #tpu.memory_space<hbm>>
    %dma_start3A_550 = arith.constant 1536 : i32
    %dma_start3A_551 = tpu.memref_slice %arg6[%dma_start3A_550] : memref<13312xf32, #tpu.memory_space<vmem>> -> memref<512xf32, #tpu.memory_space<vmem>>
    tpu.enqueue_dma source(%dma_start3A_551 : memref<512xf32, #tpu.memory_space<vmem>>) target(%dma_start3A_549 : memref<512xf32, #tpu.memory_space<hbm>>) target_semaphore(%arg7 : memref<!tpu.dma_semaphore, #tpu.memory_space<semaphore_mem>>)
    %dma_start3A_552 = arith.constant 4 : i32
    %dma_start3A_553 = arith.constant 2048 : i32
    %dma_start3A_554 = tpu.memref_slice %arg6[%dma_start3A_553] : memref<13312xf32, #tpu.memory_space<vmem>> -> memref<512xf32, #tpu.memory_space<vmem>>
    %dma_start3A_555 = tpu.memref_slice %arg4[%dma_start3A_552, %mul3A_2] : memref<26x16384xf32, #tpu.memory_space<hbm>> -> memref<1x512xf32, #tpu.memory_space<hbm>>
    %dma_start3A_556 = tpu.memref_squeeze %dma_start3A_555 : memref<1x512xf32, #tpu.memory_space<hbm>> -> memref<512xf32, #tpu.memory_space<hbm>>
    %dma_start3A_557 = tpu.memref_slice %arg4[%dma_start3A_552, %mul3A_2] : memref<26x16384xf32, #tpu.memory_space<hbm>> -> memref<1x512xf32, #tpu.memory_space<hbm>>
    %dma_start3A_558 = tpu.memref_squeeze %dma_start3A_557 : memref<1x512xf32, #tpu.memory_space<hbm>> -> memref<512xf32, #tpu.memory_space<hbm>>
    %dma_start3A_559 = arith.constant 2048 : i32
    %dma_start3A_560 = tpu.memref_slice %arg6[%dma_start3A_559] : memref<13312xf32, #tpu.memory_space<vmem>> -> memref<512xf32, #tpu.memory_space<vmem>>
    tpu.enqueue_dma source(%dma_start3A_560 : memref<512xf32, #tpu.memory_space<vmem>>) target(%dma_start3A_558 : memref<512xf32, #tpu.memory_space<hbm>>) target_semaphore(%arg7 : memref<!tpu.dma_semaphore, #tpu.memory_space<semaphore_mem>>)
    %dma_start3A_561 = arith.constant 5 : i32
    %dma_start3A_562 = arith.constant 2560 : i32
    %dma_start3A_563 = tpu.memref_slice %arg6[%dma_start3A_562] : memref<13312xf32, #tpu.memory_space<vmem>> -> memref<512xf32, #tpu.memory_space<vmem>>
    %dma_start3A_564 = tpu.memref_slice %arg4[%dma_start3A_561, %mul3A_2] : memref<26x16384xf32, #tpu.memory_space<hbm>> -> memref<1x512xf32, #tpu.memory_space<hbm>>
    %dma_start3A_565 = tpu.memref_squeeze %dma_start3A_564 : memref<1x512xf32, #tpu.memory_space<hbm>> -> memref<512xf32, #tpu.memory_space<hbm>>
    %dma_start3A_566 = tpu.memref_slice %arg4[%dma_start3A_561, %mul3A_2] : memref<26x16384xf32, #tpu.memory_space<hbm>> -> memref<1x512xf32, #tpu.memory_space<hbm>>
    %dma_start3A_567 = tpu.memref_squeeze %dma_start3A_566 : memref<1x512xf32, #tpu.memory_space<hbm>> -> memref<512xf32, #tpu.memory_space<hbm>>
    %dma_start3A_568 = arith.constant 2560 : i32
    %dma_start3A_569 = tpu.memref_slice %arg6[%dma_start3A_568] : memref<13312xf32, #tpu.memory_space<vmem>> -> memref<512xf32, #tpu.memory_space<vmem>>
    tpu.enqueue_dma source(%dma_start3A_569 : memref<512xf32, #tpu.memory_space<vmem>>) target(%dma_start3A_567 : memref<512xf32, #tpu.memory_space<hbm>>) target_semaphore(%arg7 : memref<!tpu.dma_semaphore, #tpu.memory_space<semaphore_mem>>)
    %dma_wait3A_570 = arith.constant 3328 : i32
    %dma_wait3A_571 = tpu.memref_slice %arg6[%dma_wait3A_570] : memref<13312xf32, #tpu.memory_space<vmem>> -> memref<1664xf32, #tpu.memory_space<vmem>>
    %dma_wait3A_572 = arith.constant 3328 : i32
    %dma_wait3A_573 = tpu.memref_slice %arg5[%dma_wait3A_572] : memref<13312xi32, #tpu.memory_space<vmem>> -> memref<1664xi32, #tpu.memory_space<vmem>>
    %dma_wait3A_574 = arith.constant 0 : i32
    %dma_wait3A_575 = tpu.memref_slice %arg3[%dma_wait3A_574] : memref<1000000xf32, #tpu.memory_space<hbm>> -> memref<1000000xf32, #tpu.memory_space<hbm>>
    tpu.wait_indirect_dma semaphore(%arg10 : memref<!tpu.dma_semaphore, #tpu.memory_space<semaphore_mem>>) src(%dma_wait3A_575 : memref<1000000xf32, #tpu.memory_space<hbm>>) dst(%dma_wait3A_571 : memref<1664xf32, #tpu.memory_space<vmem>>)
    %dma_start3A_576 = arith.constant 8320 : i32
    %dma_start3A_577 = tpu.memref_slice %arg6[%dma_start3A_576] : memref<13312xf32, #tpu.memory_space<vmem>> -> memref<1664xf32, #tpu.memory_space<vmem>>
    %dma_start3A_578 = arith.constant 8320 : i32
    %dma_start3A_579 = tpu.memref_slice %arg5[%dma_start3A_578] : memref<13312xi32, #tpu.memory_space<vmem>> -> memref<1664xi32, #tpu.memory_space<vmem>>
    %dma_start3A_580 = arith.constant 0 : i32
    %dma_start3A_581 = tpu.memref_slice %arg3[%dma_start3A_580] : memref<1000000xf32, #tpu.memory_space<hbm>> -> memref<1000000xf32, #tpu.memory_space<hbm>>
    tpu.enqueue_indirect_dma source(%dma_start3A_581 : memref<1000000xf32, #tpu.memory_space<hbm>>) target(%dma_start3A_577 : memref<1664xf32, #tpu.memory_space<vmem>>) offsets(%dma_start3A_579 : memref<1664xi32, #tpu.memory_space<vmem>>) semaphore(%arg10 : memref<!tpu.dma_semaphore, #tpu.memory_space<semaphore_mem>>)
    %parallel_loop3A_582 = arith.constant 3328 : i32
    %parallel_loop3A_583 = arith.constant 4992 : i32
    %parallel_loop3A_584 = arith.constant 16 : i32
    scf.for %parallel_loop3A_1056 = %parallel_loop3A_582 to %parallel_loop3A_583 step %parallel_loop3A_584  : i32 {
      %parallel_loop3A_1057 = arith.index_cast %parallel_loop3A_1056 : i32 to index
      %parallel_loop3A_1058 = tpu.vector_load %arg6[%parallel_loop3A_1057] {strides = array<i32>} : memref<13312xf32, #tpu.memory_space<vmem>>, vector<16xf32>,
      %parallel_loop3A_1059 = vector.shape_cast %parallel_loop3A_1058 : vector<16xf32> to vector<16xf32>
      %parallel_loop3A_1060 = arith.constant -0.105360515 : f32
      %parallel_loop3A_1061 = vector.broadcast %parallel_loop3A_1060 : f32 to vector<16xf32>
      %parallel_loop3A_1062 = arith.mulf %parallel_loop3A_1059, %parallel_loop3A_1061 : vector<16xf32>
      %parallel_loop3A_1063 = math.exp %parallel_loop3A_1062 : vector<16xf32>
      %parallel_loop3A_1064 = arith.constant 1.000000e+00 : f32
      %parallel_loop3A_1065 = vector.broadcast %parallel_loop3A_1064 : f32 to vector<16xf32>
      %parallel_loop3A_1066 = arith.subf %parallel_loop3A_1065, %parallel_loop3A_1063 : vector<16xf32>
      %parallel_loop3A_1067 = arith.constant 1.000000e-01 : f32
      %parallel_loop3A_1068 = vector.broadcast %parallel_loop3A_1067 : f32 to vector<16xf32>
      %parallel_loop3A_1069 = arith.divf %parallel_loop3A_1068, %parallel_loop3A_1066 : vector<16xf32>
      %parallel_loop3A_1070 = arith.index_cast %parallel_loop3A_1056 : i32 to index
      %parallel_loop3A_1071 = tpu.vector_load %arg6[%parallel_loop3A_1070] {strides = array<i32>} : memref<13312xf32, #tpu.memory_space<vmem>>, vector<16xf32>,
      %parallel_loop3A_1072 = vector.shape_cast %parallel_loop3A_1071 : vector<16xf32> to vector<16xf32>
      %parallel_loop3A_1073 = vector.shape_cast %parallel_loop3A_1069 : vector<16xf32> to vector<16xf32>
      tpu.vector_store %arg6[%parallel_loop3A_1070], %parallel_loop3A_1073 {strides = array<i32>} : memref<13312xf32, #tpu.memory_space<vmem>>, vector<16xf32>,
    } {sc.loop_unroll_factor = 8 : i64, sc.parallel_access}
    %dma_start3A_585 = arith.constant 6 : i32
    %dma_start3A_586 = arith.constant 3072 : i32
    %dma_start3A_587 = tpu.memref_slice %arg6[%dma_start3A_586] : memref<13312xf32, #tpu.memory_space<vmem>> -> memref<512xf32, #tpu.memory_space<vmem>>
    %dma_start3A_588 = tpu.memref_slice %arg4[%dma_start3A_585, %mul3A_2] : memref<26x16384xf32, #tpu.memory_space<hbm>> -> memref<1x512xf32, #tpu.memory_space<hbm>>
    %dma_start3A_589 = tpu.memref_squeeze %dma_start3A_588 : memref<1x512xf32, #tpu.memory_space<hbm>> -> memref<512xf32, #tpu.memory_space<hbm>>
    %dma_start3A_590 = tpu.memref_slice %arg4[%dma_start3A_585, %mul3A_2] : memref<26x16384xf32, #tpu.memory_space<hbm>> -> memref<1x512xf32, #tpu.memory_space<hbm>>
    %dma_start3A_591 = tpu.memref_squeeze %dma_start3A_590 : memref<1x512xf32, #tpu.memory_space<hbm>> -> memref<512xf32, #tpu.memory_space<hbm>>
    %dma_start3A_592 = arith.constant 3072 : i32
    %dma_start3A_593 = tpu.memref_slice %arg6[%dma_start3A_592] : memref<13312xf32, #tpu.memory_space<vmem>> -> memref<512xf32, #tpu.memory_space<vmem>>
    tpu.enqueue_dma source(%dma_start3A_593 : memref<512xf32, #tpu.memory_space<vmem>>) target(%dma_start3A_591 : memref<512xf32, #tpu.memory_space<hbm>>) target_semaphore(%arg7 : memref<!tpu.dma_semaphore, #tpu.memory_space<semaphore_mem>>)
    %dma_start3A_594 = arith.constant 7 : i32
    %dma_start3A_595 = arith.constant 3584 : i32
    %dma_start3A_596 = tpu.memref_slice %arg6[%dma_start3A_595] : memref<13312xf32, #tpu.memory_space<vmem>> -> memref<512xf32, #tpu.memory_space<vmem>>
    %dma_start3A_597 = tpu.memref_slice %arg4[%dma_start3A_594, %mul3A_2] : memref<26x16384xf32, #tpu.memory_space<hbm>> -> memref<1x512xf32, #tpu.memory_space<hbm>>
    %dma_start3A_598 = tpu.memref_squeeze %dma_start3A_597 : memref<1x512xf32, #tpu.memory_space<hbm>> -> memref<512xf32, #tpu.memory_space<hbm>>
    %dma_start3A_599 = tpu.memref_slice %arg4[%dma_start3A_594, %mul3A_2] : memref<26x16384xf32, #tpu.memory_space<hbm>> -> memref<1x512xf32, #tpu.memory_space<hbm>>
    %dma_start3A_600 = tpu.memref_squeeze %dma_start3A_599 : memref<1x512xf32, #tpu.memory_space<hbm>> -> memref<512xf32, #tpu.memory_space<hbm>>
    %dma_start3A_601 = arith.constant 3584 : i32
    %dma_start3A_602 = tpu.memref_slice %arg6[%dma_start3A_601] : memref<13312xf32, #tpu.memory_space<vmem>> -> memref<512xf32, #tpu.memory_space<vmem>>
    tpu.enqueue_dma source(%dma_start3A_602 : memref<512xf32, #tpu.memory_space<vmem>>) target(%dma_start3A_600 : memref<512xf32, #tpu.memory_space<hbm>>) target_semaphore(%arg7 : memref<!tpu.dma_semaphore, #tpu.memory_space<semaphore_mem>>)
    %dma_start3A_603 = arith.constant 8 : i32
    %dma_start3A_604 = arith.constant 4096 : i32
    %dma_start3A_605 = tpu.memref_slice %arg6[%dma_start3A_604] : memref<13312xf32, #tpu.memory_space<vmem>> -> memref<512xf32, #tpu.memory_space<vmem>>
    %dma_start3A_606 = tpu.memref_slice %arg4[%dma_start3A_603, %mul3A_2] : memref<26x16384xf32, #tpu.memory_space<hbm>> -> memref<1x512xf32, #tpu.memory_space<hbm>>
    %dma_start3A_607 = tpu.memref_squeeze %dma_start3A_606 : memref<1x512xf32, #tpu.memory_space<hbm>> -> memref<512xf32, #tpu.memory_space<hbm>>
    %dma_start3A_608 = tpu.memref_slice %arg4[%dma_start3A_603, %mul3A_2] : memref<26x16384xf32, #tpu.memory_space<hbm>> -> memref<1x512xf32, #tpu.memory_space<hbm>>
    %dma_start3A_609 = tpu.memref_squeeze %dma_start3A_608 : memref<1x512xf32, #tpu.memory_space<hbm>> -> memref<512xf32, #tpu.memory_space<hbm>>
    %dma_start3A_610 = arith.constant 4096 : i32
    %dma_start3A_611 = tpu.memref_slice %arg6[%dma_start3A_610] : memref<13312xf32, #tpu.memory_space<vmem>> -> memref<512xf32, #tpu.memory_space<vmem>>
    tpu.enqueue_dma source(%dma_start3A_611 : memref<512xf32, #tpu.memory_space<vmem>>) target(%dma_start3A_609 : memref<512xf32, #tpu.memory_space<hbm>>) target_semaphore(%arg7 : memref<!tpu.dma_semaphore, #tpu.memory_space<semaphore_mem>>)
    %dma_wait3A_612 = arith.constant 4992 : i32
    %dma_wait3A_613 = tpu.memref_slice %arg6[%dma_wait3A_612] : memref<13312xf32, #tpu.memory_space<vmem>> -> memref<1664xf32, #tpu.memory_space<vmem>>
    %dma_wait3A_614 = arith.constant 4992 : i32
    %dma_wait3A_615 = tpu.memref_slice %arg5[%dma_wait3A_614] : memref<13312xi32, #tpu.memory_space<vmem>> -> memref<1664xi32, #tpu.memory_space<vmem>>
    %dma_wait3A_616 = arith.constant 0 : i32
    %dma_wait3A_617 = tpu.memref_slice %arg3[%dma_wait3A_616] : memref<1000000xf32, #tpu.memory_space<hbm>> -> memref<1000000xf32, #tpu.memory_space<hbm>>
    tpu.wait_indirect_dma semaphore(%arg8 : memref<!tpu.dma_semaphore, #tpu.memory_space<semaphore_mem>>) src(%dma_wait3A_617 : memref<1000000xf32, #tpu.memory_space<hbm>>) dst(%dma_wait3A_613 : memref<1664xf32, #tpu.memory_space<vmem>>)
    %dma_start3A_618 = arith.constant 9984 : i32
    %dma_start3A_619 = tpu.memref_slice %arg6[%dma_start3A_618] : memref<13312xf32, #tpu.memory_space<vmem>> -> memref<1664xf32, #tpu.memory_space<vmem>>
    %dma_start3A_620 = arith.constant 9984 : i32
    %dma_start3A_621 = tpu.memref_slice %arg5[%dma_start3A_620] : memref<13312xi32, #tpu.memory_space<vmem>> -> memref<1664xi32, #tpu.memory_space<vmem>>
    %dma_start3A_622 = arith.constant 0 : i32
    %dma_start3A_623 = tpu.memref_slice %arg3[%dma_start3A_622] : memref<1000000xf32, #tpu.memory_space<hbm>> -> memref<1000000xf32, #tpu.memory_space<hbm>>
    tpu.enqueue_indirect_dma source(%dma_start3A_623 : memref<1000000xf32, #tpu.memory_space<hbm>>) target(%dma_start3A_619 : memref<1664xf32, #tpu.memory_space<vmem>>) offsets(%dma_start3A_621 : memref<1664xi32, #tpu.memory_space<vmem>>) semaphore(%arg8 : memref<!tpu.dma_semaphore, #tpu.memory_space<semaphore_mem>>)
    %parallel_loop3A_624 = arith.constant 4992 : i32
    %parallel_loop3A_625 = arith.constant 6656 : i32
    %parallel_loop3A_626 = arith.constant 16 : i32
    scf.for %parallel_loop3A_1056 = %parallel_loop3A_624 to %parallel_loop3A_625 step %parallel_loop3A_626  : i32 {
      %parallel_loop3A_1057 = arith.index_cast %parallel_loop3A_1056 : i32 to index
      %parallel_loop3A_1058 = tpu.vector_load %arg6[%parallel_loop3A_1057] {strides = array<i32>} : memref<13312xf32, #tpu.memory_space<vmem>>, vector<16xf32>,
      %parallel_loop3A_1059 = vector.shape_cast %parallel_loop3A_1058 : vector<16xf32> to vector<16xf32>
      %parallel_loop3A_1060 = arith.constant -0.105360515 : f32
      %parallel_loop3A_1061 = vector.broadcast %parallel_loop3A_1060 : f32 to vector<16xf32>
      %parallel_loop3A_1062 = arith.mulf %parallel_loop3A_1059, %parallel_loop3A_1061 : vector<16xf32>
      %parallel_loop3A_1063 = math.exp %parallel_loop3A_1062 : vector<16xf32>
      %parallel_loop3A_1064 = arith.constant 1.000000e+00 : f32
      %parallel_loop3A_1065 = vector.broadcast %parallel_loop3A_1064 : f32 to vector<16xf32>
      %parallel_loop3A_1066 = arith.subf %parallel_loop3A_1065, %parallel_loop3A_1063 : vector<16xf32>
      %parallel_loop3A_1067 = arith.constant 1.000000e-01 : f32
      %parallel_loop3A_1068 = vector.broadcast %parallel_loop3A_1067 : f32 to vector<16xf32>
      %parallel_loop3A_1069 = arith.divf %parallel_loop3A_1068, %parallel_loop3A_1066 : vector<16xf32>
      %parallel_loop3A_1070 = arith.index_cast %parallel_loop3A_1056 : i32 to index
      %parallel_loop3A_1071 = tpu.vector_load %arg6[%parallel_loop3A_1070] {strides = array<i32>} : memref<13312xf32, #tpu.memory_space<vmem>>, vector<16xf32>,
      %parallel_loop3A_1072 = vector.shape_cast %parallel_loop3A_1071 : vector<16xf32> to vector<16xf32>
      %parallel_loop3A_1073 = vector.shape_cast %parallel_loop3A_1069 : vector<16xf32> to vector<16xf32>
      tpu.vector_store %arg6[%parallel_loop3A_1070], %parallel_loop3A_1073 {strides = array<i32>} : memref<13312xf32, #tpu.memory_space<vmem>>, vector<16xf32>,
    } {sc.loop_unroll_factor = 8 : i64, sc.parallel_access}
    %dma_start3A_627 = arith.constant 9 : i32
    %dma_start3A_628 = arith.constant 4608 : i32
    %dma_start3A_629 = tpu.memref_slice %arg6[%dma_start3A_628] : memref<13312xf32, #tpu.memory_space<vmem>> -> memref<512xf32, #tpu.memory_space<vmem>>
    %dma_start3A_630 = tpu.memref_slice %arg4[%dma_start3A_627, %mul3A_2] : memref<26x16384xf32, #tpu.memory_space<hbm>> -> memref<1x512xf32, #tpu.memory_space<hbm>>
    %dma_start3A_631 = tpu.memref_squeeze %dma_start3A_630 : memref<1x512xf32, #tpu.memory_space<hbm>> -> memref<512xf32, #tpu.memory_space<hbm>>
    %dma_start3A_632 = tpu.memref_slice %arg4[%dma_start3A_627, %mul3A_2] : memref<26x16384xf32, #tpu.memory_space<hbm>> -> memref<1x512xf32, #tpu.memory_space<hbm>>
    %dma_start3A_633 = tpu.memref_squeeze %dma_start3A_632 : memref<1x512xf32, #tpu.memory_space<hbm>> -> memref<512xf32, #tpu.memory_space<hbm>>
    %dma_start3A_634 = arith.constant 4608 : i32
    %dma_start3A_635 = tpu.memref_slice %arg6[%dma_start3A_634] : memref<13312xf32, #tpu.memory_space<vmem>> -> memref<512xf32, #tpu.memory_space<vmem>>
    tpu.enqueue_dma source(%dma_start3A_635 : memref<512xf32, #tpu.memory_space<vmem>>) target(%dma_start3A_633 : memref<512xf32, #tpu.memory_space<hbm>>) target_semaphore(%arg7 : memref<!tpu.dma_semaphore, #tpu.memory_space<semaphore_mem>>)
    %dma_start3A_636 = arith.constant 10 : i32
    %dma_start3A_637 = arith.constant 5120 : i32
    %dma_start3A_638 = tpu.memref_slice %arg6[%dma_start3A_637] : memref<13312xf32, #tpu.memory_space<vmem>> -> memref<512xf32, #tpu.memory_space<vmem>>
    %dma_start3A_639 = tpu.memref_slice %arg4[%dma_start3A_636, %mul3A_2] : memref<26x16384xf32, #tpu.memory_space<hbm>> -> memref<1x512xf32, #tpu.memory_space<hbm>>
    %dma_start3A_640 = tpu.memref_squeeze %dma_start3A_639 : memref<1x512xf32, #tpu.memory_space<hbm>> -> memref<512xf32, #tpu.memory_space<hbm>>
    %dma_start3A_641 = tpu.memref_slice %arg4[%dma_start3A_636, %mul3A_2] : memref<26x16384xf32, #tpu.memory_space<hbm>> -> memref<1x512xf32, #tpu.memory_space<hbm>>
    %dma_start3A_642 = tpu.memref_squeeze %dma_start3A_641 : memref<1x512xf32, #tpu.memory_space<hbm>> -> memref<512xf32, #tpu.memory_space<hbm>>
    %dma_start3A_643 = arith.constant 5120 : i32
    %dma_start3A_644 = tpu.memref_slice %arg6[%dma_start3A_643] : memref<13312xf32, #tpu.memory_space<vmem>> -> memref<512xf32, #tpu.memory_space<vmem>>
    tpu.enqueue_dma source(%dma_start3A_644 : memref<512xf32, #tpu.memory_space<vmem>>) target(%dma_start3A_642 : memref<512xf32, #tpu.memory_space<hbm>>) target_semaphore(%arg7 : memref<!tpu.dma_semaphore, #tpu.memory_space<semaphore_mem>>)
    %dma_start3A_645 = arith.constant 11 : i32
    %dma_start3A_646 = arith.constant 5632 : i32
    %dma_start3A_647 = tpu.memref_slice %arg6[%dma_start3A_646] : memref<13312xf32, #tpu.memory_space<vmem>> -> memref<512xf32, #tpu.memory_space<vmem>>
    %dma_start3A_648 = tpu.memref_slice %arg4[%dma_start3A_645, %mul3A_2] : memref<26x16384xf32, #tpu.memory_space<hbm>> -> memref<1x512xf32, #tpu.memory_space<hbm>>
    %dma_start3A_649 = tpu.memref_squeeze %dma_start3A_648 : memref<1x512xf32, #tpu.memory_space<hbm>> -> memref<512xf32, #tpu.memory_space<hbm>>
    %dma_start3A_650 = tpu.memref_slice %arg4[%dma_start3A_645, %mul3A_2] : memref<26x16384xf32, #tpu.memory_space<hbm>> -> memref<1x512xf32, #tpu.memory_space<hbm>>
    %dma_start3A_651 = tpu.memref_squeeze %dma_start3A_650 : memref<1x512xf32, #tpu.memory_space<hbm>> -> memref<512xf32, #tpu.memory_space<hbm>>
    %dma_start3A_652 = arith.constant 5632 : i32
    %dma_start3A_653 = tpu.memref_slice %arg6[%dma_start3A_652] : memref<13312xf32, #tpu.memory_space<vmem>> -> memref<512xf32, #tpu.memory_space<vmem>>
    tpu.enqueue_dma source(%dma_start3A_653 : memref<512xf32, #tpu.memory_space<vmem>>) target(%dma_start3A_651 : memref<512xf32, #tpu.memory_space<hbm>>) target_semaphore(%arg7 : memref<!tpu.dma_semaphore, #tpu.memory_space<semaphore_mem>>)
    %dma_start3A_654 = arith.constant 12 : i32
    %dma_start3A_655 = arith.constant 6144 : i32
    %dma_start3A_656 = tpu.memref_slice %arg6[%dma_start3A_655] : memref<13312xf32, #tpu.memory_space<vmem>> -> memref<512xf32, #tpu.memory_space<vmem>>
    %dma_start3A_657 = tpu.memref_slice %arg4[%dma_start3A_654, %mul3A_2] : memref<26x16384xf32, #tpu.memory_space<hbm>> -> memref<1x512xf32, #tpu.memory_space<hbm>>
    %dma_start3A_658 = tpu.memref_squeeze %dma_start3A_657 : memref<1x512xf32, #tpu.memory_space<hbm>> -> memref<512xf32, #tpu.memory_space<hbm>>
    %dma_start3A_659 = tpu.memref_slice %arg4[%dma_start3A_654, %mul3A_2] : memref<26x16384xf32, #tpu.memory_space<hbm>> -> memref<1x512xf32, #tpu.memory_space<hbm>>
    %dma_start3A_660 = tpu.memref_squeeze %dma_start3A_659 : memref<1x512xf32, #tpu.memory_space<hbm>> -> memref<512xf32, #tpu.memory_space<hbm>>
    %dma_start3A_661 = arith.constant 6144 : i32
    %dma_start3A_662 = tpu.memref_slice %arg6[%dma_start3A_661] : memref<13312xf32, #tpu.memory_space<vmem>> -> memref<512xf32, #tpu.memory_space<vmem>>
    tpu.enqueue_dma source(%dma_start3A_662 : memref<512xf32, #tpu.memory_space<vmem>>) target(%dma_start3A_660 : memref<512xf32, #tpu.memory_space<hbm>>) target_semaphore(%arg7 : memref<!tpu.dma_semaphore, #tpu.memory_space<semaphore_mem>>)
    %dma_wait3A_663 = arith.constant 6656 : i32
    %dma_wait3A_664 = tpu.memref_slice %arg6[%dma_wait3A_663] : memref<13312xf32, #tpu.memory_space<vmem>> -> memref<1664xf32, #tpu.memory_space<vmem>>
    %dma_wait3A_665 = arith.constant 6656 : i32
    %dma_wait3A_666 = tpu.memref_slice %arg5[%dma_wait3A_665] : memref<13312xi32, #tpu.memory_space<vmem>> -> memref<1664xi32, #tpu.memory_space<vmem>>
    %dma_wait3A_667 = arith.constant 0 : i32
    %dma_wait3A_668 = tpu.memref_slice %arg3[%dma_wait3A_667] : memref<1000000xf32, #tpu.memory_space<hbm>> -> memref<1000000xf32, #tpu.memory_space<hbm>>
    tpu.wait_indirect_dma semaphore(%arg9 : memref<!tpu.dma_semaphore, #tpu.memory_space<semaphore_mem>>) src(%dma_wait3A_668 : memref<1000000xf32, #tpu.memory_space<hbm>>) dst(%dma_wait3A_664 : memref<1664xf32, #tpu.memory_space<vmem>>)
    %dma_start3A_669 = arith.constant 11648 : i32
    %dma_start3A_670 = tpu.memref_slice %arg6[%dma_start3A_669] : memref<13312xf32, #tpu.memory_space<vmem>> -> memref<1664xf32, #tpu.memory_space<vmem>>
    %dma_start3A_671 = arith.constant 11648 : i32
    %dma_start3A_672 = tpu.memref_slice %arg5[%dma_start3A_671] : memref<13312xi32, #tpu.memory_space<vmem>> -> memref<1664xi32, #tpu.memory_space<vmem>>
    %dma_start3A_673 = arith.constant 0 : i32
    %dma_start3A_674 = tpu.memref_slice %arg3[%dma_start3A_673] : memref<1000000xf32, #tpu.memory_space<hbm>> -> memref<1000000xf32, #tpu.memory_space<hbm>>
    tpu.enqueue_indirect_dma source(%dma_start3A_674 : memref<1000000xf32, #tpu.memory_space<hbm>>) target(%dma_start3A_670 : memref<1664xf32, #tpu.memory_space<vmem>>) offsets(%dma_start3A_672 : memref<1664xi32, #tpu.memory_space<vmem>>) semaphore(%arg9 : memref<!tpu.dma_semaphore, #tpu.memory_space<semaphore_mem>>)
    %parallel_loop3A_675 = arith.constant 6656 : i32
    %parallel_loop3A_676 = arith.constant 8320 : i32
    %parallel_loop3A_677 = arith.constant 16 : i32
    scf.for %parallel_loop3A_1056 = %parallel_loop3A_675 to %parallel_loop3A_676 step %parallel_loop3A_677  : i32 {
      %parallel_loop3A_1057 = arith.index_cast %parallel_loop3A_1056 : i32 to index
      %parallel_loop3A_1058 = tpu.vector_load %arg6[%parallel_loop3A_1057] {strides = array<i32>} : memref<13312xf32, #tpu.memory_space<vmem>>, vector<16xf32>,
      %parallel_loop3A_1059 = vector.shape_cast %parallel_loop3A_1058 : vector<16xf32> to vector<16xf32>
      %parallel_loop3A_1060 = arith.constant -0.105360515 : f32
      %parallel_loop3A_1061 = vector.broadcast %parallel_loop3A_1060 : f32 to vector<16xf32>
      %parallel_loop3A_1062 = arith.mulf %parallel_loop3A_1059, %parallel_loop3A_1061 : vector<16xf32>
      %parallel_loop3A_1063 = math.exp %parallel_loop3A_1062 : vector<16xf32>
      %parallel_loop3A_1064 = arith.constant 1.000000e+00 : f32
      %parallel_loop3A_1065 = vector.broadcast %parallel_loop3A_1064 : f32 to vector<16xf32>
      %parallel_loop3A_1066 = arith.subf %parallel_loop3A_1065, %parallel_loop3A_1063 : vector<16xf32>
      %parallel_loop3A_1067 = arith.constant 1.000000e-01 : f32
      %parallel_loop3A_1068 = vector.broadcast %parallel_loop3A_1067 : f32 to vector<16xf32>
      %parallel_loop3A_1069 = arith.divf %parallel_loop3A_1068, %parallel_loop3A_1066 : vector<16xf32>
      %parallel_loop3A_1070 = arith.index_cast %parallel_loop3A_1056 : i32 to index
      %parallel_loop3A_1071 = tpu.vector_load %arg6[%parallel_loop3A_1070] {strides = array<i32>} : memref<13312xf32, #tpu.memory_space<vmem>>, vector<16xf32>,
      %parallel_loop3A_1072 = vector.shape_cast %parallel_loop3A_1071 : vector<16xf32> to vector<16xf32>
      %parallel_loop3A_1073 = vector.shape_cast %parallel_loop3A_1069 : vector<16xf32> to vector<16xf32>
      tpu.vector_store %arg6[%parallel_loop3A_1070], %parallel_loop3A_1073 {strides = array<i32>} : memref<13312xf32, #tpu.memory_space<vmem>>, vector<16xf32>,
    } {sc.loop_unroll_factor = 8 : i64, sc.parallel_access}
    %dma_start3A_678 = arith.constant 13 : i32
    %dma_start3A_679 = arith.constant 6656 : i32
    %dma_start3A_680 = tpu.memref_slice %arg6[%dma_start3A_679] : memref<13312xf32, #tpu.memory_space<vmem>> -> memref<512xf32, #tpu.memory_space<vmem>>
    %dma_start3A_681 = tpu.memref_slice %arg4[%dma_start3A_678, %mul3A_2] : memref<26x16384xf32, #tpu.memory_space<hbm>> -> memref<1x512xf32, #tpu.memory_space<hbm>>
    %dma_start3A_682 = tpu.memref_squeeze %dma_start3A_681 : memref<1x512xf32, #tpu.memory_space<hbm>> -> memref<512xf32, #tpu.memory_space<hbm>>
    %dma_start3A_683 = tpu.memref_slice %arg4[%dma_start3A_678, %mul3A_2] : memref<26x16384xf32, #tpu.memory_space<hbm>> -> memref<1x512xf32, #tpu.memory_space<hbm>>
    %dma_start3A_684 = tpu.memref_squeeze %dma_start3A_683 : memref<1x512xf32, #tpu.memory_space<hbm>> -> memref<512xf32, #tpu.memory_space<hbm>>
    %dma_start3A_685 = arith.constant 6656 : i32
    %dma_start3A_686 = tpu.memref_slice %arg6[%dma_start3A_685] : memref<13312xf32, #tpu.memory_space<vmem>> -> memref<512xf32, #tpu.memory_space<vmem>>
    tpu.enqueue_dma source(%dma_start3A_686 : memref<512xf32, #tpu.memory_space<vmem>>) target(%dma_start3A_684 : memref<512xf32, #tpu.memory_space<hbm>>) target_semaphore(%arg7 : memref<!tpu.dma_semaphore, #tpu.memory_space<semaphore_mem>>)
    %dma_start3A_687 = arith.constant 14 : i32
    %dma_start3A_688 = arith.constant 7168 : i32
    %dma_start3A_689 = tpu.memref_slice %arg6[%dma_start3A_688] : memref<13312xf32, #tpu.memory_space<vmem>> -> memref<512xf32, #tpu.memory_space<vmem>>
    %dma_start3A_690 = tpu.memref_slice %arg4[%dma_start3A_687, %mul3A_2] : memref<26x16384xf32, #tpu.memory_space<hbm>> -> memref<1x512xf32, #tpu.memory_space<hbm>>
    %dma_start3A_691 = tpu.memref_squeeze %dma_start3A_690 : memref<1x512xf32, #tpu.memory_space<hbm>> -> memref<512xf32, #tpu.memory_space<hbm>>
    %dma_start3A_692 = tpu.memref_slice %arg4[%dma_start3A_687, %mul3A_2] : memref<26x16384xf32, #tpu.memory_space<hbm>> -> memref<1x512xf32, #tpu.memory_space<hbm>>
    %dma_start3A_693 = tpu.memref_squeeze %dma_start3A_692 : memref<1x512xf32, #tpu.memory_space<hbm>> -> memref<512xf32, #tpu.memory_space<hbm>>
    %dma_start3A_694 = arith.constant 7168 : i32
    %dma_start3A_695 = tpu.memref_slice %arg6[%dma_start3A_694] : memref<13312xf32, #tpu.memory_space<vmem>> -> memref<512xf32, #tpu.memory_space<vmem>>
    tpu.enqueue_dma source(%dma_start3A_695 : memref<512xf32, #tpu.memory_space<vmem>>) target(%dma_start3A_693 : memref<512xf32, #tpu.memory_space<hbm>>) target_semaphore(%arg7 : memref<!tpu.dma_semaphore, #tpu.memory_space<semaphore_mem>>)
    %dma_start3A_696 = arith.constant 15 : i32
    %dma_start3A_697 = arith.constant 7680 : i32
    %dma_start3A_698 = tpu.memref_slice %arg6[%dma_start3A_697] : memref<13312xf32, #tpu.memory_space<vmem>> -> memref<512xf32, #tpu.memory_space<vmem>>
    %dma_start3A_699 = tpu.memref_slice %arg4[%dma_start3A_696, %mul3A_2] : memref<26x16384xf32, #tpu.memory_space<hbm>> -> memref<1x512xf32, #tpu.memory_space<hbm>>
    %dma_start3A_700 = tpu.memref_squeeze %dma_start3A_699 : memref<1x512xf32, #tpu.memory_space<hbm>> -> memref<512xf32, #tpu.memory_space<hbm>>
    %dma_start3A_701 = tpu.memref_slice %arg4[%dma_start3A_696, %mul3A_2] : memref<26x16384xf32, #tpu.memory_space<hbm>> -> memref<1x512xf32, #tpu.memory_space<hbm>>
    %dma_start3A_702 = tpu.memref_squeeze %dma_start3A_701 : memref<1x512xf32, #tpu.memory_space<hbm>> -> memref<512xf32, #tpu.memory_space<hbm>>
    %dma_start3A_703 = arith.constant 7680 : i32
    %dma_start3A_704 = tpu.memref_slice %arg6[%dma_start3A_703] : memref<13312xf32, #tpu.memory_space<vmem>> -> memref<512xf32, #tpu.memory_space<vmem>>
    tpu.enqueue_dma source(%dma_start3A_704 : memref<512xf32, #tpu.memory_space<vmem>>) target(%dma_start3A_702 : memref<512xf32, #tpu.memory_space<hbm>>) target_semaphore(%arg7 : memref<!tpu.dma_semaphore, #tpu.memory_space<semaphore_mem>>)
    %dma_wait3A_705 = arith.constant 8320 : i32
    %dma_wait3A_706 = tpu.memref_slice %arg6[%dma_wait3A_705] : memref<13312xf32, #tpu.memory_space<vmem>> -> memref<1664xf32, #tpu.memory_space<vmem>>
    %dma_wait3A_707 = arith.constant 8320 : i32
    %dma_wait3A_708 = tpu.memref_slice %arg5[%dma_wait3A_707] : memref<13312xi32, #tpu.memory_space<vmem>> -> memref<1664xi32, #tpu.memory_space<vmem>>
    %dma_wait3A_709 = arith.constant 0 : i32
    %dma_wait3A_710 = tpu.memref_slice %arg3[%dma_wait3A_709] : memref<1000000xf32, #tpu.memory_space<hbm>> -> memref<1000000xf32, #tpu.memory_space<hbm>>
    tpu.wait_indirect_dma semaphore(%arg10 : memref<!tpu.dma_semaphore, #tpu.memory_space<semaphore_mem>>) src(%dma_wait3A_710 : memref<1000000xf32, #tpu.memory_space<hbm>>) dst(%dma_wait3A_706 : memref<1664xf32, #tpu.memory_space<vmem>>)
    %parallel_loop3A_711 = arith.constant 8320 : i32
    %parallel_loop3A_712 = arith.constant 9984 : i32
    %parallel_loop3A_713 = arith.constant 16 : i32
    scf.for %parallel_loop3A_1056 = %parallel_loop3A_711 to %parallel_loop3A_712 step %parallel_loop3A_713  : i32 {
      %parallel_loop3A_1057 = arith.index_cast %parallel_loop3A_1056 : i32 to index
      %parallel_loop3A_1058 = tpu.vector_load %arg6[%parallel_loop3A_1057] {strides = array<i32>} : memref<13312xf32, #tpu.memory_space<vmem>>, vector<16xf32>,
      %parallel_loop3A_1059 = vector.shape_cast %parallel_loop3A_1058 : vector<16xf32> to vector<16xf32>
      %parallel_loop3A_1060 = arith.constant -0.105360515 : f32
      %parallel_loop3A_1061 = vector.broadcast %parallel_loop3A_1060 : f32 to vector<16xf32>
      %parallel_loop3A_1062 = arith.mulf %parallel_loop3A_1059, %parallel_loop3A_1061 : vector<16xf32>
      %parallel_loop3A_1063 = math.exp %parallel_loop3A_1062 : vector<16xf32>
      %parallel_loop3A_1064 = arith.constant 1.000000e+00 : f32
      %parallel_loop3A_1065 = vector.broadcast %parallel_loop3A_1064 : f32 to vector<16xf32>
      %parallel_loop3A_1066 = arith.subf %parallel_loop3A_1065, %parallel_loop3A_1063 : vector<16xf32>
      %parallel_loop3A_1067 = arith.constant 1.000000e-01 : f32
      %parallel_loop3A_1068 = vector.broadcast %parallel_loop3A_1067 : f32 to vector<16xf32>
      %parallel_loop3A_1069 = arith.divf %parallel_loop3A_1068, %parallel_loop3A_1066 : vector<16xf32>
      %parallel_loop3A_1070 = arith.index_cast %parallel_loop3A_1056 : i32 to index
      %parallel_loop3A_1071 = tpu.vector_load %arg6[%parallel_loop3A_1070] {strides = array<i32>} : memref<13312xf32, #tpu.memory_space<vmem>>, vector<16xf32>,
      %parallel_loop3A_1072 = vector.shape_cast %parallel_loop3A_1071 : vector<16xf32> to vector<16xf32>
      %parallel_loop3A_1073 = vector.shape_cast %parallel_loop3A_1069 : vector<16xf32> to vector<16xf32>
      tpu.vector_store %arg6[%parallel_loop3A_1070], %parallel_loop3A_1073 {strides = array<i32>} : memref<13312xf32, #tpu.memory_space<vmem>>, vector<16xf32>,
    } {sc.loop_unroll_factor = 8 : i64, sc.parallel_access}
    %dma_start3A_714 = arith.constant 16 : i32
    %dma_start3A_715 = arith.constant 8192 : i32
    %dma_start3A_716 = tpu.memref_slice %arg6[%dma_start3A_715] : memref<13312xf32, #tpu.memory_space<vmem>> -> memref<512xf32, #tpu.memory_space<vmem>>
    %dma_start3A_717 = tpu.memref_slice %arg4[%dma_start3A_714, %mul3A_2] : memref<26x16384xf32, #tpu.memory_space<hbm>> -> memref<1x512xf32, #tpu.memory_space<hbm>>
    %dma_start3A_718 = tpu.memref_squeeze %dma_start3A_717 : memref<1x512xf32, #tpu.memory_space<hbm>> -> memref<512xf32, #tpu.memory_space<hbm>>
    %dma_start3A_719 = tpu.memref_slice %arg4[%dma_start3A_714, %mul3A_2] : memref<26x16384xf32, #tpu.memory_space<hbm>> -> memref<1x512xf32, #tpu.memory_space<hbm>>
    %dma_start3A_720 = tpu.memref_squeeze %dma_start3A_719 : memref<1x512xf32, #tpu.memory_space<hbm>> -> memref<512xf32, #tpu.memory_space<hbm>>
    %dma_start3A_721 = arith.constant 8192 : i32
    %dma_start3A_722 = tpu.memref_slice %arg6[%dma_start3A_721] : memref<13312xf32, #tpu.memory_space<vmem>> -> memref<512xf32, #tpu.memory_space<vmem>>
    tpu.enqueue_dma source(%dma_start3A_722 : memref<512xf32, #tpu.memory_space<vmem>>) target(%dma_start3A_720 : memref<512xf32, #tpu.memory_space<hbm>>) target_semaphore(%arg7 : memref<!tpu.dma_semaphore, #tpu.memory_space<semaphore_mem>>)
    %dma_start3A_723 = arith.constant 17 : i32
    %dma_start3A_724 = arith.constant 8704 : i32
    %dma_start3A_725 = tpu.memref_slice %arg6[%dma_start3A_724] : memref<13312xf32, #tpu.memory_space<vmem>> -> memref<512xf32, #tpu.memory_space<vmem>>
    %dma_start3A_726 = tpu.memref_slice %arg4[%dma_start3A_723, %mul3A_2] : memref<26x16384xf32, #tpu.memory_space<hbm>> -> memref<1x512xf32, #tpu.memory_space<hbm>>
    %dma_start3A_727 = tpu.memref_squeeze %dma_start3A_726 : memref<1x512xf32, #tpu.memory_space<hbm>> -> memref<512xf32, #tpu.memory_space<hbm>>
    %dma_start3A_728 = tpu.memref_slice %arg4[%dma_start3A_723, %mul3A_2] : memref<26x16384xf32, #tpu.memory_space<hbm>> -> memref<1x512xf32, #tpu.memory_space<hbm>>
    %dma_start3A_729 = tpu.memref_squeeze %dma_start3A_728 : memref<1x512xf32, #tpu.memory_space<hbm>> -> memref<512xf32, #tpu.memory_space<hbm>>
    %dma_start3A_730 = arith.constant 8704 : i32
    %dma_start3A_731 = tpu.memref_slice %arg6[%dma_start3A_730] : memref<13312xf32, #tpu.memory_space<vmem>> -> memref<512xf32, #tpu.memory_space<vmem>>
    tpu.enqueue_dma source(%dma_start3A_731 : memref<512xf32, #tpu.memory_space<vmem>>) target(%dma_start3A_729 : memref<512xf32, #tpu.memory_space<hbm>>) target_semaphore(%arg7 : memref<!tpu.dma_semaphore, #tpu.memory_space<semaphore_mem>>)
    %dma_start3A_732 = arith.constant 18 : i32
    %dma_start3A_733 = arith.constant 9216 : i32
    %dma_start3A_734 = tpu.memref_slice %arg6[%dma_start3A_733] : memref<13312xf32, #tpu.memory_space<vmem>> -> memref<512xf32, #tpu.memory_space<vmem>>
    %dma_start3A_735 = tpu.memref_slice %arg4[%dma_start3A_732, %mul3A_2] : memref<26x16384xf32, #tpu.memory_space<hbm>> -> memref<1x512xf32, #tpu.memory_space<hbm>>
    %dma_start3A_736 = tpu.memref_squeeze %dma_start3A_735 : memref<1x512xf32, #tpu.memory_space<hbm>> -> memref<512xf32, #tpu.memory_space<hbm>>
    %dma_start3A_737 = tpu.memref_slice %arg4[%dma_start3A_732, %mul3A_2] : memref<26x16384xf32, #tpu.memory_space<hbm>> -> memref<1x512xf32, #tpu.memory_space<hbm>>
    %dma_start3A_738 = tpu.memref_squeeze %dma_start3A_737 : memref<1x512xf32, #tpu.memory_space<hbm>> -> memref<512xf32, #tpu.memory_space<hbm>>
    %dma_start3A_739 = arith.constant 9216 : i32
    %dma_start3A_740 = tpu.memref_slice %arg6[%dma_start3A_739] : memref<13312xf32, #tpu.memory_space<vmem>> -> memref<512xf32, #tpu.memory_space<vmem>>
    tpu.enqueue_dma source(%dma_start3A_740 : memref<512xf32, #tpu.memory_space<vmem>>) target(%dma_start3A_738 : memref<512xf32, #tpu.memory_space<hbm>>) target_semaphore(%arg7 : memref<!tpu.dma_semaphore, #tpu.memory_space<semaphore_mem>>)
    %dma_wait3A_741 = arith.constant 9984 : i32
    %dma_wait3A_742 = tpu.memref_slice %arg6[%dma_wait3A_741] : memref<13312xf32, #tpu.memory_space<vmem>> -> memref<1664xf32, #tpu.memory_space<vmem>>
    %dma_wait3A_743 = arith.constant 9984 : i32
    %dma_wait3A_744 = tpu.memref_slice %arg5[%dma_wait3A_743] : memref<13312xi32, #tpu.memory_space<vmem>> -> memref<1664xi32, #tpu.memory_space<vmem>>
    %dma_wait3A_745 = arith.constant 0 : i32
    %dma_wait3A_746 = tpu.memref_slice %arg3[%dma_wait3A_745] : memref<1000000xf32, #tpu.memory_space<hbm>> -> memref<1000000xf32, #tpu.memory_space<hbm>>
    tpu.wait_indirect_dma semaphore(%arg8 : memref<!tpu.dma_semaphore, #tpu.memory_space<semaphore_mem>>) src(%dma_wait3A_746 : memref<1000000xf32, #tpu.memory_space<hbm>>) dst(%dma_wait3A_742 : memref<1664xf32, #tpu.memory_space<vmem>>)
    %parallel_loop3A_747 = arith.constant 9984 : i32
    %parallel_loop3A_748 = arith.constant 11648 : i32
    %parallel_loop3A_749 = arith.constant 16 : i32
    scf.for %parallel_loop3A_1056 = %parallel_loop3A_747 to %parallel_loop3A_748 step %parallel_loop3A_749  : i32 {
      %parallel_loop3A_1057 = arith.index_cast %parallel_loop3A_1056 : i32 to index
      %parallel_loop3A_1058 = tpu.vector_load %arg6[%parallel_loop3A_1057] {strides = array<i32>} : memref<13312xf32, #tpu.memory_space<vmem>>, vector<16xf32>,
      %parallel_loop3A_1059 = vector.shape_cast %parallel_loop3A_1058 : vector<16xf32> to vector<16xf32>
      %parallel_loop3A_1060 = arith.constant -0.105360515 : f32
      %parallel_loop3A_1061 = vector.broadcast %parallel_loop3A_1060 : f32 to vector<16xf32>
      %parallel_loop3A_1062 = arith.mulf %parallel_loop3A_1059, %parallel_loop3A_1061 : vector<16xf32>
      %parallel_loop3A_1063 = math.exp %parallel_loop3A_1062 : vector<16xf32>
      %parallel_loop3A_1064 = arith.constant 1.000000e+00 : f32
      %parallel_loop3A_1065 = vector.broadcast %parallel_loop3A_1064 : f32 to vector<16xf32>
      %parallel_loop3A_1066 = arith.subf %parallel_loop3A_1065, %parallel_loop3A_1063 : vector<16xf32>
      %parallel_loop3A_1067 = arith.constant 1.000000e-01 : f32
      %parallel_loop3A_1068 = vector.broadcast %parallel_loop3A_1067 : f32 to vector<16xf32>
      %parallel_loop3A_1069 = arith.divf %parallel_loop3A_1068, %parallel_loop3A_1066 : vector<16xf32>
      %parallel_loop3A_1070 = arith.index_cast %parallel_loop3A_1056 : i32 to index
      %parallel_loop3A_1071 = tpu.vector_load %arg6[%parallel_loop3A_1070] {strides = array<i32>} : memref<13312xf32, #tpu.memory_space<vmem>>, vector<16xf32>,
      %parallel_loop3A_1072 = vector.shape_cast %parallel_loop3A_1071 : vector<16xf32> to vector<16xf32>
      %parallel_loop3A_1073 = vector.shape_cast %parallel_loop3A_1069 : vector<16xf32> to vector<16xf32>
      tpu.vector_store %arg6[%parallel_loop3A_1070], %parallel_loop3A_1073 {strides = array<i32>} : memref<13312xf32, #tpu.memory_space<vmem>>, vector<16xf32>,
    } {sc.loop_unroll_factor = 8 : i64, sc.parallel_access}
    %dma_start3A_750 = arith.constant 19 : i32
    %dma_start3A_751 = arith.constant 9728 : i32
    %dma_start3A_752 = tpu.memref_slice %arg6[%dma_start3A_751] : memref<13312xf32, #tpu.memory_space<vmem>> -> memref<512xf32, #tpu.memory_space<vmem>>
    %dma_start3A_753 = tpu.memref_slice %arg4[%dma_start3A_750, %mul3A_2] : memref<26x16384xf32, #tpu.memory_space<hbm>> -> memref<1x512xf32, #tpu.memory_space<hbm>>
    %dma_start3A_754 = tpu.memref_squeeze %dma_start3A_753 : memref<1x512xf32, #tpu.memory_space<hbm>> -> memref<512xf32, #tpu.memory_space<hbm>>
    %dma_start3A_755 = tpu.memref_slice %arg4[%dma_start3A_750, %mul3A_2] : memref<26x16384xf32, #tpu.memory_space<hbm>> -> memref<1x512xf32, #tpu.memory_space<hbm>>
    %dma_start3A_756 = tpu.memref_squeeze %dma_start3A_755 : memref<1x512xf32, #tpu.memory_space<hbm>> -> memref<512xf32, #tpu.memory_space<hbm>>
    %dma_start3A_757 = arith.constant 9728 : i32
    %dma_start3A_758 = tpu.memref_slice %arg6[%dma_start3A_757] : memref<13312xf32, #tpu.memory_space<vmem>> -> memref<512xf32, #tpu.memory_space<vmem>>
    tpu.enqueue_dma source(%dma_start3A_758 : memref<512xf32, #tpu.memory_space<vmem>>) target(%dma_start3A_756 : memref<512xf32, #tpu.memory_space<hbm>>) target_semaphore(%arg7 : memref<!tpu.dma_semaphore, #tpu.memory_space<semaphore_mem>>)
    %dma_start3A_759 = arith.constant 20 : i32
    %dma_start3A_760 = arith.constant 10240 : i32
    %dma_start3A_761 = tpu.memref_slice %arg6[%dma_start3A_760] : memref<13312xf32, #tpu.memory_space<vmem>> -> memref<512xf32, #tpu.memory_space<vmem>>
    %dma_start3A_762 = tpu.memref_slice %arg4[%dma_start3A_759, %mul3A_2] : memref<26x16384xf32, #tpu.memory_space<hbm>> -> memref<1x512xf32, #tpu.memory_space<hbm>>
    %dma_start3A_763 = tpu.memref_squeeze %dma_start3A_762 : memref<1x512xf32, #tpu.memory_space<hbm>> -> memref<512xf32, #tpu.memory_space<hbm>>
    %dma_start3A_764 = tpu.memref_slice %arg4[%dma_start3A_759, %mul3A_2] : memref<26x16384xf32, #tpu.memory_space<hbm>> -> memref<1x512xf32, #tpu.memory_space<hbm>>
    %dma_start3A_765 = tpu.memref_squeeze %dma_start3A_764 : memref<1x512xf32, #tpu.memory_space<hbm>> -> memref<512xf32, #tpu.memory_space<hbm>>
    %dma_start3A_766 = arith.constant 10240 : i32
    %dma_start3A_767 = tpu.memref_slice %arg6[%dma_start3A_766] : memref<13312xf32, #tpu.memory_space<vmem>> -> memref<512xf32, #tpu.memory_space<vmem>>
    tpu.enqueue_dma source(%dma_start3A_767 : memref<512xf32, #tpu.memory_space<vmem>>) target(%dma_start3A_765 : memref<512xf32, #tpu.memory_space<hbm>>) target_semaphore(%arg7 : memref<!tpu.dma_semaphore, #tpu.memory_space<semaphore_mem>>)
    %dma_start3A_768 = arith.constant 21 : i32
    %dma_start3A_769 = arith.constant 10752 : i32
    %dma_start3A_770 = tpu.memref_slice %arg6[%dma_start3A_769] : memref<13312xf32, #tpu.memory_space<vmem>> -> memref<512xf32, #tpu.memory_space<vmem>>
    %dma_start3A_771 = tpu.memref_slice %arg4[%dma_start3A_768, %mul3A_2] : memref<26x16384xf32, #tpu.memory_space<hbm>> -> memref<1x512xf32, #tpu.memory_space<hbm>>
    %dma_start3A_772 = tpu.memref_squeeze %dma_start3A_771 : memref<1x512xf32, #tpu.memory_space<hbm>> -> memref<512xf32, #tpu.memory_space<hbm>>
    %dma_start3A_773 = tpu.memref_slice %arg4[%dma_start3A_768, %mul3A_2] : memref<26x16384xf32, #tpu.memory_space<hbm>> -> memref<1x512xf32, #tpu.memory_space<hbm>>
    %dma_start3A_774 = tpu.memref_squeeze %dma_start3A_773 : memref<1x512xf32, #tpu.memory_space<hbm>> -> memref<512xf32, #tpu.memory_space<hbm>>
    %dma_start3A_775 = arith.constant 10752 : i32
    %dma_start3A_776 = tpu.memref_slice %arg6[%dma_start3A_775] : memref<13312xf32, #tpu.memory_space<vmem>> -> memref<512xf32, #tpu.memory_space<vmem>>
    tpu.enqueue_dma source(%dma_start3A_776 : memref<512xf32, #tpu.memory_space<vmem>>) target(%dma_start3A_774 : memref<512xf32, #tpu.memory_space<hbm>>) target_semaphore(%arg7 : memref<!tpu.dma_semaphore, #tpu.memory_space<semaphore_mem>>)
    %dma_wait3A_777 = arith.constant 11648 : i32
    %dma_wait3A_778 = tpu.memref_slice %arg6[%dma_wait3A_777] : memref<13312xf32, #tpu.memory_space<vmem>> -> memref<1664xf32, #tpu.memory_space<vmem>>
    %dma_wait3A_779 = arith.constant 11648 : i32
    %dma_wait3A_780 = tpu.memref_slice %arg5[%dma_wait3A_779] : memref<13312xi32, #tpu.memory_space<vmem>> -> memref<1664xi32, #tpu.memory_space<vmem>>
    %dma_wait3A_781 = arith.constant 0 : i32
    %dma_wait3A_782 = tpu.memref_slice %arg3[%dma_wait3A_781] : memref<1000000xf32, #tpu.memory_space<hbm>> -> memref<1000000xf32, #tpu.memory_space<hbm>>
    tpu.wait_indirect_dma semaphore(%arg9 : memref<!tpu.dma_semaphore, #tpu.memory_space<semaphore_mem>>) src(%dma_wait3A_782 : memref<1000000xf32, #tpu.memory_space<hbm>>) dst(%dma_wait3A_778 : memref<1664xf32, #tpu.memory_space<vmem>>)
    %parallel_loop3A_783 = arith.constant 11648 : i32
    %parallel_loop3A_784 = arith.constant 13312 : i32
    %parallel_loop3A_785 = arith.constant 16 : i32
    scf.for %parallel_loop3A_1056 = %parallel_loop3A_783 to %parallel_loop3A_784 step %parallel_loop3A_785  : i32 {
      %parallel_loop3A_1057 = arith.index_cast %parallel_loop3A_1056 : i32 to index
      %parallel_loop3A_1058 = tpu.vector_load %arg6[%parallel_loop3A_1057] {strides = array<i32>} : memref<13312xf32, #tpu.memory_space<vmem>>, vector<16xf32>,
      %parallel_loop3A_1059 = vector.shape_cast %parallel_loop3A_1058 : vector<16xf32> to vector<16xf32>
      %parallel_loop3A_1060 = arith.constant -0.105360515 : f32
      %parallel_loop3A_1061 = vector.broadcast %parallel_loop3A_1060 : f32 to vector<16xf32>
      %parallel_loop3A_1062 = arith.mulf %parallel_loop3A_1059, %parallel_loop3A_1061 : vector<16xf32>
      %parallel_loop3A_1063 = math.exp %parallel_loop3A_1062 : vector<16xf32>
      %parallel_loop3A_1064 = arith.constant 1.000000e+00 : f32
      %parallel_loop3A_1065 = vector.broadcast %parallel_loop3A_1064 : f32 to vector<16xf32>
      %parallel_loop3A_1066 = arith.subf %parallel_loop3A_1065, %parallel_loop3A_1063 : vector<16xf32>
      %parallel_loop3A_1067 = arith.constant 1.000000e-01 : f32
      %parallel_loop3A_1068 = vector.broadcast %parallel_loop3A_1067 : f32 to vector<16xf32>
      %parallel_loop3A_1069 = arith.divf %parallel_loop3A_1068, %parallel_loop3A_1066 : vector<16xf32>
      %parallel_loop3A_1070 = arith.index_cast %parallel_loop3A_1056 : i32 to index
      %parallel_loop3A_1071 = tpu.vector_load %arg6[%parallel_loop3A_1070] {strides = array<i32>} : memref<13312xf32, #tpu.memory_space<vmem>>, vector<16xf32>,
      %parallel_loop3A_1072 = vector.shape_cast %parallel_loop3A_1071 : vector<16xf32> to vector<16xf32>
      %parallel_loop3A_1073 = vector.shape_cast %parallel_loop3A_1069 : vector<16xf32> to vector<16xf32>
      tpu.vector_store %arg6[%parallel_loop3A_1070], %parallel_loop3A_1073 {strides = array<i32>} : memref<13312xf32, #tpu.memory_space<vmem>>, vector<16xf32>,
    } {sc.loop_unroll_factor = 8 : i64, sc.parallel_access}
    %dma_start3A_786 = arith.constant 22 : i32
    %dma_start3A_787 = arith.constant 11264 : i32
    %dma_start3A_788 = tpu.memref_slice %arg6[%dma_start3A_787] : memref<13312xf32, #tpu.memory_space<vmem>> -> memref<512xf32, #tpu.memory_space<vmem>>
    %dma_start3A_789 = tpu.memref_slice %arg4[%dma_start3A_786, %mul3A_2] : memref<26x16384xf32, #tpu.memory_space<hbm>> -> memref<1x512xf32, #tpu.memory_space<hbm>>
    %dma_start3A_790 = tpu.memref_squeeze %dma_start3A_789 : memref<1x512xf32, #tpu.memory_space<hbm>> -> memref<512xf32, #tpu.memory_space<hbm>>
    %dma_start3A_791 = tpu.memref_slice %arg4[%dma_start3A_786, %mul3A_2] : memref<26x16384xf32, #tpu.memory_space<hbm>> -> memref<1x512xf32, #tpu.memory_space<hbm>>
    %dma_start3A_792 = tpu.memref_squeeze %dma_start3A_791 : memref<1x512xf32, #tpu.memory_space<hbm>> -> memref<512xf32, #tpu.memory_space<hbm>>
    %dma_start3A_793 = arith.constant 11264 : i32
    %dma_start3A_794 = tpu.memref_slice %arg6[%dma_start3A_793] : memref<13312xf32, #tpu.memory_space<vmem>> -> memref<512xf32, #tpu.memory_space<vmem>>
    tpu.enqueue_dma source(%dma_start3A_794 : memref<512xf32, #tpu.memory_space<vmem>>) target(%dma_start3A_792 : memref<512xf32, #tpu.memory_space<hbm>>) target_semaphore(%arg7 : memref<!tpu.dma_semaphore, #tpu.memory_space<semaphore_mem>>)
    %dma_start3A_795 = arith.constant 23 : i32
    %dma_start3A_796 = arith.constant 11776 : i32
    %dma_start3A_797 = tpu.memref_slice %arg6[%dma_start3A_796] : memref<13312xf32, #tpu.memory_space<vmem>> -> memref<512xf32, #tpu.memory_space<vmem>>
    %dma_start3A_798 = tpu.memref_slice %arg4[%dma_start3A_795, %mul3A_2] : memref<26x16384xf32, #tpu.memory_space<hbm>> -> memref<1x512xf32, #tpu.memory_space<hbm>>
    %dma_start3A_799 = tpu.memref_squeeze %dma_start3A_798 : memref<1x512xf32, #tpu.memory_space<hbm>> -> memref<512xf32, #tpu.memory_space<hbm>>
    %dma_start3A_800 = tpu.memref_slice %arg4[%dma_start3A_795, %mul3A_2] : memref<26x16384xf32, #tpu.memory_space<hbm>> -> memref<1x512xf32, #tpu.memory_space<hbm>>
    %dma_start3A_801 = tpu.memref_squeeze %dma_start3A_800 : memref<1x512xf32, #tpu.memory_space<hbm>> -> memref<512xf32, #tpu.memory_space<hbm>>
    %dma_start3A_802 = arith.constant 11776 : i32
    %dma_start3A_803 = tpu.memref_slice %arg6[%dma_start3A_802] : memref<13312xf32, #tpu.memory_space<vmem>> -> memref<512xf32, #tpu.memory_space<vmem>>
    tpu.enqueue_dma source(%dma_start3A_803 : memref<512xf32, #tpu.memory_space<vmem>>) target(%dma_start3A_801 : memref<512xf32, #tpu.memory_space<hbm>>) target_semaphore(%arg7 : memref<!tpu.dma_semaphore, #tpu.memory_space<semaphore_mem>>)
    %dma_start3A_804 = arith.constant 24 : i32
    %dma_start3A_805 = arith.constant 12288 : i32
    %dma_start3A_806 = tpu.memref_slice %arg6[%dma_start3A_805] : memref<13312xf32, #tpu.memory_space<vmem>> -> memref<512xf32, #tpu.memory_space<vmem>>
    %dma_start3A_807 = tpu.memref_slice %arg4[%dma_start3A_804, %mul3A_2] : memref<26x16384xf32, #tpu.memory_space<hbm>> -> memref<1x512xf32, #tpu.memory_space<hbm>>
    %dma_start3A_808 = tpu.memref_squeeze %dma_start3A_807 : memref<1x512xf32, #tpu.memory_space<hbm>> -> memref<512xf32, #tpu.memory_space<hbm>>
    %dma_start3A_809 = tpu.memref_slice %arg4[%dma_start3A_804, %mul3A_2] : memref<26x16384xf32, #tpu.memory_space<hbm>> -> memref<1x512xf32, #tpu.memory_space<hbm>>
    %dma_start3A_810 = tpu.memref_squeeze %dma_start3A_809 : memref<1x512xf32, #tpu.memory_space<hbm>> -> memref<512xf32, #tpu.memory_space<hbm>>
    %dma_start3A_811 = arith.constant 12288 : i32
    %dma_start3A_812 = tpu.memref_slice %arg6[%dma_start3A_811] : memref<13312xf32, #tpu.memory_space<vmem>> -> memref<512xf32, #tpu.memory_space<vmem>>
    tpu.enqueue_dma source(%dma_start3A_812 : memref<512xf32, #tpu.memory_space<vmem>>) target(%dma_start3A_810 : memref<512xf32, #tpu.memory_space<hbm>>) target_semaphore(%arg7 : memref<!tpu.dma_semaphore, #tpu.memory_space<semaphore_mem>>)
    %dma_start3A_813 = arith.constant 25 : i32
    %dma_start3A_814 = arith.constant 12800 : i32
    %dma_start3A_815 = tpu.memref_slice %arg6[%dma_start3A_814] : memref<13312xf32, #tpu.memory_space<vmem>> -> memref<512xf32, #tpu.memory_space<vmem>>
    %dma_start3A_816 = tpu.memref_slice %arg4[%dma_start3A_813, %mul3A_2] : memref<26x16384xf32, #tpu.memory_space<hbm>> -> memref<1x512xf32, #tpu.memory_space<hbm>>
    %dma_start3A_817 = tpu.memref_squeeze %dma_start3A_816 : memref<1x512xf32, #tpu.memory_space<hbm>> -> memref<512xf32, #tpu.memory_space<hbm>>
    %dma_start3A_818 = tpu.memref_slice %arg4[%dma_start3A_813, %mul3A_2] : memref<26x16384xf32, #tpu.memory_space<hbm>> -> memref<1x512xf32, #tpu.memory_space<hbm>>
    %dma_start3A_819 = tpu.memref_squeeze %dma_start3A_818 : memref<1x512xf32, #tpu.memory_space<hbm>> -> memref<512xf32, #tpu.memory_space<hbm>>
    %dma_start3A_820 = arith.constant 12800 : i32
    %dma_start3A_821 = tpu.memref_slice %arg6[%dma_start3A_820] : memref<13312xf32, #tpu.memory_space<vmem>> -> memref<512xf32, #tpu.memory_space<vmem>>
    tpu.enqueue_dma source(%dma_start3A_821 : memref<512xf32, #tpu.memory_space<vmem>>) target(%dma_start3A_819 : memref<512xf32, #tpu.memory_space<hbm>>) target_semaphore(%arg7 : memref<!tpu.dma_semaphore, #tpu.memory_space<semaphore_mem>>)
    %dma_wait3A_822 = arith.constant 0 : i32
    %dma_wait3A_823 = arith.constant 0 : i32
    %dma_wait3A_824 = tpu.memref_slice %arg6[%dma_wait3A_823] : memref<13312xf32, #tpu.memory_space<vmem>> -> memref<512xf32, #tpu.memory_space<vmem>>
    %dma_wait3A_825 = tpu.memref_slice %arg4[%dma_wait3A_822, %mul3A_2] : memref<26x16384xf32, #tpu.memory_space<hbm>> -> memref<1x512xf32, #tpu.memory_space<hbm>>
    %dma_wait3A_826 = tpu.memref_squeeze %dma_wait3A_825 : memref<1x512xf32, #tpu.memory_space<hbm>> -> memref<512xf32, #tpu.memory_space<hbm>>
    %dma_wait3A_827 = tpu.memref_slice %arg4[%dma_wait3A_822, %mul3A_2] : memref<26x16384xf32, #tpu.memory_space<hbm>> -> memref<1x512xf32, #tpu.memory_space<hbm>>
    %dma_wait3A_828 = tpu.memref_squeeze %dma_wait3A_827 : memref<1x512xf32, #tpu.memory_space<hbm>> -> memref<512xf32, #tpu.memory_space<hbm>>
    %dma_wait3A_829 = arith.constant 0 : i32
    %dma_wait3A_830 = tpu.memref_slice %arg6[%dma_wait3A_829] : memref<13312xf32, #tpu.memory_space<vmem>> -> memref<512xf32, #tpu.memory_space<vmem>>
    tpu.wait_dma2 semaphore(%arg7 : memref<!tpu.dma_semaphore, #tpu.memory_space<semaphore_mem>>) src(%dma_wait3A_830 : memref<512xf32, #tpu.memory_space<vmem>>) dst(%dma_wait3A_828 : memref<512xf32, #tpu.memory_space<hbm>>)
    %dma_wait3A_831 = arith.constant 1 : i32
    %dma_wait3A_832 = arith.constant 512 : i32
    %dma_wait3A_833 = tpu.memref_slice %arg6[%dma_wait3A_832] : memref<13312xf32, #tpu.memory_space<vmem>> -> memref<512xf32, #tpu.memory_space<vmem>>
    %dma_wait3A_834 = tpu.memref_slice %arg4[%dma_wait3A_831, %mul3A_2] : memref<26x16384xf32, #tpu.memory_space<hbm>> -> memref<1x512xf32, #tpu.memory_space<hbm>>
    %dma_wait3A_835 = tpu.memref_squeeze %dma_wait3A_834 : memref<1x512xf32, #tpu.memory_space<hbm>> -> memref<512xf32, #tpu.memory_space<hbm>>
    %dma_wait3A_836 = tpu.memref_slice %arg4[%dma_wait3A_831, %mul3A_2] : memref<26x16384xf32, #tpu.memory_space<hbm>> -> memref<1x512xf32, #tpu.memory_space<hbm>>
    %dma_wait3A_837 = tpu.memref_squeeze %dma_wait3A_836 : memref<1x512xf32, #tpu.memory_space<hbm>> -> memref<512xf32, #tpu.memory_space<hbm>>
    %dma_wait3A_838 = arith.constant 512 : i32
    %dma_wait3A_839 = tpu.memref_slice %arg6[%dma_wait3A_838] : memref<13312xf32, #tpu.memory_space<vmem>> -> memref<512xf32, #tpu.memory_space<vmem>>
    tpu.wait_dma2 semaphore(%arg7 : memref<!tpu.dma_semaphore, #tpu.memory_space<semaphore_mem>>) src(%dma_wait3A_839 : memref<512xf32, #tpu.memory_space<vmem>>) dst(%dma_wait3A_837 : memref<512xf32, #tpu.memory_space<hbm>>)
    %dma_wait3A_840 = arith.constant 2 : i32
    %dma_wait3A_841 = arith.constant 1024 : i32
    %dma_wait3A_842 = tpu.memref_slice %arg6[%dma_wait3A_841] : memref<13312xf32, #tpu.memory_space<vmem>> -> memref<512xf32, #tpu.memory_space<vmem>>
    %dma_wait3A_843 = tpu.memref_slice %arg4[%dma_wait3A_840, %mul3A_2] : memref<26x16384xf32, #tpu.memory_space<hbm>> -> memref<1x512xf32, #tpu.memory_space<hbm>>
    %dma_wait3A_844 = tpu.memref_squeeze %dma_wait3A_843 : memref<1x512xf32, #tpu.memory_space<hbm>> -> memref<512xf32, #tpu.memory_space<hbm>>
    %dma_wait3A_845 = tpu.memref_slice %arg4[%dma_wait3A_840, %mul3A_2] : memref<26x16384xf32, #tpu.memory_space<hbm>> -> memref<1x512xf32, #tpu.memory_space<hbm>>
    %dma_wait3A_846 = tpu.memref_squeeze %dma_wait3A_845 : memref<1x512xf32, #tpu.memory_space<hbm>> -> memref<512xf32, #tpu.memory_space<hbm>>
    %dma_wait3A_847 = arith.constant 1024 : i32
    %dma_wait3A_848 = tpu.memref_slice %arg6[%dma_wait3A_847] : memref<13312xf32, #tpu.memory_space<vmem>> -> memref<512xf32, #tpu.memory_space<vmem>>
    tpu.wait_dma2 semaphore(%arg7 : memref<!tpu.dma_semaphore, #tpu.memory_space<semaphore_mem>>) src(%dma_wait3A_848 : memref<512xf32, #tpu.memory_space<vmem>>) dst(%dma_wait3A_846 : memref<512xf32, #tpu.memory_space<hbm>>)
    %dma_wait3A_849 = arith.constant 3 : i32
    %dma_wait3A_850 = arith.constant 1536 : i32
    %dma_wait3A_851 = tpu.memref_slice %arg6[%dma_wait3A_850] : memref<13312xf32, #tpu.memory_space<vmem>> -> memref<512xf32, #tpu.memory_space<vmem>>
    %dma_wait3A_852 = tpu.memref_slice %arg4[%dma_wait3A_849, %mul3A_2] : memref<26x16384xf32, #tpu.memory_space<hbm>> -> memref<1x512xf32, #tpu.memory_space<hbm>>
    %dma_wait3A_853 = tpu.memref_squeeze %dma_wait3A_852 : memref<1x512xf32, #tpu.memory_space<hbm>> -> memref<512xf32, #tpu.memory_space<hbm>>
    %dma_wait3A_854 = tpu.memref_slice %arg4[%dma_wait3A_849, %mul3A_2] : memref<26x16384xf32, #tpu.memory_space<hbm>> -> memref<1x512xf32, #tpu.memory_space<hbm>>
    %dma_wait3A_855 = tpu.memref_squeeze %dma_wait3A_854 : memref<1x512xf32, #tpu.memory_space<hbm>> -> memref<512xf32, #tpu.memory_space<hbm>>
    %dma_wait3A_856 = arith.constant 1536 : i32
    %dma_wait3A_857 = tpu.memref_slice %arg6[%dma_wait3A_856] : memref<13312xf32, #tpu.memory_space<vmem>> -> memref<512xf32, #tpu.memory_space<vmem>>
    tpu.wait_dma2 semaphore(%arg7 : memref<!tpu.dma_semaphore, #tpu.memory_space<semaphore_mem>>) src(%dma_wait3A_857 : memref<512xf32, #tpu.memory_space<vmem>>) dst(%dma_wait3A_855 : memref<512xf32, #tpu.memory_space<hbm>>)
    %dma_wait3A_858 = arith.constant 4 : i32
    %dma_wait3A_859 = arith.constant 2048 : i32
    %dma_wait3A_860 = tpu.memref_slice %arg6[%dma_wait3A_859] : memref<13312xf32, #tpu.memory_space<vmem>> -> memref<512xf32, #tpu.memory_space<vmem>>
    %dma_wait3A_861 = tpu.memref_slice %arg4[%dma_wait3A_858, %mul3A_2] : memref<26x16384xf32, #tpu.memory_space<hbm>> -> memref<1x512xf32, #tpu.memory_space<hbm>>
    %dma_wait3A_862 = tpu.memref_squeeze %dma_wait3A_861 : memref<1x512xf32, #tpu.memory_space<hbm>> -> memref<512xf32, #tpu.memory_space<hbm>>
    %dma_wait3A_863 = tpu.memref_slice %arg4[%dma_wait3A_858, %mul3A_2] : memref<26x16384xf32, #tpu.memory_space<hbm>> -> memref<1x512xf32, #tpu.memory_space<hbm>>
    %dma_wait3A_864 = tpu.memref_squeeze %dma_wait3A_863 : memref<1x512xf32, #tpu.memory_space<hbm>> -> memref<512xf32, #tpu.memory_space<hbm>>
    %dma_wait3A_865 = arith.constant 2048 : i32
    %dma_wait3A_866 = tpu.memref_slice %arg6[%dma_wait3A_865] : memref<13312xf32, #tpu.memory_space<vmem>> -> memref<512xf32, #tpu.memory_space<vmem>>
    tpu.wait_dma2 semaphore(%arg7 : memref<!tpu.dma_semaphore, #tpu.memory_space<semaphore_mem>>) src(%dma_wait3A_866 : memref<512xf32, #tpu.memory_space<vmem>>) dst(%dma_wait3A_864 : memref<512xf32, #tpu.memory_space<hbm>>)
    %dma_wait3A_867 = arith.constant 5 : i32
    %dma_wait3A_868 = arith.constant 2560 : i32
    %dma_wait3A_869 = tpu.memref_slice %arg6[%dma_wait3A_868] : memref<13312xf32, #tpu.memory_space<vmem>> -> memref<512xf32, #tpu.memory_space<vmem>>
    %dma_wait3A_870 = tpu.memref_slice %arg4[%dma_wait3A_867, %mul3A_2] : memref<26x16384xf32, #tpu.memory_space<hbm>> -> memref<1x512xf32, #tpu.memory_space<hbm>>
    %dma_wait3A_871 = tpu.memref_squeeze %dma_wait3A_870 : memref<1x512xf32, #tpu.memory_space<hbm>> -> memref<512xf32, #tpu.memory_space<hbm>>
    %dma_wait3A_872 = tpu.memref_slice %arg4[%dma_wait3A_867, %mul3A_2] : memref<26x16384xf32, #tpu.memory_space<hbm>> -> memref<1x512xf32, #tpu.memory_space<hbm>>
    %dma_wait3A_873 = tpu.memref_squeeze %dma_wait3A_872 : memref<1x512xf32, #tpu.memory_space<hbm>> -> memref<512xf32, #tpu.memory_space<hbm>>
    %dma_wait3A_874 = arith.constant 2560 : i32
    %dma_wait3A_875 = tpu.memref_slice %arg6[%dma_wait3A_874] : memref<13312xf32, #tpu.memory_space<vmem>> -> memref<512xf32, #tpu.memory_space<vmem>>
    tpu.wait_dma2 semaphore(%arg7 : memref<!tpu.dma_semaphore, #tpu.memory_space<semaphore_mem>>) src(%dma_wait3A_875 : memref<512xf32, #tpu.memory_space<vmem>>) dst(%dma_wait3A_873 : memref<512xf32, #tpu.memory_space<hbm>>)
    %dma_wait3A_876 = arith.constant 6 : i32
    %dma_wait3A_877 = arith.constant 3072 : i32
    %dma_wait3A_878 = tpu.memref_slice %arg6[%dma_wait3A_877] : memref<13312xf32, #tpu.memory_space<vmem>> -> memref<512xf32, #tpu.memory_space<vmem>>
    %dma_wait3A_879 = tpu.memref_slice %arg4[%dma_wait3A_876, %mul3A_2] : memref<26x16384xf32, #tpu.memory_space<hbm>> -> memref<1x512xf32, #tpu.memory_space<hbm>>
    %dma_wait3A_880 = tpu.memref_squeeze %dma_wait3A_879 : memref<1x512xf32, #tpu.memory_space<hbm>> -> memref<512xf32, #tpu.memory_space<hbm>>
    %dma_wait3A_881 = tpu.memref_slice %arg4[%dma_wait3A_876, %mul3A_2] : memref<26x16384xf32, #tpu.memory_space<hbm>> -> memref<1x512xf32, #tpu.memory_space<hbm>>
    %dma_wait3A_882 = tpu.memref_squeeze %dma_wait3A_881 : memref<1x512xf32, #tpu.memory_space<hbm>> -> memref<512xf32, #tpu.memory_space<hbm>>
    %dma_wait3A_883 = arith.constant 3072 : i32
    %dma_wait3A_884 = tpu.memref_slice %arg6[%dma_wait3A_883] : memref<13312xf32, #tpu.memory_space<vmem>> -> memref<512xf32, #tpu.memory_space<vmem>>
    tpu.wait_dma2 semaphore(%arg7 : memref<!tpu.dma_semaphore, #tpu.memory_space<semaphore_mem>>) src(%dma_wait3A_884 : memref<512xf32, #tpu.memory_space<vmem>>) dst(%dma_wait3A_882 : memref<512xf32, #tpu.memory_space<hbm>>)
    %dma_wait3A_885 = arith.constant 7 : i32
    %dma_wait3A_886 = arith.constant 3584 : i32
    %dma_wait3A_887 = tpu.memref_slice %arg6[%dma_wait3A_886] : memref<13312xf32, #tpu.memory_space<vmem>> -> memref<512xf32, #tpu.memory_space<vmem>>
    %dma_wait3A_888 = tpu.memref_slice %arg4[%dma_wait3A_885, %mul3A_2] : memref<26x16384xf32, #tpu.memory_space<hbm>> -> memref<1x512xf32, #tpu.memory_space<hbm>>
    %dma_wait3A_889 = tpu.memref_squeeze %dma_wait3A_888 : memref<1x512xf32, #tpu.memory_space<hbm>> -> memref<512xf32, #tpu.memory_space<hbm>>
    %dma_wait3A_890 = tpu.memref_slice %arg4[%dma_wait3A_885, %mul3A_2] : memref<26x16384xf32, #tpu.memory_space<hbm>> -> memref<1x512xf32, #tpu.memory_space<hbm>>
    %dma_wait3A_891 = tpu.memref_squeeze %dma_wait3A_890 : memref<1x512xf32, #tpu.memory_space<hbm>> -> memref<512xf32, #tpu.memory_space<hbm>>
    %dma_wait3A_892 = arith.constant 3584 : i32
    %dma_wait3A_893 = tpu.memref_slice %arg6[%dma_wait3A_892] : memref<13312xf32, #tpu.memory_space<vmem>> -> memref<512xf32, #tpu.memory_space<vmem>>
    tpu.wait_dma2 semaphore(%arg7 : memref<!tpu.dma_semaphore, #tpu.memory_space<semaphore_mem>>) src(%dma_wait3A_893 : memref<512xf32, #tpu.memory_space<vmem>>) dst(%dma_wait3A_891 : memref<512xf32, #tpu.memory_space<hbm>>)
    %dma_wait3A_894 = arith.constant 8 : i32
    %dma_wait3A_895 = arith.constant 4096 : i32
    %dma_wait3A_896 = tpu.memref_slice %arg6[%dma_wait3A_895] : memref<13312xf32, #tpu.memory_space<vmem>> -> memref<512xf32, #tpu.memory_space<vmem>>
    %dma_wait3A_897 = tpu.memref_slice %arg4[%dma_wait3A_894, %mul3A_2] : memref<26x16384xf32, #tpu.memory_space<hbm>> -> memref<1x512xf32, #tpu.memory_space<hbm>>
    %dma_wait3A_898 = tpu.memref_squeeze %dma_wait3A_897 : memref<1x512xf32, #tpu.memory_space<hbm>> -> memref<512xf32, #tpu.memory_space<hbm>>
    %dma_wait3A_899 = tpu.memref_slice %arg4[%dma_wait3A_894, %mul3A_2] : memref<26x16384xf32, #tpu.memory_space<hbm>> -> memref<1x512xf32, #tpu.memory_space<hbm>>
    %dma_wait3A_900 = tpu.memref_squeeze %dma_wait3A_899 : memref<1x512xf32, #tpu.memory_space<hbm>> -> memref<512xf32, #tpu.memory_space<hbm>>
    %dma_wait3A_901 = arith.constant 4096 : i32
    %dma_wait3A_902 = tpu.memref_slice %arg6[%dma_wait3A_901] : memref<13312xf32, #tpu.memory_space<vmem>> -> memref<512xf32, #tpu.memory_space<vmem>>
    tpu.wait_dma2 semaphore(%arg7 : memref<!tpu.dma_semaphore, #tpu.memory_space<semaphore_mem>>) src(%dma_wait3A_902 : memref<512xf32, #tpu.memory_space<vmem>>) dst(%dma_wait3A_900 : memref<512xf32, #tpu.memory_space<hbm>>)
    %dma_wait3A_903 = arith.constant 9 : i32
    %dma_wait3A_904 = arith.constant 4608 : i32
    %dma_wait3A_905 = tpu.memref_slice %arg6[%dma_wait3A_904] : memref<13312xf32, #tpu.memory_space<vmem>> -> memref<512xf32, #tpu.memory_space<vmem>>
    %dma_wait3A_906 = tpu.memref_slice %arg4[%dma_wait3A_903, %mul3A_2] : memref<26x16384xf32, #tpu.memory_space<hbm>> -> memref<1x512xf32, #tpu.memory_space<hbm>>
    %dma_wait3A_907 = tpu.memref_squeeze %dma_wait3A_906 : memref<1x512xf32, #tpu.memory_space<hbm>> -> memref<512xf32, #tpu.memory_space<hbm>>
    %dma_wait3A_908 = tpu.memref_slice %arg4[%dma_wait3A_903, %mul3A_2] : memref<26x16384xf32, #tpu.memory_space<hbm>> -> memref<1x512xf32, #tpu.memory_space<hbm>>
    %dma_wait3A_909 = tpu.memref_squeeze %dma_wait3A_908 : memref<1x512xf32, #tpu.memory_space<hbm>> -> memref<512xf32, #tpu.memory_space<hbm>>
    %dma_wait3A_910 = arith.constant 4608 : i32
    %dma_wait3A_911 = tpu.memref_slice %arg6[%dma_wait3A_910] : memref<13312xf32, #tpu.memory_space<vmem>> -> memref<512xf32, #tpu.memory_space<vmem>>
    tpu.wait_dma2 semaphore(%arg7 : memref<!tpu.dma_semaphore, #tpu.memory_space<semaphore_mem>>) src(%dma_wait3A_911 : memref<512xf32, #tpu.memory_space<vmem>>) dst(%dma_wait3A_909 : memref<512xf32, #tpu.memory_space<hbm>>)
    %dma_wait3A_912 = arith.constant 10 : i32
    %dma_wait3A_913 = arith.constant 5120 : i32
    %dma_wait3A_914 = tpu.memref_slice %arg6[%dma_wait3A_913] : memref<13312xf32, #tpu.memory_space<vmem>> -> memref<512xf32, #tpu.memory_space<vmem>>
    %dma_wait3A_915 = tpu.memref_slice %arg4[%dma_wait3A_912, %mul3A_2] : memref<26x16384xf32, #tpu.memory_space<hbm>> -> memref<1x512xf32, #tpu.memory_space<hbm>>
    %dma_wait3A_916 = tpu.memref_squeeze %dma_wait3A_915 : memref<1x512xf32, #tpu.memory_space<hbm>> -> memref<512xf32, #tpu.memory_space<hbm>>
    %dma_wait3A_917 = tpu.memref_slice %arg4[%dma_wait3A_912, %mul3A_2] : memref<26x16384xf32, #tpu.memory_space<hbm>> -> memref<1x512xf32, #tpu.memory_space<hbm>>
    %dma_wait3A_918 = tpu.memref_squeeze %dma_wait3A_917 : memref<1x512xf32, #tpu.memory_space<hbm>> -> memref<512xf32, #tpu.memory_space<hbm>>
    %dma_wait3A_919 = arith.constant 5120 : i32
    %dma_wait3A_920 = tpu.memref_slice %arg6[%dma_wait3A_919] : memref<13312xf32, #tpu.memory_space<vmem>> -> memref<512xf32, #tpu.memory_space<vmem>>
    tpu.wait_dma2 semaphore(%arg7 : memref<!tpu.dma_semaphore, #tpu.memory_space<semaphore_mem>>) src(%dma_wait3A_920 : memref<512xf32, #tpu.memory_space<vmem>>) dst(%dma_wait3A_918 : memref<512xf32, #tpu.memory_space<hbm>>)
    %dma_wait3A_921 = arith.constant 11 : i32
    %dma_wait3A_922 = arith.constant 5632 : i32
    %dma_wait3A_923 = tpu.memref_slice %arg6[%dma_wait3A_922] : memref<13312xf32, #tpu.memory_space<vmem>> -> memref<512xf32, #tpu.memory_space<vmem>>
    %dma_wait3A_924 = tpu.memref_slice %arg4[%dma_wait3A_921, %mul3A_2] : memref<26x16384xf32, #tpu.memory_space<hbm>> -> memref<1x512xf32, #tpu.memory_space<hbm>>
    %dma_wait3A_925 = tpu.memref_squeeze %dma_wait3A_924 : memref<1x512xf32, #tpu.memory_space<hbm>> -> memref<512xf32, #tpu.memory_space<hbm>>
    %dma_wait3A_926 = tpu.memref_slice %arg4[%dma_wait3A_921, %mul3A_2] : memref<26x16384xf32, #tpu.memory_space<hbm>> -> memref<1x512xf32, #tpu.memory_space<hbm>>
    %dma_wait3A_927 = tpu.memref_squeeze %dma_wait3A_926 : memref<1x512xf32, #tpu.memory_space<hbm>> -> memref<512xf32, #tpu.memory_space<hbm>>
    %dma_wait3A_928 = arith.constant 5632 : i32
    %dma_wait3A_929 = tpu.memref_slice %arg6[%dma_wait3A_928] : memref<13312xf32, #tpu.memory_space<vmem>> -> memref<512xf32, #tpu.memory_space<vmem>>
    tpu.wait_dma2 semaphore(%arg7 : memref<!tpu.dma_semaphore, #tpu.memory_space<semaphore_mem>>) src(%dma_wait3A_929 : memref<512xf32, #tpu.memory_space<vmem>>) dst(%dma_wait3A_927 : memref<512xf32, #tpu.memory_space<hbm>>)
    %dma_wait3A_930 = arith.constant 12 : i32
    %dma_wait3A_931 = arith.constant 6144 : i32
    %dma_wait3A_932 = tpu.memref_slice %arg6[%dma_wait3A_931] : memref<13312xf32, #tpu.memory_space<vmem>> -> memref<512xf32, #tpu.memory_space<vmem>>
    %dma_wait3A_933 = tpu.memref_slice %arg4[%dma_wait3A_930, %mul3A_2] : memref<26x16384xf32, #tpu.memory_space<hbm>> -> memref<1x512xf32, #tpu.memory_space<hbm>>
    %dma_wait3A_934 = tpu.memref_squeeze %dma_wait3A_933 : memref<1x512xf32, #tpu.memory_space<hbm>> -> memref<512xf32, #tpu.memory_space<hbm>>
    %dma_wait3A_935 = tpu.memref_slice %arg4[%dma_wait3A_930, %mul3A_2] : memref<26x16384xf32, #tpu.memory_space<hbm>> -> memref<1x512xf32, #tpu.memory_space<hbm>>
    %dma_wait3A_936 = tpu.memref_squeeze %dma_wait3A_935 : memref<1x512xf32, #tpu.memory_space<hbm>> -> memref<512xf32, #tpu.memory_space<hbm>>
    %dma_wait3A_937 = arith.constant 6144 : i32
    %dma_wait3A_938 = tpu.memref_slice %arg6[%dma_wait3A_937] : memref<13312xf32, #tpu.memory_space<vmem>> -> memref<512xf32, #tpu.memory_space<vmem>>
    tpu.wait_dma2 semaphore(%arg7 : memref<!tpu.dma_semaphore, #tpu.memory_space<semaphore_mem>>) src(%dma_wait3A_938 : memref<512xf32, #tpu.memory_space<vmem>>) dst(%dma_wait3A_936 : memref<512xf32, #tpu.memory_space<hbm>>)
    %dma_wait3A_939 = arith.constant 13 : i32
    %dma_wait3A_940 = arith.constant 6656 : i32
    %dma_wait3A_941 = tpu.memref_slice %arg6[%dma_wait3A_940] : memref<13312xf32, #tpu.memory_space<vmem>> -> memref<512xf32, #tpu.memory_space<vmem>>
    %dma_wait3A_942 = tpu.memref_slice %arg4[%dma_wait3A_939, %mul3A_2] : memref<26x16384xf32, #tpu.memory_space<hbm>> -> memref<1x512xf32, #tpu.memory_space<hbm>>
    %dma_wait3A_943 = tpu.memref_squeeze %dma_wait3A_942 : memref<1x512xf32, #tpu.memory_space<hbm>> -> memref<512xf32, #tpu.memory_space<hbm>>
    %dma_wait3A_944 = tpu.memref_slice %arg4[%dma_wait3A_939, %mul3A_2] : memref<26x16384xf32, #tpu.memory_space<hbm>> -> memref<1x512xf32, #tpu.memory_space<hbm>>
    %dma_wait3A_945 = tpu.memref_squeeze %dma_wait3A_944 : memref<1x512xf32, #tpu.memory_space<hbm>> -> memref<512xf32, #tpu.memory_space<hbm>>
    %dma_wait3A_946 = arith.constant 6656 : i32
    %dma_wait3A_947 = tpu.memref_slice %arg6[%dma_wait3A_946] : memref<13312xf32, #tpu.memory_space<vmem>> -> memref<512xf32, #tpu.memory_space<vmem>>
    tpu.wait_dma2 semaphore(%arg7 : memref<!tpu.dma_semaphore, #tpu.memory_space<semaphore_mem>>) src(%dma_wait3A_947 : memref<512xf32, #tpu.memory_space<vmem>>) dst(%dma_wait3A_945 : memref<512xf32, #tpu.memory_space<hbm>>)
    %dma_wait3A_948 = arith.constant 14 : i32
    %dma_wait3A_949 = arith.constant 7168 : i32
    %dma_wait3A_950 = tpu.memref_slice %arg6[%dma_wait3A_949] : memref<13312xf32, #tpu.memory_space<vmem>> -> memref<512xf32, #tpu.memory_space<vmem>>
    %dma_wait3A_951 = tpu.memref_slice %arg4[%dma_wait3A_948, %mul3A_2] : memref<26x16384xf32, #tpu.memory_space<hbm>> -> memref<1x512xf32, #tpu.memory_space<hbm>>
    %dma_wait3A_952 = tpu.memref_squeeze %dma_wait3A_951 : memref<1x512xf32, #tpu.memory_space<hbm>> -> memref<512xf32, #tpu.memory_space<hbm>>
    %dma_wait3A_953 = tpu.memref_slice %arg4[%dma_wait3A_948, %mul3A_2] : memref<26x16384xf32, #tpu.memory_space<hbm>> -> memref<1x512xf32, #tpu.memory_space<hbm>>
    %dma_wait3A_954 = tpu.memref_squeeze %dma_wait3A_953 : memref<1x512xf32, #tpu.memory_space<hbm>> -> memref<512xf32, #tpu.memory_space<hbm>>
    %dma_wait3A_955 = arith.constant 7168 : i32
    %dma_wait3A_956 = tpu.memref_slice %arg6[%dma_wait3A_955] : memref<13312xf32, #tpu.memory_space<vmem>> -> memref<512xf32, #tpu.memory_space<vmem>>
    tpu.wait_dma2 semaphore(%arg7 : memref<!tpu.dma_semaphore, #tpu.memory_space<semaphore_mem>>) src(%dma_wait3A_956 : memref<512xf32, #tpu.memory_space<vmem>>) dst(%dma_wait3A_954 : memref<512xf32, #tpu.memory_space<hbm>>)
    %dma_wait3A_957 = arith.constant 15 : i32
    %dma_wait3A_958 = arith.constant 7680 : i32
    %dma_wait3A_959 = tpu.memref_slice %arg6[%dma_wait3A_958] : memref<13312xf32, #tpu.memory_space<vmem>> -> memref<512xf32, #tpu.memory_space<vmem>>
    %dma_wait3A_960 = tpu.memref_slice %arg4[%dma_wait3A_957, %mul3A_2] : memref<26x16384xf32, #tpu.memory_space<hbm>> -> memref<1x512xf32, #tpu.memory_space<hbm>>
    %dma_wait3A_961 = tpu.memref_squeeze %dma_wait3A_960 : memref<1x512xf32, #tpu.memory_space<hbm>> -> memref<512xf32, #tpu.memory_space<hbm>>
    %dma_wait3A_962 = tpu.memref_slice %arg4[%dma_wait3A_957, %mul3A_2] : memref<26x16384xf32, #tpu.memory_space<hbm>> -> memref<1x512xf32, #tpu.memory_space<hbm>>
    %dma_wait3A_963 = tpu.memref_squeeze %dma_wait3A_962 : memref<1x512xf32, #tpu.memory_space<hbm>> -> memref<512xf32, #tpu.memory_space<hbm>>
    %dma_wait3A_964 = arith.constant 7680 : i32
    %dma_wait3A_965 = tpu.memref_slice %arg6[%dma_wait3A_964] : memref<13312xf32, #tpu.memory_space<vmem>> -> memref<512xf32, #tpu.memory_space<vmem>>
    tpu.wait_dma2 semaphore(%arg7 : memref<!tpu.dma_semaphore, #tpu.memory_space<semaphore_mem>>) src(%dma_wait3A_965 : memref<512xf32, #tpu.memory_space<vmem>>) dst(%dma_wait3A_963 : memref<512xf32, #tpu.memory_space<hbm>>)
    %dma_wait3A_966 = arith.constant 16 : i32
    %dma_wait3A_967 = arith.constant 8192 : i32
    %dma_wait3A_968 = tpu.memref_slice %arg6[%dma_wait3A_967] : memref<13312xf32, #tpu.memory_space<vmem>> -> memref<512xf32, #tpu.memory_space<vmem>>
    %dma_wait3A_969 = tpu.memref_slice %arg4[%dma_wait3A_966, %mul3A_2] : memref<26x16384xf32, #tpu.memory_space<hbm>> -> memref<1x512xf32, #tpu.memory_space<hbm>>
    %dma_wait3A_970 = tpu.memref_squeeze %dma_wait3A_969 : memref<1x512xf32, #tpu.memory_space<hbm>> -> memref<512xf32, #tpu.memory_space<hbm>>
    %dma_wait3A_971 = tpu.memref_slice %arg4[%dma_wait3A_966, %mul3A_2] : memref<26x16384xf32, #tpu.memory_space<hbm>> -> memref<1x512xf32, #tpu.memory_space<hbm>>
    %dma_wait3A_972 = tpu.memref_squeeze %dma_wait3A_971 : memref<1x512xf32, #tpu.memory_space<hbm>> -> memref<512xf32, #tpu.memory_space<hbm>>
    %dma_wait3A_973 = arith.constant 8192 : i32
    %dma_wait3A_974 = tpu.memref_slice %arg6[%dma_wait3A_973] : memref<13312xf32, #tpu.memory_space<vmem>> -> memref<512xf32, #tpu.memory_space<vmem>>
    tpu.wait_dma2 semaphore(%arg7 : memref<!tpu.dma_semaphore, #tpu.memory_space<semaphore_mem>>) src(%dma_wait3A_974 : memref<512xf32, #tpu.memory_space<vmem>>) dst(%dma_wait3A_972 : memref<512xf32, #tpu.memory_space<hbm>>)
    %dma_wait3A_975 = arith.constant 17 : i32
    %dma_wait3A_976 = arith.constant 8704 : i32
    %dma_wait3A_977 = tpu.memref_slice %arg6[%dma_wait3A_976] : memref<13312xf32, #tpu.memory_space<vmem>> -> memref<512xf32, #tpu.memory_space<vmem>>
    %dma_wait3A_978 = tpu.memref_slice %arg4[%dma_wait3A_975, %mul3A_2] : memref<26x16384xf32, #tpu.memory_space<hbm>> -> memref<1x512xf32, #tpu.memory_space<hbm>>
    %dma_wait3A_979 = tpu.memref_squeeze %dma_wait3A_978 : memref<1x512xf32, #tpu.memory_space<hbm>> -> memref<512xf32, #tpu.memory_space<hbm>>
    %dma_wait3A_980 = tpu.memref_slice %arg4[%dma_wait3A_975, %mul3A_2] : memref<26x16384xf32, #tpu.memory_space<hbm>> -> memref<1x512xf32, #tpu.memory_space<hbm>>
    %dma_wait3A_981 = tpu.memref_squeeze %dma_wait3A_980 : memref<1x512xf32, #tpu.memory_space<hbm>> -> memref<512xf32, #tpu.memory_space<hbm>>
    %dma_wait3A_982 = arith.constant 8704 : i32
    %dma_wait3A_983 = tpu.memref_slice %arg6[%dma_wait3A_982] : memref<13312xf32, #tpu.memory_space<vmem>> -> memref<512xf32, #tpu.memory_space<vmem>>
    tpu.wait_dma2 semaphore(%arg7 : memref<!tpu.dma_semaphore, #tpu.memory_space<semaphore_mem>>) src(%dma_wait3A_983 : memref<512xf32, #tpu.memory_space<vmem>>) dst(%dma_wait3A_981 : memref<512xf32, #tpu.memory_space<hbm>>)
    %dma_wait3A_984 = arith.constant 18 : i32
    %dma_wait3A_985 = arith.constant 9216 : i32
    %dma_wait3A_986 = tpu.memref_slice %arg6[%dma_wait3A_985] : memref<13312xf32, #tpu.memory_space<vmem>> -> memref<512xf32, #tpu.memory_space<vmem>>
    %dma_wait3A_987 = tpu.memref_slice %arg4[%dma_wait3A_984, %mul3A_2] : memref<26x16384xf32, #tpu.memory_space<hbm>> -> memref<1x512xf32, #tpu.memory_space<hbm>>
    %dma_wait3A_988 = tpu.memref_squeeze %dma_wait3A_987 : memref<1x512xf32, #tpu.memory_space<hbm>> -> memref<512xf32, #tpu.memory_space<hbm>>
    %dma_wait3A_989 = tpu.memref_slice %arg4[%dma_wait3A_984, %mul3A_2] : memref<26x16384xf32, #tpu.memory_space<hbm>> -> memref<1x512xf32, #tpu.memory_space<hbm>>
    %dma_wait3A_990 = tpu.memref_squeeze %dma_wait3A_989 : memref<1x512xf32, #tpu.memory_space<hbm>> -> memref<512xf32, #tpu.memory_space<hbm>>
    %dma_wait3A_991 = arith.constant 9216 : i32
    %dma_wait3A_992 = tpu.memref_slice %arg6[%dma_wait3A_991] : memref<13312xf32, #tpu.memory_space<vmem>> -> memref<512xf32, #tpu.memory_space<vmem>>
    tpu.wait_dma2 semaphore(%arg7 : memref<!tpu.dma_semaphore, #tpu.memory_space<semaphore_mem>>) src(%dma_wait3A_992 : memref<512xf32, #tpu.memory_space<vmem>>) dst(%dma_wait3A_990 : memref<512xf32, #tpu.memory_space<hbm>>)
    %dma_wait3A_993 = arith.constant 19 : i32
    %dma_wait3A_994 = arith.constant 9728 : i32
    %dma_wait3A_995 = tpu.memref_slice %arg6[%dma_wait3A_994] : memref<13312xf32, #tpu.memory_space<vmem>> -> memref<512xf32, #tpu.memory_space<vmem>>
    %dma_wait3A_996 = tpu.memref_slice %arg4[%dma_wait3A_993, %mul3A_2] : memref<26x16384xf32, #tpu.memory_space<hbm>> -> memref<1x512xf32, #tpu.memory_space<hbm>>
    %dma_wait3A_997 = tpu.memref_squeeze %dma_wait3A_996 : memref<1x512xf32, #tpu.memory_space<hbm>> -> memref<512xf32, #tpu.memory_space<hbm>>
    %dma_wait3A_998 = tpu.memref_slice %arg4[%dma_wait3A_993, %mul3A_2] : memref<26x16384xf32, #tpu.memory_space<hbm>> -> memref<1x512xf32, #tpu.memory_space<hbm>>
    %dma_wait3A_999 = tpu.memref_squeeze %dma_wait3A_998 : memref<1x512xf32, #tpu.memory_space<hbm>> -> memref<512xf32, #tpu.memory_space<hbm>>
    %dma_wait3A_1000 = arith.constant 9728 : i32
    %dma_wait3A_1001 = tpu.memref_slice %arg6[%dma_wait3A_1000] : memref<13312xf32, #tpu.memory_space<vmem>> -> memref<512xf32, #tpu.memory_space<vmem>>
    tpu.wait_dma2 semaphore(%arg7 : memref<!tpu.dma_semaphore, #tpu.memory_space<semaphore_mem>>) src(%dma_wait3A_1001 : memref<512xf32, #tpu.memory_space<vmem>>) dst(%dma_wait3A_999 : memref<512xf32, #tpu.memory_space<hbm>>)
    %dma_wait3A_1002 = arith.constant 20 : i32
    %dma_wait3A_1003 = arith.constant 10240 : i32
    %dma_wait3A_1004 = tpu.memref_slice %arg6[%dma_wait3A_1003] : memref<13312xf32, #tpu.memory_space<vmem>> -> memref<512xf32, #tpu.memory_space<vmem>>
    %dma_wait3A_1005 = tpu.memref_slice %arg4[%dma_wait3A_1002, %mul3A_2] : memref<26x16384xf32, #tpu.memory_space<hbm>> -> memref<1x512xf32, #tpu.memory_space<hbm>>
    %dma_wait3A_1006 = tpu.memref_squeeze %dma_wait3A_1005 : memref<1x512xf32, #tpu.memory_space<hbm>> -> memref<512xf32, #tpu.memory_space<hbm>>
    %dma_wait3A_1007 = tpu.memref_slice %arg4[%dma_wait3A_1002, %mul3A_2] : memref<26x16384xf32, #tpu.memory_space<hbm>> -> memref<1x512xf32, #tpu.memory_space<hbm>>
    %dma_wait3A_1008 = tpu.memref_squeeze %dma_wait3A_1007 : memref<1x512xf32, #tpu.memory_space<hbm>> -> memref<512xf32, #tpu.memory_space<hbm>>
    %dma_wait3A_1009 = arith.constant 10240 : i32
    %dma_wait3A_1010 = tpu.memref_slice %arg6[%dma_wait3A_1009] : memref<13312xf32, #tpu.memory_space<vmem>> -> memref<512xf32, #tpu.memory_space<vmem>>
    tpu.wait_dma2 semaphore(%arg7 : memref<!tpu.dma_semaphore, #tpu.memory_space<semaphore_mem>>) src(%dma_wait3A_1010 : memref<512xf32, #tpu.memory_space<vmem>>) dst(%dma_wait3A_1008 : memref<512xf32, #tpu.memory_space<hbm>>)
    %dma_wait3A_1011 = arith.constant 21 : i32
    %dma_wait3A_1012 = arith.constant 10752 : i32
    %dma_wait3A_1013 = tpu.memref_slice %arg6[%dma_wait3A_1012] : memref<13312xf32, #tpu.memory_space<vmem>> -> memref<512xf32, #tpu.memory_space<vmem>>
    %dma_wait3A_1014 = tpu.memref_slice %arg4[%dma_wait3A_1011, %mul3A_2] : memref<26x16384xf32, #tpu.memory_space<hbm>> -> memref<1x512xf32, #tpu.memory_space<hbm>>
    %dma_wait3A_1015 = tpu.memref_squeeze %dma_wait3A_1014 : memref<1x512xf32, #tpu.memory_space<hbm>> -> memref<512xf32, #tpu.memory_space<hbm>>
    %dma_wait3A_1016 = tpu.memref_slice %arg4[%dma_wait3A_1011, %mul3A_2] : memref<26x16384xf32, #tpu.memory_space<hbm>> -> memref<1x512xf32, #tpu.memory_space<hbm>>
    %dma_wait3A_1017 = tpu.memref_squeeze %dma_wait3A_1016 : memref<1x512xf32, #tpu.memory_space<hbm>> -> memref<512xf32, #tpu.memory_space<hbm>>
    %dma_wait3A_1018 = arith.constant 10752 : i32
    %dma_wait3A_1019 = tpu.memref_slice %arg6[%dma_wait3A_1018] : memref<13312xf32, #tpu.memory_space<vmem>> -> memref<512xf32, #tpu.memory_space<vmem>>
    tpu.wait_dma2 semaphore(%arg7 : memref<!tpu.dma_semaphore, #tpu.memory_space<semaphore_mem>>) src(%dma_wait3A_1019 : memref<512xf32, #tpu.memory_space<vmem>>) dst(%dma_wait3A_1017 : memref<512xf32, #tpu.memory_space<hbm>>)
    %dma_wait3A_1020 = arith.constant 22 : i32
    %dma_wait3A_1021 = arith.constant 11264 : i32
    %dma_wait3A_1022 = tpu.memref_slice %arg6[%dma_wait3A_1021] : memref<13312xf32, #tpu.memory_space<vmem>> -> memref<512xf32, #tpu.memory_space<vmem>>
    %dma_wait3A_1023 = tpu.memref_slice %arg4[%dma_wait3A_1020, %mul3A_2] : memref<26x16384xf32, #tpu.memory_space<hbm>> -> memref<1x512xf32, #tpu.memory_space<hbm>>
    %dma_wait3A_1024 = tpu.memref_squeeze %dma_wait3A_1023 : memref<1x512xf32, #tpu.memory_space<hbm>> -> memref<512xf32, #tpu.memory_space<hbm>>
    %dma_wait3A_1025 = tpu.memref_slice %arg4[%dma_wait3A_1020, %mul3A_2] : memref<26x16384xf32, #tpu.memory_space<hbm>> -> memref<1x512xf32, #tpu.memory_space<hbm>>
    %dma_wait3A_1026 = tpu.memref_squeeze %dma_wait3A_1025 : memref<1x512xf32, #tpu.memory_space<hbm>> -> memref<512xf32, #tpu.memory_space<hbm>>
    %dma_wait3A_1027 = arith.constant 11264 : i32
    %dma_wait3A_1028 = tpu.memref_slice %arg6[%dma_wait3A_1027] : memref<13312xf32, #tpu.memory_space<vmem>> -> memref<512xf32, #tpu.memory_space<vmem>>
    tpu.wait_dma2 semaphore(%arg7 : memref<!tpu.dma_semaphore, #tpu.memory_space<semaphore_mem>>) src(%dma_wait3A_1028 : memref<512xf32, #tpu.memory_space<vmem>>) dst(%dma_wait3A_1026 : memref<512xf32, #tpu.memory_space<hbm>>)
    %dma_wait3A_1029 = arith.constant 23 : i32
    %dma_wait3A_1030 = arith.constant 11776 : i32
    %dma_wait3A_1031 = tpu.memref_slice %arg6[%dma_wait3A_1030] : memref<13312xf32, #tpu.memory_space<vmem>> -> memref<512xf32, #tpu.memory_space<vmem>>
    %dma_wait3A_1032 = tpu.memref_slice %arg4[%dma_wait3A_1029, %mul3A_2] : memref<26x16384xf32, #tpu.memory_space<hbm>> -> memref<1x512xf32, #tpu.memory_space<hbm>>
    %dma_wait3A_1033 = tpu.memref_squeeze %dma_wait3A_1032 : memref<1x512xf32, #tpu.memory_space<hbm>> -> memref<512xf32, #tpu.memory_space<hbm>>
    %dma_wait3A_1034 = tpu.memref_slice %arg4[%dma_wait3A_1029, %mul3A_2] : memref<26x16384xf32, #tpu.memory_space<hbm>> -> memref<1x512xf32, #tpu.memory_space<hbm>>
    %dma_wait3A_1035 = tpu.memref_squeeze %dma_wait3A_1034 : memref<1x512xf32, #tpu.memory_space<hbm>> -> memref<512xf32, #tpu.memory_space<hbm>>
    %dma_wait3A_1036 = arith.constant 11776 : i32
    %dma_wait3A_1037 = tpu.memref_slice %arg6[%dma_wait3A_1036] : memref<13312xf32, #tpu.memory_space<vmem>> -> memref<512xf32, #tpu.memory_space<vmem>>
    tpu.wait_dma2 semaphore(%arg7 : memref<!tpu.dma_semaphore, #tpu.memory_space<semaphore_mem>>) src(%dma_wait3A_1037 : memref<512xf32, #tpu.memory_space<vmem>>) dst(%dma_wait3A_1035 : memref<512xf32, #tpu.memory_space<hbm>>)
    %dma_wait3A_1038 = arith.constant 24 : i32
    %dma_wait3A_1039 = arith.constant 12288 : i32
    %dma_wait3A_1040 = tpu.memref_slice %arg6[%dma_wait3A_1039] : memref<13312xf32, #tpu.memory_space<vmem>> -> memref<512xf32, #tpu.memory_space<vmem>>
    %dma_wait3A_1041 = tpu.memref_slice %arg4[%dma_wait3A_1038, %mul3A_2] : memref<26x16384xf32, #tpu.memory_space<hbm>> -> memref<1x512xf32, #tpu.memory_space<hbm>>
    %dma_wait3A_1042 = tpu.memref_squeeze %dma_wait3A_1041 : memref<1x512xf32, #tpu.memory_space<hbm>> -> memref<512xf32, #tpu.memory_space<hbm>>
    %dma_wait3A_1043 = tpu.memref_slice %arg4[%dma_wait3A_1038, %mul3A_2] : memref<26x16384xf32, #tpu.memory_space<hbm>> -> memref<1x512xf32, #tpu.memory_space<hbm>>
    %dma_wait3A_1044 = tpu.memref_squeeze %dma_wait3A_1043 : memref<1x512xf32, #tpu.memory_space<hbm>> -> memref<512xf32, #tpu.memory_space<hbm>>
    %dma_wait3A_1045 = arith.constant 12288 : i32
    %dma_wait3A_1046 = tpu.memref_slice %arg6[%dma_wait3A_1045] : memref<13312xf32, #tpu.memory_space<vmem>> -> memref<512xf32, #tpu.memory_space<vmem>>
    tpu.wait_dma2 semaphore(%arg7 : memref<!tpu.dma_semaphore, #tpu.memory_space<semaphore_mem>>) src(%dma_wait3A_1046 : memref<512xf32, #tpu.memory_space<vmem>>) dst(%dma_wait3A_1044 : memref<512xf32, #tpu.memory_space<hbm>>)
    %dma_wait3A_1047 = arith.constant 25 : i32
    %dma_wait3A_1048 = arith.constant 12800 : i32
    %dma_wait3A_1049 = tpu.memref_slice %arg6[%dma_wait3A_1048] : memref<13312xf32, #tpu.memory_space<vmem>> -> memref<512xf32, #tpu.memory_space<vmem>>
    %dma_wait3A_1050 = tpu.memref_slice %arg4[%dma_wait3A_1047, %mul3A_2] : memref<26x16384xf32, #tpu.memory_space<hbm>> -> memref<1x512xf32, #tpu.memory_space<hbm>>
    %dma_wait3A_1051 = tpu.memref_squeeze %dma_wait3A_1050 : memref<1x512xf32, #tpu.memory_space<hbm>> -> memref<512xf32, #tpu.memory_space<hbm>>
    %dma_wait3A_1052 = tpu.memref_slice %arg4[%dma_wait3A_1047, %mul3A_2] : memref<26x16384xf32, #tpu.memory_space<hbm>> -> memref<1x512xf32, #tpu.memory_space<hbm>>
    %dma_wait3A_1053 = tpu.memref_squeeze %dma_wait3A_1052 : memref<1x512xf32, #tpu.memory_space<hbm>> -> memref<512xf32, #tpu.memory_space<hbm>>
    %dma_wait3A_1054 = arith.constant 12800 : i32
    %dma_wait3A_1055 = tpu.memref_slice %arg6[%dma_wait3A_1054] : memref<13312xf32, #tpu.memory_space<vmem>> -> memref<512xf32, #tpu.memory_space<vmem>>
    tpu.wait_dma2 semaphore(%arg7 : memref<!tpu.dma_semaphore, #tpu.memory_space<semaphore_mem>>) src(%dma_wait3A_1055 : memref<512xf32, #tpu.memory_space<vmem>>) dst(%dma_wait3A_1053 : memref<512xf32, #tpu.memory_space<hbm>>)
    return
  }
}

</mosaic_0001>

<sc_bundles>
// kernel: kernel.3.cloned.1.call-start
scs
__scs_entry_jumppad:
0x0: {  	(pc) =	sbr.rel $0x88, $3  }
0x1: {  	(tag) =	ssettag $0x0;
	lr =	simm.s32 $0x1  }
0x2: {  	[smem:$0x3F9F] =	sst lr;
	_ =	strace $0xD0000000  }
0x3: {  	_ = 	snop  }
0x4: {  	_ = 	snop  }
0x5: {  	_ = 	snop  }
0x6: {  	_ = 	snop  }
0x7: {  	_ = 	snop  }
__scs_overlays_trampoline_lowered:
0x8: {  	[smem:$0x3FAE] =	sst s0  }
0x9: {  	[smem:$0x3FAF] =	sst s1  }
0xa: {  	[smem:$0x3FB0] =	sst s2  }
0xb: {  	[smem:$0x3FB1] =	sst s3  }
0xc: {  	[smem:$0x3FB2] =	sst s4  }
0xd: {  	[smem:$0x3FB3] =	sst s5  }
0xe: {  	[smem:$0x3FB4] =	sst s6  }
0xf: {  	[smem:$0x3FB5] =	sst s7  }
0x10: {  	[smem:$0x3FB6] =	sst s8  }
0x11: {  	[smem:$0x3FB7] =	sst s9;
	s0 =	simm.s32 @!p0 $0x0  }
0x12: {  	s1 =	sld [smem:$0x3F9D];
	s0 =	simm.s32 @p0 $0x1  }
0x13: {  	[smem:$0x3FB8] =	sst s0;
	s0 =	simm.s32 @!p1 $0x0  }
0x14: {  	s2 =	sld [smem:$0x3F9C];
	s0 =	simm.s32 @p1 $0x1  }
0x15: {  	[smem:$0x3FB9] =	sst s0;
	s0 =	simm.s32 @!p2 $0x0  }
0x16: {  	s3 =	sld [smem:$0x3FDB];
	s0 =	simm.s32 @p2 $0x1  }
0x17: {  	s4 =	simm.s32 $0x1BF5;
	[smem:$0x3FBB] =	sst s0  }
0x18: {  	s0 =	sld [smem:$0x3F9E];
	_ =	swait.ge [sflag:s4], $0x0  }
0x19: {  	s7 =	sld [smem:$0x3F9F]  }
0x1a: {  	s8 =	sadd.s32 $0xFFFFE003, lr  }
0x1b: {  	s9 =	sadd.s32 $0xFFFFFEF7, lr;
	s5 =	simm.s32 $0xFFFFFFFF;
	p2 =	slt.u32 s8, $0xFFFFF086  }
0x1c: {  	p1 =	slt.u32 s9, $0xF7A;
	s5 =	simm.s32 @!p2 $0x0  }
0x1d: {  	s5 =	simm.s32 @p1 $0x1;
	p0 =	seq.s32 s7, s2  }
0x1e: {  	s7 =	smul.u32 @!p0 $0xF7A, s2;
	p2 =	seq.s32 @!p0 s5, $0x0  }
0x1f: {  	s9 =	smul.u32 $0xF7A, s1;
	s8 =	simm.s32 @!p0 $0x1BF5;
	p2 =	por !p2, p0  }
0x20: {  	[sflag:s8] =	ssyncset.s32 @!p0 $0xFFFFF086;
	s6 =	sadd.s32 @!p0 s3, s7;
	s7 =	simm.s32 @!p0 $0x108  }
0x21: {  	s3 =	sadd.s32 s3, s9;
	s6 =	sadd.s32 @!p0 $0x88, s6;
	s7 =	simm.s32 @p2 $0x1082  }
0x22: {  	[simem:s7], [sflag:s8] =	dma.local @!p0 [hbm:s6], $0xF7A  }
0x23: {  	s9 =	sor.u32 $0xD0000000, s2;
	s6 =	simm.s32 $0x108;
	_ =	swait.ge @!p0 [sflag:s8], $0x0  }
0x24: {  	s3 =	sadd.s32 $0x88, s3;
	s6 =	simm.s32 @!p1 $0x1082;
	[sflag:s4] =	ssyncset.s32 $0xFFFFF086  }
0x25: {  	[simem:s6], [sflag:s4] =	dma.local [hbm:s3], $0xF7A  }
0x26: {  	[smem:$0x3F9F] =	sst s1;
	(tag) =	ssettag s2;
	_ =	strace s9  }
0x27: {  	s1 =	sld [smem:$0x3FAF]  }
0x28: {  	s2 =	sld [smem:$0x3FB0]  }
0x29: {  	s4 =	sld [smem:$0x3FB2]  }
0x2a: {  	p0 =	seq.s32 s5, $0x0;
	s5 =	sld [smem:$0x3FB3]  }
0x2b: {  	s6 =	sld [smem:$0x3FB4]  }
0x2c: {  	s7 =	sld [smem:$0x3FB5]  }
0x2d: {  	s3 =	simm.s32 $0x108;
	s8 =	sld [smem:$0x3FB6]  }
0x2e: {  	s3 =	simm.s32 @!p0 $0x1082;
	s9 =	sld [smem:$0x3FB7]  }
0x2f: {  	lr =	sadd.s32 s0, s3;
	s0 =	sld [smem:$0x3FAE]  }
0x30: {  	s3 =	sld [smem:$0x3FB1]  }
0x31: {  	[smem:$0x3FBA] =	sst s10  }
0x32: {  	s10 =	sld [smem:$0x3FB8];
	_ =	sdelay $0x3  }
0x33: {  	p0 =	seq.s32 s10, $0x1;
	s10 =	sld [smem:$0x3FBA];
	_ =	sdelay $0x3  }
0x34: {  	[smem:$0x3FBA] =	sst s10  }
0x35: {  	s10 =	sld [smem:$0x3FB9];
	_ =	sdelay $0x3  }
0x36: {  	p1 =	seq.s32 s10, $0x1;
	s10 =	sld [smem:$0x3FBA];
	_ =	sdelay $0x3  }
0x37: {  	[smem:$0x3FBA] =	sst s10  }
0x38: {  	s10 =	sld [smem:$0x3FBB]  }
0x39: {  	_ = 	snop;
	(pc) =	sbr.ind lr, $3  }
0x3a: {  	_ = 	snop  }
0x3b: {  	_ = 	snop  }
0x3c: {  	p2 =	seq.s32 s10, $0x1;
	s10 =	sld [smem:$0x3FBA]  }
0x3d: {  	_ =	shalt  }
0x3e: {  	_ =	shalt  }
0x3f: {  	_ =	shalt  }
0x40: {  	_ =	shalt  }
0x41: {  	_ =	shalt  }
0x42: {  	_ =	shalt  }
0x43: {  	_ =	shalt  }
0x44: {  	_ =	shalt  }
0x45: {  	_ =	shalt  }
0x46: {  	_ =	shalt  }
0x47: {  	_ =	shalt  }
0x48: {  	_ =	shalt  }
0x49: {  	_ =	shalt  }
0x4a: {  	_ =	shalt  }
0x4b: {  	_ =	shalt  }
0x4c: {  	_ =	shalt  }
0x4d: {  	_ =	shalt  }
0x4e: {  	_ =	shalt  }
0x4f: {  	_ =	shalt  }
0x50: {  	_ =	shalt  }
0x51: {  	_ =	shalt  }
0x52: {  	_ =	shalt  }
0x53: {  	_ =	shalt  }
0x54: {  	_ =	shalt  }
0x55: {  	_ =	shalt  }
0x56: {  	_ =	shalt  }
0x57: {  	_ =	shalt  }
0x58: {  	_ =	shalt  }
0x59: {  	_ =	shalt  }
0x5a: {  	_ =	shalt  }
0x5b: {  	_ =	shalt  }
0x5c: {  	_ =	shalt  }
0x5d: {  	_ =	shalt  }
0x5e: {  	_ =	shalt  }
0x5f: {  	_ =	shalt  }
0x60: {  	_ =	shalt  }
0x61: {  	_ =	shalt  }
0x62: {  	_ =	shalt  }
0x63: {  	_ =	shalt  }
0x64: {  	_ =	shalt  }
0x65: {  	_ =	shalt  }
0x66: {  	_ =	shalt  }
0x67: {  	_ =	shalt  }
0x68: {  	_ =	shalt  }
0x69: {  	_ =	shalt  }
0x6a: {  	_ =	shalt  }
0x6b: {  	_ =	shalt  }
0x6c: {  	_ =	shalt  }
0x6d: {  	_ =	shalt  }
0x6e: {  	_ =	shalt  }
0x6f: {  	_ =	shalt  }
0x70: {  	_ =	shalt  }
0x71: {  	_ =	shalt  }
0x72: {  	_ =	shalt  }
0x73: {  	_ =	shalt  }
0x74: {  	_ =	shalt  }
0x75: {  	_ =	shalt  }
0x76: {  	_ =	shalt  }
0x77: {  	_ =	shalt  }
0x78: {  	_ =	shalt  }
0x79: {  	_ =	shalt  }
0x7a: {  	_ =	shalt  }
0x7b: {  	_ =	shalt  }
0x7c: {  	_ =	shalt  }
0x7d: {  	_ =	shalt  }
0x7e: {  	_ =	shalt  }
0x7f: {  	_ =	shalt  }
0x80: {  	_ =	shalt  }
0x81: {  	_ =	shalt  }
0x82: {  	_ =	shalt  }
0x83: {  	_ =	shalt  }
0x84: {  	_ =	shalt  }
0x85: {  	_ =	shalt  }
0x86: {  	_ =	shalt  }
0x87: {  	_ =	shalt  }
.Lfunc_end0:
.L_simem_size_0:
called_computation_lowered:
.L_overlay_start_0:
0x88: {  	s2 =	sld [smem:$0x3FD9]  }
0x89: {  	s3 =	sld [smem:$0x3FFE];
	_ =	sdelay $0x1  }
0x8a: {  	s1 =	srdreg.scid  }
0x8b: {  	s0 =	sand.u32 $0x1, s1  }
0x8c: {  	s18 =	sshll.u32 s0, $0xA;
	s2 =	sadd.s32 s3, s2  }
0x8d: {  	s2 =	sadd.s32 s2, s18  }
0x8e: {  	[smem:$0x3FC6] =	sst s2  }
0x8f: {  	_ = 	snop  }
0x90: {  	s2 =	sld [smem:$0x3FC9]  }
0x91: {  	s19 =	sld [smem:$0x3FC8]  }
0x92: {  	s4 =	sld [smem:$0x3FD0];
	(tm) =	ssettm $0x1  }
0x93: {  	s5 =	sld [smem:$0x3FFB];
	_ =	sdelay $0x3  }
0x94: {  	_ =	strace s5  }
0x95: {  	s5 =	sld [smem:$0x3FFC];
	_ =	sdelay $0x3  }
0x96: {  	_ =	strace s5  }
0x97: {  	s5 =	sld [smem:$0x3FFD];
	_ =	sdelay $0x3  }
0x98: {  	_ =	strace s5  }
0x99: {  	_ =	strace $0x8FFFFFFF  }
0x9a: {  	s20 =	sld [smem:$0x3FDB];
	_ =	sdelay $0x1  }
0x9b: {  	s6 =	simm.s32 $_scs_section_size  }
0x9c: {  	s7 =	simm.s32 $_size__tile_overlayer_lowered;
	s8 =	simm.s32 $_tile_overlayer_lowered  }
0x9d: {  	s23 =	simm.s32 $0x1BFF;
	s22 =	sshll.u32 s8, $0x1;
	s5 =	sadd.s32 s6, s20  }
0x9e: {  	s9 =	simm.s32 $0x0;
	s21 =	sshll.u32 s7, $0x1;
	s7 =	sadd.s32 s22, s5  }
0x9f: {  	[timem:s9], [sflag:s23] =	dma.local [hbm:s7], s21  }
0xa0: {  	_ =	swait.ge [sflag:s23], s21  }
0xa1: {  	s6 =	ssub.s32 $0x0, s21;
	[sflag:s23] =	ssyncset.done $0x0  }
0xa2: {  	[sflag:s23] =	ssyncadd.s32 s6;
	_ =	sdelay $0x1  }
0xa3: {  	s24 =	simm.s32 $0x1B8B  }
0xa4: {  	_ =	swait.ge [sflag:s24], $0x1  }
0xa5: {  	[sflag:s24] =	ssyncset.done $0x0  }
0xa6: {  	s25 =	simm.s32 $0x1B8E;
	[sflag:s24] =	ssyncadd.s32 $0xFFFFFFFF  }
0xa7: {  	s26 =	simm.s32 $execute0_lowered;
	[smem:$0x3FD2] =	sst s25  }
0xa8: {  	s6 =	sshll.u32 s26, $0x1;
	_ =	strace $0x80000046;
	[dreg:$0x1] =	wrdreg $0xFFFFFFFF  }
0xa9: {  	s28 =	simm.s32 $_size_execute0_lowered;
	s5 =	sadd.s32 s5, s6;
	[dreg:$0x0] =	wrdreg $0x0  }
0xaa: {  	s6 =	sshll.u32 s28, $0x1;
	[dreg:$0x2] =	wrdreg s5  }
0xab: {  	[dreg:$0x3] =	wrdreg s6  }
0xac: {  	[dreg:$0x4] =	wrdreg $0xC0  }
0xad: {  	_ =	task [dreg:s9], $0x5FFFF  }
0xae: {  	[dreg:$0x1] =	wrdreg $0xFFFFFFFF  }
0xaf: {  	[dreg:$0x0] =	wrdreg $0x60  }
0xb0: {  	[dreg:$0x2] =	wrdreg s2  }
0xb1: {  	[dreg:$0x3] =	wrdreg s19  }
0xb2: {  	[dreg:$0x4] =	wrdreg s4  }
0xb3: {  	[dreg:$0x5] =	wrdreg $0x9  }
0xb4: {  	_ =	task.clear_ibuf [dreg:s9], $0x6FFFF;
	_ =	strace $0x90000046  }
0xb5: {  	s29 =	simm.s32 $0x9;
	_ =	strace $0x80000048  }
0xb6: {  	_ =	swait.ge [sflag:s29], $0x1  }
0xb7: {  	[sflag:s29] =	ssyncadd.s32 $0xFFFFFFFF  }
0xb8: {  	_ =	strace $0x90000048  }
0xb9: {  	_ =	sfence  }
0xba: {  	s30 =	sld [smem:$0x0];
	_ =	sdelay $0x2  }
0xbb: {  	s31 =	sshll.u32 s1, $0xD;
	s1 =	sshrl.u32 s1, $0x2  }
0xbc: {  	s3 =	sand.u32 $0x4000, s31;
	s1 =	sadd.s32 s1, s30  }
0xbd: {  	s0 =	sor.u32 s3, s0;
	s1 =	sshll.u32 s1, $0x11  }
0xbe: {  	s0 =	sor.u32 s1, s0  }
0xbf: {  	s0 =	sadd.s32 $0x8F2B, s0  }
0xc0: {  	[sflag:s0] =	ssyncadd.remote.s32 $0x1  }
0xc1: {  	_ =	sfence.sel $0xFFFF  }
0xc2: {  	[dreg:$0x0] =	wrdreg $0xFFFFFFFF;
	(pc) =	sbr.abs _section_cstart, $3  }
0xc3: {  	[dreg:$0x1] =	wrdreg $0xFFFFFFFF  }
0xc4: {  	_ =	task.clear_ibuf [dreg:s9], $0x2FFFF;
	_ =	strace $0x9FFFFFFF  }
0xc5: {  	(tm) =	ssettm $0x7FFFFFFF  }
tec
execute0_lowered:
.L_overlay_start_1:
0x0: {  	(tag) =	ssettag $0x1  }
0x1: {  	s0 =	srdreg.scid  }
0x2: {  	s3 =	stileid.u32;
	s0 =	sand.u32 $0x1, s0  }
0x3: {  	s3 =	sshll.u32 s3, $0xA;
	s2 =	ssub.s32 $0x2, s0;
	s0 =	sshll.u32 s0, $0x9  }
0x4: {  	s1 =	rddreg [dreg:$0x0];
	s5 =	simm.s32 $0x0;
	s3 =	sor.u32 s0, s3  }
0x5: {  	[smem:$0x7FF] =	sst s5;
	s5 =	sor.u32 $0x30, s3  }
0x6: {  	s7 =	sadd.s32 s1, s5  }
0x7: {  	[dreg:$0x7] =	wrdreg s7;
	s7 =	sor.u32 $0x50, s3  }
0x8: {  	s8 =	sadd.s32 s1, s7  }
0x9: {  	[dreg:$0x9] =	wrdreg s8;
	s8 =	sor.u32 $0x60, s3  }
0xa: {  	s10 =	sadd.s32 s1, s8  }
0xb: {  	[dreg:$0xa] =	wrdreg s10;
	s10 =	sor.u32 $0x4000, s3  }
0xc: {  	s11 =	sadd.s32 s1, s10  }
0xd: {  	s4 =	sshrl.u32 s2, $0x1;
	[dreg:$0xc] =	wrdreg s11;
	s11 =	sor.u32 $0x4010, s3  }
0xe: {  	s0 =	ssub.s32 s2, s4;
	s2 =	sor.u32 $0x10, s3;
	s13 =	sadd.s32 s1, s11  }
0xf: {  	s18 =	sadd.s32 s1, s3;
	[dreg:$0xd] =	wrdreg s13;
	s13 =	sor.u32 $0x4030, s3  }
0x10: {  	s4 =	sor.u32 $0x20, s3;
	[dreg:$0x4] =	wrdreg s18;
	s14 =	sadd.s32 s1, s13  }
0x11: {  	s19 =	sadd.s32 s1, s2;
	[dreg:$0xf] =	wrdreg s14;
	s14 =	sor.u32 $0x4040, s3  }
0x12: {  	s6 =	sor.u32 $0x40, s3;
	[dreg:$0x5] =	wrdreg s19;
	s16 =	sadd.s32 s1, s14  }
0x13: {  	s20 =	sadd.s32 s1, s4;
	[dreg:$0x10] =	wrdreg s16;
	s16 =	sor.u32 $0x4060, s3  }
0x14: {  	s9 =	sor.u32 $0x70, s3;
	[dreg:$0x6] =	wrdreg s20;
	s17 =	sadd.s32 s1, s16  }
0x15: {  	s21 =	sadd.s32 s1, s6;
	[dreg:$0x12] =	wrdreg s17;
	s17 =	sor.u32 $0x4070, s3  }
0x16: {  	s12 =	sor.u32 $0x4020, s3;
	[dreg:$0x8] =	wrdreg s21;
	s19 =	sadd.s32 s1, s17  }
0x17: {  	s22 =	sadd.s32 s1, s9;
	[dreg:$0x13] =	wrdreg s19;
	s19 =	sor.u32 $0x8010, s3  }
0x18: {  	s15 =	sor.u32 $0x4050, s3;
	[dreg:$0xb] =	wrdreg s22;
	s20 =	sadd.s32 s1, s19  }
0x19: {  	s23 =	sadd.s32 s1, s12;
	[dreg:$0x15] =	wrdreg s20;
	s20 =	sor.u32 $0x8020, s3  }
0x1a: {  	s28 =	sor.u32 $0xC010, s3;
	[dreg:$0xe] =	wrdreg s23;
	s22 =	sadd.s32 s1, s20  }
0x1b: {  	s24 =	sadd.s32 s1, s15;
	[dreg:$0x16] =	wrdreg s22;
	s22 =	sor.u32 $0x8040, s3  }
0x1c: {  	s18 =	sor.u32 $0x8000, s3;
	[dreg:$0x11] =	wrdreg s24;
	s23 =	sadd.s32 s1, s22  }
0x1d: {  	s25 =	sadd.s32 s1, s18;
	[dreg:$0x18] =	wrdreg s23;
	s23 =	sor.u32 $0x8050, s3  }
0x1e: {  	s21 =	sor.u32 $0x8030, s3;
	[dreg:$0x14] =	wrdreg s25;
	s25 =	sadd.s32 s1, s23  }
0x1f: {  	s26 =	sadd.s32 s1, s21;
	[dreg:$0x19] =	wrdreg s25;
	s25 =	sor.u32 $0x8070, s3  }
0x20: {  	s24 =	sor.u32 $0x8060, s3;
	[dreg:$0x17] =	wrdreg s26;
	s26 =	sadd.s32 s1, s25  }
0x21: {  	s30 =	sadd.s32 s1, s24;
	[dreg:$0x1b] =	wrdreg s26;
	s26 =	sor.u32 $0xC000, s3  }
0x22: {  	[dreg:$0x1a] =	wrdreg s30;
	s29 =	sadd.s32 s1, s26;
	s1 =	sadd.s32 s1, s28  }
0x23: {  	[dreg:$0x1d] =	wrdreg s1  }
0x24: {  	s1 =	rddreg [dreg:$0x2]  }
0x25: {  	[dreg:$0x1c] =	wrdreg s29;
	s3 =	sadd.s32 s1, s3  }
0x26: {  	s2 =	sadd.s32 s1, s2;
	[dreg:$0x1e] =	wrdreg s3  }
0x27: {  	s4 =	sadd.s32 s1, s4;
	[dreg:$0x1f] =	wrdreg s2  }
0x28: {  	s5 =	sadd.s32 s1, s5;
	[smem:$0x7F5] =	sst s4  }
0x29: {  	s6 =	sadd.s32 s1, s6;
	[smem:$0x7F6] =	sst s5  }
0x2a: {  	s7 =	sadd.s32 s1, s7;
	[smem:$0x7F7] =	sst s6  }
0x2b: {  	s8 =	sadd.s32 s1, s8;
	[smem:$0x7F8] =	sst s7  }
0x2c: {  	s31 =	simm.s32 $0x2;
	s9 =	sadd.s32 s1, s9;
	[smem:$0x7F9] =	sst s8  }
0x2d: {  	s29 =	simm.s32 $0x680;
	s10 =	sadd.s32 s1, s10;
	[smem:$0x7FA] =	sst s9  }
0x2e: {  	s11 =	sadd.s32 s1, s11;
	s30 =	sadd.s32 s1, s12;
	[smem:$0x7FB] =	sst s10  }
0x2f: {  	s12 =	sadd.s32 s1, s17;
	s17 =	sadd.s32 s1, s22;
	[smem:$0x7FC] =	sst s11  }
0x30: {  	s22 =	sadd.s32 s1, s26;
	s26 =	simm.s32 $0x400;
	[smem:$0x7FD] =	sst s30  }
0x31: {  	s8 =	sadd.s32 s1, s13;
	s9 =	sadd.s32 s1, s14;
	s10 =	sadd.s32 s1, s15  }
0x32: {  	s11 =	sadd.s32 s1, s16;
	s13 =	sadd.s32 s1, s18;
	s14 =	sadd.s32 s1, s19  }
0x33: {  	s15 =	sadd.s32 s1, s20;
	s16 =	sadd.s32 s1, s21;
	s18 =	sadd.s32 s1, s23  }
0x34: {  	s19 =	sadd.s32 s1, s24;
	s20 =	rddreg [dreg:$0x1];
	s21 =	sadd.s32 s1, s25  }
0x35: {  	s23 =	sadd.s32 s1, s28;
	s24 =	smax.u32 s0, $0x1;
	s25 =	simm.s32 $0x80  }
0x36: {  	s28 =	simm.s32 $0x1;
	s0 =	simm.s32 $0x3;
	s1 =	simm.s32 $0x4E00  }
0x37: {  	s2 =	simm.s32 $0x4;
	s3 =	simm.s32 $0x0;
	_ =	strace $0x80000047  }
.LBB2_1:
0x38: {  	s4 =	simm.s32 $0x0;
	s5 =	rddreg [dreg:$0x4]  }
0x39: {  	[tilespmem:s4], [sflag:$0x1] =	stream.strided.gather [hbm4b:s5+s25], $0x200, s26, s25, $0x38;
	[tilespmem:$0x6800] =	vst v63  }
0x3a: {  	s7 =	rddreg [dreg:$0x5];
	s6 =	simm.s32 $0x200  }
0x3b: {  	[tilespmem:s6], [sflag:$0x1] =	stream.strided.gather [hbm4b:s7+s25], $0x200, s26, s25, $0x38;
	[tilespmem:$0x6800] =	vst v63  }
0x3c: {  	s7 =	rddreg [dreg:$0x6]  }
0x3d: {  	[tilespmem:s26], [sflag:$0x1] =	stream.strided.gather [hbm4b:s7+s25], $0x200, s26, s25, $0x38;
	[tilespmem:$0x6800] =	vst v63  }
0x3e: {  	s6 =	rddreg [dreg:$0x7];
	s7 =	simm.s32 $0x600  }
0x3f: {  	[tilespmem:s7], [sflag:$0x1] =	stream.strided.gather [hbm4b:s6+s25], $0x200, s26, s25, $0x38;
	[tilespmem:$0x6800] =	vst v63  }
0x40: {  	s6 =	rddreg [dreg:$0x8];
	s7 =	simm.s32 $0x800  }
0x41: {  	[tilespmem:s7], [sflag:$0x1] =	stream.strided.gather [hbm4b:s6+s25], $0x200, s26, s25, $0x38;
	[tilespmem:$0x6800] =	vst v63  }
0x42: {  	s6 =	rddreg [dreg:$0x9];
	s7 =	simm.s32 $0xA00  }
0x43: {  	[tilespmem:s7], [sflag:$0x1] =	stream.strided.gather [hbm4b:s6+s25], $0x200, s26, s25, $0x38;
	[tilespmem:$0x6800] =	vst v63  }
0x44: {  	s6 =	rddreg [dreg:$0xa];
	s7 =	simm.s32 $0xC00  }
0x45: {  	[tilespmem:s7], [sflag:$0x1] =	stream.strided.gather [hbm4b:s6+s25], $0x200, s26, s25, $0x38;
	[tilespmem:$0x6800] =	vst v63  }
0x46: {  	s6 =	rddreg [dreg:$0xb];
	s7 =	simm.s32 $0xE00  }
0x47: {  	[tilespmem:s7], [sflag:$0x1] =	stream.strided.gather [hbm4b:s6+s25], $0x200, s26, s25, $0x38;
	[tilespmem:$0x6800] =	vst v63  }
0x48: {  	s6 =	rddreg [dreg:$0xc];
	s7 =	simm.s32 $0x1000  }
0x49: {  	[tilespmem:s7], [sflag:$0x1] =	stream.strided.gather [hbm4b:s6+s25], $0x200, s26, s25, $0x38;
	[tilespmem:$0x6800] =	vst v63  }
0x4a: {  	s6 =	rddreg [dreg:$0xd];
	s7 =	simm.s32 $0x1200  }
0x4b: {  	[tilespmem:s7], [sflag:$0x1] =	stream.strided.gather [hbm4b:s6+s25], $0x200, s26, s25, $0x38;
	[tilespmem:$0x6800] =	vst v63  }
0x4c: {  	s6 =	rddreg [dreg:$0xe];
	s7 =	simm.s32 $0x1400  }
0x4d: {  	[tilespmem:s7], [sflag:$0x1] =	stream.strided.gather [hbm4b:s6+s25], $0x200, s26, s25, $0x38;
	[tilespmem:$0x6800] =	vst v63  }
0x4e: {  	s6 =	rddreg [dreg:$0xf];
	s7 =	simm.s32 $0x1600  }
0x4f: {  	[tilespmem:s7], [sflag:$0x1] =	stream.strided.gather [hbm4b:s6+s25], $0x200, s26, s25, $0x38;
	[tilespmem:$0x6800] =	vst v63  }
0x50: {  	s6 =	rddreg [dreg:$0x10];
	s7 =	simm.s32 $0x1800  }
0x51: {  	[tilespmem:s7], [sflag:$0x1] =	stream.strided.gather [hbm4b:s6+s25], $0x200, s26, s25, $0x38;
	[tilespmem:$0x6800] =	vst v63  }
0x52: {  	s6 =	rddreg [dreg:$0x11];
	s7 =	simm.s32 $0x1A00  }
0x53: {  	[tilespmem:s7], [sflag:$0x1] =	stream.strided.gather [hbm4b:s6+s25], $0x200, s26, s25, $0x38;
	[tilespmem:$0x6800] =	vst v63  }
0x54: {  	s6 =	rddreg [dreg:$0x12];
	s7 =	simm.s32 $0x1C00  }
0x55: {  	[tilespmem:s7], [sflag:$0x1] =	stream.strided.gather [hbm4b:s6+s25], $0x200, s26, s25, $0x38;
	[tilespmem:$0x6800] =	vst v63  }
0x56: {  	s6 =	rddreg [dreg:$0x13];
	s7 =	simm.s32 $0x1E00  }
0x57: {  	[tilespmem:s7], [sflag:$0x1] =	stream.strided.gather [hbm4b:s6+s25], $0x200, s26, s25, $0x38;
	[tilespmem:$0x6800] =	vst v63  }
0x58: {  	s6 =	rddreg [dreg:$0x14];
	s7 =	simm.s32 $0x2000  }
0x59: {  	[tilespmem:s7], [sflag:$0x1] =	stream.strided.gather [hbm4b:s6+s25], $0x200, s26, s25, $0x38;
	[tilespmem:$0x6800] =	vst v63  }
0x5a: {  	s6 =	rddreg [dreg:$0x15];
	s7 =	simm.s32 $0x2200  }
0x5b: {  	[tilespmem:s7], [sflag:$0x1] =	stream.strided.gather [hbm4b:s6+s25], $0x200, s26, s25, $0x38;
	[tilespmem:$0x6800] =	vst v63  }
0x5c: {  	s6 =	rddreg [dreg:$0x16];
	s7 =	simm.s32 $0x2400  }
0x5d: {  	[tilespmem:s7], [sflag:$0x1] =	stream.strided.gather [hbm4b:s6+s25], $0x200, s26, s25, $0x38;
	[tilespmem:$0x6800] =	vst v63  }
0x5e: {  	s6 =	rddreg [dreg:$0x17];
	s7 =	simm.s32 $0x2600  }
0x5f: {  	[tilespmem:s7], [sflag:$0x1] =	stream.strided.gather [hbm4b:s6+s25], $0x200, s26, s25, $0x38;
	[tilespmem:$0x6800] =	vst v63  }
0x60: {  	s6 =	rddreg [dreg:$0x18];
	s7 =	simm.s32 $0x2800  }
0x61: {  	[tilespmem:s7], [sflag:$0x1] =	stream.strided.gather [hbm4b:s6+s25], $0x200, s26, s25, $0x38;
	[tilespmem:$0x6800] =	vst v63  }
0x62: {  	s6 =	rddreg [dreg:$0x19];
	s7 =	simm.s32 $0x2A00  }
0x63: {  	[tilespmem:s7], [sflag:$0x1] =	stream.strided.gather [hbm4b:s6+s25], $0x200, s26, s25, $0x38;
	[tilespmem:$0x6800] =	vst v63  }
0x64: {  	s6 =	rddreg [dreg:$0x1a];
	s7 =	simm.s32 $0x2C00  }
0x65: {  	[tilespmem:s7], [sflag:$0x1] =	stream.strided.gather [hbm4b:s6+s25], $0x200, s26, s25, $0x38;
	[tilespmem:$0x6800] =	vst v63  }
0x66: {  	s6 =	rddreg [dreg:$0x1b];
	s7 =	simm.s32 $0x2E00  }
0x67: {  	[tilespmem:s7], [sflag:$0x1] =	stream.strided.gather [hbm4b:s6+s25], $0x200, s26, s25, $0x38;
	[tilespmem:$0x6800] =	vst v63  }
0x68: {  	s6 =	rddreg [dreg:$0x1c];
	s7 =	simm.s32 $0x3000  }
0x69: {  	[tilespmem:s7], [sflag:$0x1] =	stream.strided.gather [hbm4b:s6+s25], $0x200, s26, s25, $0x38;
	[tilespmem:$0x6800] =	vst v63  }
0x6a: {  	s6 =	rddreg [dreg:$0x1d];
	s7 =	simm.s32 $0x3200  }
0x6b: {  	[tilespmem:s7], [sflag:$0x1] =	stream.strided.gather [hbm4b:s6+s25], $0x200, s26, s25, $0x38;
	[tilespmem:$0x6800] =	vst v63  }
0x6c: {  	_ =	swait.ge [sflag:s28], $0x200  }
0x6d: {  	[sflag:s28] =	ssyncset.done $0x0  }
0x6e: {  	[sflag:s28] =	ssyncadd.s32 $0xFFFFFE00  }
0x6f: {  	_ =	swait.ge [sflag:s28], $0x200  }
0x70: {  	[sflag:s28] =	ssyncset.done $0x0  }
0x71: {  	[sflag:s28] =	ssyncadd.s32 $0xFFFFFE00  }
0x72: {  	_ =	swait.ge [sflag:s28], $0x200  }
0x73: {  	[sflag:s28] =	ssyncset.done $0x0  }
0x74: {  	[sflag:s28] =	ssyncadd.s32 $0xFFFFFE00  }
0x75: {  	_ =	swait.ge [sflag:s28], $0x200  }
0x76: {  	[sflag:s28] =	ssyncset.done $0x0  }
0x77: {  	[sflag:s28] =	ssyncadd.s32 $0xFFFFFE00  }
0x78: {  	_ =	swait.ge [sflag:s28], $0x200  }
0x79: {  	[sflag:s28] =	ssyncset.done $0x0  }
0x7a: {  	[sflag:s28] =	ssyncadd.s32 $0xFFFFFE00  }
0x7b: {  	_ =	swait.ge [sflag:s28], $0x200  }
0x7c: {  	[sflag:s28] =	ssyncset.done $0x0  }
0x7d: {  	[sflag:s28] =	ssyncadd.s32 $0xFFFFFE00  }
0x7e: {  	_ =	swait.ge [sflag:s28], $0x200  }
0x7f: {  	[sflag:s28] =	ssyncset.done $0x0  }
0x80: {  	[sflag:s28] =	ssyncadd.s32 $0xFFFFFE00  }
0x81: {  	_ =	swait.ge [sflag:s28], $0x200  }
0x82: {  	[sflag:s28] =	ssyncset.done $0x0  }
0x83: {  	[sflag:s28] =	ssyncadd.s32 $0xFFFFFE00  }
0x84: {  	_ =	swait.ge [sflag:s28], $0x200  }
0x85: {  	[sflag:s28] =	ssyncset.done $0x0  }
0x86: {  	[sflag:s28] =	ssyncadd.s32 $0xFFFFFE00  }
0x87: {  	_ =	swait.ge [sflag:s28], $0x200  }
0x88: {  	[sflag:s28] =	ssyncset.done $0x0  }
0x89: {  	[sflag:s28] =	ssyncadd.s32 $0xFFFFFE00  }
0x8a: {  	_ =	swait.ge [sflag:s28], $0x200  }
0x8b: {  	[sflag:s28] =	ssyncset.done $0x0  }
0x8c: {  	[sflag:s28] =	ssyncadd.s32 $0xFFFFFE00  }
0x8d: {  	_ =	swait.ge [sflag:s28], $0x200  }
0x8e: {  	[sflag:s28] =	ssyncset.done $0x0  }
0x8f: {  	[sflag:s28] =	ssyncadd.s32 $0xFFFFFE00  }
0x90: {  	_ =	swait.ge [sflag:s28], $0x200  }
0x91: {  	[sflag:s28] =	ssyncset.done $0x0  }
0x92: {  	[sflag:s28] =	ssyncadd.s32 $0xFFFFFE00  }
0x93: {  	_ =	swait.ge [sflag:s28], $0x200  }
0x94: {  	[sflag:s28] =	ssyncset.done $0x0  }
0x95: {  	[sflag:s28] =	ssyncadd.s32 $0xFFFFFE00  }
0x96: {  	_ =	swait.ge [sflag:s28], $0x200  }
0x97: {  	[sflag:s28] =	ssyncset.done $0x0  }
0x98: {  	[sflag:s28] =	ssyncadd.s32 $0xFFFFFE00  }
0x99: {  	_ =	swait.ge [sflag:s28], $0x200  }
0x9a: {  	[sflag:s28] =	ssyncset.done $0x0  }
0x9b: {  	[sflag:s28] =	ssyncadd.s32 $0xFFFFFE00  }
0x9c: {  	_ =	swait.ge [sflag:s28], $0x200  }
0x9d: {  	[sflag:s28] =	ssyncset.done $0x0  }
0x9e: {  	[sflag:s28] =	ssyncadd.s32 $0xFFFFFE00  }
0x9f: {  	_ =	swait.ge [sflag:s28], $0x200  }
0xa0: {  	[sflag:s28] =	ssyncset.done $0x0  }
0xa1: {  	[sflag:s28] =	ssyncadd.s32 $0xFFFFFE00  }
0xa2: {  	_ =	swait.ge [sflag:s28], $0x200  }
0xa3: {  	[sflag:s28] =	ssyncset.done $0x0  }
0xa4: {  	[sflag:s28] =	ssyncadd.s32 $0xFFFFFE00  }
0xa5: {  	_ =	swait.ge [sflag:s28], $0x200  }
0xa6: {  	[sflag:s28] =	ssyncset.done $0x0  }
0xa7: {  	[sflag:s28] =	ssyncadd.s32 $0xFFFFFE00  }
0xa8: {  	_ =	swait.ge [sflag:s28], $0x200  }
0xa9: {  	[sflag:s28] =	ssyncset.done $0x0  }
0xaa: {  	[sflag:s28] =	ssyncadd.s32 $0xFFFFFE00  }
0xab: {  	_ =	swait.ge [sflag:s28], $0x200  }
0xac: {  	[sflag:s28] =	ssyncset.done $0x0  }
0xad: {  	[sflag:s28] =	ssyncadd.s32 $0xFFFFFE00  }
0xae: {  	_ =	swait.ge [sflag:s28], $0x200  }
0xaf: {  	[sflag:s28] =	ssyncset.done $0x0  }
0xb0: {  	[sflag:s28] =	ssyncadd.s32 $0xFFFFFE00  }
0xb1: {  	_ =	swait.ge [sflag:s28], $0x200  }
0xb2: {  	[sflag:s28] =	ssyncset.done $0x0  }
0xb3: {  	[sflag:s28] =	ssyncadd.s32 $0xFFFFFE00  }
0xb4: {  	_ =	swait.ge [sflag:s28], $0x200  }
0xb5: {  	[sflag:s28] =	ssyncset.done $0x0  }
0xb6: {  	[sflag:s28] =	ssyncadd.s32 $0xFFFFFE00  }
0xb7: {  	_ =	swait.ge [sflag:s28], $0x200  }
0xb8: {  	[sflag:s28] =	ssyncset.done $0x0  }
0xb9: {  	s7 =	simm.s32 $0x3400;
	[sflag:s28] =	ssyncadd.s32 $0xFFFFFE00  }
0xba: {  	[tilespmem:s7], [sflag:$0x2] =	stream.indirect.gather [hbm4b:s20+s29], $0x1, s4, s29, $0xb8;
	[tilespmem:$0x6800] =	vst v63  }
0xbb: {  	s5 =	simm.s32 $0x3A80  }
0xbc: {  	[tilespmem:s5], [sflag:$0x3] =	stream.indirect.gather [hbm4b:s20+s29], $0x1, s29, s29, $0xb8;
	[tilespmem:$0x6800] =	vst v63  }
0xbd: {  	s6 =	simm.s32 $0xD00;
	s7 =	simm.s32 $0x4100  }
0xbe: {  	[tilespmem:s7], [sflag:$0x4] =	stream.indirect.gather [hbm4b:s20+s29], $0x1, s6, s29, $0xb8;
	[tilespmem:$0x6800] =	vst v63  }
0xbf: {  	_ =	swait.ge [sflag:s31], $0x680  }
0xc0: {  	s5 =	simm.s32 $0x3440;
	[sflag:s31] =	ssyncset.done $0x0  }
0xc1: {  	s6 =	simm.s32 $0x1380;
	s7 =	simm.s32 $0x4780;
	[sflag:s31] =	ssyncadd.s32 $0xFFFFF980  }
0xc2: {  	[tilespmem:s7], [sflag:$0x2] =	stream.indirect.gather [hbm4b:s20+s29], $0x1, s6, s29, $0xb8;
	[tilespmem:$0x6800] =	vst v63  }
0xc3: {  	v0 =	vld [tilespmem:s5+$0xFFFFFFD0]  }
0xc4: {  	v1 =	vld [tilespmem:s5+$0x20]  }
0xc5: {  	v2 =	vld [tilespmem:s5+$0xFFFFFFC0]  }
0xc6: {  	v3 =	vld [tilespmem:s5+$0x30]  }
0xc7: {  	v4 =	vld [tilespmem:s5+$0x0]  }
0xc8: {  	v5 =	vld [tilespmem:s5+$0xFFFFFFE0]  }
0xc9: {  	v6 =	vld [tilespmem:s5+$0xFFFFFFF0]  }
0xca: {  	v1 =	vmul.f32 $-1.053605150e-01, v1  }
0xcb: {  	v0 =	vmul.f32 $-1.053605150e-01, v0;
	v2 =	vmul.f32 $-1.053605150e-01, v2  }
0xcc: {  	v4 =	vmul.f32 $-1.053605150e-01, v4;
	v3 =	vmul.f32 $-1.053605150e-01, v3  }
0xcd: {  	v7 =	vld [tilespmem:s5+$0x10];
	v5 =	vmul.f32 $-1.053605150e-01, v5;
	v1 =	vmul.f32 $1.442695020e+00, v1  }
0xce: {  	s4 =	simm.s32 $0x34C0;
	v6 =	vmul.f32 $-1.053605150e-01, v6;
	v4 =	vmul.f32 $1.442695020e+00, v4  }
0xcf: {  	v8 =	vld [tilespmem:s4+$0x20];
	v5 =	vmul.f32 $1.442695020e+00, v5;
	(erf) = vpow2.f32 v1  }
0xd0: {  	v3 =	vmul.f32 $1.442695020e+00, v3;
	v1 =	vld [tilespmem:s4+$0xFFFFFFD0];
	(erf) = vpow2.f32 v4  }
0xd1: {  	v2 =	vmul.f32 $1.442695020e+00, v2;
	v4 =	vld [tilespmem:s4+$0xFFFFFFC0];
	(erf) = vpow2.f32 v5  }
0xd2: {  	v5 =	vmul.f32 $-1.053605150e-01, v7;
	v7 =	vld [tilespmem:s4+$0x30];
	(erf) = vpow2.f32 v3  }
0xd3: {  	v3 =	vmul.f32 $1.442695020e+00, v6;
	v6 =	vld [tilespmem:s4+$0x0];
	(erf) = vpow2.f32 v2  }
0xd4: {  	v0 =	vmul.f32 $1.442695020e+00, v0;
	v5 =	vmul.f32 $1.442695020e+00, v5  }
0xd5: {  	v2 =	vmul.f32 $-1.053605150e-01, v8;
	(erf) = vpow2.f32 v3  }
0xd6: {  	v9 =	vld [tilespmem:s4+$0xFFFFFFF0];
	v1 =	vmul.f32 $-1.053605150e-01, v1;
	(erf) = vpow2.f32 v5  }
0xd7: {  	v3 =	vmul.f32 $-1.053605150e-01, v4;
	(erf) = vpow2.f32 v0  }
0xd8: {  	v4 =	vmul.f32 $-1.053605150e-01, v6;
	v6 =	vmul.f32 $-1.053605150e-01, v7;
	v0 =	vpop (erf)  }
0xd9: {  	v0 =	vsub.f32 $1.000000000e+00, v0;
	v8 =	vpop (erf)  }
0xda: {  	v2 =	vmul.f32 $1.442695020e+00, v2;
	v5 =	vld [tilespmem:s4+$0xFFFFFFE0];
	v10 =	vmul.f32 $1.442695020e+00, v1;
	v1 =	vpop (erf)  }
0xdb: {  	v7 =	vmul.f32 $-1.053605150e-01, v9;
	v9 =	vld [tilespmem:s4+$0x10];
	v8 =	vsub.f32 $1.000000000e+00, v8;
	v11 =	vpop (erf);
	(erf) = vrcp.f32 v0  }
0xdc: {  	v1 =	vsub.f32 $1.000000000e+00, v1;
	(erf) = vpow2.f32 v2;
	v2 =	vmul.f32 $1.442695020e+00, v6;
	v6 =	vpop (erf)  }
0xdd: {  	s6 =	simm.s32 $0x3540;
	v0 =	vmul.f32 $1.442695020e+00, v3;
	v3 =	vsub.f32 $1.000000000e+00, v11;
	v6 =	vsub.f32 $1.000000000e+00, v6  }
0xde: {  	v4 =	vmul.f32 $1.442695020e+00, v4;
	v11 =	vld [tilespmem:s6+$0xFFFFFFD0];
	(erf) = vrcp.f32 v8  }
0xdf: {  	v5 =	vmul.f32 $-1.053605150e-01, v5;
	v12 =	vpop (erf);
	v8 =	vld [tilespmem:s6+$0xFFFFFFC0];
	(erf) = vrcp.f32 v3  }
0xe0: {  	v13 =	vld [tilespmem:s6+$0x0];
	v3 =	vmul.f32 $-1.053605150e-01, v9;
	(erf) = vrcp.f32 v1;
	v1 =	vpop (erf)  }
0xe1: {  	v5 =	vmul.f32 $1.442695020e+00, v5;
	v9 =	vld [tilespmem:s6+$0x20];
	(erf) = vrcp.f32 v6;
	v6 =	vpop (erf)  }
0xe2: {  	v14 =	vmul.f32 $1.442695020e+00, v3;
	(erf) = vpow2.f32 v4;
	v4 =	vsub.f32 $1.000000000e+00, v6  }
0xe3: {  	v3 =	vld [tilespmem:s6+$0x30];
	v6 =	vmul.f32 $-1.053605150e-01, v11;
	(erf) = vpow2.f32 v5  }
0xe4: {  	v5 =	vmul.f32 $-1.053605150e-01, v8;
	(erf) = vrcp.f32 v4  }
0xe5: {  	v8 =	vld [tilespmem:s6+$0xFFFFFFF0];
	v11 =	vpop (erf);
	(erf) = vpow2.f32 v2;
	v2 =	vmul.f32 $-1.053605150e-01, v13  }
0xe6: {  	v7 =	vmul.f32 $1.442695020e+00, v7;
	v4 =	vmul.f32 $-1.053605150e-01, v9  }
0xe7: {  	v5 =	vmul.f32 $1.442695020e+00, v5;
	v9 =	vpop (erf);
	(erf) = vpow2.f32 v0  }
0xe8: {  	v13 =	vmul.f32 $-1.053605150e-01, v3;
	v15 =	vmul.f32 $1.442695020e+00, v4;
	v3 =	vpop (erf)  }
0xe9: {  	v1 =	vsub.f32 $1.000000000e+00, v1;
	v4 =	vmul.f32 $1.442695020e+00, v2;
	(erf) = vpow2.f32 v7;
	v7 =	vld [tilespmem:s6+$0x10];
	v2 =	vpop (erf)  }
0xea: {  	v17 =	vmul.f32 $1.000000010e-01, v11;
	v16 =	vmul.f32 $-1.053605150e-01, v8;
	v8 =	vpop (erf)  }
0xeb: {  	v18 =	vld [tilespmem:s6+$0xFFFFFFE0];
	v11 =	vsub.f32 $1.000000000e+00, v12;
	v0 =	vmul.f32 $1.442695020e+00, v6;
	(erf) = vrcp.f32 v1;
	v19 =	vpop (erf)  }
0xec: {  	v12 =	vsub.f32 $1.000000000e+00, v9;
	v9 =	vmul.f32 $1.442695020e+00, v13;
	(erf) = vpow2.f32 v14;
	v6 =	vpop (erf)  }
0xed: {  	v1 =	vmul.f32 $1.442695020e+00, v16;
	(erf) = vpow2.f32 v10;
	v14 =	vpop (erf)  }
0xee: {  	(erf) = vrcp.f32 v11;
	v7 =	vmul.f32 $-1.053605150e-01, v7;
	v10 =	vsub.f32 $1.000000000e+00, v6;
	v6 =	vpop (erf)  }
0xef: {  	v62 =	vmul.f32 $1.000000010e-01, v19;
	(erf) = vrcp.f32 v12;
	v13 =	vpop (erf)  }
0xf0: {  	[tilespmem:s5+$0x20] =	vst v17;
	v11 =	vsub.f32 $1.000000000e+00, v14;
	v14 =	vmul.f32 $-1.053605150e-01, v18;
	v7 =	vmul.f32 $1.442695020e+00, v7;
	v63 =	vpop (erf)  }
0xf1: {  	s30 =	simm.s32 $0x100;
	s7 =	simm.s32 $0x35C0;
	(erf) = vpow2.f32 v15;
	[tilespmem:s5+$0xFFFFFFC0] =	vst v62;
	v13 =	vsub.f32 $1.000000000e+00, v13;
	v12 =	vsub.f32 $1.000000000e+00, v63  }
.LBB2_2:
0xf2: {  	v15 =	vld [tilespmem:s7+$0xFFFFFFD0];
	s30 =	sadd.s32 $0x80, s30;
	v14 =	vmul.f32 $1.442695020e+00, v14;
	v16 =	vpop (erf);
	v18 =	vmul.f32 $1.000000010e-01, v8  }
0xf3: {  	v3 =	vmul.f32 $1.000000010e-01, v3;
	v17 =	vld [tilespmem:s7+$0x20];
	p0 =	slt.u32 s30, $0x600;
	v16 =	vsub.f32 $1.000000000e+00, v16;
	(erf) = vrcp.f32 v10  }
0xf4: {  	v2 =	vmul.f32 $1.000000010e-01, v2;
	v10 =	vld [tilespmem:s7+$0xFFFFFFC0];
	(erf) = vrcp.f32 v13;
	[tilespmem:s5+$0xFFFFFFE0] =	vst v18;
	v8 =	vpop (erf)  }
0xf5: {  	v13 =	vld [tilespmem:s7+$0x30];
	(erf) = vrcp.f32 v11;
	v11 =	vpop (erf);
	[tilespmem:s5+$0x0] =	vst v3;
	v19 =	vmul.f32 $1.000000010e-01, v8  }
0xf6: {  	v6 =	vmul.f32 $1.000000010e-01, v6;
	v8 =	vld [tilespmem:s7+$0x0];
	v11 =	vsub.f32 $1.000000000e+00, v11;
	(erf) = vrcp.f32 v12;
	v12 =	vpop (erf);
	[tilespmem:s5+$0x30] =	vst v2  }
0xf7: {  	v15 =	vmul.f32 $-1.053605150e-01, v15;
	v18 =	vld [tilespmem:s7+$0x10];
	(erf) = vpow2.f32 v4;
	v2 =	vsub.f32 $1.000000000e+00, v12;
	[tilespmem:s5+$0x10] =	vst v19;
	v3 =	vpop (erf)  }
0xf8: {  	v12 =	vld [tilespmem:s7+$0xFFFFFFE0];
	(erf) = vpow2.f32 v14;
	v3 =	vmul.f32 $1.000000010e-01, v3  }
0xf9: {  	v10 =	vmul.f32 $-1.053605150e-01, v10;
	v14 =	vld [tilespmem:s7+$0xFFFFFFF0];
	(erf) = vrcp.f32 v2;
	v19 =	vpop (erf);
	[tilespmem:s5+$0xFFFFFFD0] =	vst v6  }
0xfa: {  	v20 =	vmul.f32 $-1.053605150e-01, v17;
	v6 =	vpop (erf);
	(erf) = vpow2.f32 v9;
	[tilespmem:s5+$0xFFFFFFF0] =	vst v3;
	s5 =	smov.u32 s4;
	s4 =	smov.u32 s6;
	s6 =	smov.u32 s7  }
0xfb: {  	v4 =	vmul.f32 $-1.053605150e-01, v8;
	(erf) = vpow2.f32 v5  }
0xfc: {  	v17 =	vmul.f32 $1.442695020e+00, v20;
	v9 =	vmul.f32 $-1.053605150e-01, v13;
	v3 =	vpop (erf)  }
0xfd: {  	v4 =	vmul.f32 $1.442695020e+00, v4;
	(erf) = vpow2.f32 v1;
	v2 =	vpop (erf)  }
0xfe: {  	v13 =	vmul.f32 $1.000000010e-01, v19;
	v1 =	vmul.f32 $-1.053605150e-01, v14;
	v8 =	vpop (erf)  }
0xff: {  	v14 =	vmul.f32 $1.442695020e+00, v15;
	v15 =	vsub.f32 $1.000000000e+00, v6;
	v19 =	vpop (erf);
	(erf) = vrcp.f32 v11  }
0x100: {  	v1 =	vmul.f32 $1.442695020e+00, v1;
	v6 =	vpop (erf);
	(erf) = vpow2.f32 v7  }
.Ltmp0:
0x101: {  	v5 =	vmul.f32 $1.442695020e+00, v10;
	v10 =	vsub.f32 $1.000000000e+00, v6;
	(erf) = vpow2.f32 v0;
	v7 =	vpop (erf);
	(pc) =	sbr.rel @p0 .LBB2_2-.Ltmp0, $4  }
0x102: {  	v9 =	vmul.f32 $1.442695020e+00, v9;
	v0 =	vmov v14;
	[tilespmem:s5+$0x20] =	vst v13;
	v6 =	vpop (erf);
	(erf) = vrcp.f32 v16  }
0x103: {  	v16 =	vmul.f32 $-1.053605150e-01, v18;
	v11 =	vsub.f32 $1.000000000e+00, v7;
	v18 =	vmul.f32 $1.000000010e-01, v19;
	v7 =	vpop (erf)  }
0x104: {  	v14 =	vmul.f32 $-1.053605150e-01, v12;
	v13 =	vsub.f32 $1.000000000e+00, v7;
	v12 =	vpop (erf);
	(erf) = vrcp.f32 v15  }
0x105: {  	s7 =	sadd.s32 $0x80, s7;
	v7 =	vmul.f32 $1.442695020e+00, v16;
	(erf) = vpow2.f32 v17;
	v12 =	vsub.f32 $1.000000000e+00, v12;
	[tilespmem:s5+$0xFFFFFFC0] =	vst v18  }
0x106: {  	_ = 	snop  }
0x107: {  	v15 =	vpop (erf);
	(erf) = vrcp.f32 v10  }
0x108: {  	(erf) = vrcp.f32 v13;
	v10 =	vpop (erf)  }
0x109: {  	(erf) = vrcp.f32 v11;
	v11 =	vpop (erf)  }
0x10a: {  	(erf) = vrcp.f32 v12;
	v12 =	vpop (erf)  }
0x10b: {  	v13 =	vmul.f32 $1.442695020e+00, v14;
	(erf) = vpow2.f32 v4;
	v4 =	vsub.f32 $1.000000000e+00, v12;
	_ =	sdelay $0x1  }
0x10c: {  	(erf) = vpow2.f32 v13  }
0x10d: {  	v12 =	vpop (erf);
	(erf) = vrcp.f32 v4  }
0x10e: {  	v4 =	vpop (erf);
	(erf) = vpow2.f32 v9;
	v9 =	vsub.f32 $1.000000000e+00, v11  }
0x10f: {  	v11 =	vpop (erf);
	(erf) = vpow2.f32 v5  }
0x110: {  	v5 =	vpop (erf);
	(erf) = vpow2.f32 v1  }
0x111: {  	v1 =	vpop (erf)  }
0x112: {  	(erf) = vrcp.f32 v9;
	v9 =	vpop (erf)  }
0x113: {  	v13 =	vsub.f32 $1.000000000e+00, v15;
	(erf) = vpow2.f32 v7;
	v7 =	vpop (erf)  }
0x114: {  	(erf) = vpow2.f32 v0;
	v0 =	vpop (erf)  }
0x115: {  	v11 =	vsub.f32 $1.000000000e+00, v11;
	v14 =	vpop (erf)  }
0x116: {  	v8 =	vmul.f32 $1.000000010e-01, v8;
	v15 =	vpop (erf)  }
0x117: {  	v3 =	vmul.f32 $1.000000010e-01, v3;
	v0 =	vsub.f32 $1.000000000e+00, v0;
	(erf) = vrcp.f32 v13;
	v13 =	vpop (erf)  }
0x118: {  	v2 =	vmul.f32 $1.000000010e-01, v2;
	(erf) = vrcp.f32 v11;
	v16 =	vpop (erf)  }
0x119: {  	[tilespmem:s5+$0x0] =	vst v3;
	v13 =	vsub.f32 $1.000000000e+00, v13;
	v11 =	vpop (erf);
	(erf) = vrcp.f32 v0;
	v3 =	vsub.f32 $1.000000000e+00, v16  }
0x11a: {  	[tilespmem:s5+$0xFFFFFFE0] =	vst v8;
	v8 =	vsub.f32 $1.000000000e+00, v14;
	v0 =	vmul.f32 $1.000000010e-01, v10  }
0x11b: {  	[tilespmem:s5+$0x30] =	vst v2;
	v4 =	vmul.f32 $1.000000010e-01, v4;
	(erf) = vrcp.f32 v13;
	v10 =	vpop (erf)  }
0x11c: {  	(erf) = vrcp.f32 v8;
	v2 =	vpop (erf);
	[tilespmem:s5+$0x10] =	vst v0;
	v0 =	vmul.f32 $1.000000010e-01, v12  }
0x11d: {  	[tilespmem:s4+$0x20] =	vst v4;
	(erf) = vrcp.f32 v3;
	v2 =	vsub.f32 $1.000000000e+00, v2;
	v3 =	vpop (erf)  }
0x11e: {  	v4 =	vmul.f32 $1.000000010e-01, v9;
	[tilespmem:s5+$0xFFFFFFF0] =	vst v0;
	v0 =	vmul.f32 $1.000000010e-01, v7;
	v3 =	vsub.f32 $1.000000000e+00, v3  }
0x11f: {  	v1 =	vmul.f32 $1.000000010e-01, v1  }
0x120: {  	[tilespmem:s4+$0xFFFFFFC0] =	vst v0;
	v0 =	vsub.f32 $1.000000000e+00, v11;
	(erf) = vrcp.f32 v3;
	v3 =	vmul.f32 $1.000000010e-01, v5;
	v5 =	vpop (erf)  }
0x121: {  	[tilespmem:s4+$0x30] =	vst v1;
	(erf) = vrcp.f32 v2;
	v2 =	vpop (erf)  }
0x122: {  	[tilespmem:s4+$0xFFFFFFE0] =	vst v4;
	v4 =	vpop (erf);
	(erf) = vrcp.f32 v0;
	v0 =	vmul.f32 $1.000000010e-01, v15  }
0x123: {  	[tilespmem:s4+$0x0] =	vst v3;
	v3 =	vmul.f32 $1.000000010e-01, v10  }
0x124: {  	v1 =	vpop (erf);
	[tilespmem:s4+$0xFFFFFFD0] =	vst v0;
	v0 =	vmul.f32 $1.000000010e-01, v2  }
0x125: {  	v6 =	vmul.f32 $1.000000010e-01, v6;
	[tilespmem:s4+$0x10] =	vst v3;
	v3 =	vmul.f32 $1.000000010e-01, v5;
	v5 =	vpop (erf)  }
0x126: {  	v2 =	vpop (erf);
	[tilespmem:s6+$0x20] =	vst v0;
	v0 =	vmul.f32 $1.000000010e-01, v5  }
0x127: {  	[tilespmem:s5+$0xFFFFFFD0] =	vst v6;
	v2 =	vmul.f32 $1.000000010e-01, v2  }
0x128: {  	[tilespmem:s6+$0xFFFFFFE0] =	vst v0;
	v0 =	vmul.f32 $1.000000010e-01, v1  }
0x129: {  	[tilespmem:s6+$0xFFFFFFC0] =	vst v2;
	v2 =	vmul.f32 $1.000000010e-01, v4  }
0x12a: {  	[tilespmem:s4+$0xFFFFFFF0] =	vst v3;
	v3 =	vpop (erf)  }
0x12b: {  	v1 =	vpop (erf);
	[tilespmem:s6+$0x0] =	vst v2;
	v2 =	vmul.f32 $1.000000010e-01, v3  }
0x12c: {  	[tilespmem:s6+$0x30] =	vst v0;
	v1 =	vmul.f32 $1.000000010e-01, v1;
	v0 =	vpop (erf)  }
0x12d: {  	[tilespmem:s6+$0xFFFFFFD0] =	vst v2;
	v0 =	vmul.f32 $1.000000010e-01, v0  }
0x12e: {  	[tilespmem:s6+$0x10] =	vst v1  }
0x12f: {  	[tilespmem:s6+$0xFFFFFFF0] =	vst v0  }
0x130: {  	s4 =	rddreg [dreg:$0x1e]  }
0x131: {  	s7 =	simm.s32 $0x3400;
	s6 =	rddreg [dreg:$0x1f]  }
0x132: {  	[hbm4b:s4+s25] =	stream.strided.scatter [tilespmem:s7], [sflag:$0x1], $0x200, s26, s25, $0x38;
	[tilespmem:$0x6800] =	vst v63  }
0x133: {  	s5 =	sld [smem:$0x7F5];
	s7 =	simm.s32 $0x3600  }
0x134: {  	[hbm4b:s6+s25] =	stream.strided.scatter [tilespmem:s7], [sflag:$0x1], $0x200, s26, s25, $0x38;
	[tilespmem:$0x6800] =	vst v63  }
0x135: {  	s6 =	simm.s32 $0x3800  }
0x136: {  	[hbm4b:s5+s25] =	stream.strided.scatter [tilespmem:s6], [sflag:$0x1], $0x200, s26, s25, $0x38;
	[tilespmem:$0x6800] =	vst v63  }
0x137: {  	_ =	swait.ge [sflag:s0], $0x680  }
0x138: {  	[sflag:s0] =	ssyncset.done $0x0  }
0x139: {  	s7 =	simm.s32 $0x1A00;
	s5 =	simm.s32 $0x3AF0;
	[sflag:s0] =	ssyncadd.s32 $0xFFFFF980  }
0x13a: {  	[tilespmem:s1], [sflag:$0x3] =	stream.indirect.gather [hbm4b:s20+s29], $0x1, s7, s29, $0xb8;
	[tilespmem:$0x6800] =	vst v63  }
0x13b: {  	v0 =	vld [tilespmem:s5+$0xFFFFFFA0]  }
0x13c: {  	v1 =	vld [tilespmem:s5+$0xFFFFFFF0]  }
0x13d: {  	v2 =	vld [tilespmem:s5+$0xFFFFFF90]  }
0x13e: {  	v3 =	vld [tilespmem:s5+$0x0]  }
0x13f: {  	v4 =	vld [tilespmem:s5+$0xFFFFFFD0]  }
0x140: {  	v5 =	vld [tilespmem:s5+$0xFFFFFFB0]  }
0x141: {  	v6 =	vld [tilespmem:s5+$0xFFFFFFC0]  }
0x142: {  	v1 =	vmul.f32 $-1.053605150e-01, v1  }
0x143: {  	v0 =	vmul.f32 $-1.053605150e-01, v0;
	v2 =	vmul.f32 $-1.053605150e-01, v2  }
0x144: {  	v4 =	vmul.f32 $-1.053605150e-01, v4;
	v3 =	vmul.f32 $-1.053605150e-01, v3  }
0x145: {  	v7 =	vld [tilespmem:s5+$0xFFFFFFE0];
	v5 =	vmul.f32 $-1.053605150e-01, v5;
	v1 =	vmul.f32 $1.442695020e+00, v1  }
0x146: {  	s4 =	simm.s32 $0x3B70;
	v6 =	vmul.f32 $-1.053605150e-01, v6;
	v4 =	vmul.f32 $1.442695020e+00, v4  }
0x147: {  	v8 =	vld [tilespmem:s4+$0xFFFFFFF0];
	v5 =	vmul.f32 $1.442695020e+00, v5;
	(erf) = vpow2.f32 v1  }
0x148: {  	v3 =	vmul.f32 $1.442695020e+00, v3;
	v1 =	vld [tilespmem:s4+$0xFFFFFFA0];
	(erf) = vpow2.f32 v4  }
0x149: {  	v2 =	vmul.f32 $1.442695020e+00, v2;
	v4 =	vld [tilespmem:s4+$0xFFFFFF90];
	(erf) = vpow2.f32 v5  }
0x14a: {  	v5 =	vmul.f32 $-1.053605150e-01, v7;
	v7 =	vld [tilespmem:s4+$0x0];
	(erf) = vpow2.f32 v3  }
0x14b: {  	v3 =	vmul.f32 $1.442695020e+00, v6;
	v6 =	vld [tilespmem:s4+$0xFFFFFFD0];
	(erf) = vpow2.f32 v2  }
0x14c: {  	v0 =	vmul.f32 $1.442695020e+00, v0;
	v5 =	vmul.f32 $1.442695020e+00, v5  }
0x14d: {  	v2 =	vmul.f32 $-1.053605150e-01, v8;
	(erf) = vpow2.f32 v3  }
0x14e: {  	v9 =	vld [tilespmem:s4+$0xFFFFFFC0];
	v1 =	vmul.f32 $-1.053605150e-01, v1;
	(erf) = vpow2.f32 v5  }
0x14f: {  	v3 =	vmul.f32 $-1.053605150e-01, v4;
	(erf) = vpow2.f32 v0  }
0x150: {  	v4 =	vmul.f32 $-1.053605150e-01, v6;
	v6 =	vmul.f32 $-1.053605150e-01, v7;
	v0 =	vpop (erf)  }
0x151: {  	v0 =	vsub.f32 $1.000000000e+00, v0;
	v8 =	vpop (erf)  }
0x152: {  	v2 =	vmul.f32 $1.442695020e+00, v2;
	v5 =	vld [tilespmem:s4+$0xFFFFFFB0];
	v10 =	vmul.f32 $1.442695020e+00, v1;
	v1 =	vpop (erf)  }
0x153: {  	v7 =	vmul.f32 $-1.053605150e-01, v9;
	v9 =	vld [tilespmem:s4+$0xFFFFFFE0];
	v8 =	vsub.f32 $1.000000000e+00, v8;
	v11 =	vpop (erf);
	(erf) = vrcp.f32 v0  }
0x154: {  	v1 =	vsub.f32 $1.000000000e+00, v1;
	(erf) = vpow2.f32 v2;
	v2 =	vmul.f32 $1.442695020e+00, v6;
	v6 =	vpop (erf)  }
0x155: {  	s6 =	simm.s32 $0x3BF0;
	v0 =	vmul.f32 $1.442695020e+00, v3;
	v3 =	vsub.f32 $1.000000000e+00, v11;
	v6 =	vsub.f32 $1.000000000e+00, v6  }
0x156: {  	v4 =	vmul.f32 $1.442695020e+00, v4;
	v11 =	vld [tilespmem:s6+$0xFFFFFFA0];
	(erf) = vrcp.f32 v8  }
0x157: {  	v5 =	vmul.f32 $-1.053605150e-01, v5;
	v12 =	vpop (erf);
	v8 =	vld [tilespmem:s6+$0xFFFFFF90];
	(erf) = vrcp.f32 v3  }
0x158: {  	v13 =	vld [tilespmem:s6+$0xFFFFFFD0];
	v3 =	vmul.f32 $-1.053605150e-01, v9;
	(erf) = vrcp.f32 v1;
	v1 =	vpop (erf)  }
0x159: {  	v5 =	vmul.f32 $1.442695020e+00, v5;
	v9 =	vld [tilespmem:s6+$0xFFFFFFF0];
	(erf) = vrcp.f32 v6;
	v6 =	vpop (erf)  }
0x15a: {  	v14 =	vmul.f32 $1.442695020e+00, v3;
	(erf) = vpow2.f32 v4;
	v4 =	vsub.f32 $1.000000000e+00, v6  }
0x15b: {  	v3 =	vld [tilespmem:s6+$0x0];
	v6 =	vmul.f32 $-1.053605150e-01, v11;
	(erf) = vpow2.f32 v5  }
0x15c: {  	v5 =	vmul.f32 $-1.053605150e-01, v8;
	(erf) = vrcp.f32 v4  }
0x15d: {  	v8 =	vld [tilespmem:s6+$0xFFFFFFC0];
	v11 =	vpop (erf);
	(erf) = vpow2.f32 v2;
	v2 =	vmul.f32 $-1.053605150e-01, v13  }
0x15e: {  	v7 =	vmul.f32 $1.442695020e+00, v7;
	v4 =	vmul.f32 $-1.053605150e-01, v9  }
0x15f: {  	v5 =	vmul.f32 $1.442695020e+00, v5;
	v9 =	vpop (erf);
	(erf) = vpow2.f32 v0  }
0x160: {  	v13 =	vmul.f32 $-1.053605150e-01, v3;
	v15 =	vmul.f32 $1.442695020e+00, v4;
	v3 =	vpop (erf)  }
0x161: {  	v1 =	vsub.f32 $1.000000000e+00, v1;
	v4 =	vmul.f32 $1.442695020e+00, v2;
	(erf) = vpow2.f32 v7;
	v7 =	vld [tilespmem:s6+$0xFFFFFFE0];
	v2 =	vpop (erf)  }
0x162: {  	v17 =	vmul.f32 $1.000000010e-01, v11;
	v61 =	vmul.f32 $-1.053605150e-01, v8;
	v8 =	vpop (erf)  }
0x163: {  	v18 =	vld [tilespmem:s6+$0xFFFFFFB0];
	v11 =	vsub.f32 $1.000000000e+00, v12;
	v0 =	vmul.f32 $1.442695020e+00, v6;
	(erf) = vrcp.f32 v1;
	v19 =	vpop (erf)  }
0x164: {  	v12 =	vsub.f32 $1.000000000e+00, v9;
	v9 =	vmul.f32 $1.442695020e+00, v13;
	(erf) = vpow2.f32 v14;
	v6 =	vpop (erf)  }
0x165: {  	v1 =	vmul.f32 $1.442695020e+00, v61;
	(erf) = vpow2.f32 v10;
	v14 =	vpop (erf)  }
0x166: {  	(erf) = vrcp.f32 v11;
	v7 =	vmul.f32 $-1.053605150e-01, v7;
	v10 =	vsub.f32 $1.000000000e+00, v6;
	v6 =	vpop (erf)  }
0x167: {  	v62 =	vmul.f32 $1.000000010e-01, v19;
	(erf) = vrcp.f32 v12;
	v13 =	vpop (erf)  }
0x168: {  	[tilespmem:s5+$0xFFFFFFF0] =	vst v17;
	v11 =	vsub.f32 $1.000000000e+00, v14;
	v14 =	vmul.f32 $-1.053605150e-01, v18;
	v7 =	vmul.f32 $1.442695020e+00, v7;
	v63 =	vpop (erf)  }
0x169: {  	s30 =	simm.s32 $0x780;
	s7 =	simm.s32 $0x3C70;
	(erf) = vpow2.f32 v15;
	[tilespmem:s5+$0xFFFFFF90] =	vst v62;
	v13 =	vsub.f32 $1.000000000e+00, v13;
	v12 =	vsub.f32 $1.000000000e+00, v63  }
.LBB2_4:
0x16a: {  	v15 =	vld [tilespmem:s7+$0xFFFFFFA0];
	s30 =	sadd.s32 $0x80, s30;
	v14 =	vmul.f32 $1.442695020e+00, v14;
	v16 =	vpop (erf);
	v18 =	vmul.f32 $1.000000010e-01, v8  }
0x16b: {  	v3 =	vmul.f32 $1.000000010e-01, v3;
	v17 =	vld [tilespmem:s7+$0xFFFFFFF0];
	p0 =	slt.u32 s30, $0xC80;
	v16 =	vsub.f32 $1.000000000e+00, v16;
	(erf) = vrcp.f32 v10  }
0x16c: {  	v2 =	vmul.f32 $1.000000010e-01, v2;
	v10 =	vld [tilespmem:s7+$0xFFFFFF90];
	(erf) = vrcp.f32 v13;
	[tilespmem:s5+$0xFFFFFFB0] =	vst v18;
	v8 =	vpop (erf)  }
0x16d: {  	v13 =	vld [tilespmem:s7+$0x0];
	(erf) = vrcp.f32 v11;
	v11 =	vpop (erf);
	[tilespmem:s5+$0xFFFFFFD0] =	vst v3;
	v19 =	vmul.f32 $1.000000010e-01, v8  }
0x16e: {  	v6 =	vmul.f32 $1.000000010e-01, v6;
	v8 =	vld [tilespmem:s7+$0xFFFFFFD0];
	v11 =	vsub.f32 $1.000000000e+00, v11;
	(erf) = vrcp.f32 v12;
	v12 =	vpop (erf);
	[tilespmem:s5+$0x0] =	vst v2  }
0x16f: {  	v15 =	vmul.f32 $-1.053605150e-01, v15;
	v18 =	vld [tilespmem:s7+$0xFFFFFFE0];
	(erf) = vpow2.f32 v4;
	v2 =	vsub.f32 $1.000000000e+00, v12;
	[tilespmem:s5+$0xFFFFFFE0] =	vst v19;
	v3 =	vpop (erf)  }
0x170: {  	v12 =	vld [tilespmem:s7+$0xFFFFFFB0];
	(erf) = vpow2.f32 v14;
	v3 =	vmul.f32 $1.000000010e-01, v3  }
0x171: {  	v10 =	vmul.f32 $-1.053605150e-01, v10;
	v14 =	vld [tilespmem:s7+$0xFFFFFFC0];
	(erf) = vrcp.f32 v2;
	v19 =	vpop (erf);
	[tilespmem:s5+$0xFFFFFFA0] =	vst v6  }
0x172: {  	v20 =	vmul.f32 $-1.053605150e-01, v17;
	v6 =	vpop (erf);
	(erf) = vpow2.f32 v9;
	[tilespmem:s5+$0xFFFFFFC0] =	vst v3;
	s5 =	smov.u32 s4;
	s4 =	smov.u32 s6;
	s6 =	smov.u32 s7  }
0x173: {  	v4 =	vmul.f32 $-1.053605150e-01, v8;
	(erf) = vpow2.f32 v5  }
0x174: {  	v17 =	vmul.f32 $1.442695020e+00, v20;
	v9 =	vmul.f32 $-1.053605150e-01, v13;
	v3 =	vpop (erf)  }
0x175: {  	v4 =	vmul.f32 $1.442695020e+00, v4;
	(erf) = vpow2.f32 v1;
	v2 =	vpop (erf)  }
0x176: {  	v13 =	vmul.f32 $1.000000010e-01, v19;
	v1 =	vmul.f32 $-1.053605150e-01, v14;
	v8 =	vpop (erf)  }
0x177: {  	v14 =	vmul.f32 $1.442695020e+00, v15;
	v15 =	vsub.f32 $1.000000000e+00, v6;
	v19 =	vpop (erf);
	(erf) = vrcp.f32 v11  }
0x178: {  	v1 =	vmul.f32 $1.442695020e+00, v1;
	v6 =	vpop (erf);
	(erf) = vpow2.f32 v7  }
.Ltmp1:
0x179: {  	v5 =	vmul.f32 $1.442695020e+00, v10;
	v10 =	vsub.f32 $1.000000000e+00, v6;
	(erf) = vpow2.f32 v0;
	v7 =	vpop (erf);
	(pc) =	sbr.rel @p0 .LBB2_4-.Ltmp1, $4  }
0x17a: {  	v9 =	vmul.f32 $1.442695020e+00, v9;
	v0 =	vmov v14;
	[tilespmem:s5+$0xFFFFFFF0] =	vst v13;
	v6 =	vpop (erf);
	(erf) = vrcp.f32 v16  }
0x17b: {  	v16 =	vmul.f32 $-1.053605150e-01, v18;
	v11 =	vsub.f32 $1.000000000e+00, v7;
	v18 =	vmul.f32 $1.000000010e-01, v19;
	v7 =	vpop (erf)  }
0x17c: {  	v14 =	vmul.f32 $-1.053605150e-01, v12;
	v13 =	vsub.f32 $1.000000000e+00, v7;
	v12 =	vpop (erf);
	(erf) = vrcp.f32 v15  }
0x17d: {  	s7 =	sadd.s32 $0x80, s7;
	v7 =	vmul.f32 $1.442695020e+00, v16;
	(erf) = vpow2.f32 v17;
	v12 =	vsub.f32 $1.000000000e+00, v12;
	[tilespmem:s5+$0xFFFFFF90] =	vst v18  }
0x17e: {  	_ = 	snop  }
0x17f: {  	v15 =	vpop (erf);
	(erf) = vrcp.f32 v10  }
0x180: {  	(erf) = vrcp.f32 v13;
	v10 =	vpop (erf)  }
0x181: {  	(erf) = vrcp.f32 v11;
	v11 =	vpop (erf)  }
0x182: {  	(erf) = vrcp.f32 v12;
	v12 =	vpop (erf)  }
0x183: {  	v13 =	vmul.f32 $1.442695020e+00, v14;
	(erf) = vpow2.f32 v4;
	v4 =	vsub.f32 $1.000000000e+00, v12;
	_ =	sdelay $0x1  }
0x184: {  	(erf) = vpow2.f32 v13  }
0x185: {  	v12 =	vpop (erf);
	(erf) = vrcp.f32 v4  }
0x186: {  	v4 =	vpop (erf);
	(erf) = vpow2.f32 v9;
	v9 =	vsub.f32 $1.000000000e+00, v11  }
0x187: {  	v11 =	vpop (erf);
	(erf) = vpow2.f32 v5  }
0x188: {  	v5 =	vpop (erf);
	(erf) = vpow2.f32 v1  }
0x189: {  	v1 =	vpop (erf)  }
0x18a: {  	(erf) = vrcp.f32 v9;
	v9 =	vpop (erf)  }
0x18b: {  	v13 =	vsub.f32 $1.000000000e+00, v15;
	(erf) = vpow2.f32 v7;
	v7 =	vpop (erf)  }
0x18c: {  	(erf) = vpow2.f32 v0;
	v0 =	vpop (erf)  }
0x18d: {  	v11 =	vsub.f32 $1.000000000e+00, v11;
	v14 =	vpop (erf)  }
0x18e: {  	v8 =	vmul.f32 $1.000000010e-01, v8;
	v15 =	vpop (erf)  }
0x18f: {  	v3 =	vmul.f32 $1.000000010e-01, v3;
	v0 =	vsub.f32 $1.000000000e+00, v0;
	(erf) = vrcp.f32 v13;
	v13 =	vpop (erf)  }
0x190: {  	v2 =	vmul.f32 $1.000000010e-01, v2;
	(erf) = vrcp.f32 v11;
	v16 =	vpop (erf)  }
0x191: {  	[tilespmem:s5+$0xFFFFFFD0] =	vst v3;
	v13 =	vsub.f32 $1.000000000e+00, v13;
	v11 =	vpop (erf);
	(erf) = vrcp.f32 v0;
	v3 =	vsub.f32 $1.000000000e+00, v16  }
0x192: {  	[tilespmem:s5+$0xFFFFFFB0] =	vst v8;
	v8 =	vsub.f32 $1.000000000e+00, v14;
	v0 =	vmul.f32 $1.000000010e-01, v10  }
0x193: {  	[tilespmem:s5+$0x0] =	vst v2;
	v4 =	vmul.f32 $1.000000010e-01, v4;
	(erf) = vrcp.f32 v13;
	v10 =	vpop (erf)  }
0x194: {  	(erf) = vrcp.f32 v8;
	v2 =	vpop (erf);
	[tilespmem:s5+$0xFFFFFFE0] =	vst v0;
	v0 =	vmul.f32 $1.000000010e-01, v12  }
0x195: {  	[tilespmem:s4+$0xFFFFFFF0] =	vst v4;
	(erf) = vrcp.f32 v3;
	v2 =	vsub.f32 $1.000000000e+00, v2;
	v3 =	vpop (erf)  }
0x196: {  	v4 =	vmul.f32 $1.000000010e-01, v9;
	[tilespmem:s5+$0xFFFFFFC0] =	vst v0;
	v0 =	vmul.f32 $1.000000010e-01, v7;
	v3 =	vsub.f32 $1.000000000e+00, v3  }
0x197: {  	v1 =	vmul.f32 $1.000000010e-01, v1  }
0x198: {  	[tilespmem:s4+$0xFFFFFF90] =	vst v0;
	v0 =	vsub.f32 $1.000000000e+00, v11;
	(erf) = vrcp.f32 v3;
	v3 =	vmul.f32 $1.000000010e-01, v5;
	v5 =	vpop (erf)  }
0x199: {  	[tilespmem:s4+$0x0] =	vst v1;
	(erf) = vrcp.f32 v2;
	v2 =	vpop (erf)  }
0x19a: {  	[tilespmem:s4+$0xFFFFFFB0] =	vst v4;
	v4 =	vpop (erf);
	(erf) = vrcp.f32 v0;
	v0 =	vmul.f32 $1.000000010e-01, v15  }
0x19b: {  	[tilespmem:s4+$0xFFFFFFD0] =	vst v3;
	v3 =	vmul.f32 $1.000000010e-01, v10  }
0x19c: {  	v1 =	vpop (erf);
	[tilespmem:s4+$0xFFFFFFA0] =	vst v0;
	v0 =	vmul.f32 $1.000000010e-01, v2  }
0x19d: {  	v6 =	vmul.f32 $1.000000010e-01, v6;
	[tilespmem:s4+$0xFFFFFFE0] =	vst v3;
	v3 =	vmul.f32 $1.000000010e-01, v5;
	v5 =	vpop (erf)  }
0x19e: {  	v2 =	vpop (erf);
	[tilespmem:s6+$0xFFFFFFF0] =	vst v0;
	v0 =	vmul.f32 $1.000000010e-01, v5  }
0x19f: {  	[tilespmem:s5+$0xFFFFFFA0] =	vst v6;
	v2 =	vmul.f32 $1.000000010e-01, v2  }
0x1a0: {  	[tilespmem:s6+$0xFFFFFFB0] =	vst v0;
	v0 =	vmul.f32 $1.000000010e-01, v1  }
0x1a1: {  	[tilespmem:s6+$0xFFFFFF90] =	vst v2;
	v2 =	vmul.f32 $1.000000010e-01, v4  }
0x1a2: {  	[tilespmem:s4+$0xFFFFFFC0] =	vst v3;
	v3 =	vpop (erf)  }
0x1a3: {  	v1 =	vpop (erf);
	[tilespmem:s6+$0xFFFFFFD0] =	vst v2;
	v2 =	vmul.f32 $1.000000010e-01, v3  }
0x1a4: {  	[tilespmem:s6+$0x0] =	vst v0;
	v1 =	vmul.f32 $1.000000010e-01, v1;
	v0 =	vpop (erf)  }
0x1a5: {  	[tilespmem:s6+$0xFFFFFFA0] =	vst v2;
	v0 =	vmul.f32 $1.000000010e-01, v0  }
0x1a6: {  	[tilespmem:s6+$0xFFFFFFE0] =	vst v1  }
0x1a7: {  	[tilespmem:s6+$0xFFFFFFC0] =	vst v0  }
0x1a8: {  	s4 =	sld [smem:$0x7F6];
	_ =	sdelay $0x1  }
0x1a9: {  	s7 =	simm.s32 $0x3A00;
	s6 =	sld [smem:$0x7F7]  }
0x1aa: {  	[hbm4b:s4+s25] =	stream.strided.scatter [tilespmem:s7], [sflag:$0x1], $0x200, s26, s25, $0x38;
	[tilespmem:$0x6800] =	vst v63  }
0x1ab: {  	s7 =	simm.s32 $0x3C00  }
0x1ac: {  	[hbm4b:s6+s25] =	stream.strided.scatter [tilespmem:s7], [sflag:$0x1], $0x200, s26, s25, $0x38;
	[tilespmem:$0x6800] =	vst v63  }
0x1ad: {  	s6 =	sld [smem:$0x7F8];
	_ =	sdelay $0x1  }
0x1ae: {  	s7 =	simm.s32 $0x3E00  }
0x1af: {  	[hbm4b:s6+s25] =	stream.strided.scatter [tilespmem:s7], [sflag:$0x1], $0x200, s26, s25, $0x38;
	[tilespmem:$0x6800] =	vst v63  }
0x1b0: {  	_ =	swait.ge [sflag:s2], $0x680  }
0x1b1: {  	s5 =	simm.s32 $0x4170;
	[sflag:s2] =	ssyncset.done $0x0  }
0x1b2: {  	s6 =	simm.s32 $0x2080;
	s7 =	simm.s32 $0x5480;
	[sflag:s2] =	ssyncadd.s32 $0xFFFFF980  }
0x1b3: {  	[tilespmem:s7], [sflag:$0x4] =	stream.indirect.gather [hbm4b:s20+s29], $0x1, s6, s29, $0xb8;
	[tilespmem:$0x6800] =	vst v63  }
0x1b4: {  	v0 =	vld [tilespmem:s5+$0xFFFFFFA0]  }
0x1b5: {  	v1 =	vld [tilespmem:s5+$0xFFFFFFF0]  }
0x1b6: {  	v2 =	vld [tilespmem:s5+$0xFFFFFF90]  }
0x1b7: {  	v3 =	vld [tilespmem:s5+$0x0]  }
0x1b8: {  	v4 =	vld [tilespmem:s5+$0xFFFFFFD0]  }
0x1b9: {  	v5 =	vld [tilespmem:s5+$0xFFFFFFB0]  }
0x1ba: {  	v6 =	vld [tilespmem:s5+$0xFFFFFFC0]  }
0x1bb: {  	v1 =	vmul.f32 $-1.053605150e-01, v1  }
0x1bc: {  	v0 =	vmul.f32 $-1.053605150e-01, v0;
	v2 =	vmul.f32 $-1.053605150e-01, v2  }
0x1bd: {  	v4 =	vmul.f32 $-1.053605150e-01, v4;
	v3 =	vmul.f32 $-1.053605150e-01, v3  }
0x1be: {  	v7 =	vld [tilespmem:s5+$0xFFFFFFE0];
	v5 =	vmul.f32 $-1.053605150e-01, v5;
	v1 =	vmul.f32 $1.442695020e+00, v1  }
0x1bf: {  	s4 =	simm.s32 $0x41F0;
	v6 =	vmul.f32 $-1.053605150e-01, v6;
	v4 =	vmul.f32 $1.442695020e+00, v4  }
0x1c0: {  	v8 =	vld [tilespmem:s4+$0xFFFFFFF0];
	v5 =	vmul.f32 $1.442695020e+00, v5;
	(erf) = vpow2.f32 v1  }
0x1c1: {  	v3 =	vmul.f32 $1.442695020e+00, v3;
	v1 =	vld [tilespmem:s4+$0xFFFFFFA0];
	(erf) = vpow2.f32 v4  }
0x1c2: {  	v2 =	vmul.f32 $1.442695020e+00, v2;
	v4 =	vld [tilespmem:s4+$0xFFFFFF90];
	(erf) = vpow2.f32 v5  }
0x1c3: {  	v5 =	vmul.f32 $-1.053605150e-01, v7;
	v7 =	vld [tilespmem:s4+$0x0];
	(erf) = vpow2.f32 v3  }
0x1c4: {  	v3 =	vmul.f32 $1.442695020e+00, v6;
	v6 =	vld [tilespmem:s4+$0xFFFFFFD0];
	(erf) = vpow2.f32 v2  }
0x1c5: {  	v0 =	vmul.f32 $1.442695020e+00, v0;
	v5 =	vmul.f32 $1.442695020e+00, v5  }
0x1c6: {  	v2 =	vmul.f32 $-1.053605150e-01, v8;
	(erf) = vpow2.f32 v3  }
0x1c7: {  	v9 =	vld [tilespmem:s4+$0xFFFFFFC0];
	v1 =	vmul.f32 $-1.053605150e-01, v1;
	(erf) = vpow2.f32 v5  }
0x1c8: {  	v3 =	vmul.f32 $-1.053605150e-01, v4;
	(erf) = vpow2.f32 v0  }
0x1c9: {  	v4 =	vmul.f32 $-1.053605150e-01, v6;
	v6 =	vmul.f32 $-1.053605150e-01, v7;
	v0 =	vpop (erf)  }
0x1ca: {  	v0 =	vsub.f32 $1.000000000e+00, v0;
	v8 =	vpop (erf)  }
0x1cb: {  	v2 =	vmul.f32 $1.442695020e+00, v2;
	v5 =	vld [tilespmem:s4+$0xFFFFFFB0];
	v10 =	vmul.f32 $1.442695020e+00, v1;
	v1 =	vpop (erf)  }
0x1cc: {  	v7 =	vmul.f32 $-1.053605150e-01, v9;
	v9 =	vld [tilespmem:s4+$0xFFFFFFE0];
	v8 =	vsub.f32 $1.000000000e+00, v8;
	v11 =	vpop (erf);
	(erf) = vrcp.f32 v0  }
0x1cd: {  	v1 =	vsub.f32 $1.000000000e+00, v1;
	(erf) = vpow2.f32 v2;
	v2 =	vmul.f32 $1.442695020e+00, v6;
	v6 =	vpop (erf)  }
0x1ce: {  	s6 =	simm.s32 $0x4270;
	v0 =	vmul.f32 $1.442695020e+00, v3;
	v3 =	vsub.f32 $1.000000000e+00, v11;
	v6 =	vsub.f32 $1.000000000e+00, v6  }
0x1cf: {  	v4 =	vmul.f32 $1.442695020e+00, v4;
	v11 =	vld [tilespmem:s6+$0xFFFFFFA0];
	(erf) = vrcp.f32 v8  }
0x1d0: {  	v5 =	vmul.f32 $-1.053605150e-01, v5;
	v12 =	vpop (erf);
	v8 =	vld [tilespmem:s6+$0xFFFFFF90];
	(erf) = vrcp.f32 v3  }
0x1d1: {  	v13 =	vld [tilespmem:s6+$0xFFFFFFD0];
	v3 =	vmul.f32 $-1.053605150e-01, v9;
	(erf) = vrcp.f32 v1;
	v1 =	vpop (erf)  }
0x1d2: {  	v5 =	vmul.f32 $1.442695020e+00, v5;
	v9 =	vld [tilespmem:s6+$0xFFFFFFF0];
	(erf) = vrcp.f32 v6;
	v6 =	vpop (erf)  }
0x1d3: {  	v14 =	vmul.f32 $1.442695020e+00, v3;
	(erf) = vpow2.f32 v4;
	v4 =	vsub.f32 $1.000000000e+00, v6  }
0x1d4: {  	v3 =	vld [tilespmem:s6+$0x0];
	v6 =	vmul.f32 $-1.053605150e-01, v11;
	(erf) = vpow2.f32 v5  }
0x1d5: {  	v5 =	vmul.f32 $-1.053605150e-01, v8;
	(erf) = vrcp.f32 v4  }
0x1d6: {  	v8 =	vld [tilespmem:s6+$0xFFFFFFC0];
	v11 =	vpop (erf);
	(erf) = vpow2.f32 v2;
	v2 =	vmul.f32 $-1.053605150e-01, v13  }
0x1d7: {  	v7 =	vmul.f32 $1.442695020e+00, v7;
	v4 =	vmul.f32 $-1.053605150e-01, v9  }
0x1d8: {  	v5 =	vmul.f32 $1.442695020e+00, v5;
	v9 =	vpop (erf);
	(erf) = vpow2.f32 v0  }
0x1d9: {  	v13 =	vmul.f32 $-1.053605150e-01, v3;
	v15 =	vmul.f32 $1.442695020e+00, v4;
	v3 =	vpop (erf)  }
0x1da: {  	v1 =	vsub.f32 $1.000000000e+00, v1;
	v4 =	vmul.f32 $1.442695020e+00, v2;
	(erf) = vpow2.f32 v7;
	v7 =	vld [tilespmem:s6+$0xFFFFFFE0];
	v2 =	vpop (erf)  }
0x1db: {  	v17 =	vmul.f32 $1.000000010e-01, v11;
	v61 =	vmul.f32 $-1.053605150e-01, v8;
	v8 =	vpop (erf)  }
0x1dc: {  	v18 =	vld [tilespmem:s6+$0xFFFFFFB0];
	v11 =	vsub.f32 $1.000000000e+00, v12;
	v0 =	vmul.f32 $1.442695020e+00, v6;
	(erf) = vrcp.f32 v1;
	v19 =	vpop (erf)  }
0x1dd: {  	v12 =	vsub.f32 $1.000000000e+00, v9;
	v9 =	vmul.f32 $1.442695020e+00, v13;
	(erf) = vpow2.f32 v14;
	v6 =	vpop (erf)  }
0x1de: {  	v1 =	vmul.f32 $1.442695020e+00, v61;
	(erf) = vpow2.f32 v10;
	v14 =	vpop (erf)  }
0x1df: {  	(erf) = vrcp.f32 v11;
	v7 =	vmul.f32 $-1.053605150e-01, v7;
	v10 =	vsub.f32 $1.000000000e+00, v6;
	v6 =	vpop (erf)  }
0x1e0: {  	v62 =	vmul.f32 $1.000000010e-01, v19;
	(erf) = vrcp.f32 v12;
	v13 =	vpop (erf)  }
0x1e1: {  	[tilespmem:s5+$0xFFFFFFF0] =	vst v17;
	v11 =	vsub.f32 $1.000000000e+00, v14;
	v14 =	vmul.f32 $-1.053605150e-01, v18;
	v7 =	vmul.f32 $1.442695020e+00, v7;
	v63 =	vpop (erf)  }
0x1e2: {  	s30 =	simm.s32 $0xE00;
	s7 =	simm.s32 $0x42F0;
	(erf) = vpow2.f32 v15;
	[tilespmem:s5+$0xFFFFFF90] =	vst v62;
	v13 =	vsub.f32 $1.000000000e+00, v13;
	v12 =	vsub.f32 $1.000000000e+00, v63  }
.LBB2_6:
0x1e3: {  	v15 =	vld [tilespmem:s7+$0xFFFFFFA0];
	s30 =	sadd.s32 $0x80, s30;
	v14 =	vmul.f32 $1.442695020e+00, v14;
	v16 =	vpop (erf);
	v18 =	vmul.f32 $1.000000010e-01, v8  }
0x1e4: {  	v3 =	vmul.f32 $1.000000010e-01, v3;
	v17 =	vld [tilespmem:s7+$0xFFFFFFF0];
	p0 =	slt.u32 s30, $0x1300;
	v16 =	vsub.f32 $1.000000000e+00, v16;
	(erf) = vrcp.f32 v10  }
0x1e5: {  	v2 =	vmul.f32 $1.000000010e-01, v2;
	v10 =	vld [tilespmem:s7+$0xFFFFFF90];
	(erf) = vrcp.f32 v13;
	[tilespmem:s5+$0xFFFFFFB0] =	vst v18;
	v8 =	vpop (erf)  }
0x1e6: {  	v13 =	vld [tilespmem:s7+$0x0];
	(erf) = vrcp.f32 v11;
	v11 =	vpop (erf);
	[tilespmem:s5+$0xFFFFFFD0] =	vst v3;
	v19 =	vmul.f32 $1.000000010e-01, v8  }
0x1e7: {  	v6 =	vmul.f32 $1.000000010e-01, v6;
	v8 =	vld [tilespmem:s7+$0xFFFFFFD0];
	v11 =	vsub.f32 $1.000000000e+00, v11;
	(erf) = vrcp.f32 v12;
	v12 =	vpop (erf);
	[tilespmem:s5+$0x0] =	vst v2  }
0x1e8: {  	v15 =	vmul.f32 $-1.053605150e-01, v15;
	v18 =	vld [tilespmem:s7+$0xFFFFFFE0];
	(erf) = vpow2.f32 v4;
	v2 =	vsub.f32 $1.000000000e+00, v12;
	[tilespmem:s5+$0xFFFFFFE0] =	vst v19;
	v3 =	vpop (erf)  }
0x1e9: {  	v12 =	vld [tilespmem:s7+$0xFFFFFFB0];
	(erf) = vpow2.f32 v14;
	v3 =	vmul.f32 $1.000000010e-01, v3  }
0x1ea: {  	v10 =	vmul.f32 $-1.053605150e-01, v10;
	v14 =	vld [tilespmem:s7+$0xFFFFFFC0];
	(erf) = vrcp.f32 v2;
	v19 =	vpop (erf);
	[tilespmem:s5+$0xFFFFFFA0] =	vst v6  }
0x1eb: {  	v20 =	vmul.f32 $-1.053605150e-01, v17;
	v6 =	vpop (erf);
	(erf) = vpow2.f32 v9;
	[tilespmem:s5+$0xFFFFFFC0] =	vst v3;
	s5 =	smov.u32 s4;
	s4 =	smov.u32 s6;
	s6 =	smov.u32 s7  }
0x1ec: {  	v4 =	vmul.f32 $-1.053605150e-01, v8;
	(erf) = vpow2.f32 v5  }
0x1ed: {  	v17 =	vmul.f32 $1.442695020e+00, v20;
	v9 =	vmul.f32 $-1.053605150e-01, v13;
	v3 =	vpop (erf)  }
0x1ee: {  	v4 =	vmul.f32 $1.442695020e+00, v4;
	(erf) = vpow2.f32 v1;
	v2 =	vpop (erf)  }
0x1ef: {  	v13 =	vmul.f32 $1.000000010e-01, v19;
	v1 =	vmul.f32 $-1.053605150e-01, v14;
	v8 =	vpop (erf)  }
0x1f0: {  	v14 =	vmul.f32 $1.442695020e+00, v15;
	v15 =	vsub.f32 $1.000000000e+00, v6;
	v19 =	vpop (erf);
	(erf) = vrcp.f32 v11  }
0x1f1: {  	v1 =	vmul.f32 $1.442695020e+00, v1;
	v6 =	vpop (erf);
	(erf) = vpow2.f32 v7  }
.Ltmp2:
0x1f2: {  	v5 =	vmul.f32 $1.442695020e+00, v10;
	v10 =	vsub.f32 $1.000000000e+00, v6;
	(erf) = vpow2.f32 v0;
	v7 =	vpop (erf);
	(pc) =	sbr.rel @p0 .LBB2_6-.Ltmp2, $4  }
0x1f3: {  	v9 =	vmul.f32 $1.442695020e+00, v9;
	v0 =	vmov v14;
	[tilespmem:s5+$0xFFFFFFF0] =	vst v13;
	v6 =	vpop (erf);
	(erf) = vrcp.f32 v16  }
0x1f4: {  	v16 =	vmul.f32 $-1.053605150e-01, v18;
	v11 =	vsub.f32 $1.000000000e+00, v7;
	v18 =	vmul.f32 $1.000000010e-01, v19;
	v7 =	vpop (erf)  }
0x1f5: {  	v14 =	vmul.f32 $-1.053605150e-01, v12;
	v13 =	vsub.f32 $1.000000000e+00, v7;
	v12 =	vpop (erf);
	(erf) = vrcp.f32 v15  }
0x1f6: {  	s7 =	sadd.s32 $0x80, s7;
	v7 =	vmul.f32 $1.442695020e+00, v16;
	(erf) = vpow2.f32 v17;
	v12 =	vsub.f32 $1.000000000e+00, v12;
	[tilespmem:s5+$0xFFFFFF90] =	vst v18  }
0x1f7: {  	_ = 	snop  }
0x1f8: {  	v15 =	vpop (erf);
	(erf) = vrcp.f32 v10  }
0x1f9: {  	(erf) = vrcp.f32 v13;
	v10 =	vpop (erf)  }
0x1fa: {  	(erf) = vrcp.f32 v11;
	v11 =	vpop (erf)  }
0x1fb: {  	(erf) = vrcp.f32 v12;
	v12 =	vpop (erf)  }
0x1fc: {  	v13 =	vmul.f32 $1.442695020e+00, v14;
	(erf) = vpow2.f32 v4;
	v4 =	vsub.f32 $1.000000000e+00, v12;
	_ =	sdelay $0x1  }
0x1fd: {  	(erf) = vpow2.f32 v13  }
0x1fe: {  	v12 =	vpop (erf);
	(erf) = vrcp.f32 v4  }
0x1ff: {  	v4 =	vpop (erf);
	(erf) = vpow2.f32 v9;
	v9 =	vsub.f32 $1.000000000e+00, v11  }
0x200: {  	v11 =	vpop (erf);
	(erf) = vpow2.f32 v5  }
0x201: {  	v5 =	vpop (erf);
	(erf) = vpow2.f32 v1  }
0x202: {  	v1 =	vpop (erf)  }
0x203: {  	(erf) = vrcp.f32 v9;
	v9 =	vpop (erf)  }
0x204: {  	v13 =	vsub.f32 $1.000000000e+00, v15;
	(erf) = vpow2.f32 v7;
	v7 =	vpop (erf)  }
0x205: {  	(erf) = vpow2.f32 v0;
	v0 =	vpop (erf)  }
0x206: {  	v11 =	vsub.f32 $1.000000000e+00, v11;
	v14 =	vpop (erf)  }
0x207: {  	v8 =	vmul.f32 $1.000000010e-01, v8;
	v15 =	vpop (erf)  }
0x208: {  	v3 =	vmul.f32 $1.000000010e-01, v3;
	v0 =	vsub.f32 $1.000000000e+00, v0;
	(erf) = vrcp.f32 v13;
	v13 =	vpop (erf)  }
0x209: {  	v2 =	vmul.f32 $1.000000010e-01, v2;
	(erf) = vrcp.f32 v11;
	v16 =	vpop (erf)  }
0x20a: {  	[tilespmem:s5+$0xFFFFFFD0] =	vst v3;
	v13 =	vsub.f32 $1.000000000e+00, v13;
	v11 =	vpop (erf);
	(erf) = vrcp.f32 v0;
	v3 =	vsub.f32 $1.000000000e+00, v16  }
0x20b: {  	[tilespmem:s5+$0xFFFFFFB0] =	vst v8;
	v8 =	vsub.f32 $1.000000000e+00, v14;
	v0 =	vmul.f32 $1.000000010e-01, v10  }
0x20c: {  	[tilespmem:s5+$0x0] =	vst v2;
	v4 =	vmul.f32 $1.000000010e-01, v4;
	(erf) = vrcp.f32 v13;
	v10 =	vpop (erf)  }
0x20d: {  	(erf) = vrcp.f32 v8;
	v2 =	vpop (erf);
	[tilespmem:s5+$0xFFFFFFE0] =	vst v0;
	v0 =	vmul.f32 $1.000000010e-01, v12  }
0x20e: {  	[tilespmem:s4+$0xFFFFFFF0] =	vst v4;
	(erf) = vrcp.f32 v3;
	v2 =	vsub.f32 $1.000000000e+00, v2;
	v3 =	vpop (erf)  }
0x20f: {  	v4 =	vmul.f32 $1.000000010e-01, v9;
	[tilespmem:s5+$0xFFFFFFC0] =	vst v0;
	v0 =	vmul.f32 $1.000000010e-01, v7;
	v3 =	vsub.f32 $1.000000000e+00, v3  }
0x210: {  	v1 =	vmul.f32 $1.000000010e-01, v1  }
0x211: {  	[tilespmem:s4+$0xFFFFFF90] =	vst v0;
	v0 =	vsub.f32 $1.000000000e+00, v11;
	(erf) = vrcp.f32 v3;
	v3 =	vmul.f32 $1.000000010e-01, v5;
	v5 =	vpop (erf)  }
0x212: {  	[tilespmem:s4+$0x0] =	vst v1;
	(erf) = vrcp.f32 v2;
	v2 =	vpop (erf)  }
0x213: {  	[tilespmem:s4+$0xFFFFFFB0] =	vst v4;
	v4 =	vpop (erf);
	(erf) = vrcp.f32 v0;
	v0 =	vmul.f32 $1.000000010e-01, v15  }
0x214: {  	[tilespmem:s4+$0xFFFFFFD0] =	vst v3;
	v3 =	vmul.f32 $1.000000010e-01, v10  }
0x215: {  	v1 =	vpop (erf);
	[tilespmem:s4+$0xFFFFFFA0] =	vst v0;
	v0 =	vmul.f32 $1.000000010e-01, v2  }
0x216: {  	v6 =	vmul.f32 $1.000000010e-01, v6;
	[tilespmem:s4+$0xFFFFFFE0] =	vst v3;
	v3 =	vmul.f32 $1.000000010e-01, v5;
	v5 =	vpop (erf)  }
0x217: {  	v2 =	vpop (erf);
	[tilespmem:s6+$0xFFFFFFF0] =	vst v0;
	v0 =	vmul.f32 $1.000000010e-01, v5  }
0x218: {  	[tilespmem:s5+$0xFFFFFFA0] =	vst v6;
	v2 =	vmul.f32 $1.000000010e-01, v2  }
0x219: {  	[tilespmem:s6+$0xFFFFFFB0] =	vst v0;
	v0 =	vmul.f32 $1.000000010e-01, v1  }
0x21a: {  	[tilespmem:s6+$0xFFFFFF90] =	vst v2;
	v2 =	vmul.f32 $1.000000010e-01, v4  }
0x21b: {  	[tilespmem:s4+$0xFFFFFFC0] =	vst v3;
	v3 =	vpop (erf)  }
0x21c: {  	v1 =	vpop (erf);
	[tilespmem:s6+$0xFFFFFFD0] =	vst v2;
	v2 =	vmul.f32 $1.000000010e-01, v3  }
0x21d: {  	[tilespmem:s6+$0x0] =	vst v0;
	v1 =	vmul.f32 $1.000000010e-01, v1;
	v0 =	vpop (erf)  }
0x21e: {  	[tilespmem:s6+$0xFFFFFFA0] =	vst v2;
	v0 =	vmul.f32 $1.000000010e-01, v0  }
0x21f: {  	[tilespmem:s6+$0xFFFFFFE0] =	vst v1  }
0x220: {  	[tilespmem:s6+$0xFFFFFFC0] =	vst v0  }
0x221: {  	s4 =	sld [smem:$0x7F9];
	_ =	sdelay $0x1  }
0x222: {  	s7 =	simm.s32 $0x4000;
	s6 =	sld [smem:$0x7FA]  }
0x223: {  	[hbm4b:s4+s25] =	stream.strided.scatter [tilespmem:s7], [sflag:$0x1], $0x200, s26, s25, $0x38;
	[tilespmem:$0x6800] =	vst v63  }
0x224: {  	s7 =	simm.s32 $0x4200  }
0x225: {  	[hbm4b:s6+s25] =	stream.strided.scatter [tilespmem:s7], [sflag:$0x1], $0x200, s26, s25, $0x38;
	[tilespmem:$0x6800] =	vst v63  }
0x226: {  	s6 =	sld [smem:$0x7FB];
	_ =	sdelay $0x1  }
0x227: {  	s7 =	simm.s32 $0x4400  }
0x228: {  	[hbm4b:s6+s25] =	stream.strided.scatter [tilespmem:s7], [sflag:$0x1], $0x200, s26, s25, $0x38;
	[tilespmem:$0x6800] =	vst v63  }
0x229: {  	_ =	swait.ge [sflag:s31], $0x680  }
0x22a: {  	s5 =	simm.s32 $0x47F0;
	[sflag:s31] =	ssyncset.done $0x0  }
0x22b: {  	s6 =	simm.s32 $0x2700;
	s7 =	simm.s32 $0x5B00;
	[sflag:s31] =	ssyncadd.s32 $0xFFFFF980  }
0x22c: {  	[tilespmem:s7], [sflag:$0x2] =	stream.indirect.gather [hbm4b:s20+s29], $0x1, s6, s29, $0xb8;
	[tilespmem:$0x6800] =	vst v63  }
0x22d: {  	v0 =	vld [tilespmem:s5+$0xFFFFFFA0]  }
0x22e: {  	v1 =	vld [tilespmem:s5+$0xFFFFFFF0]  }
0x22f: {  	v2 =	vld [tilespmem:s5+$0xFFFFFF90]  }
0x230: {  	v3 =	vld [tilespmem:s5+$0x0]  }
0x231: {  	v4 =	vld [tilespmem:s5+$0xFFFFFFD0]  }
0x232: {  	v5 =	vld [tilespmem:s5+$0xFFFFFFB0]  }
0x233: {  	v6 =	vld [tilespmem:s5+$0xFFFFFFC0]  }
0x234: {  	v1 =	vmul.f32 $-1.053605150e-01, v1  }
0x235: {  	v0 =	vmul.f32 $-1.053605150e-01, v0;
	v2 =	vmul.f32 $-1.053605150e-01, v2  }
0x236: {  	v4 =	vmul.f32 $-1.053605150e-01, v4;
	v3 =	vmul.f32 $-1.053605150e-01, v3  }
0x237: {  	v7 =	vld [tilespmem:s5+$0xFFFFFFE0];
	v5 =	vmul.f32 $-1.053605150e-01, v5;
	v1 =	vmul.f32 $1.442695020e+00, v1  }
0x238: {  	s4 =	simm.s32 $0x4870;
	v6 =	vmul.f32 $-1.053605150e-01, v6;
	v4 =	vmul.f32 $1.442695020e+00, v4  }
0x239: {  	v8 =	vld [tilespmem:s4+$0xFFFFFFF0];
	v5 =	vmul.f32 $1.442695020e+00, v5;
	(erf) = vpow2.f32 v1  }
0x23a: {  	v3 =	vmul.f32 $1.442695020e+00, v3;
	v1 =	vld [tilespmem:s4+$0xFFFFFFA0];
	(erf) = vpow2.f32 v4  }
0x23b: {  	v2 =	vmul.f32 $1.442695020e+00, v2;
	v4 =	vld [tilespmem:s4+$0xFFFFFF90];
	(erf) = vpow2.f32 v5  }
0x23c: {  	v5 =	vmul.f32 $-1.053605150e-01, v7;
	v7 =	vld [tilespmem:s4+$0x0];
	(erf) = vpow2.f32 v3  }
0x23d: {  	v3 =	vmul.f32 $1.442695020e+00, v6;
	v6 =	vld [tilespmem:s4+$0xFFFFFFD0];
	(erf) = vpow2.f32 v2  }
0x23e: {  	v0 =	vmul.f32 $1.442695020e+00, v0;
	v5 =	vmul.f32 $1.442695020e+00, v5  }
0x23f: {  	v2 =	vmul.f32 $-1.053605150e-01, v8;
	(erf) = vpow2.f32 v3  }
0x240: {  	v9 =	vld [tilespmem:s4+$0xFFFFFFC0];
	v1 =	vmul.f32 $-1.053605150e-01, v1;
	(erf) = vpow2.f32 v5  }
0x241: {  	v3 =	vmul.f32 $-1.053605150e-01, v4;
	(erf) = vpow2.f32 v0  }
0x242: {  	v4 =	vmul.f32 $-1.053605150e-01, v6;
	v6 =	vmul.f32 $-1.053605150e-01, v7;
	v0 =	vpop (erf)  }
0x243: {  	v0 =	vsub.f32 $1.000000000e+00, v0;
	v8 =	vpop (erf)  }
0x244: {  	v2 =	vmul.f32 $1.442695020e+00, v2;
	v5 =	vld [tilespmem:s4+$0xFFFFFFB0];
	v10 =	vmul.f32 $1.442695020e+00, v1;
	v1 =	vpop (erf)  }
0x245: {  	v7 =	vmul.f32 $-1.053605150e-01, v9;
	v9 =	vld [tilespmem:s4+$0xFFFFFFE0];
	v8 =	vsub.f32 $1.000000000e+00, v8;
	v11 =	vpop (erf);
	(erf) = vrcp.f32 v0  }
0x246: {  	v1 =	vsub.f32 $1.000000000e+00, v1;
	(erf) = vpow2.f32 v2;
	v2 =	vmul.f32 $1.442695020e+00, v6;
	v6 =	vpop (erf)  }
0x247: {  	s6 =	simm.s32 $0x48F0;
	v0 =	vmul.f32 $1.442695020e+00, v3;
	v3 =	vsub.f32 $1.000000000e+00, v11;
	v6 =	vsub.f32 $1.000000000e+00, v6  }
0x248: {  	v4 =	vmul.f32 $1.442695020e+00, v4;
	v11 =	vld [tilespmem:s6+$0xFFFFFFA0];
	(erf) = vrcp.f32 v8  }
0x249: {  	v5 =	vmul.f32 $-1.053605150e-01, v5;
	v12 =	vpop (erf);
	v8 =	vld [tilespmem:s6+$0xFFFFFF90];
	(erf) = vrcp.f32 v3  }
0x24a: {  	v13 =	vld [tilespmem:s6+$0xFFFFFFD0];
	v3 =	vmul.f32 $-1.053605150e-01, v9;
	(erf) = vrcp.f32 v1;
	v1 =	vpop (erf)  }
0x24b: {  	v5 =	vmul.f32 $1.442695020e+00, v5;
	v9 =	vld [tilespmem:s6+$0xFFFFFFF0];
	(erf) = vrcp.f32 v6;
	v6 =	vpop (erf)  }
0x24c: {  	v14 =	vmul.f32 $1.442695020e+00, v3;
	(erf) = vpow2.f32 v4;
	v4 =	vsub.f32 $1.000000000e+00, v6  }
0x24d: {  	v3 =	vld [tilespmem:s6+$0x0];
	v6 =	vmul.f32 $-1.053605150e-01, v11;
	(erf) = vpow2.f32 v5  }
0x24e: {  	v5 =	vmul.f32 $-1.053605150e-01, v8;
	(erf) = vrcp.f32 v4  }
0x24f: {  	v8 =	vld [tilespmem:s6+$0xFFFFFFC0];
	v11 =	vpop (erf);
	(erf) = vpow2.f32 v2;
	v2 =	vmul.f32 $-1.053605150e-01, v13  }
0x250: {  	v7 =	vmul.f32 $1.442695020e+00, v7;
	v4 =	vmul.f32 $-1.053605150e-01, v9  }
0x251: {  	v5 =	vmul.f32 $1.442695020e+00, v5;
	v9 =	vpop (erf);
	(erf) = vpow2.f32 v0  }
0x252: {  	v13 =	vmul.f32 $-1.053605150e-01, v3;
	v15 =	vmul.f32 $1.442695020e+00, v4;
	v3 =	vpop (erf)  }
0x253: {  	v1 =	vsub.f32 $1.000000000e+00, v1;
	v4 =	vmul.f32 $1.442695020e+00, v2;
	(erf) = vpow2.f32 v7;
	v7 =	vld [tilespmem:s6+$0xFFFFFFE0];
	v2 =	vpop (erf)  }
0x254: {  	v17 =	vmul.f32 $1.000000010e-01, v11;
	v61 =	vmul.f32 $-1.053605150e-01, v8;
	v8 =	vpop (erf)  }
0x255: {  	v18 =	vld [tilespmem:s6+$0xFFFFFFB0];
	v11 =	vsub.f32 $1.000000000e+00, v12;
	v0 =	vmul.f32 $1.442695020e+00, v6;
	(erf) = vrcp.f32 v1;
	v19 =	vpop (erf)  }
0x256: {  	v12 =	vsub.f32 $1.000000000e+00, v9;
	v9 =	vmul.f32 $1.442695020e+00, v13;
	(erf) = vpow2.f32 v14;
	v6 =	vpop (erf)  }
0x257: {  	v1 =	vmul.f32 $1.442695020e+00, v61;
	(erf) = vpow2.f32 v10;
	v14 =	vpop (erf)  }
0x258: {  	(erf) = vrcp.f32 v11;
	v7 =	vmul.f32 $-1.053605150e-01, v7;
	v10 =	vsub.f32 $1.000000000e+00, v6;
	v6 =	vpop (erf)  }
0x259: {  	v62 =	vmul.f32 $1.000000010e-01, v19;
	(erf) = vrcp.f32 v12;
	v13 =	vpop (erf)  }
0x25a: {  	[tilespmem:s5+$0xFFFFFFF0] =	vst v17;
	v11 =	vsub.f32 $1.000000000e+00, v14;
	v14 =	vmul.f32 $-1.053605150e-01, v18;
	v7 =	vmul.f32 $1.442695020e+00, v7;
	v63 =	vpop (erf)  }
0x25b: {  	s30 =	simm.s32 $0x1480;
	s7 =	simm.s32 $0x4970;
	(erf) = vpow2.f32 v15;
	[tilespmem:s5+$0xFFFFFF90] =	vst v62;
	v13 =	vsub.f32 $1.000000000e+00, v13;
	v12 =	vsub.f32 $1.000000000e+00, v63  }
.LBB2_8:
0x25c: {  	v15 =	vld [tilespmem:s7+$0xFFFFFFA0];
	s30 =	sadd.s32 $0x80, s30;
	v14 =	vmul.f32 $1.442695020e+00, v14;
	v16 =	vpop (erf);
	v18 =	vmul.f32 $1.000000010e-01, v8  }
0x25d: {  	v3 =	vmul.f32 $1.000000010e-01, v3;
	v17 =	vld [tilespmem:s7+$0xFFFFFFF0];
	p0 =	slt.u32 s30, $0x1980;
	v16 =	vsub.f32 $1.000000000e+00, v16;
	(erf) = vrcp.f32 v10  }
0x25e: {  	v2 =	vmul.f32 $1.000000010e-01, v2;
	v10 =	vld [tilespmem:s7+$0xFFFFFF90];
	(erf) = vrcp.f32 v13;
	[tilespmem:s5+$0xFFFFFFB0] =	vst v18;
	v8 =	vpop (erf)  }
0x25f: {  	v13 =	vld [tilespmem:s7+$0x0];
	(erf) = vrcp.f32 v11;
	v11 =	vpop (erf);
	[tilespmem:s5+$0xFFFFFFD0] =	vst v3;
	v19 =	vmul.f32 $1.000000010e-01, v8  }
0x260: {  	v6 =	vmul.f32 $1.000000010e-01, v6;
	v8 =	vld [tilespmem:s7+$0xFFFFFFD0];
	v11 =	vsub.f32 $1.000000000e+00, v11;
	(erf) = vrcp.f32 v12;
	v12 =	vpop (erf);
	[tilespmem:s5+$0x0] =	vst v2  }
0x261: {  	v15 =	vmul.f32 $-1.053605150e-01, v15;
	v18 =	vld [tilespmem:s7+$0xFFFFFFE0];
	(erf) = vpow2.f32 v4;
	v2 =	vsub.f32 $1.000000000e+00, v12;
	[tilespmem:s5+$0xFFFFFFE0] =	vst v19;
	v3 =	vpop (erf)  }
0x262: {  	v12 =	vld [tilespmem:s7+$0xFFFFFFB0];
	(erf) = vpow2.f32 v14;
	v3 =	vmul.f32 $1.000000010e-01, v3  }
0x263: {  	v10 =	vmul.f32 $-1.053605150e-01, v10;
	v14 =	vld [tilespmem:s7+$0xFFFFFFC0];
	(erf) = vrcp.f32 v2;
	v19 =	vpop (erf);
	[tilespmem:s5+$0xFFFFFFA0] =	vst v6  }
0x264: {  	v20 =	vmul.f32 $-1.053605150e-01, v17;
	v6 =	vpop (erf);
	(erf) = vpow2.f32 v9;
	[tilespmem:s5+$0xFFFFFFC0] =	vst v3;
	s5 =	smov.u32 s4;
	s4 =	smov.u32 s6;
	s6 =	smov.u32 s7  }
0x265: {  	v4 =	vmul.f32 $-1.053605150e-01, v8;
	(erf) = vpow2.f32 v5  }
0x266: {  	v17 =	vmul.f32 $1.442695020e+00, v20;
	v9 =	vmul.f32 $-1.053605150e-01, v13;
	v3 =	vpop (erf)  }
0x267: {  	v4 =	vmul.f32 $1.442695020e+00, v4;
	(erf) = vpow2.f32 v1;
	v2 =	vpop (erf)  }
0x268: {  	v13 =	vmul.f32 $1.000000010e-01, v19;
	v1 =	vmul.f32 $-1.053605150e-01, v14;
	v8 =	vpop (erf)  }
0x269: {  	v14 =	vmul.f32 $1.442695020e+00, v15;
	v15 =	vsub.f32 $1.000000000e+00, v6;
	v19 =	vpop (erf);
	(erf) = vrcp.f32 v11  }
0x26a: {  	v1 =	vmul.f32 $1.442695020e+00, v1;
	v6 =	vpop (erf);
	(erf) = vpow2.f32 v7  }
.Ltmp3:
0x26b: {  	v5 =	vmul.f32 $1.442695020e+00, v10;
	v10 =	vsub.f32 $1.000000000e+00, v6;
	(erf) = vpow2.f32 v0;
	v7 =	vpop (erf);
	(pc) =	sbr.rel @p0 .LBB2_8-.Ltmp3, $4  }
0x26c: {  	v9 =	vmul.f32 $1.442695020e+00, v9;
	v0 =	vmov v14;
	[tilespmem:s5+$0xFFFFFFF0] =	vst v13;
	v6 =	vpop (erf);
	(erf) = vrcp.f32 v16  }
0x26d: {  	v16 =	vmul.f32 $-1.053605150e-01, v18;
	v11 =	vsub.f32 $1.000000000e+00, v7;
	v18 =	vmul.f32 $1.000000010e-01, v19;
	v7 =	vpop (erf)  }
0x26e: {  	v14 =	vmul.f32 $-1.053605150e-01, v12;
	v13 =	vsub.f32 $1.000000000e+00, v7;
	v12 =	vpop (erf);
	(erf) = vrcp.f32 v15  }
0x26f: {  	s7 =	sadd.s32 $0x80, s7;
	v7 =	vmul.f32 $1.442695020e+00, v16;
	(erf) = vpow2.f32 v17;
	v12 =	vsub.f32 $1.000000000e+00, v12;
	[tilespmem:s5+$0xFFFFFF90] =	vst v18  }
0x270: {  	_ = 	snop  }
0x271: {  	v15 =	vpop (erf);
	(erf) = vrcp.f32 v10  }
0x272: {  	(erf) = vrcp.f32 v13;
	v10 =	vpop (erf)  }
0x273: {  	(erf) = vrcp.f32 v11;
	v11 =	vpop (erf)  }
0x274: {  	(erf) = vrcp.f32 v12;
	v12 =	vpop (erf)  }
0x275: {  	v13 =	vmul.f32 $1.442695020e+00, v14;
	(erf) = vpow2.f32 v4;
	v4 =	vsub.f32 $1.000000000e+00, v12;
	_ =	sdelay $0x1  }
0x276: {  	(erf) = vpow2.f32 v13  }
0x277: {  	v12 =	vpop (erf);
	(erf) = vrcp.f32 v4  }
0x278: {  	v4 =	vpop (erf);
	(erf) = vpow2.f32 v9;
	v9 =	vsub.f32 $1.000000000e+00, v11  }
0x279: {  	v11 =	vpop (erf);
	(erf) = vpow2.f32 v5  }
0x27a: {  	v5 =	vpop (erf);
	(erf) = vpow2.f32 v1  }
0x27b: {  	v1 =	vpop (erf)  }
0x27c: {  	(erf) = vrcp.f32 v9;
	v9 =	vpop (erf)  }
0x27d: {  	v13 =	vsub.f32 $1.000000000e+00, v15;
	(erf) = vpow2.f32 v7;
	v7 =	vpop (erf)  }
0x27e: {  	(erf) = vpow2.f32 v0;
	v0 =	vpop (erf)  }
0x27f: {  	v11 =	vsub.f32 $1.000000000e+00, v11;
	v14 =	vpop (erf)  }
0x280: {  	v8 =	vmul.f32 $1.000000010e-01, v8;
	v15 =	vpop (erf)  }
0x281: {  	v3 =	vmul.f32 $1.000000010e-01, v3;
	v0 =	vsub.f32 $1.000000000e+00, v0;
	(erf) = vrcp.f32 v13;
	v13 =	vpop (erf)  }
0x282: {  	v2 =	vmul.f32 $1.000000010e-01, v2;
	(erf) = vrcp.f32 v11;
	v16 =	vpop (erf)  }
0x283: {  	[tilespmem:s5+$0xFFFFFFD0] =	vst v3;
	v13 =	vsub.f32 $1.000000000e+00, v13;
	v11 =	vpop (erf);
	(erf) = vrcp.f32 v0;
	v3 =	vsub.f32 $1.000000000e+00, v16  }
0x284: {  	[tilespmem:s5+$0xFFFFFFB0] =	vst v8;
	v8 =	vsub.f32 $1.000000000e+00, v14;
	v0 =	vmul.f32 $1.000000010e-01, v10  }
0x285: {  	[tilespmem:s5+$0x0] =	vst v2;
	v4 =	vmul.f32 $1.000000010e-01, v4;
	(erf) = vrcp.f32 v13;
	v10 =	vpop (erf)  }
0x286: {  	(erf) = vrcp.f32 v8;
	v2 =	vpop (erf);
	[tilespmem:s5+$0xFFFFFFE0] =	vst v0;
	v0 =	vmul.f32 $1.000000010e-01, v12  }
0x287: {  	[tilespmem:s4+$0xFFFFFFF0] =	vst v4;
	(erf) = vrcp.f32 v3;
	v2 =	vsub.f32 $1.000000000e+00, v2;
	v3 =	vpop (erf)  }
0x288: {  	v4 =	vmul.f32 $1.000000010e-01, v9;
	[tilespmem:s5+$0xFFFFFFC0] =	vst v0;
	v0 =	vmul.f32 $1.000000010e-01, v7;
	v3 =	vsub.f32 $1.000000000e+00, v3  }
0x289: {  	v1 =	vmul.f32 $1.000000010e-01, v1  }
0x28a: {  	[tilespmem:s4+$0xFFFFFF90] =	vst v0;
	v0 =	vsub.f32 $1.000000000e+00, v11;
	(erf) = vrcp.f32 v3;
	v3 =	vmul.f32 $1.000000010e-01, v5;
	v5 =	vpop (erf)  }
0x28b: {  	[tilespmem:s4+$0x0] =	vst v1;
	(erf) = vrcp.f32 v2;
	v2 =	vpop (erf)  }
0x28c: {  	[tilespmem:s4+$0xFFFFFFB0] =	vst v4;
	v4 =	vpop (erf);
	(erf) = vrcp.f32 v0;
	v0 =	vmul.f32 $1.000000010e-01, v15  }
0x28d: {  	[tilespmem:s4+$0xFFFFFFD0] =	vst v3;
	v3 =	vmul.f32 $1.000000010e-01, v10  }
0x28e: {  	v1 =	vpop (erf);
	[tilespmem:s4+$0xFFFFFFA0] =	vst v0;
	v0 =	vmul.f32 $1.000000010e-01, v2  }
0x28f: {  	v6 =	vmul.f32 $1.000000010e-01, v6;
	[tilespmem:s4+$0xFFFFFFE0] =	vst v3;
	v3 =	vmul.f32 $1.000000010e-01, v5;
	v5 =	vpop (erf)  }
0x290: {  	v2 =	vpop (erf);
	[tilespmem:s6+$0xFFFFFFF0] =	vst v0;
	v0 =	vmul.f32 $1.000000010e-01, v5  }
0x291: {  	[tilespmem:s5+$0xFFFFFFA0] =	vst v6;
	v2 =	vmul.f32 $1.000000010e-01, v2  }
0x292: {  	[tilespmem:s6+$0xFFFFFFB0] =	vst v0;
	v0 =	vmul.f32 $1.000000010e-01, v1  }
0x293: {  	[tilespmem:s6+$0xFFFFFF90] =	vst v2;
	v2 =	vmul.f32 $1.000000010e-01, v4  }
0x294: {  	[tilespmem:s4+$0xFFFFFFC0] =	vst v3;
	v3 =	vpop (erf)  }
0x295: {  	v1 =	vpop (erf);
	[tilespmem:s6+$0xFFFFFFD0] =	vst v2;
	v2 =	vmul.f32 $1.000000010e-01, v3  }
0x296: {  	[tilespmem:s6+$0x0] =	vst v0;
	v1 =	vmul.f32 $1.000000010e-01, v1;
	v0 =	vpop (erf)  }
0x297: {  	[tilespmem:s6+$0xFFFFFFA0] =	vst v2;
	v0 =	vmul.f32 $1.000000010e-01, v0  }
0x298: {  	[tilespmem:s6+$0xFFFFFFE0] =	vst v1  }
0x299: {  	[tilespmem:s6+$0xFFFFFFC0] =	vst v0  }
0x29a: {  	s4 =	sld [smem:$0x7FC];
	_ =	sdelay $0x1  }
0x29b: {  	s7 =	simm.s32 $0x4600;
	s5 =	sld [smem:$0x7FD]  }
0x29c: {  	[hbm4b:s4+s25] =	stream.strided.scatter [tilespmem:s7], [sflag:$0x1], $0x200, s26, s25, $0x38;
	[tilespmem:$0x6800] =	vst v63  }
0x29d: {  	s6 =	simm.s32 $0x4800  }
0x29e: {  	[hbm4b:s5+s25] =	stream.strided.scatter [tilespmem:s6], [sflag:$0x1], $0x200, s26, s25, $0x38;
	[tilespmem:$0x6800] =	vst v63  }
0x29f: {  	s7 =	simm.s32 $0x4A00  }
0x2a0: {  	[hbm4b:s8+s25] =	stream.strided.scatter [tilespmem:s7], [sflag:$0x1], $0x200, s26, s25, $0x38;
	[tilespmem:$0x6800] =	vst v63  }
0x2a1: {  	s5 =	simm.s32 $0x4C00  }
0x2a2: {  	[hbm4b:s9+s25] =	stream.strided.scatter [tilespmem:s5], [sflag:$0x1], $0x200, s26, s25, $0x38;
	[tilespmem:$0x6800] =	vst v63  }
0x2a3: {  	_ =	swait.ge [sflag:s0], $0x680  }
0x2a4: {  	s6 =	simm.s32 $0x2D80;
	[sflag:s0] =	ssyncset.done $0x0  }
0x2a5: {  	s7 =	simm.s32 $0x6180;
	s5 =	simm.s32 $0x4E70;
	[sflag:s0] =	ssyncadd.s32 $0xFFFFF980  }
0x2a6: {  	[tilespmem:s7], [sflag:$0x3] =	stream.indirect.gather [hbm4b:s20+s29], $0x1, s6, s29, $0xb8;
	[tilespmem:$0x6800] =	vst v63  }
0x2a7: {  	v0 =	vld [tilespmem:s5+$0xFFFFFFA0]  }
0x2a8: {  	v1 =	vld [tilespmem:s5+$0xFFFFFFF0]  }
0x2a9: {  	v2 =	vld [tilespmem:s5+$0xFFFFFF90]  }
0x2aa: {  	v3 =	vld [tilespmem:s5+$0x0]  }
0x2ab: {  	v4 =	vld [tilespmem:s5+$0xFFFFFFD0]  }
0x2ac: {  	v5 =	vld [tilespmem:s5+$0xFFFFFFB0]  }
0x2ad: {  	v6 =	vld [tilespmem:s5+$0xFFFFFFC0]  }
0x2ae: {  	v1 =	vmul.f32 $-1.053605150e-01, v1  }
0x2af: {  	v0 =	vmul.f32 $-1.053605150e-01, v0;
	v2 =	vmul.f32 $-1.053605150e-01, v2  }
0x2b0: {  	v4 =	vmul.f32 $-1.053605150e-01, v4;
	v3 =	vmul.f32 $-1.053605150e-01, v3  }
0x2b1: {  	v7 =	vld [tilespmem:s5+$0xFFFFFFE0];
	v5 =	vmul.f32 $-1.053605150e-01, v5;
	v1 =	vmul.f32 $1.442695020e+00, v1  }
0x2b2: {  	s4 =	simm.s32 $0x4EF0;
	v6 =	vmul.f32 $-1.053605150e-01, v6;
	v4 =	vmul.f32 $1.442695020e+00, v4  }
0x2b3: {  	v8 =	vld [tilespmem:s4+$0xFFFFFFF0];
	v5 =	vmul.f32 $1.442695020e+00, v5;
	(erf) = vpow2.f32 v1  }
0x2b4: {  	v3 =	vmul.f32 $1.442695020e+00, v3;
	v1 =	vld [tilespmem:s4+$0xFFFFFFA0];
	(erf) = vpow2.f32 v4  }
0x2b5: {  	v2 =	vmul.f32 $1.442695020e+00, v2;
	v4 =	vld [tilespmem:s4+$0xFFFFFF90];
	(erf) = vpow2.f32 v5  }
0x2b6: {  	v5 =	vmul.f32 $-1.053605150e-01, v7;
	v7 =	vld [tilespmem:s4+$0x0];
	(erf) = vpow2.f32 v3  }
0x2b7: {  	v3 =	vmul.f32 $1.442695020e+00, v6;
	v6 =	vld [tilespmem:s4+$0xFFFFFFD0];
	(erf) = vpow2.f32 v2  }
0x2b8: {  	v0 =	vmul.f32 $1.442695020e+00, v0;
	v5 =	vmul.f32 $1.442695020e+00, v5  }
0x2b9: {  	v2 =	vmul.f32 $-1.053605150e-01, v8;
	(erf) = vpow2.f32 v3  }
0x2ba: {  	v9 =	vld [tilespmem:s4+$0xFFFFFFC0];
	v1 =	vmul.f32 $-1.053605150e-01, v1;
	(erf) = vpow2.f32 v5  }
0x2bb: {  	v3 =	vmul.f32 $-1.053605150e-01, v4;
	(erf) = vpow2.f32 v0  }
0x2bc: {  	v4 =	vmul.f32 $-1.053605150e-01, v6;
	v6 =	vmul.f32 $-1.053605150e-01, v7;
	v0 =	vpop (erf)  }
0x2bd: {  	v0 =	vsub.f32 $1.000000000e+00, v0;
	v8 =	vpop (erf)  }
0x2be: {  	v2 =	vmul.f32 $1.442695020e+00, v2;
	v5 =	vld [tilespmem:s4+$0xFFFFFFB0];
	v10 =	vmul.f32 $1.442695020e+00, v1;
	v1 =	vpop (erf)  }
0x2bf: {  	v7 =	vmul.f32 $-1.053605150e-01, v9;
	v9 =	vld [tilespmem:s4+$0xFFFFFFE0];
	v8 =	vsub.f32 $1.000000000e+00, v8;
	v11 =	vpop (erf);
	(erf) = vrcp.f32 v0  }
0x2c0: {  	v1 =	vsub.f32 $1.000000000e+00, v1;
	(erf) = vpow2.f32 v2;
	v2 =	vmul.f32 $1.442695020e+00, v6;
	v6 =	vpop (erf)  }
0x2c1: {  	s6 =	simm.s32 $0x4F70;
	v0 =	vmul.f32 $1.442695020e+00, v3;
	v3 =	vsub.f32 $1.000000000e+00, v11;
	v6 =	vsub.f32 $1.000000000e+00, v6  }
0x2c2: {  	v4 =	vmul.f32 $1.442695020e+00, v4;
	v11 =	vld [tilespmem:s6+$0xFFFFFFA0];
	(erf) = vrcp.f32 v8  }
0x2c3: {  	v5 =	vmul.f32 $-1.053605150e-01, v5;
	v12 =	vpop (erf);
	v8 =	vld [tilespmem:s6+$0xFFFFFF90];
	(erf) = vrcp.f32 v3  }
0x2c4: {  	v13 =	vld [tilespmem:s6+$0xFFFFFFD0];
	v3 =	vmul.f32 $-1.053605150e-01, v9;
	(erf) = vrcp.f32 v1;
	v1 =	vpop (erf)  }
0x2c5: {  	v5 =	vmul.f32 $1.442695020e+00, v5;
	v9 =	vld [tilespmem:s6+$0xFFFFFFF0];
	(erf) = vrcp.f32 v6;
	v6 =	vpop (erf)  }
0x2c6: {  	v14 =	vmul.f32 $1.442695020e+00, v3;
	(erf) = vpow2.f32 v4;
	v4 =	vsub.f32 $1.000000000e+00, v6  }
0x2c7: {  	v3 =	vld [tilespmem:s6+$0x0];
	v6 =	vmul.f32 $-1.053605150e-01, v11;
	(erf) = vpow2.f32 v5  }
0x2c8: {  	v5 =	vmul.f32 $-1.053605150e-01, v8;
	(erf) = vrcp.f32 v4  }
0x2c9: {  	v8 =	vld [tilespmem:s6+$0xFFFFFFC0];
	v11 =	vpop (erf);
	(erf) = vpow2.f32 v2;
	v2 =	vmul.f32 $-1.053605150e-01, v13  }
0x2ca: {  	v7 =	vmul.f32 $1.442695020e+00, v7;
	v4 =	vmul.f32 $-1.053605150e-01, v9  }
0x2cb: {  	v5 =	vmul.f32 $1.442695020e+00, v5;
	v9 =	vpop (erf);
	(erf) = vpow2.f32 v0  }
0x2cc: {  	v13 =	vmul.f32 $-1.053605150e-01, v3;
	v15 =	vmul.f32 $1.442695020e+00, v4;
	v3 =	vpop (erf)  }
0x2cd: {  	v1 =	vsub.f32 $1.000000000e+00, v1;
	v4 =	vmul.f32 $1.442695020e+00, v2;
	(erf) = vpow2.f32 v7;
	v7 =	vld [tilespmem:s6+$0xFFFFFFE0];
	v2 =	vpop (erf)  }
0x2ce: {  	v17 =	vmul.f32 $1.000000010e-01, v11;
	v61 =	vmul.f32 $-1.053605150e-01, v8;
	v8 =	vpop (erf)  }
0x2cf: {  	v18 =	vld [tilespmem:s6+$0xFFFFFFB0];
	v11 =	vsub.f32 $1.000000000e+00, v12;
	v0 =	vmul.f32 $1.442695020e+00, v6;
	(erf) = vrcp.f32 v1;
	v19 =	vpop (erf)  }
0x2d0: {  	v12 =	vsub.f32 $1.000000000e+00, v9;
	v9 =	vmul.f32 $1.442695020e+00, v13;
	(erf) = vpow2.f32 v14;
	v6 =	vpop (erf)  }
0x2d1: {  	v1 =	vmul.f32 $1.442695020e+00, v61;
	(erf) = vpow2.f32 v10;
	v14 =	vpop (erf)  }
0x2d2: {  	(erf) = vrcp.f32 v11;
	v7 =	vmul.f32 $-1.053605150e-01, v7;
	v10 =	vsub.f32 $1.000000000e+00, v6;
	v6 =	vpop (erf)  }
0x2d3: {  	v62 =	vmul.f32 $1.000000010e-01, v19;
	(erf) = vrcp.f32 v12;
	v13 =	vpop (erf)  }
0x2d4: {  	[tilespmem:s5+$0xFFFFFFF0] =	vst v17;
	v11 =	vsub.f32 $1.000000000e+00, v14;
	v14 =	vmul.f32 $-1.053605150e-01, v18;
	v7 =	vmul.f32 $1.442695020e+00, v7;
	v63 =	vpop (erf)  }
0x2d5: {  	s30 =	simm.s32 $0x1B00;
	s7 =	simm.s32 $0x4FF0;
	(erf) = vpow2.f32 v15;
	[tilespmem:s5+$0xFFFFFF90] =	vst v62;
	v13 =	vsub.f32 $1.000000000e+00, v13;
	v12 =	vsub.f32 $1.000000000e+00, v63  }
.LBB2_10:
0x2d6: {  	v15 =	vld [tilespmem:s7+$0xFFFFFFA0];
	s30 =	sadd.s32 $0x80, s30;
	v14 =	vmul.f32 $1.442695020e+00, v14;
	v16 =	vpop (erf);
	v18 =	vmul.f32 $1.000000010e-01, v8  }
0x2d7: {  	v3 =	vmul.f32 $1.000000010e-01, v3;
	v17 =	vld [tilespmem:s7+$0xFFFFFFF0];
	p0 =	slt.u32 s30, $0x2000;
	v16 =	vsub.f32 $1.000000000e+00, v16;
	(erf) = vrcp.f32 v10  }
0x2d8: {  	v2 =	vmul.f32 $1.000000010e-01, v2;
	v10 =	vld [tilespmem:s7+$0xFFFFFF90];
	(erf) = vrcp.f32 v13;
	[tilespmem:s5+$0xFFFFFFB0] =	vst v18;
	v8 =	vpop (erf)  }
0x2d9: {  	v13 =	vld [tilespmem:s7+$0x0];
	(erf) = vrcp.f32 v11;
	v11 =	vpop (erf);
	[tilespmem:s5+$0xFFFFFFD0] =	vst v3;
	v19 =	vmul.f32 $1.000000010e-01, v8  }
0x2da: {  	v6 =	vmul.f32 $1.000000010e-01, v6;
	v8 =	vld [tilespmem:s7+$0xFFFFFFD0];
	v11 =	vsub.f32 $1.000000000e+00, v11;
	(erf) = vrcp.f32 v12;
	v12 =	vpop (erf);
	[tilespmem:s5+$0x0] =	vst v2  }
0x2db: {  	v15 =	vmul.f32 $-1.053605150e-01, v15;
	v18 =	vld [tilespmem:s7+$0xFFFFFFE0];
	(erf) = vpow2.f32 v4;
	v2 =	vsub.f32 $1.000000000e+00, v12;
	[tilespmem:s5+$0xFFFFFFE0] =	vst v19;
	v3 =	vpop (erf)  }
0x2dc: {  	v12 =	vld [tilespmem:s7+$0xFFFFFFB0];
	(erf) = vpow2.f32 v14;
	v3 =	vmul.f32 $1.000000010e-01, v3  }
0x2dd: {  	v10 =	vmul.f32 $-1.053605150e-01, v10;
	v14 =	vld [tilespmem:s7+$0xFFFFFFC0];
	(erf) = vrcp.f32 v2;
	v19 =	vpop (erf);
	[tilespmem:s5+$0xFFFFFFA0] =	vst v6  }
0x2de: {  	v20 =	vmul.f32 $-1.053605150e-01, v17;
	v6 =	vpop (erf);
	(erf) = vpow2.f32 v9;
	[tilespmem:s5+$0xFFFFFFC0] =	vst v3;
	s5 =	smov.u32 s4;
	s4 =	smov.u32 s6;
	s6 =	smov.u32 s7  }
0x2df: {  	v4 =	vmul.f32 $-1.053605150e-01, v8;
	(erf) = vpow2.f32 v5  }
0x2e0: {  	v17 =	vmul.f32 $1.442695020e+00, v20;
	v9 =	vmul.f32 $-1.053605150e-01, v13;
	v3 =	vpop (erf)  }
0x2e1: {  	v4 =	vmul.f32 $1.442695020e+00, v4;
	(erf) = vpow2.f32 v1;
	v2 =	vpop (erf)  }
0x2e2: {  	v13 =	vmul.f32 $1.000000010e-01, v19;
	v1 =	vmul.f32 $-1.053605150e-01, v14;
	v8 =	vpop (erf)  }
0x2e3: {  	v14 =	vmul.f32 $1.442695020e+00, v15;
	v15 =	vsub.f32 $1.000000000e+00, v6;
	v19 =	vpop (erf);
	(erf) = vrcp.f32 v11  }
0x2e4: {  	v1 =	vmul.f32 $1.442695020e+00, v1;
	v6 =	vpop (erf);
	(erf) = vpow2.f32 v7  }
.Ltmp4:
0x2e5: {  	v5 =	vmul.f32 $1.442695020e+00, v10;
	v10 =	vsub.f32 $1.000000000e+00, v6;
	(erf) = vpow2.f32 v0;
	v7 =	vpop (erf);
	(pc) =	sbr.rel @p0 .LBB2_10-.Ltmp4, $4  }
0x2e6: {  	v9 =	vmul.f32 $1.442695020e+00, v9;
	v0 =	vmov v14;
	[tilespmem:s5+$0xFFFFFFF0] =	vst v13;
	v6 =	vpop (erf);
	(erf) = vrcp.f32 v16  }
0x2e7: {  	v16 =	vmul.f32 $-1.053605150e-01, v18;
	v11 =	vsub.f32 $1.000000000e+00, v7;
	v18 =	vmul.f32 $1.000000010e-01, v19;
	v7 =	vpop (erf)  }
0x2e8: {  	v14 =	vmul.f32 $-1.053605150e-01, v12;
	v13 =	vsub.f32 $1.000000000e+00, v7;
	v12 =	vpop (erf);
	(erf) = vrcp.f32 v15  }
0x2e9: {  	s7 =	sadd.s32 $0x80, s7;
	v7 =	vmul.f32 $1.442695020e+00, v16;
	(erf) = vpow2.f32 v17;
	v12 =	vsub.f32 $1.000000000e+00, v12;
	[tilespmem:s5+$0xFFFFFF90] =	vst v18  }
0x2ea: {  	_ = 	snop  }
0x2eb: {  	v15 =	vpop (erf);
	(erf) = vrcp.f32 v10  }
0x2ec: {  	(erf) = vrcp.f32 v13;
	v10 =	vpop (erf)  }
0x2ed: {  	(erf) = vrcp.f32 v11;
	v11 =	vpop (erf)  }
0x2ee: {  	(erf) = vrcp.f32 v12;
	v12 =	vpop (erf)  }
0x2ef: {  	v13 =	vmul.f32 $1.442695020e+00, v14;
	(erf) = vpow2.f32 v4;
	v4 =	vsub.f32 $1.000000000e+00, v12;
	_ =	sdelay $0x1  }
0x2f0: {  	(erf) = vpow2.f32 v13  }
0x2f1: {  	v12 =	vpop (erf);
	(erf) = vrcp.f32 v4  }
0x2f2: {  	v4 =	vpop (erf);
	(erf) = vpow2.f32 v9;
	v9 =	vsub.f32 $1.000000000e+00, v11  }
0x2f3: {  	v11 =	vpop (erf);
	(erf) = vpow2.f32 v5  }
0x2f4: {  	v5 =	vpop (erf);
	(erf) = vpow2.f32 v1  }
0x2f5: {  	v1 =	vpop (erf)  }
0x2f6: {  	(erf) = vrcp.f32 v9;
	v9 =	vpop (erf)  }
0x2f7: {  	v13 =	vsub.f32 $1.000000000e+00, v15;
	(erf) = vpow2.f32 v7;
	v7 =	vpop (erf)  }
0x2f8: {  	(erf) = vpow2.f32 v0;
	v0 =	vpop (erf)  }
0x2f9: {  	v11 =	vsub.f32 $1.000000000e+00, v11;
	v14 =	vpop (erf)  }
0x2fa: {  	v8 =	vmul.f32 $1.000000010e-01, v8;
	v15 =	vpop (erf)  }
0x2fb: {  	v3 =	vmul.f32 $1.000000010e-01, v3;
	v0 =	vsub.f32 $1.000000000e+00, v0;
	(erf) = vrcp.f32 v13;
	v13 =	vpop (erf)  }
0x2fc: {  	v2 =	vmul.f32 $1.000000010e-01, v2;
	(erf) = vrcp.f32 v11;
	v16 =	vpop (erf)  }
0x2fd: {  	[tilespmem:s5+$0xFFFFFFD0] =	vst v3;
	v13 =	vsub.f32 $1.000000000e+00, v13;
	v11 =	vpop (erf);
	(erf) = vrcp.f32 v0;
	v3 =	vsub.f32 $1.000000000e+00, v16  }
0x2fe: {  	[tilespmem:s5+$0xFFFFFFB0] =	vst v8;
	v8 =	vsub.f32 $1.000000000e+00, v14;
	v0 =	vmul.f32 $1.000000010e-01, v10  }
0x2ff: {  	[tilespmem:s5+$0x0] =	vst v2;
	v4 =	vmul.f32 $1.000000010e-01, v4;
	(erf) = vrcp.f32 v13;
	v10 =	vpop (erf)  }
0x300: {  	(erf) = vrcp.f32 v8;
	v2 =	vpop (erf);
	[tilespmem:s5+$0xFFFFFFE0] =	vst v0;
	v0 =	vmul.f32 $1.000000010e-01, v12  }
0x301: {  	[tilespmem:s4+$0xFFFFFFF0] =	vst v4;
	(erf) = vrcp.f32 v3;
	v2 =	vsub.f32 $1.000000000e+00, v2;
	v3 =	vpop (erf)  }
0x302: {  	v4 =	vmul.f32 $1.000000010e-01, v9;
	[tilespmem:s5+$0xFFFFFFC0] =	vst v0;
	v0 =	vmul.f32 $1.000000010e-01, v7;
	v3 =	vsub.f32 $1.000000000e+00, v3  }
0x303: {  	v1 =	vmul.f32 $1.000000010e-01, v1  }
0x304: {  	[tilespmem:s4+$0xFFFFFF90] =	vst v0;
	v0 =	vsub.f32 $1.000000000e+00, v11;
	(erf) = vrcp.f32 v3;
	v3 =	vmul.f32 $1.000000010e-01, v5;
	v5 =	vpop (erf)  }
0x305: {  	[tilespmem:s4+$0x0] =	vst v1;
	(erf) = vrcp.f32 v2;
	v2 =	vpop (erf)  }
0x306: {  	[tilespmem:s4+$0xFFFFFFB0] =	vst v4;
	v4 =	vpop (erf);
	(erf) = vrcp.f32 v0;
	v0 =	vmul.f32 $1.000000010e-01, v15  }
0x307: {  	[tilespmem:s4+$0xFFFFFFD0] =	vst v3;
	v3 =	vmul.f32 $1.000000010e-01, v10  }
0x308: {  	v1 =	vpop (erf);
	[tilespmem:s4+$0xFFFFFFA0] =	vst v0;
	v0 =	vmul.f32 $1.000000010e-01, v2  }
0x309: {  	v6 =	vmul.f32 $1.000000010e-01, v6;
	[tilespmem:s4+$0xFFFFFFE0] =	vst v3;
	v3 =	vmul.f32 $1.000000010e-01, v5;
	v5 =	vpop (erf)  }
0x30a: {  	v2 =	vpop (erf);
	[tilespmem:s6+$0xFFFFFFF0] =	vst v0;
	v0 =	vmul.f32 $1.000000010e-01, v5  }
0x30b: {  	[tilespmem:s5+$0xFFFFFFA0] =	vst v6;
	v2 =	vmul.f32 $1.000000010e-01, v2  }
0x30c: {  	[tilespmem:s6+$0xFFFFFFB0] =	vst v0;
	v0 =	vmul.f32 $1.000000010e-01, v1  }
0x30d: {  	[tilespmem:s6+$0xFFFFFF90] =	vst v2;
	v2 =	vmul.f32 $1.000000010e-01, v4  }
0x30e: {  	[tilespmem:s4+$0xFFFFFFC0] =	vst v3;
	v3 =	vpop (erf)  }
0x30f: {  	v1 =	vpop (erf);
	[tilespmem:s6+$0xFFFFFFD0] =	vst v2;
	v2 =	vmul.f32 $1.000000010e-01, v3  }
0x310: {  	[tilespmem:s6+$0x0] =	vst v0;
	v1 =	vmul.f32 $1.000000010e-01, v1;
	v0 =	vpop (erf)  }
0x311: {  	[tilespmem:s6+$0xFFFFFFA0] =	vst v2;
	v0 =	vmul.f32 $1.000000010e-01, v0  }
0x312: {  	[tilespmem:s6+$0xFFFFFFE0] =	vst v1  }
0x313: {  	[tilespmem:s6+$0xFFFFFFC0] =	vst v0  }
0x314: {  	[hbm4b:s10+s25] =	stream.strided.scatter [tilespmem:s1], [sflag:$0x1], $0x200, s26, s25, $0x38;
	[tilespmem:$0x6800] =	vst v63  }
0x315: {  	s6 =	simm.s32 $0x5000  }
0x316: {  	[hbm4b:s11+s25] =	stream.strided.scatter [tilespmem:s6], [sflag:$0x1], $0x200, s26, s25, $0x38;
	[tilespmem:$0x6800] =	vst v63  }
0x317: {  	s7 =	simm.s32 $0x5200  }
0x318: {  	[hbm4b:s12+s25] =	stream.strided.scatter [tilespmem:s7], [sflag:$0x1], $0x200, s26, s25, $0x38;
	[tilespmem:$0x6800] =	vst v63  }
0x319: {  	_ =	swait.ge [sflag:s2], $0x680  }
0x31a: {  	[sflag:s2] =	ssyncset.done $0x0  }
0x31b: {  	s5 =	simm.s32 $0x54F0;
	[sflag:s2] =	ssyncadd.s32 $0xFFFFF980  }
0x31c: {  	v0 =	vld [tilespmem:s5+$0xFFFFFFA0]  }
0x31d: {  	v1 =	vld [tilespmem:s5+$0xFFFFFFF0]  }
0x31e: {  	v2 =	vld [tilespmem:s5+$0xFFFFFF90]  }
0x31f: {  	v3 =	vld [tilespmem:s5+$0x0]  }
0x320: {  	v4 =	vld [tilespmem:s5+$0xFFFFFFD0]  }
0x321: {  	v5 =	vld [tilespmem:s5+$0xFFFFFFB0]  }
0x322: {  	v6 =	vld [tilespmem:s5+$0xFFFFFFC0]  }
0x323: {  	v1 =	vmul.f32 $-1.053605150e-01, v1  }
0x324: {  	v0 =	vmul.f32 $-1.053605150e-01, v0;
	v2 =	vmul.f32 $-1.053605150e-01, v2  }
0x325: {  	v4 =	vmul.f32 $-1.053605150e-01, v4;
	v3 =	vmul.f32 $-1.053605150e-01, v3  }
0x326: {  	v7 =	vld [tilespmem:s5+$0xFFFFFFE0];
	v5 =	vmul.f32 $-1.053605150e-01, v5;
	v1 =	vmul.f32 $1.442695020e+00, v1  }
0x327: {  	s4 =	simm.s32 $0x5570;
	v6 =	vmul.f32 $-1.053605150e-01, v6;
	v4 =	vmul.f32 $1.442695020e+00, v4  }
0x328: {  	v8 =	vld [tilespmem:s4+$0xFFFFFFF0];
	v5 =	vmul.f32 $1.442695020e+00, v5;
	(erf) = vpow2.f32 v1  }
0x329: {  	v3 =	vmul.f32 $1.442695020e+00, v3;
	v1 =	vld [tilespmem:s4+$0xFFFFFFA0];
	(erf) = vpow2.f32 v4  }
0x32a: {  	v2 =	vmul.f32 $1.442695020e+00, v2;
	v4 =	vld [tilespmem:s4+$0xFFFFFF90];
	(erf) = vpow2.f32 v5  }
0x32b: {  	v5 =	vmul.f32 $-1.053605150e-01, v7;
	v7 =	vld [tilespmem:s4+$0x0];
	(erf) = vpow2.f32 v3  }
0x32c: {  	v3 =	vmul.f32 $1.442695020e+00, v6;
	v6 =	vld [tilespmem:s4+$0xFFFFFFD0];
	(erf) = vpow2.f32 v2  }
0x32d: {  	v0 =	vmul.f32 $1.442695020e+00, v0;
	v5 =	vmul.f32 $1.442695020e+00, v5  }
0x32e: {  	v2 =	vmul.f32 $-1.053605150e-01, v8;
	(erf) = vpow2.f32 v3  }
0x32f: {  	v9 =	vld [tilespmem:s4+$0xFFFFFFC0];
	v1 =	vmul.f32 $-1.053605150e-01, v1;
	(erf) = vpow2.f32 v5  }
0x330: {  	v3 =	vmul.f32 $-1.053605150e-01, v4;
	(erf) = vpow2.f32 v0  }
0x331: {  	v4 =	vmul.f32 $-1.053605150e-01, v6;
	v6 =	vmul.f32 $-1.053605150e-01, v7;
	v0 =	vpop (erf)  }
0x332: {  	v0 =	vsub.f32 $1.000000000e+00, v0;
	v8 =	vpop (erf)  }
0x333: {  	v2 =	vmul.f32 $1.442695020e+00, v2;
	v5 =	vld [tilespmem:s4+$0xFFFFFFB0];
	v10 =	vmul.f32 $1.442695020e+00, v1;
	v1 =	vpop (erf)  }
0x334: {  	v7 =	vmul.f32 $-1.053605150e-01, v9;
	v9 =	vld [tilespmem:s4+$0xFFFFFFE0];
	v8 =	vsub.f32 $1.000000000e+00, v8;
	v11 =	vpop (erf);
	(erf) = vrcp.f32 v0  }
0x335: {  	v1 =	vsub.f32 $1.000000000e+00, v1;
	(erf) = vpow2.f32 v2;
	v2 =	vmul.f32 $1.442695020e+00, v6;
	v6 =	vpop (erf)  }
0x336: {  	s6 =	simm.s32 $0x55F0;
	v0 =	vmul.f32 $1.442695020e+00, v3;
	v3 =	vsub.f32 $1.000000000e+00, v11;
	v6 =	vsub.f32 $1.000000000e+00, v6  }
0x337: {  	v4 =	vmul.f32 $1.442695020e+00, v4;
	v11 =	vld [tilespmem:s6+$0xFFFFFFA0];
	(erf) = vrcp.f32 v8  }
0x338: {  	v5 =	vmul.f32 $-1.053605150e-01, v5;
	v12 =	vpop (erf);
	v8 =	vld [tilespmem:s6+$0xFFFFFF90];
	(erf) = vrcp.f32 v3  }
0x339: {  	v13 =	vld [tilespmem:s6+$0xFFFFFFD0];
	v3 =	vmul.f32 $-1.053605150e-01, v9;
	(erf) = vrcp.f32 v1;
	v1 =	vpop (erf)  }
0x33a: {  	v5 =	vmul.f32 $1.442695020e+00, v5;
	v9 =	vld [tilespmem:s6+$0xFFFFFFF0];
	(erf) = vrcp.f32 v6;
	v6 =	vpop (erf)  }
0x33b: {  	v14 =	vmul.f32 $1.442695020e+00, v3;
	(erf) = vpow2.f32 v4;
	v4 =	vsub.f32 $1.000000000e+00, v6  }
0x33c: {  	v3 =	vld [tilespmem:s6+$0x0];
	v6 =	vmul.f32 $-1.053605150e-01, v11;
	(erf) = vpow2.f32 v5  }
0x33d: {  	v5 =	vmul.f32 $-1.053605150e-01, v8;
	(erf) = vrcp.f32 v4  }
0x33e: {  	v8 =	vld [tilespmem:s6+$0xFFFFFFC0];
	v11 =	vpop (erf);
	(erf) = vpow2.f32 v2;
	v2 =	vmul.f32 $-1.053605150e-01, v13  }
0x33f: {  	v7 =	vmul.f32 $1.442695020e+00, v7;
	v4 =	vmul.f32 $-1.053605150e-01, v9  }
0x340: {  	v5 =	vmul.f32 $1.442695020e+00, v5;
	v9 =	vpop (erf);
	(erf) = vpow2.f32 v0  }
0x341: {  	v13 =	vmul.f32 $-1.053605150e-01, v3;
	v15 =	vmul.f32 $1.442695020e+00, v4;
	v3 =	vpop (erf)  }
0x342: {  	v1 =	vsub.f32 $1.000000000e+00, v1;
	v4 =	vmul.f32 $1.442695020e+00, v2;
	(erf) = vpow2.f32 v7;
	v7 =	vld [tilespmem:s6+$0xFFFFFFE0];
	v2 =	vpop (erf)  }
0x343: {  	v17 =	vmul.f32 $1.000000010e-01, v11;
	v61 =	vmul.f32 $-1.053605150e-01, v8;
	v8 =	vpop (erf)  }
0x344: {  	v18 =	vld [tilespmem:s6+$0xFFFFFFB0];
	v11 =	vsub.f32 $1.000000000e+00, v12;
	v0 =	vmul.f32 $1.442695020e+00, v6;
	(erf) = vrcp.f32 v1;
	v19 =	vpop (erf)  }
0x345: {  	v12 =	vsub.f32 $1.000000000e+00, v9;
	v9 =	vmul.f32 $1.442695020e+00, v13;
	(erf) = vpow2.f32 v14;
	v6 =	vpop (erf)  }
0x346: {  	v1 =	vmul.f32 $1.442695020e+00, v61;
	(erf) = vpow2.f32 v10;
	v14 =	vpop (erf)  }
0x347: {  	(erf) = vrcp.f32 v11;
	v7 =	vmul.f32 $-1.053605150e-01, v7;
	v10 =	vsub.f32 $1.000000000e+00, v6;
	v6 =	vpop (erf)  }
0x348: {  	v62 =	vmul.f32 $1.000000010e-01, v19;
	(erf) = vrcp.f32 v12;
	v13 =	vpop (erf)  }
0x349: {  	[tilespmem:s5+$0xFFFFFFF0] =	vst v17;
	v11 =	vsub.f32 $1.000000000e+00, v14;
	v14 =	vmul.f32 $-1.053605150e-01, v18;
	v7 =	vmul.f32 $1.442695020e+00, v7;
	v63 =	vpop (erf)  }
0x34a: {  	s30 =	simm.s32 $0x2180;
	s7 =	simm.s32 $0x5670;
	(erf) = vpow2.f32 v15;
	[tilespmem:s5+$0xFFFFFF90] =	vst v62;
	v13 =	vsub.f32 $1.000000000e+00, v13;
	v12 =	vsub.f32 $1.000000000e+00, v63  }
.LBB2_12:
0x34b: {  	v15 =	vld [tilespmem:s7+$0xFFFFFFA0];
	s30 =	sadd.s32 $0x80, s30;
	v14 =	vmul.f32 $1.442695020e+00, v14;
	v16 =	vpop (erf);
	v18 =	vmul.f32 $1.000000010e-01, v8  }
0x34c: {  	v3 =	vmul.f32 $1.000000010e-01, v3;
	v17 =	vld [tilespmem:s7+$0xFFFFFFF0];
	p0 =	slt.u32 s30, $0x2680;
	v16 =	vsub.f32 $1.000000000e+00, v16;
	(erf) = vrcp.f32 v10  }
0x34d: {  	v2 =	vmul.f32 $1.000000010e-01, v2;
	v10 =	vld [tilespmem:s7+$0xFFFFFF90];
	(erf) = vrcp.f32 v13;
	[tilespmem:s5+$0xFFFFFFB0] =	vst v18;
	v8 =	vpop (erf)  }
0x34e: {  	v13 =	vld [tilespmem:s7+$0x0];
	(erf) = vrcp.f32 v11;
	v11 =	vpop (erf);
	[tilespmem:s5+$0xFFFFFFD0] =	vst v3;
	v19 =	vmul.f32 $1.000000010e-01, v8  }
0x34f: {  	v6 =	vmul.f32 $1.000000010e-01, v6;
	v8 =	vld [tilespmem:s7+$0xFFFFFFD0];
	v11 =	vsub.f32 $1.000000000e+00, v11;
	(erf) = vrcp.f32 v12;
	v12 =	vpop (erf);
	[tilespmem:s5+$0x0] =	vst v2  }
0x350: {  	v15 =	vmul.f32 $-1.053605150e-01, v15;
	v18 =	vld [tilespmem:s7+$0xFFFFFFE0];
	(erf) = vpow2.f32 v4;
	v2 =	vsub.f32 $1.000000000e+00, v12;
	[tilespmem:s5+$0xFFFFFFE0] =	vst v19;
	v3 =	vpop (erf)  }
0x351: {  	v12 =	vld [tilespmem:s7+$0xFFFFFFB0];
	(erf) = vpow2.f32 v14;
	v3 =	vmul.f32 $1.000000010e-01, v3  }
0x352: {  	v10 =	vmul.f32 $-1.053605150e-01, v10;
	v14 =	vld [tilespmem:s7+$0xFFFFFFC0];
	(erf) = vrcp.f32 v2;
	v19 =	vpop (erf);
	[tilespmem:s5+$0xFFFFFFA0] =	vst v6  }
0x353: {  	v20 =	vmul.f32 $-1.053605150e-01, v17;
	v6 =	vpop (erf);
	(erf) = vpow2.f32 v9;
	[tilespmem:s5+$0xFFFFFFC0] =	vst v3;
	s5 =	smov.u32 s4;
	s4 =	smov.u32 s6;
	s6 =	smov.u32 s7  }
0x354: {  	v4 =	vmul.f32 $-1.053605150e-01, v8;
	(erf) = vpow2.f32 v5  }
0x355: {  	v17 =	vmul.f32 $1.442695020e+00, v20;
	v9 =	vmul.f32 $-1.053605150e-01, v13;
	v3 =	vpop (erf)  }
0x356: {  	v4 =	vmul.f32 $1.442695020e+00, v4;
	(erf) = vpow2.f32 v1;
	v2 =	vpop (erf)  }
0x357: {  	v13 =	vmul.f32 $1.000000010e-01, v19;
	v1 =	vmul.f32 $-1.053605150e-01, v14;
	v8 =	vpop (erf)  }
0x358: {  	v14 =	vmul.f32 $1.442695020e+00, v15;
	v15 =	vsub.f32 $1.000000000e+00, v6;
	v19 =	vpop (erf);
	(erf) = vrcp.f32 v11  }
0x359: {  	v1 =	vmul.f32 $1.442695020e+00, v1;
	v6 =	vpop (erf);
	(erf) = vpow2.f32 v7  }
.Ltmp5:
0x35a: {  	v5 =	vmul.f32 $1.442695020e+00, v10;
	v10 =	vsub.f32 $1.000000000e+00, v6;
	(erf) = vpow2.f32 v0;
	v7 =	vpop (erf);
	(pc) =	sbr.rel @p0 .LBB2_12-.Ltmp5, $4  }
0x35b: {  	v9 =	vmul.f32 $1.442695020e+00, v9;
	v0 =	vmov v14;
	[tilespmem:s5+$0xFFFFFFF0] =	vst v13;
	v6 =	vpop (erf);
	(erf) = vrcp.f32 v16  }
0x35c: {  	v16 =	vmul.f32 $-1.053605150e-01, v18;
	v11 =	vsub.f32 $1.000000000e+00, v7;
	v18 =	vmul.f32 $1.000000010e-01, v19;
	v7 =	vpop (erf)  }
0x35d: {  	v14 =	vmul.f32 $-1.053605150e-01, v12;
	v13 =	vsub.f32 $1.000000000e+00, v7;
	v12 =	vpop (erf);
	(erf) = vrcp.f32 v15  }
0x35e: {  	s7 =	sadd.s32 $0x80, s7;
	v7 =	vmul.f32 $1.442695020e+00, v16;
	(erf) = vpow2.f32 v17;
	v12 =	vsub.f32 $1.000000000e+00, v12;
	[tilespmem:s5+$0xFFFFFF90] =	vst v18  }
0x35f: {  	_ = 	snop  }
0x360: {  	v15 =	vpop (erf);
	(erf) = vrcp.f32 v10  }
0x361: {  	(erf) = vrcp.f32 v13;
	v10 =	vpop (erf)  }
0x362: {  	(erf) = vrcp.f32 v11;
	v11 =	vpop (erf)  }
0x363: {  	(erf) = vrcp.f32 v12;
	v12 =	vpop (erf)  }
0x364: {  	v13 =	vmul.f32 $1.442695020e+00, v14;
	(erf) = vpow2.f32 v4;
	v4 =	vsub.f32 $1.000000000e+00, v12;
	_ =	sdelay $0x1  }
0x365: {  	(erf) = vpow2.f32 v13  }
0x366: {  	v12 =	vpop (erf);
	(erf) = vrcp.f32 v4  }
0x367: {  	v4 =	vpop (erf);
	(erf) = vpow2.f32 v9;
	v9 =	vsub.f32 $1.000000000e+00, v11  }
0x368: {  	v11 =	vpop (erf);
	(erf) = vpow2.f32 v5  }
0x369: {  	v5 =	vpop (erf);
	(erf) = vpow2.f32 v1  }
0x36a: {  	v1 =	vpop (erf)  }
0x36b: {  	(erf) = vrcp.f32 v9;
	v9 =	vpop (erf)  }
0x36c: {  	v13 =	vsub.f32 $1.000000000e+00, v15;
	(erf) = vpow2.f32 v7;
	v7 =	vpop (erf)  }
0x36d: {  	(erf) = vpow2.f32 v0;
	v0 =	vpop (erf)  }
0x36e: {  	v11 =	vsub.f32 $1.000000000e+00, v11;
	v14 =	vpop (erf)  }
0x36f: {  	v8 =	vmul.f32 $1.000000010e-01, v8;
	v15 =	vpop (erf)  }
0x370: {  	v3 =	vmul.f32 $1.000000010e-01, v3;
	v0 =	vsub.f32 $1.000000000e+00, v0;
	(erf) = vrcp.f32 v13;
	v13 =	vpop (erf)  }
0x371: {  	v2 =	vmul.f32 $1.000000010e-01, v2;
	(erf) = vrcp.f32 v11;
	v16 =	vpop (erf)  }
0x372: {  	[tilespmem:s5+$0xFFFFFFD0] =	vst v3;
	v13 =	vsub.f32 $1.000000000e+00, v13;
	v11 =	vpop (erf);
	(erf) = vrcp.f32 v0;
	v3 =	vsub.f32 $1.000000000e+00, v16  }
0x373: {  	[tilespmem:s5+$0xFFFFFFB0] =	vst v8;
	v8 =	vsub.f32 $1.000000000e+00, v14;
	v0 =	vmul.f32 $1.000000010e-01, v10  }
0x374: {  	[tilespmem:s5+$0x0] =	vst v2;
	v4 =	vmul.f32 $1.000000010e-01, v4;
	(erf) = vrcp.f32 v13;
	v10 =	vpop (erf)  }
0x375: {  	(erf) = vrcp.f32 v8;
	v2 =	vpop (erf);
	[tilespmem:s5+$0xFFFFFFE0] =	vst v0;
	v0 =	vmul.f32 $1.000000010e-01, v12  }
0x376: {  	[tilespmem:s4+$0xFFFFFFF0] =	vst v4;
	(erf) = vrcp.f32 v3;
	v2 =	vsub.f32 $1.000000000e+00, v2;
	v3 =	vpop (erf)  }
0x377: {  	v4 =	vmul.f32 $1.000000010e-01, v9;
	[tilespmem:s5+$0xFFFFFFC0] =	vst v0;
	v0 =	vmul.f32 $1.000000010e-01, v7;
	v3 =	vsub.f32 $1.000000000e+00, v3  }
0x378: {  	v1 =	vmul.f32 $1.000000010e-01, v1  }
0x379: {  	[tilespmem:s4+$0xFFFFFF90] =	vst v0;
	v0 =	vsub.f32 $1.000000000e+00, v11;
	(erf) = vrcp.f32 v3;
	v3 =	vmul.f32 $1.000000010e-01, v5;
	v5 =	vpop (erf)  }
0x37a: {  	[tilespmem:s4+$0x0] =	vst v1;
	(erf) = vrcp.f32 v2;
	v2 =	vpop (erf)  }
0x37b: {  	[tilespmem:s4+$0xFFFFFFB0] =	vst v4;
	v4 =	vpop (erf);
	(erf) = vrcp.f32 v0;
	v0 =	vmul.f32 $1.000000010e-01, v15  }
0x37c: {  	[tilespmem:s4+$0xFFFFFFD0] =	vst v3;
	v3 =	vmul.f32 $1.000000010e-01, v10  }
0x37d: {  	v1 =	vpop (erf);
	[tilespmem:s4+$0xFFFFFFA0] =	vst v0;
	v0 =	vmul.f32 $1.000000010e-01, v2  }
0x37e: {  	v6 =	vmul.f32 $1.000000010e-01, v6;
	[tilespmem:s4+$0xFFFFFFE0] =	vst v3;
	v3 =	vmul.f32 $1.000000010e-01, v5;
	v5 =	vpop (erf)  }
0x37f: {  	v2 =	vpop (erf);
	[tilespmem:s6+$0xFFFFFFF0] =	vst v0;
	v0 =	vmul.f32 $1.000000010e-01, v5  }
0x380: {  	[tilespmem:s5+$0xFFFFFFA0] =	vst v6;
	v2 =	vmul.f32 $1.000000010e-01, v2  }
0x381: {  	[tilespmem:s6+$0xFFFFFFB0] =	vst v0;
	v0 =	vmul.f32 $1.000000010e-01, v1  }
0x382: {  	[tilespmem:s6+$0xFFFFFF90] =	vst v2;
	v2 =	vmul.f32 $1.000000010e-01, v4  }
0x383: {  	[tilespmem:s4+$0xFFFFFFC0] =	vst v3;
	v3 =	vpop (erf)  }
0x384: {  	v1 =	vpop (erf);
	[tilespmem:s6+$0xFFFFFFD0] =	vst v2;
	v2 =	vmul.f32 $1.000000010e-01, v3  }
0x385: {  	[tilespmem:s6+$0x0] =	vst v0;
	v1 =	vmul.f32 $1.000000010e-01, v1;
	v0 =	vpop (erf)  }
0x386: {  	[tilespmem:s6+$0xFFFFFFA0] =	vst v2;
	v0 =	vmul.f32 $1.000000010e-01, v0  }
0x387: {  	[tilespmem:s6+$0xFFFFFFE0] =	vst v1  }
0x388: {  	s5 =	simm.s32 $0x5400;
	[tilespmem:s6+$0xFFFFFFC0] =	vst v0  }
0x389: {  	[hbm4b:s13+s25] =	stream.strided.scatter [tilespmem:s5], [sflag:$0x1], $0x200, s26, s25, $0x38;
	[tilespmem:$0x6800] =	vst v63  }
0x38a: {  	s6 =	simm.s32 $0x5600  }
0x38b: {  	[hbm4b:s14+s25] =	stream.strided.scatter [tilespmem:s6], [sflag:$0x1], $0x200, s26, s25, $0x38;
	[tilespmem:$0x6800] =	vst v63  }
0x38c: {  	s7 =	simm.s32 $0x5800  }
0x38d: {  	[hbm4b:s15+s25] =	stream.strided.scatter [tilespmem:s7], [sflag:$0x1], $0x200, s26, s25, $0x38;
	[tilespmem:$0x6800] =	vst v63  }
0x38e: {  	_ =	swait.ge [sflag:s31], $0x680  }
0x38f: {  	[sflag:s31] =	ssyncset.done $0x0  }
0x390: {  	s5 =	simm.s32 $0x5B70;
	[sflag:s31] =	ssyncadd.s32 $0xFFFFF980  }
0x391: {  	v0 =	vld [tilespmem:s5+$0xFFFFFFA0]  }
0x392: {  	v1 =	vld [tilespmem:s5+$0xFFFFFFF0]  }
0x393: {  	v2 =	vld [tilespmem:s5+$0xFFFFFF90]  }
0x394: {  	v3 =	vld [tilespmem:s5+$0x0]  }
0x395: {  	v4 =	vld [tilespmem:s5+$0xFFFFFFD0]  }
0x396: {  	v5 =	vld [tilespmem:s5+$0xFFFFFFB0]  }
0x397: {  	v6 =	vld [tilespmem:s5+$0xFFFFFFC0]  }
0x398: {  	v1 =	vmul.f32 $-1.053605150e-01, v1  }
0x399: {  	v0 =	vmul.f32 $-1.053605150e-01, v0;
	v2 =	vmul.f32 $-1.053605150e-01, v2  }
0x39a: {  	v4 =	vmul.f32 $-1.053605150e-01, v4;
	v3 =	vmul.f32 $-1.053605150e-01, v3  }
0x39b: {  	v7 =	vld [tilespmem:s5+$0xFFFFFFE0];
	v5 =	vmul.f32 $-1.053605150e-01, v5;
	v1 =	vmul.f32 $1.442695020e+00, v1  }
0x39c: {  	s4 =	simm.s32 $0x5BF0;
	v6 =	vmul.f32 $-1.053605150e-01, v6;
	v4 =	vmul.f32 $1.442695020e+00, v4  }
0x39d: {  	v8 =	vld [tilespmem:s4+$0xFFFFFFF0];
	v5 =	vmul.f32 $1.442695020e+00, v5;
	(erf) = vpow2.f32 v1  }
0x39e: {  	v3 =	vmul.f32 $1.442695020e+00, v3;
	v1 =	vld [tilespmem:s4+$0xFFFFFFA0];
	(erf) = vpow2.f32 v4  }
0x39f: {  	v2 =	vmul.f32 $1.442695020e+00, v2;
	v4 =	vld [tilespmem:s4+$0xFFFFFF90];
	(erf) = vpow2.f32 v5  }
0x3a0: {  	v5 =	vmul.f32 $-1.053605150e-01, v7;
	v7 =	vld [tilespmem:s4+$0x0];
	(erf) = vpow2.f32 v3  }
0x3a1: {  	v3 =	vmul.f32 $1.442695020e+00, v6;
	v6 =	vld [tilespmem:s4+$0xFFFFFFD0];
	(erf) = vpow2.f32 v2  }
0x3a2: {  	v0 =	vmul.f32 $1.442695020e+00, v0;
	v5 =	vmul.f32 $1.442695020e+00, v5  }
0x3a3: {  	v2 =	vmul.f32 $-1.053605150e-01, v8;
	(erf) = vpow2.f32 v3  }
0x3a4: {  	v9 =	vld [tilespmem:s4+$0xFFFFFFC0];
	v1 =	vmul.f32 $-1.053605150e-01, v1;
	(erf) = vpow2.f32 v5  }
0x3a5: {  	v3 =	vmul.f32 $-1.053605150e-01, v4;
	(erf) = vpow2.f32 v0  }
0x3a6: {  	v4 =	vmul.f32 $-1.053605150e-01, v6;
	v6 =	vmul.f32 $-1.053605150e-01, v7;
	v0 =	vpop (erf)  }
0x3a7: {  	v0 =	vsub.f32 $1.000000000e+00, v0;
	v8 =	vpop (erf)  }
0x3a8: {  	v2 =	vmul.f32 $1.442695020e+00, v2;
	v5 =	vld [tilespmem:s4+$0xFFFFFFB0];
	v10 =	vmul.f32 $1.442695020e+00, v1;
	v1 =	vpop (erf)  }
0x3a9: {  	v7 =	vmul.f32 $-1.053605150e-01, v9;
	v9 =	vld [tilespmem:s4+$0xFFFFFFE0];
	v8 =	vsub.f32 $1.000000000e+00, v8;
	v11 =	vpop (erf);
	(erf) = vrcp.f32 v0  }
0x3aa: {  	v1 =	vsub.f32 $1.000000000e+00, v1;
	(erf) = vpow2.f32 v2;
	v2 =	vmul.f32 $1.442695020e+00, v6;
	v6 =	vpop (erf)  }
0x3ab: {  	s6 =	simm.s32 $0x5C70;
	v0 =	vmul.f32 $1.442695020e+00, v3;
	v3 =	vsub.f32 $1.000000000e+00, v11;
	v6 =	vsub.f32 $1.000000000e+00, v6  }
0x3ac: {  	v4 =	vmul.f32 $1.442695020e+00, v4;
	v11 =	vld [tilespmem:s6+$0xFFFFFFA0];
	(erf) = vrcp.f32 v8  }
0x3ad: {  	v5 =	vmul.f32 $-1.053605150e-01, v5;
	v12 =	vpop (erf);
	v8 =	vld [tilespmem:s6+$0xFFFFFF90];
	(erf) = vrcp.f32 v3  }
0x3ae: {  	v13 =	vld [tilespmem:s6+$0xFFFFFFD0];
	v3 =	vmul.f32 $-1.053605150e-01, v9;
	(erf) = vrcp.f32 v1;
	v1 =	vpop (erf)  }
0x3af: {  	v5 =	vmul.f32 $1.442695020e+00, v5;
	v9 =	vld [tilespmem:s6+$0xFFFFFFF0];
	(erf) = vrcp.f32 v6;
	v6 =	vpop (erf)  }
0x3b0: {  	v14 =	vmul.f32 $1.442695020e+00, v3;
	(erf) = vpow2.f32 v4;
	v4 =	vsub.f32 $1.000000000e+00, v6  }
0x3b1: {  	v3 =	vld [tilespmem:s6+$0x0];
	v6 =	vmul.f32 $-1.053605150e-01, v11;
	(erf) = vpow2.f32 v5  }
0x3b2: {  	v5 =	vmul.f32 $-1.053605150e-01, v8;
	(erf) = vrcp.f32 v4  }
0x3b3: {  	v8 =	vld [tilespmem:s6+$0xFFFFFFC0];
	v11 =	vpop (erf);
	(erf) = vpow2.f32 v2;
	v2 =	vmul.f32 $-1.053605150e-01, v13  }
0x3b4: {  	v7 =	vmul.f32 $1.442695020e+00, v7;
	v4 =	vmul.f32 $-1.053605150e-01, v9  }
0x3b5: {  	v5 =	vmul.f32 $1.442695020e+00, v5;
	v9 =	vpop (erf);
	(erf) = vpow2.f32 v0  }
0x3b6: {  	v13 =	vmul.f32 $-1.053605150e-01, v3;
	v15 =	vmul.f32 $1.442695020e+00, v4;
	v3 =	vpop (erf)  }
0x3b7: {  	v1 =	vsub.f32 $1.000000000e+00, v1;
	v4 =	vmul.f32 $1.442695020e+00, v2;
	(erf) = vpow2.f32 v7;
	v7 =	vld [tilespmem:s6+$0xFFFFFFE0];
	v2 =	vpop (erf)  }
0x3b8: {  	v17 =	vmul.f32 $1.000000010e-01, v11;
	v61 =	vmul.f32 $-1.053605150e-01, v8;
	v8 =	vpop (erf)  }
0x3b9: {  	v18 =	vld [tilespmem:s6+$0xFFFFFFB0];
	v11 =	vsub.f32 $1.000000000e+00, v12;
	v0 =	vmul.f32 $1.442695020e+00, v6;
	(erf) = vrcp.f32 v1;
	v19 =	vpop (erf)  }
0x3ba: {  	v12 =	vsub.f32 $1.000000000e+00, v9;
	v9 =	vmul.f32 $1.442695020e+00, v13;
	(erf) = vpow2.f32 v14;
	v6 =	vpop (erf)  }
0x3bb: {  	v1 =	vmul.f32 $1.442695020e+00, v61;
	(erf) = vpow2.f32 v10;
	v14 =	vpop (erf)  }
0x3bc: {  	(erf) = vrcp.f32 v11;
	v7 =	vmul.f32 $-1.053605150e-01, v7;
	v10 =	vsub.f32 $1.000000000e+00, v6;
	v6 =	vpop (erf)  }
0x3bd: {  	v62 =	vmul.f32 $1.000000010e-01, v19;
	(erf) = vrcp.f32 v12;
	v13 =	vpop (erf)  }
0x3be: {  	[tilespmem:s5+$0xFFFFFFF0] =	vst v17;
	v11 =	vsub.f32 $1.000000000e+00, v14;
	v14 =	vmul.f32 $-1.053605150e-01, v18;
	v7 =	vmul.f32 $1.442695020e+00, v7;
	v63 =	vpop (erf)  }
0x3bf: {  	s30 =	simm.s32 $0x2800;
	s7 =	simm.s32 $0x5CF0;
	(erf) = vpow2.f32 v15;
	[tilespmem:s5+$0xFFFFFF90] =	vst v62;
	v13 =	vsub.f32 $1.000000000e+00, v13;
	v12 =	vsub.f32 $1.000000000e+00, v63  }
.LBB2_14:
0x3c0: {  	v15 =	vld [tilespmem:s7+$0xFFFFFFA0];
	s30 =	sadd.s32 $0x80, s30;
	v14 =	vmul.f32 $1.442695020e+00, v14;
	v16 =	vpop (erf);
	v18 =	vmul.f32 $1.000000010e-01, v8  }
0x3c1: {  	v3 =	vmul.f32 $1.000000010e-01, v3;
	v17 =	vld [tilespmem:s7+$0xFFFFFFF0];
	p0 =	slt.u32 s30, $0x2D00;
	v16 =	vsub.f32 $1.000000000e+00, v16;
	(erf) = vrcp.f32 v10  }
0x3c2: {  	v2 =	vmul.f32 $1.000000010e-01, v2;
	v10 =	vld [tilespmem:s7+$0xFFFFFF90];
	(erf) = vrcp.f32 v13;
	[tilespmem:s5+$0xFFFFFFB0] =	vst v18;
	v8 =	vpop (erf)  }
0x3c3: {  	v13 =	vld [tilespmem:s7+$0x0];
	(erf) = vrcp.f32 v11;
	v11 =	vpop (erf);
	[tilespmem:s5+$0xFFFFFFD0] =	vst v3;
	v19 =	vmul.f32 $1.000000010e-01, v8  }
0x3c4: {  	v6 =	vmul.f32 $1.000000010e-01, v6;
	v8 =	vld [tilespmem:s7+$0xFFFFFFD0];
	v11 =	vsub.f32 $1.000000000e+00, v11;
	(erf) = vrcp.f32 v12;
	v12 =	vpop (erf);
	[tilespmem:s5+$0x0] =	vst v2  }
0x3c5: {  	v15 =	vmul.f32 $-1.053605150e-01, v15;
	v18 =	vld [tilespmem:s7+$0xFFFFFFE0];
	(erf) = vpow2.f32 v4;
	v2 =	vsub.f32 $1.000000000e+00, v12;
	[tilespmem:s5+$0xFFFFFFE0] =	vst v19;
	v3 =	vpop (erf)  }
0x3c6: {  	v12 =	vld [tilespmem:s7+$0xFFFFFFB0];
	(erf) = vpow2.f32 v14;
	v3 =	vmul.f32 $1.000000010e-01, v3  }
0x3c7: {  	v10 =	vmul.f32 $-1.053605150e-01, v10;
	v14 =	vld [tilespmem:s7+$0xFFFFFFC0];
	(erf) = vrcp.f32 v2;
	v19 =	vpop (erf);
	[tilespmem:s5+$0xFFFFFFA0] =	vst v6  }
0x3c8: {  	v20 =	vmul.f32 $-1.053605150e-01, v17;
	v6 =	vpop (erf);
	(erf) = vpow2.f32 v9;
	[tilespmem:s5+$0xFFFFFFC0] =	vst v3;
	s5 =	smov.u32 s4;
	s4 =	smov.u32 s6;
	s6 =	smov.u32 s7  }
0x3c9: {  	v4 =	vmul.f32 $-1.053605150e-01, v8;
	(erf) = vpow2.f32 v5  }
0x3ca: {  	v17 =	vmul.f32 $1.442695020e+00, v20;
	v9 =	vmul.f32 $-1.053605150e-01, v13;
	v3 =	vpop (erf)  }
0x3cb: {  	v4 =	vmul.f32 $1.442695020e+00, v4;
	(erf) = vpow2.f32 v1;
	v2 =	vpop (erf)  }
0x3cc: {  	v13 =	vmul.f32 $1.000000010e-01, v19;
	v1 =	vmul.f32 $-1.053605150e-01, v14;
	v8 =	vpop (erf)  }
0x3cd: {  	v14 =	vmul.f32 $1.442695020e+00, v15;
	v15 =	vsub.f32 $1.000000000e+00, v6;
	v19 =	vpop (erf);
	(erf) = vrcp.f32 v11  }
0x3ce: {  	v1 =	vmul.f32 $1.442695020e+00, v1;
	v6 =	vpop (erf);
	(erf) = vpow2.f32 v7  }
.Ltmp6:
0x3cf: {  	v5 =	vmul.f32 $1.442695020e+00, v10;
	v10 =	vsub.f32 $1.000000000e+00, v6;
	(erf) = vpow2.f32 v0;
	v7 =	vpop (erf);
	(pc) =	sbr.rel @p0 .LBB2_14-.Ltmp6, $4  }
0x3d0: {  	v9 =	vmul.f32 $1.442695020e+00, v9;
	v0 =	vmov v14;
	[tilespmem:s5+$0xFFFFFFF0] =	vst v13;
	v6 =	vpop (erf);
	(erf) = vrcp.f32 v16  }
0x3d1: {  	v16 =	vmul.f32 $-1.053605150e-01, v18;
	v11 =	vsub.f32 $1.000000000e+00, v7;
	v18 =	vmul.f32 $1.000000010e-01, v19;
	v7 =	vpop (erf)  }
0x3d2: {  	v14 =	vmul.f32 $-1.053605150e-01, v12;
	v13 =	vsub.f32 $1.000000000e+00, v7;
	v12 =	vpop (erf);
	(erf) = vrcp.f32 v15  }
0x3d3: {  	s7 =	sadd.s32 $0x80, s7;
	v7 =	vmul.f32 $1.442695020e+00, v16;
	(erf) = vpow2.f32 v17;
	v12 =	vsub.f32 $1.000000000e+00, v12;
	[tilespmem:s5+$0xFFFFFF90] =	vst v18  }
0x3d4: {  	_ = 	snop  }
0x3d5: {  	v15 =	vpop (erf);
	(erf) = vrcp.f32 v10  }
0x3d6: {  	(erf) = vrcp.f32 v13;
	v10 =	vpop (erf)  }
0x3d7: {  	(erf) = vrcp.f32 v11;
	v11 =	vpop (erf)  }
0x3d8: {  	(erf) = vrcp.f32 v12;
	v12 =	vpop (erf)  }
0x3d9: {  	v13 =	vmul.f32 $1.442695020e+00, v14;
	(erf) = vpow2.f32 v4;
	v4 =	vsub.f32 $1.000000000e+00, v12;
	_ =	sdelay $0x1  }
0x3da: {  	(erf) = vpow2.f32 v13  }
0x3db: {  	v12 =	vpop (erf);
	(erf) = vrcp.f32 v4  }
0x3dc: {  	v4 =	vpop (erf);
	(erf) = vpow2.f32 v9;
	v9 =	vsub.f32 $1.000000000e+00, v11  }
0x3dd: {  	v11 =	vpop (erf);
	(erf) = vpow2.f32 v5  }
0x3de: {  	v5 =	vpop (erf);
	(erf) = vpow2.f32 v1  }
0x3df: {  	v1 =	vpop (erf)  }
0x3e0: {  	(erf) = vrcp.f32 v9;
	v9 =	vpop (erf)  }
0x3e1: {  	v13 =	vsub.f32 $1.000000000e+00, v15;
	(erf) = vpow2.f32 v7;
	v7 =	vpop (erf)  }
0x3e2: {  	(erf) = vpow2.f32 v0;
	v0 =	vpop (erf)  }
0x3e3: {  	v11 =	vsub.f32 $1.000000000e+00, v11;
	v14 =	vpop (erf)  }
0x3e4: {  	v8 =	vmul.f32 $1.000000010e-01, v8;
	v15 =	vpop (erf)  }
0x3e5: {  	v3 =	vmul.f32 $1.000000010e-01, v3;
	v0 =	vsub.f32 $1.000000000e+00, v0;
	(erf) = vrcp.f32 v13;
	v13 =	vpop (erf)  }
0x3e6: {  	v2 =	vmul.f32 $1.000000010e-01, v2;
	(erf) = vrcp.f32 v11;
	v16 =	vpop (erf)  }
0x3e7: {  	[tilespmem:s5+$0xFFFFFFD0] =	vst v3;
	v13 =	vsub.f32 $1.000000000e+00, v13;
	v11 =	vpop (erf);
	(erf) = vrcp.f32 v0;
	v3 =	vsub.f32 $1.000000000e+00, v16  }
0x3e8: {  	[tilespmem:s5+$0xFFFFFFB0] =	vst v8;
	v8 =	vsub.f32 $1.000000000e+00, v14;
	v0 =	vmul.f32 $1.000000010e-01, v10  }
0x3e9: {  	[tilespmem:s5+$0x0] =	vst v2;
	v4 =	vmul.f32 $1.000000010e-01, v4;
	(erf) = vrcp.f32 v13;
	v10 =	vpop (erf)  }
0x3ea: {  	(erf) = vrcp.f32 v8;
	v2 =	vpop (erf);
	[tilespmem:s5+$0xFFFFFFE0] =	vst v0;
	v0 =	vmul.f32 $1.000000010e-01, v12  }
0x3eb: {  	[tilespmem:s4+$0xFFFFFFF0] =	vst v4;
	(erf) = vrcp.f32 v3;
	v2 =	vsub.f32 $1.000000000e+00, v2;
	v3 =	vpop (erf)  }
0x3ec: {  	v4 =	vmul.f32 $1.000000010e-01, v9;
	[tilespmem:s5+$0xFFFFFFC0] =	vst v0;
	v0 =	vmul.f32 $1.000000010e-01, v7;
	v3 =	vsub.f32 $1.000000000e+00, v3  }
0x3ed: {  	v1 =	vmul.f32 $1.000000010e-01, v1  }
0x3ee: {  	[tilespmem:s4+$0xFFFFFF90] =	vst v0;
	v0 =	vsub.f32 $1.000000000e+00, v11;
	(erf) = vrcp.f32 v3;
	v3 =	vmul.f32 $1.000000010e-01, v5;
	v5 =	vpop (erf)  }
0x3ef: {  	[tilespmem:s4+$0x0] =	vst v1;
	(erf) = vrcp.f32 v2;
	v2 =	vpop (erf)  }
0x3f0: {  	[tilespmem:s4+$0xFFFFFFB0] =	vst v4;
	v4 =	vpop (erf);
	(erf) = vrcp.f32 v0;
	v0 =	vmul.f32 $1.000000010e-01, v15  }
0x3f1: {  	[tilespmem:s4+$0xFFFFFFD0] =	vst v3;
	v3 =	vmul.f32 $1.000000010e-01, v10  }
0x3f2: {  	v1 =	vpop (erf);
	[tilespmem:s4+$0xFFFFFFA0] =	vst v0;
	v0 =	vmul.f32 $1.000000010e-01, v2  }
0x3f3: {  	v6 =	vmul.f32 $1.000000010e-01, v6;
	[tilespmem:s4+$0xFFFFFFE0] =	vst v3;
	v3 =	vmul.f32 $1.000000010e-01, v5;
	v5 =	vpop (erf)  }
0x3f4: {  	v2 =	vpop (erf);
	[tilespmem:s6+$0xFFFFFFF0] =	vst v0;
	v0 =	vmul.f32 $1.000000010e-01, v5  }
0x3f5: {  	[tilespmem:s5+$0xFFFFFFA0] =	vst v6;
	v2 =	vmul.f32 $1.000000010e-01, v2  }
0x3f6: {  	[tilespmem:s6+$0xFFFFFFB0] =	vst v0;
	v0 =	vmul.f32 $1.000000010e-01, v1  }
0x3f7: {  	[tilespmem:s6+$0xFFFFFF90] =	vst v2;
	v2 =	vmul.f32 $1.000000010e-01, v4  }
0x3f8: {  	[tilespmem:s4+$0xFFFFFFC0] =	vst v3;
	v3 =	vpop (erf)  }
0x3f9: {  	v1 =	vpop (erf);
	[tilespmem:s6+$0xFFFFFFD0] =	vst v2;
	v2 =	vmul.f32 $1.000000010e-01, v3  }
0x3fa: {  	[tilespmem:s6+$0x0] =	vst v0;
	v1 =	vmul.f32 $1.000000010e-01, v1;
	v0 =	vpop (erf)  }
0x3fb: {  	[tilespmem:s6+$0xFFFFFFA0] =	vst v2;
	v0 =	vmul.f32 $1.000000010e-01, v0  }
0x3fc: {  	[tilespmem:s6+$0xFFFFFFE0] =	vst v1  }
0x3fd: {  	s5 =	simm.s32 $0x5A00;
	[tilespmem:s6+$0xFFFFFFC0] =	vst v0  }
0x3fe: {  	[hbm4b:s16+s25] =	stream.strided.scatter [tilespmem:s5], [sflag:$0x1], $0x200, s26, s25, $0x38;
	[tilespmem:$0x6800] =	vst v63  }
0x3ff: {  	s6 =	simm.s32 $0x5C00  }
0x400: {  	[hbm4b:s17+s25] =	stream.strided.scatter [tilespmem:s6], [sflag:$0x1], $0x200, s26, s25, $0x38;
	[tilespmem:$0x6800] =	vst v63  }
0x401: {  	s7 =	simm.s32 $0x5E00  }
0x402: {  	[hbm4b:s18+s25] =	stream.strided.scatter [tilespmem:s7], [sflag:$0x1], $0x200, s26, s25, $0x38;
	[tilespmem:$0x6800] =	vst v63  }
0x403: {  	_ =	swait.ge [sflag:s0], $0x680  }
0x404: {  	[sflag:s0] =	ssyncset.done $0x0  }
0x405: {  	s5 =	simm.s32 $0x61F0;
	[sflag:s0] =	ssyncadd.s32 $0xFFFFF980  }
0x406: {  	v0 =	vld [tilespmem:s5+$0xFFFFFFA0]  }
0x407: {  	v1 =	vld [tilespmem:s5+$0xFFFFFFF0]  }
0x408: {  	v2 =	vld [tilespmem:s5+$0xFFFFFF90]  }
0x409: {  	v3 =	vld [tilespmem:s5+$0x0]  }
0x40a: {  	v4 =	vld [tilespmem:s5+$0xFFFFFFD0]  }
0x40b: {  	v5 =	vld [tilespmem:s5+$0xFFFFFFB0]  }
0x40c: {  	v6 =	vld [tilespmem:s5+$0xFFFFFFC0]  }
0x40d: {  	v1 =	vmul.f32 $-1.053605150e-01, v1  }
0x40e: {  	v0 =	vmul.f32 $-1.053605150e-01, v0;
	v2 =	vmul.f32 $-1.053605150e-01, v2  }
0x40f: {  	v4 =	vmul.f32 $-1.053605150e-01, v4;
	v3 =	vmul.f32 $-1.053605150e-01, v3  }
0x410: {  	v7 =	vld [tilespmem:s5+$0xFFFFFFE0];
	v5 =	vmul.f32 $-1.053605150e-01, v5;
	v1 =	vmul.f32 $1.442695020e+00, v1  }
0x411: {  	s4 =	simm.s32 $0x6270;
	v6 =	vmul.f32 $-1.053605150e-01, v6;
	v4 =	vmul.f32 $1.442695020e+00, v4  }
0x412: {  	v8 =	vld [tilespmem:s4+$0xFFFFFFF0];
	v5 =	vmul.f32 $1.442695020e+00, v5;
	(erf) = vpow2.f32 v1  }
0x413: {  	v3 =	vmul.f32 $1.442695020e+00, v3;
	v1 =	vld [tilespmem:s4+$0xFFFFFFA0];
	(erf) = vpow2.f32 v4  }
0x414: {  	v2 =	vmul.f32 $1.442695020e+00, v2;
	v4 =	vld [tilespmem:s4+$0xFFFFFF90];
	(erf) = vpow2.f32 v5  }
0x415: {  	v5 =	vmul.f32 $-1.053605150e-01, v7;
	v7 =	vld [tilespmem:s4+$0x0];
	(erf) = vpow2.f32 v3  }
0x416: {  	v3 =	vmul.f32 $1.442695020e+00, v6;
	v6 =	vld [tilespmem:s4+$0xFFFFFFD0];
	(erf) = vpow2.f32 v2  }
0x417: {  	v0 =	vmul.f32 $1.442695020e+00, v0;
	v5 =	vmul.f32 $1.442695020e+00, v5  }
0x418: {  	v2 =	vmul.f32 $-1.053605150e-01, v8;
	(erf) = vpow2.f32 v3  }
0x419: {  	v9 =	vld [tilespmem:s4+$0xFFFFFFC0];
	v1 =	vmul.f32 $-1.053605150e-01, v1;
	(erf) = vpow2.f32 v5  }
0x41a: {  	v3 =	vmul.f32 $-1.053605150e-01, v4;
	(erf) = vpow2.f32 v0  }
0x41b: {  	v4 =	vmul.f32 $-1.053605150e-01, v6;
	v6 =	vmul.f32 $-1.053605150e-01, v7;
	v0 =	vpop (erf)  }
0x41c: {  	v0 =	vsub.f32 $1.000000000e+00, v0;
	v8 =	vpop (erf)  }
0x41d: {  	v2 =	vmul.f32 $1.442695020e+00, v2;
	v5 =	vld [tilespmem:s4+$0xFFFFFFB0];
	v10 =	vmul.f32 $1.442695020e+00, v1;
	v1 =	vpop (erf)  }
0x41e: {  	v7 =	vmul.f32 $-1.053605150e-01, v9;
	v9 =	vld [tilespmem:s4+$0xFFFFFFE0];
	v8 =	vsub.f32 $1.000000000e+00, v8;
	v11 =	vpop (erf);
	(erf) = vrcp.f32 v0  }
0x41f: {  	v1 =	vsub.f32 $1.000000000e+00, v1;
	(erf) = vpow2.f32 v2;
	v2 =	vmul.f32 $1.442695020e+00, v6;
	v6 =	vpop (erf)  }
0x420: {  	s6 =	simm.s32 $0x62F0;
	v0 =	vmul.f32 $1.442695020e+00, v3;
	v3 =	vsub.f32 $1.000000000e+00, v11;
	v6 =	vsub.f32 $1.000000000e+00, v6  }
0x421: {  	v4 =	vmul.f32 $1.442695020e+00, v4;
	v11 =	vld [tilespmem:s6+$0xFFFFFFA0];
	(erf) = vrcp.f32 v8  }
0x422: {  	v5 =	vmul.f32 $-1.053605150e-01, v5;
	v12 =	vpop (erf);
	v8 =	vld [tilespmem:s6+$0xFFFFFF90];
	(erf) = vrcp.f32 v3  }
0x423: {  	v13 =	vld [tilespmem:s6+$0xFFFFFFD0];
	v3 =	vmul.f32 $-1.053605150e-01, v9;
	(erf) = vrcp.f32 v1;
	v1 =	vpop (erf)  }
0x424: {  	v5 =	vmul.f32 $1.442695020e+00, v5;
	v9 =	vld [tilespmem:s6+$0xFFFFFFF0];
	(erf) = vrcp.f32 v6;
	v6 =	vpop (erf)  }
0x425: {  	v14 =	vmul.f32 $1.442695020e+00, v3;
	(erf) = vpow2.f32 v4;
	v4 =	vsub.f32 $1.000000000e+00, v6  }
0x426: {  	v3 =	vld [tilespmem:s6+$0x0];
	v6 =	vmul.f32 $-1.053605150e-01, v11;
	(erf) = vpow2.f32 v5  }
0x427: {  	v5 =	vmul.f32 $-1.053605150e-01, v8;
	(erf) = vrcp.f32 v4  }
0x428: {  	v8 =	vld [tilespmem:s6+$0xFFFFFFC0];
	v11 =	vpop (erf);
	(erf) = vpow2.f32 v2;
	v2 =	vmul.f32 $-1.053605150e-01, v13  }
0x429: {  	v7 =	vmul.f32 $1.442695020e+00, v7;
	v4 =	vmul.f32 $-1.053605150e-01, v9  }
0x42a: {  	v5 =	vmul.f32 $1.442695020e+00, v5;
	v9 =	vpop (erf);
	(erf) = vpow2.f32 v0  }
0x42b: {  	v13 =	vmul.f32 $-1.053605150e-01, v3;
	v15 =	vmul.f32 $1.442695020e+00, v4;
	v3 =	vpop (erf)  }
0x42c: {  	v1 =	vsub.f32 $1.000000000e+00, v1;
	v4 =	vmul.f32 $1.442695020e+00, v2;
	(erf) = vpow2.f32 v7;
	v7 =	vld [tilespmem:s6+$0xFFFFFFE0];
	v2 =	vpop (erf)  }
0x42d: {  	v17 =	vmul.f32 $1.000000010e-01, v11;
	v61 =	vmul.f32 $-1.053605150e-01, v8;
	v8 =	vpop (erf)  }
0x42e: {  	v18 =	vld [tilespmem:s6+$0xFFFFFFB0];
	v11 =	vsub.f32 $1.000000000e+00, v12;
	v0 =	vmul.f32 $1.442695020e+00, v6;
	(erf) = vrcp.f32 v1;
	v19 =	vpop (erf)  }
0x42f: {  	v12 =	vsub.f32 $1.000000000e+00, v9;
	v9 =	vmul.f32 $1.442695020e+00, v13;
	(erf) = vpow2.f32 v14;
	v6 =	vpop (erf)  }
0x430: {  	v1 =	vmul.f32 $1.442695020e+00, v61;
	(erf) = vpow2.f32 v10;
	v14 =	vpop (erf)  }
0x431: {  	(erf) = vrcp.f32 v11;
	v7 =	vmul.f32 $-1.053605150e-01, v7;
	v10 =	vsub.f32 $1.000000000e+00, v6;
	v6 =	vpop (erf)  }
0x432: {  	v62 =	vmul.f32 $1.000000010e-01, v19;
	(erf) = vrcp.f32 v12;
	v13 =	vpop (erf)  }
0x433: {  	[tilespmem:s5+$0xFFFFFFF0] =	vst v17;
	v11 =	vsub.f32 $1.000000000e+00, v14;
	v14 =	vmul.f32 $-1.053605150e-01, v18;
	v7 =	vmul.f32 $1.442695020e+00, v7;
	v63 =	vpop (erf)  }
0x434: {  	s30 =	simm.s32 $0x2E80;
	s7 =	simm.s32 $0x6370;
	(erf) = vpow2.f32 v15;
	[tilespmem:s5+$0xFFFFFF90] =	vst v62;
	v13 =	vsub.f32 $1.000000000e+00, v13;
	v12 =	vsub.f32 $1.000000000e+00, v63  }
.LBB2_16:
0x435: {  	v15 =	vld [tilespmem:s7+$0xFFFFFFA0];
	s30 =	sadd.s32 $0x80, s30;
	v14 =	vmul.f32 $1.442695020e+00, v14;
	v16 =	vpop (erf);
	v18 =	vmul.f32 $1.000000010e-01, v8  }
0x436: {  	v3 =	vmul.f32 $1.000000010e-01, v3;
	v17 =	vld [tilespmem:s7+$0xFFFFFFF0];
	p0 =	slt.u32 s30, $0x3380;
	v16 =	vsub.f32 $1.000000000e+00, v16;
	(erf) = vrcp.f32 v10  }
0x437: {  	v2 =	vmul.f32 $1.000000010e-01, v2;
	v10 =	vld [tilespmem:s7+$0xFFFFFF90];
	(erf) = vrcp.f32 v13;
	[tilespmem:s5+$0xFFFFFFB0] =	vst v18;
	v8 =	vpop (erf)  }
0x438: {  	v13 =	vld [tilespmem:s7+$0x0];
	(erf) = vrcp.f32 v11;
	v11 =	vpop (erf);
	[tilespmem:s5+$0xFFFFFFD0] =	vst v3;
	v19 =	vmul.f32 $1.000000010e-01, v8  }
0x439: {  	v6 =	vmul.f32 $1.000000010e-01, v6;
	v8 =	vld [tilespmem:s7+$0xFFFFFFD0];
	v11 =	vsub.f32 $1.000000000e+00, v11;
	(erf) = vrcp.f32 v12;
	v12 =	vpop (erf);
	[tilespmem:s5+$0x0] =	vst v2  }
0x43a: {  	v15 =	vmul.f32 $-1.053605150e-01, v15;
	v18 =	vld [tilespmem:s7+$0xFFFFFFE0];
	(erf) = vpow2.f32 v4;
	v2 =	vsub.f32 $1.000000000e+00, v12;
	[tilespmem:s5+$0xFFFFFFE0] =	vst v19;
	v3 =	vpop (erf)  }
0x43b: {  	v12 =	vld [tilespmem:s7+$0xFFFFFFB0];
	(erf) = vpow2.f32 v14;
	v3 =	vmul.f32 $1.000000010e-01, v3  }
0x43c: {  	v10 =	vmul.f32 $-1.053605150e-01, v10;
	v14 =	vld [tilespmem:s7+$0xFFFFFFC0];
	(erf) = vrcp.f32 v2;
	v19 =	vpop (erf);
	[tilespmem:s5+$0xFFFFFFA0] =	vst v6  }
0x43d: {  	v20 =	vmul.f32 $-1.053605150e-01, v17;
	v6 =	vpop (erf);
	(erf) = vpow2.f32 v9;
	[tilespmem:s5+$0xFFFFFFC0] =	vst v3;
	s5 =	smov.u32 s4;
	s4 =	smov.u32 s6;
	s6 =	smov.u32 s7  }
0x43e: {  	v4 =	vmul.f32 $-1.053605150e-01, v8;
	(erf) = vpow2.f32 v5  }
0x43f: {  	v17 =	vmul.f32 $1.442695020e+00, v20;
	v9 =	vmul.f32 $-1.053605150e-01, v13;
	v3 =	vpop (erf)  }
0x440: {  	v4 =	vmul.f32 $1.442695020e+00, v4;
	(erf) = vpow2.f32 v1;
	v2 =	vpop (erf)  }
0x441: {  	v13 =	vmul.f32 $1.000000010e-01, v19;
	v1 =	vmul.f32 $-1.053605150e-01, v14;
	v8 =	vpop (erf)  }
0x442: {  	v14 =	vmul.f32 $1.442695020e+00, v15;
	v15 =	vsub.f32 $1.000000000e+00, v6;
	v19 =	vpop (erf);
	(erf) = vrcp.f32 v11  }
0x443: {  	v1 =	vmul.f32 $1.442695020e+00, v1;
	v6 =	vpop (erf);
	(erf) = vpow2.f32 v7  }
.Ltmp7:
0x444: {  	v5 =	vmul.f32 $1.442695020e+00, v10;
	v10 =	vsub.f32 $1.000000000e+00, v6;
	(erf) = vpow2.f32 v0;
	v7 =	vpop (erf);
	(pc) =	sbr.rel @p0 .LBB2_16-.Ltmp7, $4  }
0x445: {  	v9 =	vmul.f32 $1.442695020e+00, v9;
	v0 =	vmov v14;
	[tilespmem:s5+$0xFFFFFFF0] =	vst v13;
	v6 =	vpop (erf);
	(erf) = vrcp.f32 v16  }
0x446: {  	v16 =	vmul.f32 $-1.053605150e-01, v18;
	v11 =	vsub.f32 $1.000000000e+00, v7;
	v18 =	vmul.f32 $1.000000010e-01, v19;
	v7 =	vpop (erf)  }
0x447: {  	v14 =	vmul.f32 $-1.053605150e-01, v12;
	v13 =	vsub.f32 $1.000000000e+00, v7;
	v12 =	vpop (erf);
	(erf) = vrcp.f32 v15  }
0x448: {  	s7 =	sadd.s32 $0x80, s7;
	v7 =	vmul.f32 $1.442695020e+00, v16;
	(erf) = vpow2.f32 v17;
	v12 =	vsub.f32 $1.000000000e+00, v12;
	[tilespmem:s5+$0xFFFFFF90] =	vst v18  }
0x449: {  	_ = 	snop  }
0x44a: {  	v15 =	vpop (erf);
	(erf) = vrcp.f32 v10  }
0x44b: {  	(erf) = vrcp.f32 v13;
	v63 =	vpop (erf)  }
0x44c: {  	(erf) = vrcp.f32 v11;
	v17 =	vpop (erf)  }
0x44d: {  	v18 =	vmul.f32 $1.442695020e+00, v14;
	(erf) = vrcp.f32 v12;
	v19 =	vpop (erf)  }
0x44e: {  	(erf) = vpow2.f32 v4;
	v20 =	vsub.f32 $1.000000000e+00, v19  }
0x44f: {  	(erf) = vpow2.f32 v18  }
0x450: {  	v21 =	vpop (erf);
	(erf) = vrcp.f32 v20  }
0x451: {  	v22 =	vpop (erf);
	(erf) = vpow2.f32 v9  }
0x452: {  	v24 =	vpop (erf);
	(erf) = vpow2.f32 v5  }
0x453: {  	v23 =	vsub.f32 $1.000000000e+00, v17;
	v25 =	vpop (erf);
	(erf) = vpow2.f32 v1  }
0x454: {  	v26 =	vpop (erf)  }
0x455: {  	(erf) = vrcp.f32 v23;
	v27 =	vpop (erf)  }
0x456: {  	(erf) = vpow2.f32 v7;
	v28 =	vpop (erf)  }
0x457: {  	(erf) = vpow2.f32 v0;
	v29 =	vpop (erf)  }
0x458: {  	v30 =	vsub.f32 $1.000000000e+00, v15;
	v31 =	vpop (erf)  }
0x459: {  	v11 =	vsub.f32 $1.000000000e+00, v24;
	v32 =	vpop (erf)  }
0x45a: {  	v8 =	vmul.f32 $1.000000010e-01, v8;
	v0 =	vsub.f32 $1.000000000e+00, v29;
	(erf) = vrcp.f32 v30;
	v33 =	vpop (erf)  }
0x45b: {  	v3 =	vmul.f32 $1.000000010e-01, v3;
	(erf) = vrcp.f32 v11;
	v34 =	vpop (erf)  }
0x45c: {  	v2 =	vmul.f32 $1.000000010e-01, v2;
	[tilespmem:s5+$0xFFFFFFB0] =	vst v8;
	v36 =	vpop (erf);
	(erf) = vrcp.f32 v0  }
0x45d: {  	v6 =	vmul.f32 $1.000000010e-01, v6;
	[tilespmem:s5+$0xFFFFFFD0] =	vst v3  }
0x45e: {  	[tilespmem:s5+$0x0] =	vst v2;
	v37 =	vmul.f32 $1.000000010e-01, v63;
	v13 =	vsub.f32 $1.000000000e+00, v33;
	v39 =	vpop (erf)  }
0x45f: {  	[tilespmem:s5+$0xFFFFFFA0] =	vst v6;
	v41 =	vmul.f32 $1.000000010e-01, v21;
	v35 =	vsub.f32 $1.000000000e+00, v31;
	v40 =	vpop (erf)  }
0x460: {  	[tilespmem:s5+$0xFFFFFFE0] =	vst v37;
	v4 =	vmul.f32 $1.000000010e-01, v22;
	v38 =	vsub.f32 $1.000000000e+00, v34;
	(erf) = vrcp.f32 v13;
	v42 =	vpop (erf)  }
0x461: {  	[tilespmem:s5+$0xFFFFFFC0] =	vst v41;
	v46 =	vmul.f32 $1.000000010e-01, v25;
	(erf) = vrcp.f32 v35;
	v3 =	vsub.f32 $1.000000000e+00, v42  }
0x462: {  	[tilespmem:s4+$0xFFFFFFF0] =	vst v4;
	v1 =	vmul.f32 $1.000000010e-01, v26;
	(erf) = vrcp.f32 v38;
	v2 =	vsub.f32 $1.000000000e+00, v40  }
0x463: {  	v44 =	vmul.f32 $1.000000010e-01, v27;
	[tilespmem:s4+$0xFFFFFFD0] =	vst v46;
	v45 =	vsub.f32 $1.000000000e+00, v36;
	(erf) = vrcp.f32 v3;
	v47 =	vpop (erf)  }
0x464: {  	v43 =	vmul.f32 $1.000000010e-01, v28;
	[tilespmem:s4+$0x0] =	vst v1;
	(erf) = vrcp.f32 v2;
	v48 =	vpop (erf)  }
0x465: {  	[tilespmem:s4+$0xFFFFFFB0] =	vst v44;
	v51 =	vmul.f32 $1.000000010e-01, v32;
	v50 =	vpop (erf);
	(erf) = vrcp.f32 v45  }
0x466: {  	[tilespmem:s4+$0xFFFFFF90] =	vst v43;
	v49 =	vmul.f32 $1.000000010e-01, v39  }
0x467: {  	[tilespmem:s4+$0xFFFFFFA0] =	vst v51;
	v53 =	vmul.f32 $1.000000010e-01, v47  }
0x468: {  	[tilespmem:s4+$0xFFFFFFE0] =	vst v49;
	v55 =	vmul.f32 $1.000000010e-01, v48  }
0x469: {  	[tilespmem:s4+$0xFFFFFFC0] =	vst v53;
	v52 =	vpop (erf);
	v59 =	vmul.f32 $1.000000010e-01, v50  }
0x46a: {  	[tilespmem:s6+$0xFFFFFFF0] =	vst v55;
	v54 =	vpop (erf);
	v60 =	vmul.f32 $1.000000010e-01, v52  }
0x46b: {  	v56 =	vpop (erf);
	v57 =	vmul.f32 $1.000000010e-01, v54;
	[tilespmem:s6+$0xFFFFFFD0] =	vst v59  }
0x46c: {  	v2 =	vmul.f32 $1.000000010e-01, v56;
	[tilespmem:s6+$0x0] =	vst v60;
	v58 =	vpop (erf)  }
0x46d: {  	[tilespmem:s6+$0xFFFFFFB0] =	vst v57;
	v61 =	vpop (erf);
	v62 =	vmul.f32 $1.000000010e-01, v58  }
0x46e: {  	[tilespmem:s6+$0xFFFFFF90] =	vst v2;
	v1 =	vmul.f32 $1.000000010e-01, v61;
	v63 =	vpop (erf)  }
0x46f: {  	[tilespmem:s6+$0xFFFFFFA0] =	vst v62;
	v0 =	vmul.f32 $1.000000010e-01, v63  }
0x470: {  	[tilespmem:s6+$0xFFFFFFE0] =	vst v1  }
0x471: {  	s5 =	simm.s32 $0x6000;
	[tilespmem:s6+$0xFFFFFFC0] =	vst v0  }
0x472: {  	[hbm4b:s19+s25] =	stream.strided.scatter [tilespmem:s5], [sflag:$0x1], $0x200, s26, s25, $0x38;
	[tilespmem:$0x6800] =	vst v63  }
0x473: {  	s6 =	simm.s32 $0x6200  }
0x474: {  	[hbm4b:s21+s25] =	stream.strided.scatter [tilespmem:s6], [sflag:$0x1], $0x200, s26, s25, $0x38;
	[tilespmem:$0x6800] =	vst v63  }
0x475: {  	s7 =	simm.s32 $0x6400  }
0x476: {  	[hbm4b:s22+s25] =	stream.strided.scatter [tilespmem:s7], [sflag:$0x1], $0x200, s26, s25, $0x38;
	[tilespmem:$0x6800] =	vst v63  }
0x477: {  	s30 =	simm.s32 $0x6600  }
0x478: {  	[hbm4b:s23+s25] =	stream.strided.scatter [tilespmem:s30], [sflag:$0x1], $0x200, s26, s25, $0x38;
	[tilespmem:$0x6800] =	vst v63  }
0x479: {  	_ =	swait.ge [sflag:s28], $0x200  }
0x47a: {  	[sflag:s28] =	ssyncset.done $0x0  }
0x47b: {  	[sflag:s28] =	ssyncadd.s32 $0xFFFFFE00  }
0x47c: {  	_ =	swait.ge [sflag:s28], $0x200  }
0x47d: {  	[sflag:s28] =	ssyncset.done $0x0  }
0x47e: {  	[sflag:s28] =	ssyncadd.s32 $0xFFFFFE00  }
0x47f: {  	_ =	swait.ge [sflag:s28], $0x200  }
0x480: {  	[sflag:s28] =	ssyncset.done $0x0  }
0x481: {  	[sflag:s28] =	ssyncadd.s32 $0xFFFFFE00  }
0x482: {  	_ =	swait.ge [sflag:s28], $0x200  }
0x483: {  	[sflag:s28] =	ssyncset.done $0x0  }
0x484: {  	[sflag:s28] =	ssyncadd.s32 $0xFFFFFE00  }
0x485: {  	_ =	swait.ge [sflag:s28], $0x200  }
0x486: {  	[sflag:s28] =	ssyncset.done $0x0  }
0x487: {  	[sflag:s28] =	ssyncadd.s32 $0xFFFFFE00  }
0x488: {  	_ =	swait.ge [sflag:s28], $0x200  }
0x489: {  	[sflag:s28] =	ssyncset.done $0x0  }
0x48a: {  	[sflag:s28] =	ssyncadd.s32 $0xFFFFFE00  }
0x48b: {  	_ =	swait.ge [sflag:s28], $0x200  }
0x48c: {  	[sflag:s28] =	ssyncset.done $0x0  }
0x48d: {  	[sflag:s28] =	ssyncadd.s32 $0xFFFFFE00  }
0x48e: {  	_ =	swait.ge [sflag:s28], $0x200  }
0x48f: {  	[sflag:s28] =	ssyncset.done $0x0  }
0x490: {  	[sflag:s28] =	ssyncadd.s32 $0xFFFFFE00  }
0x491: {  	_ =	swait.ge [sflag:s28], $0x200  }
0x492: {  	[sflag:s28] =	ssyncset.done $0x0  }
0x493: {  	[sflag:s28] =	ssyncadd.s32 $0xFFFFFE00  }
0x494: {  	_ =	swait.ge [sflag:s28], $0x200  }
0x495: {  	[sflag:s28] =	ssyncset.done $0x0  }
0x496: {  	[sflag:s28] =	ssyncadd.s32 $0xFFFFFE00  }
0x497: {  	_ =	swait.ge [sflag:s28], $0x200  }
0x498: {  	[sflag:s28] =	ssyncset.done $0x0  }
0x499: {  	[sflag:s28] =	ssyncadd.s32 $0xFFFFFE00  }
0x49a: {  	_ =	swait.ge [sflag:s28], $0x200  }
0x49b: {  	[sflag:s28] =	ssyncset.done $0x0  }
0x49c: {  	[sflag:s28] =	ssyncadd.s32 $0xFFFFFE00  }
0x49d: {  	_ =	swait.ge [sflag:s28], $0x200  }
0x49e: {  	[sflag:s28] =	ssyncset.done $0x0  }
0x49f: {  	[sflag:s28] =	ssyncadd.s32 $0xFFFFFE00  }
0x4a0: {  	_ =	swait.ge [sflag:s28], $0x200  }
0x4a1: {  	[sflag:s28] =	ssyncset.done $0x0  }
0x4a2: {  	[sflag:s28] =	ssyncadd.s32 $0xFFFFFE00  }
0x4a3: {  	_ =	swait.ge [sflag:s28], $0x200  }
0x4a4: {  	[sflag:s28] =	ssyncset.done $0x0  }
0x4a5: {  	[sflag:s28] =	ssyncadd.s32 $0xFFFFFE00  }
0x4a6: {  	_ =	swait.ge [sflag:s28], $0x200  }
0x4a7: {  	[sflag:s28] =	ssyncset.done $0x0  }
0x4a8: {  	[sflag:s28] =	ssyncadd.s32 $0xFFFFFE00  }
0x4a9: {  	_ =	swait.ge [sflag:s28], $0x200  }
0x4aa: {  	[sflag:s28] =	ssyncset.done $0x0  }
0x4ab: {  	[sflag:s28] =	ssyncadd.s32 $0xFFFFFE00  }
0x4ac: {  	_ =	swait.ge [sflag:s28], $0x200  }
0x4ad: {  	[sflag:s28] =	ssyncset.done $0x0  }
0x4ae: {  	[sflag:s28] =	ssyncadd.s32 $0xFFFFFE00  }
0x4af: {  	_ =	swait.ge [sflag:s28], $0x200  }
0x4b0: {  	[sflag:s28] =	ssyncset.done $0x0  }
0x4b1: {  	[sflag:s28] =	ssyncadd.s32 $0xFFFFFE00  }
0x4b2: {  	_ =	swait.ge [sflag:s28], $0x200  }
0x4b3: {  	[sflag:s28] =	ssyncset.done $0x0  }
0x4b4: {  	[sflag:s28] =	ssyncadd.s32 $0xFFFFFE00  }
0x4b5: {  	_ =	swait.ge [sflag:s28], $0x200  }
0x4b6: {  	[sflag:s28] =	ssyncset.done $0x0  }
0x4b7: {  	[sflag:s28] =	ssyncadd.s32 $0xFFFFFE00  }
0x4b8: {  	_ =	swait.ge [sflag:s28], $0x200  }
0x4b9: {  	[sflag:s28] =	ssyncset.done $0x0  }
0x4ba: {  	[sflag:s28] =	ssyncadd.s32 $0xFFFFFE00  }
0x4bb: {  	_ =	swait.ge [sflag:s28], $0x200  }
0x4bc: {  	[sflag:s28] =	ssyncset.done $0x0  }
0x4bd: {  	[sflag:s28] =	ssyncadd.s32 $0xFFFFFE00  }
0x4be: {  	_ =	swait.ge [sflag:s28], $0x200  }
0x4bf: {  	[sflag:s28] =	ssyncset.done $0x0  }
0x4c0: {  	s3 =	sadd.s32 $0x1, s3;
	[sflag:s28] =	ssyncadd.s32 $0xFFFFFE00  }
0x4c1: {  	p0 =	sne.s32 s3, s24;
	_ =	swait.ge [sflag:s28], $0x200  }
.Ltmp8:
0x4c2: {  	[sflag:s28] =	ssyncset.done $0x0;
	(pc) =	sbr.rel @p0 .LBB2_1-.Ltmp8, $4  }
0x4c3: {  	[sflag:s28] =	ssyncadd.s32 $0xFFFFFE00  }
0x4c4: {  	_ =	swait.ge [sflag:s28], $0x200  }
0x4c5: {  	[sflag:s28] =	ssyncset.done $0x0  }
0x4c6: {  	[sflag:s28] =	ssyncadd.s32 $0xFFFFFE00  }
0x4c7: {  	_ =	sfence.sel $0x180000  }
0x4c8: {  	[bflag:$0x0] =	sbarrier.arrive $0xFFFF  }
0x4c9: {  	_ =	strace $0x90000047  }
0x4ca: {  	s0 =	stileid.u32;
	[bflag:$0x2] =	sbarrier.arrive $0xFFFF  }
0x4cb: {  	p0 =	sne.s32 s0, $0x0;
	s0 =	rddreg [dreg:$0x3]  }
0x4cc: {  	s0 =	sadd.s32 @!p0 $0x100000, s0  }
0x4cd: {  	[sflag:s0] =	ssyncadd.tile.s32 @!p0 $0x1;
	_ =	shalt  }
.Lfunc_end2:
_tile_overlayer_lowered:
.L_overlay_start_2:
0x4ce: {  	(tag) =	ssettag $0x2  }
0x4cf: {  	s0 =	rddreg [dreg:$0x0];
	s2 =	stileid.u32  }
0x4d0: {  	s1 =	rddreg [dreg:$0x1];
	p0 =	sne.s32 s2, $0x0  }
0x4d1: {  	s3 =	rddreg [dreg:$0x2];
	[bflag:$0x3] =	sbarrier.arrive $0xFFFF;
	s2 =	simm.s32 @!p0 $0x1C05  }
0x4d2: {  	[timem:s3], [sflag:s2] =	dma.local @!p0 [hbm:s0], s1  }
0x4d3: {  	s0 =	simm.s32 @!p0 $0x5  }
0x4d4: {  	_ =	swait.ge @!p0 [sflag:s0], s1  }
0x4d5: {  	s1 =	ssub.s32 @!p0 $0x0, s1;
	[sflag:s0] =	ssyncset.done @!p0 $0x0  }
0x4d6: {  	[sflag:s0] =	ssyncadd.s32 @!p0 s1  }
0x4d7: {  	[bflag:$0x3] =	sbarrier.arrive $0xFFFF  }
0x4d8: {  	_ =	shalt  }

</sc_bundles>
